<compile_context>
chip_gen: v7x
topology: tpu7x:2x2x1
jax: 0.10.2.dev20260603
libtpu: 0.0.44.dev20260713+nightly
codegen_flags: <defaults>
</compile_context>

<pallas_src>
import functools

import jax
import jax.numpy as jnp
from jax import lax
from jax.experimental import pallas as pl
from jax.experimental.pallas import tpu as pltpu
from jax.experimental.pallas import tpu_sc as plsc

N_NODES = 100000
N_EDGES = 1600000
NDIM = 32

NUM_CORES = 2
NUM_SUBCORES = 16
NW = NUM_CORES * NUM_SUBCORES
CHUNK = 2560
N_CHUNKS_TOT = N_EDGES // CHUNK
ITERS = -(-N_CHUNKS_TOT // NW)
GROUPS = CHUNK // 16
LANES = 16
PADN = 100352
SLICE = PADN // NUM_SUBCORES


def _sc_histogram(edge_index, off16):
    mesh = plsc.VectorSubcoreMesh(
        core_axis_name="c", subcore_axis_name="s",
        num_cores=NUM_CORES, num_subcores=NUM_SUBCORES)

    @functools.partial(
        pl.kernel,
        out_type=jax.ShapeDtypeStruct((NUM_CORES, PADN), jnp.float32),
        mesh=mesh,
        scratch_types=[
            pltpu.VMEM((PADN,), jnp.float32),
            pltpu.VMEM((2, CHUNK), jnp.int32),
            pltpu.VMEM((2, CHUNK), jnp.int32),
            pltpu.VMEM((SLICE,), jnp.float32),
            pltpu.VMEM((SLICE,), jnp.float32),
            pltpu.VMEM((LANES,), jnp.int32),
            pltpu.VMEM_SHARED((NUM_SUBCORES, SLICE), jnp.float32),
            pltpu.SemaphoreType.DMA,
            pltpu.SemaphoreType.DMA,
        ],
        compiler_params=pltpu.CompilerParams(needs_layout_passes=False),
    )
    def hist_kernel(edge_hbm, off_hbm, out_hbm, hist, buf0, buf1, tmp, acc,
                    off_v, shared, sem0, sem1):
        cid0 = lax.axis_index("c")
        sid = lax.axis_index("s")
        wid = sid * NUM_CORES + cid0

        pltpu.sync_copy(off_hbm, off_v)
        off = off_v[...]

        @plsc.parallel_loop(0, PADN // LANES, unroll=8)
        def _zero(i):
            hist[pl.ds(i * LANES, LANES)] = jnp.zeros((LANES,), jnp.float32)

        bufs = (buf0, buf1)
        sems = (sem0, sem1)

        def start(i):
            cid = jnp.minimum(i * NW + wid, N_CHUNKS_TOT - 1)
            base = pl.multiple_of(cid * CHUNK, 128)
            return pltpu.async_copy(
                edge_hbm.at[:, pl.ds(base, CHUNK)], bufs[i % 2], sems[i % 2])

        pending = start(0)
        for i in range(ITERS):
            nxt = start(i + 1) if i + 1 < ITERS else None
            pending.wait()
            buf = bufs[i % 2]
            valid = jnp.full((LANES,), i * NW + wid, jnp.int32) < N_CHUNKS_TOT

            @plsc.parallel_loop(0, GROUPS, unroll=8)
            def _scatter(j):
                idx = buf[1, pl.ds(j * LANES, LANES)] + off
                cnt, last = plsc.scan_count(idx)
                plsc.addupdate_scatter(hist, [idx], cnt.astype(jnp.float32),
                                       mask=last & valid)

            pending = nxt

        for r in range(NUM_SUBCORES):
            tgt = lax.rem(sid + r, NUM_SUBCORES)
            pltpu.sync_copy(hist.at[pl.ds(tgt * SLICE, SLICE)],
                            shared.at[sid])
            plsc.subcore_barrier()
            src = lax.rem(sid - r + NUM_SUBCORES, NUM_SUBCORES)
            pltpu.sync_copy(shared.at[src], tmp)
            if r == 0:
                @plsc.parallel_loop(0, SLICE // LANES, unroll=8)
                def _init(k):
                    sl = pl.ds(k * LANES, LANES)
                    acc[sl] = tmp[sl]
            else:
                @plsc.parallel_loop(0, SLICE // LANES, unroll=8)
                def _acc(k):
                    sl = pl.ds(k * LANES, LANES)
                    acc[sl] = acc[sl] + tmp[sl]
            plsc.subcore_barrier()

        pltpu.sync_copy(acc, out_hbm.at[cid0, pl.ds(sid * SLICE, SLICE)])

    return hist_kernel(edge_index, off16)


BN = 8192


def _tc_node_mlp(partial, u_col, bn1_col, wn2_t, bn2_col):
    grid = (pl.cdiv(N_NODES, BN),)

    def body(part_ref, ucol, bn1c, wn2t, bn2c, out_ref):
        deg = jnp.sum(part_ref[...], axis=0)
        z = jnp.maximum(ucol[...] * deg[None, :] + bn1c[...], 0.0)
        o = jnp.dot(wn2t[...], z, preferred_element_type=jnp.float32)
        out_ref[...] = o + bn2c[...]

    full = lambda shape: pl.BlockSpec(shape, lambda i: tuple(0 for _ in shape))
    return pl.pallas_call(
        body,
        grid=grid,
        in_specs=[
            pl.BlockSpec((NUM_CORES, BN), lambda i: (0, i)),
            full((NDIM, 1)), full((NDIM, 1)),
            full((NDIM, NDIM)), full((NDIM, 1)),
        ],
        out_specs=pl.BlockSpec((NDIM, BN), lambda i: (0, i)),
        out_shape=jax.ShapeDtypeStruct((NDIM, N_NODES), jnp.float32),
    )(partial, u_col, bn1_col, wn2_t, bn2_col)


def kernel(edge_index, edge_weight, num_nodes, W_e1, b_e1, W_e2, b_e2,
           W_n1, b_n1, W_n2, b_n2):
    del edge_weight
    off = jnp.asarray(num_nodes, jnp.int32) - jnp.int32(N_NODES)
    off16 = jnp.full((LANES,), off, jnp.int32)
    partial = _sc_histogram(edge_index, off16)
    h = jax.nn.relu(W_e1[0] + b_e1)
    v = h @ W_e2 + b_e2
    u = v @ W_n1
    out_t = _tc_node_mlp(partial, u[:, None], b_n1[:, None],
                         W_n2.T, b_n2[:, None])
    return out_t.T

# --- scband reference (transcript-rebuilt; emitter-appended) ---
"""Pipeline reference for scband-multi-graph-90881507983368 (READ-ONLY COPY).

The authoritative reference and input builder live on the scoring server;
editing this copy changes nothing except your own understanding.
"""

import jax, jax.numpy as jnp
import numpy as np

N_NODES = 100000
N_EDGES = 1600000
EDGE_DIM = 32
NODE_DIM = 32


def _linear_init(key, fan_in, fan_out):
    k1, k2 = jax.random.split(key)
    bound = 1.0 / np.sqrt(fan_in)
    W = jax.random.uniform(k1, (fan_in, fan_out), minval=-bound, maxval=bound, dtype=jnp.float32)
    b = jax.random.uniform(k2, (fan_out,), minval=-bound, maxval=bound, dtype=jnp.float32)
    return W, b


def setup_inputs(seed: int = 0) -> dict:
    key = jax.random.key(seed)
    ks = jax.random.split(key, 8)
    edge_index = jax.random.randint(ks[0], (2, N_EDGES), 0, N_NODES, dtype=jnp.int32)
    edge_weight = jax.random.uniform(ks[1], (N_EDGES,), dtype=jnp.float32)
    # MLStruct layer 0 params: f_edge = Linear(1, edge_dim) -> Dropout -> ReLU -> Linear(edge_dim, node_dim)
    W_e1, b_e1 = _linear_init(ks[2], 1, EDGE_DIM)
    W_e2, b_e2 = _linear_init(ks[3], EDGE_DIM, NODE_DIM)
    # f_node = Linear(node_dim, node_dim) -> ReLU -> Linear(node_dim, node_dim)
    W_n1, b_n1 = _linear_init(ks[4], NODE_DIM, NODE_DIM)
    W_n2, b_n2 = _linear_init(ks[5], NODE_DIM, NODE_DIM)
    return {
        "edge_index": edge_index,
        "edge_weight": edge_weight,
        "num_nodes": N_NODES,
        "W_e1": W_e1, "b_e1": b_e1, "W_e2": W_e2, "b_e2": b_e2,
        "W_n1": W_n1, "b_n1": b_n1, "W_n2": W_n2, "b_n2": b_n2,
    }


def reference(edge_index, edge_weight, num_nodes, W_e1, b_e1, W_e2, b_e2, W_n1, b_n1, W_n2, b_n2):
    # MLStruct.forward, single graph layer, edge_w=False, eval mode (dropout = identity)
    edge_weights = jnp.ones_like(edge_weight)  # edge_w=False -> torch.ones_like(edge_weight)
    h = edge_weights[:, None] @ W_e1 + b_e1       # f_edge Linear(1, edge_dim)
    h = jax.nn.relu(h)                             # Dropout (eval) + ReLU
    edge_weight_A = h @ W_e2 + b_e2                # Linear(edge_dim, node_dim) -> [E, node_dim]
    # scatter_add over destination nodes (edge_index[1])
    num_nodes_offset = jnp.asarray(num_nodes, dtype=jnp.int32) - jnp.int32(N_NODES)
    segment_ids = edge_index[1] + num_nodes_offset
    node_struct_feat = jax.ops.segment_sum(edge_weight_A, segment_ids, num_segments=N_NODES)
    # f_node
    z = jax.nn.relu(node_struct_feat @ W_n1 + b_n1)
    out = z @ W_n2 + b_n2
    return out

if __name__ == "__main__":
    import jax
    _d = setup_inputs()
    print(jax.jit(kernel)(*tuple(_d.values())))

</pallas_src>

<mosaic_0001>
#map = affine_map<(d0, d1) -> (0, 0)>
#map1 = affine_map<(d0, d1) -> (0)>
module attributes {stable_mosaic.version = 14 : i64} {
  func.func @hist_kernel(%arg0: i32, %arg1: i32, %arg2: memref<2x1600000xi32, #tpu.memory_space<hbm>>, %arg3: memref<16xi32, #tpu.memory_space<hbm>>, %arg4: memref<2x100352xf32, #tpu.memory_space<hbm>>, %arg5: memref<100352xf32, #tpu.memory_space<vmem>>, %arg6: memref<2x2560xi32, #tpu.memory_space<vmem>>, %arg7: memref<2x2560xi32, #tpu.memory_space<vmem>>, %arg8: memref<6272xf32, #tpu.memory_space<vmem>>, %arg9: memref<6272xf32, #tpu.memory_space<vmem>>, %arg10: memref<16xi32, #tpu.memory_space<vmem>>, %arg11: memref<16x6272xf32, #tpu.memory_space<vmem_shared>>, %arg12: memref<!tpu.dma_semaphore, #tpu.memory_space<semaphore_mem>>, %arg13: memref<!tpu.dma_semaphore, #tpu.memory_space<semaphore_mem>>) attributes {dimension_semantics = [#tpu.dimension_semantics<core_parallel>, #tpu.dimension_semantics<subcore_parallel>], iteration_bounds = array<i64: 2, 16>, scalar_prefetch = 0 : i64, scratch_operands = 9 : i64, tpu.core_type = #tpu.core_type<sc_vector_subcore>, window_params = [{transform_indices = #map}, {transform_indices = #map1}, {transform_indices = #map}]} {
    %mul3A = arith.constant 2 : i32
    %mul3A_0 = arith.muli %arg1, %mul3A : i32
    %add3A = arith.addi %mul3A_0, %arg0 : i32
    "tpu.region"() ({
      %run_scoped3A = tpu.sem_alloc : memref<!tpu.dma_semaphore, #tpu.memory_space<semaphore_mem>>
      tpu.enqueue_dma source(%arg3 : memref<16xi32, #tpu.memory_space<hbm>>) target(%arg10 : memref<16xi32, #tpu.memory_space<vmem>>) target_semaphore(%run_scoped3A : memref<!tpu.dma_semaphore, #tpu.memory_space<semaphore_mem>>)
      tpu.wait_dma2 semaphore(%run_scoped3A : memref<!tpu.dma_semaphore, #tpu.memory_space<semaphore_mem>>) src(%arg3 : memref<16xi32, #tpu.memory_space<hbm>>) dst(%arg10 : memref<16xi32, #tpu.memory_space<vmem>>)
      tpu.yield
    }) : () -> ()
    %get3A = arith.constant 0 : index
    %get3A_1 = tpu.vector_load %arg10[%get3A] {strides = array<i32>} : memref<16xi32, #tpu.memory_space<vmem>>, vector<16xi32>,
    %parallel_loop3A = arith.constant 0 : i32
    %parallel_loop3A_2 = arith.constant 6272 : i32
    %parallel_loop3A_3 = arith.constant 1 : i32
    scf.for %parallel_loop3A_749 = %parallel_loop3A to %parallel_loop3A_2 step %parallel_loop3A_3  : i32 {
      %parallel_loop3A_750 = arith.constant 0.000000e+00 : f32
      %parallel_loop3A_751 = vector.broadcast %parallel_loop3A_750 : f32 to vector<16xf32>
      %parallel_loop3A_752 = arith.constant 16 : i32
      %parallel_loop3A_753 = arith.muli %parallel_loop3A_749, %parallel_loop3A_752 : i32
      %parallel_loop3A_754 = arith.index_cast %parallel_loop3A_753 : i32 to index
      %parallel_loop3A_755 = tpu.vector_load %arg5[%parallel_loop3A_754] {strides = array<i32>} : memref<100352xf32, #tpu.memory_space<vmem>>, vector<16xf32>,
      tpu.vector_store %arg5[%parallel_loop3A_754], %parallel_loop3A_751 {strides = array<i32>} : memref<100352xf32, #tpu.memory_space<vmem>>, vector<16xf32>,
    } {sc.loop_unroll_factor = 8 : i64, sc.parallel_access}
    %add3A_4 = arith.constant 0 : i32
    %add3A_5 = arith.addi %add3A_4, %add3A : i32
    %min3A = arith.constant 624 : i32
    %min3A_6 = arith.minsi %add3A_5, %min3A : i32
    %mul3A_7 = arith.constant 2560 : i32
    %mul3A_8 = arith.muli %min3A_6, %mul3A_7 : i32
    %multiple_of3A = tpu.assume_multiple %mul3A_8, 128 : i32
    %dma_start3A = arith.constant 0 : i32
    %dma_start3A_9 = tpu.memref_slice %arg2[%dma_start3A, %multiple_of3A] : memref<2x1600000xi32, #tpu.memory_space<hbm>> -> memref<2x2560xi32, #tpu.memory_space<hbm>>
    %dma_start3A_10 = arith.constant 0 : i32
    %dma_start3A_11 = tpu.memref_slice %arg2[%dma_start3A_10, %multiple_of3A] : memref<2x1600000xi32, #tpu.memory_space<hbm>> -> memref<2x2560xi32, #tpu.memory_space<hbm>>
    tpu.enqueue_dma source(%dma_start3A_11 : memref<2x2560xi32, #tpu.memory_space<hbm>>) target(%arg6 : memref<2x2560xi32, #tpu.memory_space<vmem>>) target_semaphore(%arg12 : memref<!tpu.dma_semaphore, #tpu.memory_space<semaphore_mem>>)
    %add3A_12 = arith.constant 32 : i32
    %add3A_13 = arith.addi %add3A_12, %add3A : i32
    %min3A_14 = arith.constant 624 : i32
    %min3A_15 = arith.minsi %add3A_13, %min3A_14 : i32
    %mul3A_16 = arith.constant 2560 : i32
    %mul3A_17 = arith.muli %min3A_15, %mul3A_16 : i32
    %multiple_of3A_18 = tpu.assume_multiple %mul3A_17, 128 : i32
    %dma_start3A_19 = arith.constant 0 : i32
    %dma_start3A_20 = tpu.memref_slice %arg2[%dma_start3A_19, %multiple_of3A_18] : memref<2x1600000xi32, #tpu.memory_space<hbm>> -> memref<2x2560xi32, #tpu.memory_space<hbm>>
    %dma_start3A_21 = arith.constant 0 : i32
    %dma_start3A_22 = tpu.memref_slice %arg2[%dma_start3A_21, %multiple_of3A_18] : memref<2x1600000xi32, #tpu.memory_space<hbm>> -> memref<2x2560xi32, #tpu.memory_space<hbm>>
    tpu.enqueue_dma source(%dma_start3A_22 : memref<2x2560xi32, #tpu.memory_space<hbm>>) target(%arg7 : memref<2x2560xi32, #tpu.memory_space<vmem>>) target_semaphore(%arg13 : memref<!tpu.dma_semaphore, #tpu.memory_space<semaphore_mem>>)
    %dma_wait3A = arith.constant 0 : i32
    %dma_wait3A_23 = tpu.memref_slice %arg2[%dma_wait3A, %multiple_of3A] : memref<2x1600000xi32, #tpu.memory_space<hbm>> -> memref<2x2560xi32, #tpu.memory_space<hbm>>
    %dma_wait3A_24 = arith.constant 0 : i32
    %dma_wait3A_25 = tpu.memref_slice %arg2[%dma_wait3A_24, %multiple_of3A] : memref<2x1600000xi32, #tpu.memory_space<hbm>> -> memref<2x2560xi32, #tpu.memory_space<hbm>>
    tpu.wait_dma2 semaphore(%arg12 : memref<!tpu.dma_semaphore, #tpu.memory_space<semaphore_mem>>) src(%dma_wait3A_25 : memref<2x2560xi32, #tpu.memory_space<hbm>>) dst(%arg6 : memref<2x2560xi32, #tpu.memory_space<vmem>>)
    %add3A_26 = arith.constant 0 : i32
    %add3A_27 = arith.addi %add3A_26, %add3A : i32
    %broadcast_in_dim3A = vector.broadcast %add3A_27 : i32 to vector<16xi32>
    %lt3A = arith.constant 625 : i32
    %lt3A_28 = vector.broadcast %lt3A : i32 to vector<16xi32>
    %lt3A_29 = arith.cmpi slt, %broadcast_in_dim3A, %lt3A_28 : vector<16xi32>
    %parallel_loop3A_30 = arith.constant 0 : i32
    %parallel_loop3A_31 = arith.constant 160 : i32
    %parallel_loop3A_32 = arith.constant 1 : i32
    scf.for %parallel_loop3A_749 = %parallel_loop3A_30 to %parallel_loop3A_31 step %parallel_loop3A_32  : i32 {
      %parallel_loop3A_750 = arith.constant 16 : i32
      %parallel_loop3A_751 = arith.muli %parallel_loop3A_749, %parallel_loop3A_750 : i32
      %parallel_loop3A_752 = arith.constant 1 : i32
      %parallel_loop3A_753 = arith.index_cast %parallel_loop3A_752 : i32 to index
      %parallel_loop3A_754 = arith.index_cast %parallel_loop3A_751 : i32 to index
      %parallel_loop3A_755 = tpu.vector_load %arg6[%parallel_loop3A_753, %parallel_loop3A_754] {strides = array<i32>} : memref<2x2560xi32, #tpu.memory_space<vmem>>, vector<16xi32>,
      %parallel_loop3A_756 = arith.addi %parallel_loop3A_755, %get3A_1 : vector<16xi32>
      %parallel_loop3A_757 = arith.constant true
      %parallel_loop3A_758 = vector.broadcast %parallel_loop3A_757 : i1 to vector<16xi1>
      %parallel_loop3A_759, %parallel_loop3A_760 = tpu.scan_count mask(%parallel_loop3A_758 : vector<16xi1>) value(%parallel_loop3A_756 : vector<16xi32>) : vector<16xi1>, vector<16xi32>
      %parallel_loop3A_761 = arith.sitofp %parallel_loop3A_760 : vector<16xi32> to vector<16xf32>
      %parallel_loop3A_762 = arith.andi %parallel_loop3A_759, %lt3A_29 : vector<16xi1>
      tpu.vector_store_idx %arg5[%parallel_loop3A_756], %parallel_loop3A_761 masked %parallel_loop3A_762 {add = true} : memref<100352xf32, #tpu.memory_space<vmem>>[vector<16xi32>], vector<16xf32>, vector<16xi1>
    } {sc.loop_unroll_factor = 8 : i64, sc.parallel_access}
    %add3A_33 = arith.constant 64 : i32
    %add3A_34 = arith.addi %add3A_33, %add3A : i32
    %min3A_35 = arith.constant 624 : i32
    %min3A_36 = arith.minsi %add3A_34, %min3A_35 : i32
    %mul3A_37 = arith.constant 2560 : i32
    %mul3A_38 = arith.muli %min3A_36, %mul3A_37 : i32
    %multiple_of3A_39 = tpu.assume_multiple %mul3A_38, 128 : i32
    %dma_start3A_40 = arith.constant 0 : i32
    %dma_start3A_41 = tpu.memref_slice %arg2[%dma_start3A_40, %multiple_of3A_39] : memref<2x1600000xi32, #tpu.memory_space<hbm>> -> memref<2x2560xi32, #tpu.memory_space<hbm>>
    %dma_start3A_42 = arith.constant 0 : i32
    %dma_start3A_43 = tpu.memref_slice %arg2[%dma_start3A_42, %multiple_of3A_39] : memref<2x1600000xi32, #tpu.memory_space<hbm>> -> memref<2x2560xi32, #tpu.memory_space<hbm>>
    tpu.enqueue_dma source(%dma_start3A_43 : memref<2x2560xi32, #tpu.memory_space<hbm>>) target(%arg6 : memref<2x2560xi32, #tpu.memory_space<vmem>>) target_semaphore(%arg12 : memref<!tpu.dma_semaphore, #tpu.memory_space<semaphore_mem>>)
    %dma_wait3A_44 = arith.constant 0 : i32
    %dma_wait3A_45 = tpu.memref_slice %arg2[%dma_wait3A_44, %multiple_of3A_18] : memref<2x1600000xi32, #tpu.memory_space<hbm>> -> memref<2x2560xi32, #tpu.memory_space<hbm>>
    %dma_wait3A_46 = arith.constant 0 : i32
    %dma_wait3A_47 = tpu.memref_slice %arg2[%dma_wait3A_46, %multiple_of3A_18] : memref<2x1600000xi32, #tpu.memory_space<hbm>> -> memref<2x2560xi32, #tpu.memory_space<hbm>>
    tpu.wait_dma2 semaphore(%arg13 : memref<!tpu.dma_semaphore, #tpu.memory_space<semaphore_mem>>) src(%dma_wait3A_47 : memref<2x2560xi32, #tpu.memory_space<hbm>>) dst(%arg7 : memref<2x2560xi32, #tpu.memory_space<vmem>>)
    %add3A_48 = arith.constant 32 : i32
    %add3A_49 = arith.addi %add3A_48, %add3A : i32
    %broadcast_in_dim3A_50 = vector.broadcast %add3A_49 : i32 to vector<16xi32>
    %lt3A_51 = arith.constant 625 : i32
    %lt3A_52 = vector.broadcast %lt3A_51 : i32 to vector<16xi32>
    %lt3A_53 = arith.cmpi slt, %broadcast_in_dim3A_50, %lt3A_52 : vector<16xi32>
    %parallel_loop3A_54 = arith.constant 0 : i32
    %parallel_loop3A_55 = arith.constant 160 : i32
    %parallel_loop3A_56 = arith.constant 1 : i32
    scf.for %parallel_loop3A_749 = %parallel_loop3A_54 to %parallel_loop3A_55 step %parallel_loop3A_56  : i32 {
      %parallel_loop3A_750 = arith.constant 16 : i32
      %parallel_loop3A_751 = arith.muli %parallel_loop3A_749, %parallel_loop3A_750 : i32
      %parallel_loop3A_752 = arith.constant 1 : i32
      %parallel_loop3A_753 = arith.index_cast %parallel_loop3A_752 : i32 to index
      %parallel_loop3A_754 = arith.index_cast %parallel_loop3A_751 : i32 to index
      %parallel_loop3A_755 = tpu.vector_load %arg7[%parallel_loop3A_753, %parallel_loop3A_754] {strides = array<i32>} : memref<2x2560xi32, #tpu.memory_space<vmem>>, vector<16xi32>,
      %parallel_loop3A_756 = arith.addi %parallel_loop3A_755, %get3A_1 : vector<16xi32>
      %parallel_loop3A_757 = arith.constant true
      %parallel_loop3A_758 = vector.broadcast %parallel_loop3A_757 : i1 to vector<16xi1>
      %parallel_loop3A_759, %parallel_loop3A_760 = tpu.scan_count mask(%parallel_loop3A_758 : vector<16xi1>) value(%parallel_loop3A_756 : vector<16xi32>) : vector<16xi1>, vector<16xi32>
      %parallel_loop3A_761 = arith.sitofp %parallel_loop3A_760 : vector<16xi32> to vector<16xf32>
      %parallel_loop3A_762 = arith.andi %parallel_loop3A_759, %lt3A_53 : vector<16xi1>
      tpu.vector_store_idx %arg5[%parallel_loop3A_756], %parallel_loop3A_761 masked %parallel_loop3A_762 {add = true} : memref<100352xf32, #tpu.memory_space<vmem>>[vector<16xi32>], vector<16xf32>, vector<16xi1>
    } {sc.loop_unroll_factor = 8 : i64, sc.parallel_access}
    %add3A_57 = arith.constant 96 : i32
    %add3A_58 = arith.addi %add3A_57, %add3A : i32
    %min3A_59 = arith.constant 624 : i32
    %min3A_60 = arith.minsi %add3A_58, %min3A_59 : i32
    %mul3A_61 = arith.constant 2560 : i32
    %mul3A_62 = arith.muli %min3A_60, %mul3A_61 : i32
    %multiple_of3A_63 = tpu.assume_multiple %mul3A_62, 128 : i32
    %dma_start3A_64 = arith.constant 0 : i32
    %dma_start3A_65 = tpu.memref_slice %arg2[%dma_start3A_64, %multiple_of3A_63] : memref<2x1600000xi32, #tpu.memory_space<hbm>> -> memref<2x2560xi32, #tpu.memory_space<hbm>>
    %dma_start3A_66 = arith.constant 0 : i32
    %dma_start3A_67 = tpu.memref_slice %arg2[%dma_start3A_66, %multiple_of3A_63] : memref<2x1600000xi32, #tpu.memory_space<hbm>> -> memref<2x2560xi32, #tpu.memory_space<hbm>>
    tpu.enqueue_dma source(%dma_start3A_67 : memref<2x2560xi32, #tpu.memory_space<hbm>>) target(%arg7 : memref<2x2560xi32, #tpu.memory_space<vmem>>) target_semaphore(%arg13 : memref<!tpu.dma_semaphore, #tpu.memory_space<semaphore_mem>>)
    %dma_wait3A_68 = arith.constant 0 : i32
    %dma_wait3A_69 = tpu.memref_slice %arg2[%dma_wait3A_68, %multiple_of3A_39] : memref<2x1600000xi32, #tpu.memory_space<hbm>> -> memref<2x2560xi32, #tpu.memory_space<hbm>>
    %dma_wait3A_70 = arith.constant 0 : i32
    %dma_wait3A_71 = tpu.memref_slice %arg2[%dma_wait3A_70, %multiple_of3A_39] : memref<2x1600000xi32, #tpu.memory_space<hbm>> -> memref<2x2560xi32, #tpu.memory_space<hbm>>
    tpu.wait_dma2 semaphore(%arg12 : memref<!tpu.dma_semaphore, #tpu.memory_space<semaphore_mem>>) src(%dma_wait3A_71 : memref<2x2560xi32, #tpu.memory_space<hbm>>) dst(%arg6 : memref<2x2560xi32, #tpu.memory_space<vmem>>)
    %add3A_72 = arith.constant 64 : i32
    %add3A_73 = arith.addi %add3A_72, %add3A : i32
    %broadcast_in_dim3A_74 = vector.broadcast %add3A_73 : i32 to vector<16xi32>
    %lt3A_75 = arith.constant 625 : i32
    %lt3A_76 = vector.broadcast %lt3A_75 : i32 to vector<16xi32>
    %lt3A_77 = arith.cmpi slt, %broadcast_in_dim3A_74, %lt3A_76 : vector<16xi32>
    %parallel_loop3A_78 = arith.constant 0 : i32
    %parallel_loop3A_79 = arith.constant 160 : i32
    %parallel_loop3A_80 = arith.constant 1 : i32
    scf.for %parallel_loop3A_749 = %parallel_loop3A_78 to %parallel_loop3A_79 step %parallel_loop3A_80  : i32 {
      %parallel_loop3A_750 = arith.constant 16 : i32
      %parallel_loop3A_751 = arith.muli %parallel_loop3A_749, %parallel_loop3A_750 : i32
      %parallel_loop3A_752 = arith.constant 1 : i32
      %parallel_loop3A_753 = arith.index_cast %parallel_loop3A_752 : i32 to index
      %parallel_loop3A_754 = arith.index_cast %parallel_loop3A_751 : i32 to index
      %parallel_loop3A_755 = tpu.vector_load %arg6[%parallel_loop3A_753, %parallel_loop3A_754] {strides = array<i32>} : memref<2x2560xi32, #tpu.memory_space<vmem>>, vector<16xi32>,
      %parallel_loop3A_756 = arith.addi %parallel_loop3A_755, %get3A_1 : vector<16xi32>
      %parallel_loop3A_757 = arith.constant true
      %parallel_loop3A_758 = vector.broadcast %parallel_loop3A_757 : i1 to vector<16xi1>
      %parallel_loop3A_759, %parallel_loop3A_760 = tpu.scan_count mask(%parallel_loop3A_758 : vector<16xi1>) value(%parallel_loop3A_756 : vector<16xi32>) : vector<16xi1>, vector<16xi32>
      %parallel_loop3A_761 = arith.sitofp %parallel_loop3A_760 : vector<16xi32> to vector<16xf32>
      %parallel_loop3A_762 = arith.andi %parallel_loop3A_759, %lt3A_77 : vector<16xi1>
      tpu.vector_store_idx %arg5[%parallel_loop3A_756], %parallel_loop3A_761 masked %parallel_loop3A_762 {add = true} : memref<100352xf32, #tpu.memory_space<vmem>>[vector<16xi32>], vector<16xf32>, vector<16xi1>
    } {sc.loop_unroll_factor = 8 : i64, sc.parallel_access}
    %add3A_81 = arith.constant 128 : i32
    %add3A_82 = arith.addi %add3A_81, %add3A : i32
    %min3A_83 = arith.constant 624 : i32
    %min3A_84 = arith.minsi %add3A_82, %min3A_83 : i32
    %mul3A_85 = arith.constant 2560 : i32
    %mul3A_86 = arith.muli %min3A_84, %mul3A_85 : i32
    %multiple_of3A_87 = tpu.assume_multiple %mul3A_86, 128 : i32
    %dma_start3A_88 = arith.constant 0 : i32
    %dma_start3A_89 = tpu.memref_slice %arg2[%dma_start3A_88, %multiple_of3A_87] : memref<2x1600000xi32, #tpu.memory_space<hbm>> -> memref<2x2560xi32, #tpu.memory_space<hbm>>
    %dma_start3A_90 = arith.constant 0 : i32
    %dma_start3A_91 = tpu.memref_slice %arg2[%dma_start3A_90, %multiple_of3A_87] : memref<2x1600000xi32, #tpu.memory_space<hbm>> -> memref<2x2560xi32, #tpu.memory_space<hbm>>
    tpu.enqueue_dma source(%dma_start3A_91 : memref<2x2560xi32, #tpu.memory_space<hbm>>) target(%arg6 : memref<2x2560xi32, #tpu.memory_space<vmem>>) target_semaphore(%arg12 : memref<!tpu.dma_semaphore, #tpu.memory_space<semaphore_mem>>)
    %dma_wait3A_92 = arith.constant 0 : i32
    %dma_wait3A_93 = tpu.memref_slice %arg2[%dma_wait3A_92, %multiple_of3A_63] : memref<2x1600000xi32, #tpu.memory_space<hbm>> -> memref<2x2560xi32, #tpu.memory_space<hbm>>
    %dma_wait3A_94 = arith.constant 0 : i32
    %dma_wait3A_95 = tpu.memref_slice %arg2[%dma_wait3A_94, %multiple_of3A_63] : memref<2x1600000xi32, #tpu.memory_space<hbm>> -> memref<2x2560xi32, #tpu.memory_space<hbm>>
    tpu.wait_dma2 semaphore(%arg13 : memref<!tpu.dma_semaphore, #tpu.memory_space<semaphore_mem>>) src(%dma_wait3A_95 : memref<2x2560xi32, #tpu.memory_space<hbm>>) dst(%arg7 : memref<2x2560xi32, #tpu.memory_space<vmem>>)
    %add3A_96 = arith.constant 96 : i32
    %add3A_97 = arith.addi %add3A_96, %add3A : i32
    %broadcast_in_dim3A_98 = vector.broadcast %add3A_97 : i32 to vector<16xi32>
    %lt3A_99 = arith.constant 625 : i32
    %lt3A_100 = vector.broadcast %lt3A_99 : i32 to vector<16xi32>
    %lt3A_101 = arith.cmpi slt, %broadcast_in_dim3A_98, %lt3A_100 : vector<16xi32>
    %parallel_loop3A_102 = arith.constant 0 : i32
    %parallel_loop3A_103 = arith.constant 160 : i32
    %parallel_loop3A_104 = arith.constant 1 : i32
    scf.for %parallel_loop3A_749 = %parallel_loop3A_102 to %parallel_loop3A_103 step %parallel_loop3A_104  : i32 {
      %parallel_loop3A_750 = arith.constant 16 : i32
      %parallel_loop3A_751 = arith.muli %parallel_loop3A_749, %parallel_loop3A_750 : i32
      %parallel_loop3A_752 = arith.constant 1 : i32
      %parallel_loop3A_753 = arith.index_cast %parallel_loop3A_752 : i32 to index
      %parallel_loop3A_754 = arith.index_cast %parallel_loop3A_751 : i32 to index
      %parallel_loop3A_755 = tpu.vector_load %arg7[%parallel_loop3A_753, %parallel_loop3A_754] {strides = array<i32>} : memref<2x2560xi32, #tpu.memory_space<vmem>>, vector<16xi32>,
      %parallel_loop3A_756 = arith.addi %parallel_loop3A_755, %get3A_1 : vector<16xi32>
      %parallel_loop3A_757 = arith.constant true
      %parallel_loop3A_758 = vector.broadcast %parallel_loop3A_757 : i1 to vector<16xi1>
      %parallel_loop3A_759, %parallel_loop3A_760 = tpu.scan_count mask(%parallel_loop3A_758 : vector<16xi1>) value(%parallel_loop3A_756 : vector<16xi32>) : vector<16xi1>, vector<16xi32>
      %parallel_loop3A_761 = arith.sitofp %parallel_loop3A_760 : vector<16xi32> to vector<16xf32>
      %parallel_loop3A_762 = arith.andi %parallel_loop3A_759, %lt3A_101 : vector<16xi1>
      tpu.vector_store_idx %arg5[%parallel_loop3A_756], %parallel_loop3A_761 masked %parallel_loop3A_762 {add = true} : memref<100352xf32, #tpu.memory_space<vmem>>[vector<16xi32>], vector<16xf32>, vector<16xi1>
    } {sc.loop_unroll_factor = 8 : i64, sc.parallel_access}
    %add3A_105 = arith.constant 160 : i32
    %add3A_106 = arith.addi %add3A_105, %add3A : i32
    %min3A_107 = arith.constant 624 : i32
    %min3A_108 = arith.minsi %add3A_106, %min3A_107 : i32
    %mul3A_109 = arith.constant 2560 : i32
    %mul3A_110 = arith.muli %min3A_108, %mul3A_109 : i32
    %multiple_of3A_111 = tpu.assume_multiple %mul3A_110, 128 : i32
    %dma_start3A_112 = arith.constant 0 : i32
    %dma_start3A_113 = tpu.memref_slice %arg2[%dma_start3A_112, %multiple_of3A_111] : memref<2x1600000xi32, #tpu.memory_space<hbm>> -> memref<2x2560xi32, #tpu.memory_space<hbm>>
    %dma_start3A_114 = arith.constant 0 : i32
    %dma_start3A_115 = tpu.memref_slice %arg2[%dma_start3A_114, %multiple_of3A_111] : memref<2x1600000xi32, #tpu.memory_space<hbm>> -> memref<2x2560xi32, #tpu.memory_space<hbm>>
    tpu.enqueue_dma source(%dma_start3A_115 : memref<2x2560xi32, #tpu.memory_space<hbm>>) target(%arg7 : memref<2x2560xi32, #tpu.memory_space<vmem>>) target_semaphore(%arg13 : memref<!tpu.dma_semaphore, #tpu.memory_space<semaphore_mem>>)
    %dma_wait3A_116 = arith.constant 0 : i32
    %dma_wait3A_117 = tpu.memref_slice %arg2[%dma_wait3A_116, %multiple_of3A_87] : memref<2x1600000xi32, #tpu.memory_space<hbm>> -> memref<2x2560xi32, #tpu.memory_space<hbm>>
    %dma_wait3A_118 = arith.constant 0 : i32
    %dma_wait3A_119 = tpu.memref_slice %arg2[%dma_wait3A_118, %multiple_of3A_87] : memref<2x1600000xi32, #tpu.memory_space<hbm>> -> memref<2x2560xi32, #tpu.memory_space<hbm>>
    tpu.wait_dma2 semaphore(%arg12 : memref<!tpu.dma_semaphore, #tpu.memory_space<semaphore_mem>>) src(%dma_wait3A_119 : memref<2x2560xi32, #tpu.memory_space<hbm>>) dst(%arg6 : memref<2x2560xi32, #tpu.memory_space<vmem>>)
    %add3A_120 = arith.constant 128 : i32
    %add3A_121 = arith.addi %add3A_120, %add3A : i32
    %broadcast_in_dim3A_122 = vector.broadcast %add3A_121 : i32 to vector<16xi32>
    %lt3A_123 = arith.constant 625 : i32
    %lt3A_124 = vector.broadcast %lt3A_123 : i32 to vector<16xi32>
    %lt3A_125 = arith.cmpi slt, %broadcast_in_dim3A_122, %lt3A_124 : vector<16xi32>
    %parallel_loop3A_126 = arith.constant 0 : i32
    %parallel_loop3A_127 = arith.constant 160 : i32
    %parallel_loop3A_128 = arith.constant 1 : i32
    scf.for %parallel_loop3A_749 = %parallel_loop3A_126 to %parallel_loop3A_127 step %parallel_loop3A_128  : i32 {
      %parallel_loop3A_750 = arith.constant 16 : i32
      %parallel_loop3A_751 = arith.muli %parallel_loop3A_749, %parallel_loop3A_750 : i32
      %parallel_loop3A_752 = arith.constant 1 : i32
      %parallel_loop3A_753 = arith.index_cast %parallel_loop3A_752 : i32 to index
      %parallel_loop3A_754 = arith.index_cast %parallel_loop3A_751 : i32 to index
      %parallel_loop3A_755 = tpu.vector_load %arg6[%parallel_loop3A_753, %parallel_loop3A_754] {strides = array<i32>} : memref<2x2560xi32, #tpu.memory_space<vmem>>, vector<16xi32>,
      %parallel_loop3A_756 = arith.addi %parallel_loop3A_755, %get3A_1 : vector<16xi32>
      %parallel_loop3A_757 = arith.constant true
      %parallel_loop3A_758 = vector.broadcast %parallel_loop3A_757 : i1 to vector<16xi1>
      %parallel_loop3A_759, %parallel_loop3A_760 = tpu.scan_count mask(%parallel_loop3A_758 : vector<16xi1>) value(%parallel_loop3A_756 : vector<16xi32>) : vector<16xi1>, vector<16xi32>
      %parallel_loop3A_761 = arith.sitofp %parallel_loop3A_760 : vector<16xi32> to vector<16xf32>
      %parallel_loop3A_762 = arith.andi %parallel_loop3A_759, %lt3A_125 : vector<16xi1>
      tpu.vector_store_idx %arg5[%parallel_loop3A_756], %parallel_loop3A_761 masked %parallel_loop3A_762 {add = true} : memref<100352xf32, #tpu.memory_space<vmem>>[vector<16xi32>], vector<16xf32>, vector<16xi1>
    } {sc.loop_unroll_factor = 8 : i64, sc.parallel_access}
    %add3A_129 = arith.constant 192 : i32
    %add3A_130 = arith.addi %add3A_129, %add3A : i32
    %min3A_131 = arith.constant 624 : i32
    %min3A_132 = arith.minsi %add3A_130, %min3A_131 : i32
    %mul3A_133 = arith.constant 2560 : i32
    %mul3A_134 = arith.muli %min3A_132, %mul3A_133 : i32
    %multiple_of3A_135 = tpu.assume_multiple %mul3A_134, 128 : i32
    %dma_start3A_136 = arith.constant 0 : i32
    %dma_start3A_137 = tpu.memref_slice %arg2[%dma_start3A_136, %multiple_of3A_135] : memref<2x1600000xi32, #tpu.memory_space<hbm>> -> memref<2x2560xi32, #tpu.memory_space<hbm>>
    %dma_start3A_138 = arith.constant 0 : i32
    %dma_start3A_139 = tpu.memref_slice %arg2[%dma_start3A_138, %multiple_of3A_135] : memref<2x1600000xi32, #tpu.memory_space<hbm>> -> memref<2x2560xi32, #tpu.memory_space<hbm>>
    tpu.enqueue_dma source(%dma_start3A_139 : memref<2x2560xi32, #tpu.memory_space<hbm>>) target(%arg6 : memref<2x2560xi32, #tpu.memory_space<vmem>>) target_semaphore(%arg12 : memref<!tpu.dma_semaphore, #tpu.memory_space<semaphore_mem>>)
    %dma_wait3A_140 = arith.constant 0 : i32
    %dma_wait3A_141 = tpu.memref_slice %arg2[%dma_wait3A_140, %multiple_of3A_111] : memref<2x1600000xi32, #tpu.memory_space<hbm>> -> memref<2x2560xi32, #tpu.memory_space<hbm>>
    %dma_wait3A_142 = arith.constant 0 : i32
    %dma_wait3A_143 = tpu.memref_slice %arg2[%dma_wait3A_142, %multiple_of3A_111] : memref<2x1600000xi32, #tpu.memory_space<hbm>> -> memref<2x2560xi32, #tpu.memory_space<hbm>>
    tpu.wait_dma2 semaphore(%arg13 : memref<!tpu.dma_semaphore, #tpu.memory_space<semaphore_mem>>) src(%dma_wait3A_143 : memref<2x2560xi32, #tpu.memory_space<hbm>>) dst(%arg7 : memref<2x2560xi32, #tpu.memory_space<vmem>>)
    %add3A_144 = arith.constant 160 : i32
    %add3A_145 = arith.addi %add3A_144, %add3A : i32
    %broadcast_in_dim3A_146 = vector.broadcast %add3A_145 : i32 to vector<16xi32>
    %lt3A_147 = arith.constant 625 : i32
    %lt3A_148 = vector.broadcast %lt3A_147 : i32 to vector<16xi32>
    %lt3A_149 = arith.cmpi slt, %broadcast_in_dim3A_146, %lt3A_148 : vector<16xi32>
    %parallel_loop3A_150 = arith.constant 0 : i32
    %parallel_loop3A_151 = arith.constant 160 : i32
    %parallel_loop3A_152 = arith.constant 1 : i32
    scf.for %parallel_loop3A_749 = %parallel_loop3A_150 to %parallel_loop3A_151 step %parallel_loop3A_152  : i32 {
      %parallel_loop3A_750 = arith.constant 16 : i32
      %parallel_loop3A_751 = arith.muli %parallel_loop3A_749, %parallel_loop3A_750 : i32
      %parallel_loop3A_752 = arith.constant 1 : i32
      %parallel_loop3A_753 = arith.index_cast %parallel_loop3A_752 : i32 to index
      %parallel_loop3A_754 = arith.index_cast %parallel_loop3A_751 : i32 to index
      %parallel_loop3A_755 = tpu.vector_load %arg7[%parallel_loop3A_753, %parallel_loop3A_754] {strides = array<i32>} : memref<2x2560xi32, #tpu.memory_space<vmem>>, vector<16xi32>,
      %parallel_loop3A_756 = arith.addi %parallel_loop3A_755, %get3A_1 : vector<16xi32>
      %parallel_loop3A_757 = arith.constant true
      %parallel_loop3A_758 = vector.broadcast %parallel_loop3A_757 : i1 to vector<16xi1>
      %parallel_loop3A_759, %parallel_loop3A_760 = tpu.scan_count mask(%parallel_loop3A_758 : vector<16xi1>) value(%parallel_loop3A_756 : vector<16xi32>) : vector<16xi1>, vector<16xi32>
      %parallel_loop3A_761 = arith.sitofp %parallel_loop3A_760 : vector<16xi32> to vector<16xf32>
      %parallel_loop3A_762 = arith.andi %parallel_loop3A_759, %lt3A_149 : vector<16xi1>
      tpu.vector_store_idx %arg5[%parallel_loop3A_756], %parallel_loop3A_761 masked %parallel_loop3A_762 {add = true} : memref<100352xf32, #tpu.memory_space<vmem>>[vector<16xi32>], vector<16xf32>, vector<16xi1>
    } {sc.loop_unroll_factor = 8 : i64, sc.parallel_access}
    %add3A_153 = arith.constant 224 : i32
    %add3A_154 = arith.addi %add3A_153, %add3A : i32
    %min3A_155 = arith.constant 624 : i32
    %min3A_156 = arith.minsi %add3A_154, %min3A_155 : i32
    %mul3A_157 = arith.constant 2560 : i32
    %mul3A_158 = arith.muli %min3A_156, %mul3A_157 : i32
    %multiple_of3A_159 = tpu.assume_multiple %mul3A_158, 128 : i32
    %dma_start3A_160 = arith.constant 0 : i32
    %dma_start3A_161 = tpu.memref_slice %arg2[%dma_start3A_160, %multiple_of3A_159] : memref<2x1600000xi32, #tpu.memory_space<hbm>> -> memref<2x2560xi32, #tpu.memory_space<hbm>>
    %dma_start3A_162 = arith.constant 0 : i32
    %dma_start3A_163 = tpu.memref_slice %arg2[%dma_start3A_162, %multiple_of3A_159] : memref<2x1600000xi32, #tpu.memory_space<hbm>> -> memref<2x2560xi32, #tpu.memory_space<hbm>>
    tpu.enqueue_dma source(%dma_start3A_163 : memref<2x2560xi32, #tpu.memory_space<hbm>>) target(%arg7 : memref<2x2560xi32, #tpu.memory_space<vmem>>) target_semaphore(%arg13 : memref<!tpu.dma_semaphore, #tpu.memory_space<semaphore_mem>>)
    %dma_wait3A_164 = arith.constant 0 : i32
    %dma_wait3A_165 = tpu.memref_slice %arg2[%dma_wait3A_164, %multiple_of3A_135] : memref<2x1600000xi32, #tpu.memory_space<hbm>> -> memref<2x2560xi32, #tpu.memory_space<hbm>>
    %dma_wait3A_166 = arith.constant 0 : i32
    %dma_wait3A_167 = tpu.memref_slice %arg2[%dma_wait3A_166, %multiple_of3A_135] : memref<2x1600000xi32, #tpu.memory_space<hbm>> -> memref<2x2560xi32, #tpu.memory_space<hbm>>
    tpu.wait_dma2 semaphore(%arg12 : memref<!tpu.dma_semaphore, #tpu.memory_space<semaphore_mem>>) src(%dma_wait3A_167 : memref<2x2560xi32, #tpu.memory_space<hbm>>) dst(%arg6 : memref<2x2560xi32, #tpu.memory_space<vmem>>)
    %add3A_168 = arith.constant 192 : i32
    %add3A_169 = arith.addi %add3A_168, %add3A : i32
    %broadcast_in_dim3A_170 = vector.broadcast %add3A_169 : i32 to vector<16xi32>
    %lt3A_171 = arith.constant 625 : i32
    %lt3A_172 = vector.broadcast %lt3A_171 : i32 to vector<16xi32>
    %lt3A_173 = arith.cmpi slt, %broadcast_in_dim3A_170, %lt3A_172 : vector<16xi32>
    %parallel_loop3A_174 = arith.constant 0 : i32
    %parallel_loop3A_175 = arith.constant 160 : i32
    %parallel_loop3A_176 = arith.constant 1 : i32
    scf.for %parallel_loop3A_749 = %parallel_loop3A_174 to %parallel_loop3A_175 step %parallel_loop3A_176  : i32 {
      %parallel_loop3A_750 = arith.constant 16 : i32
      %parallel_loop3A_751 = arith.muli %parallel_loop3A_749, %parallel_loop3A_750 : i32
      %parallel_loop3A_752 = arith.constant 1 : i32
      %parallel_loop3A_753 = arith.index_cast %parallel_loop3A_752 : i32 to index
      %parallel_loop3A_754 = arith.index_cast %parallel_loop3A_751 : i32 to index
      %parallel_loop3A_755 = tpu.vector_load %arg6[%parallel_loop3A_753, %parallel_loop3A_754] {strides = array<i32>} : memref<2x2560xi32, #tpu.memory_space<vmem>>, vector<16xi32>,
      %parallel_loop3A_756 = arith.addi %parallel_loop3A_755, %get3A_1 : vector<16xi32>
      %parallel_loop3A_757 = arith.constant true
      %parallel_loop3A_758 = vector.broadcast %parallel_loop3A_757 : i1 to vector<16xi1>
      %parallel_loop3A_759, %parallel_loop3A_760 = tpu.scan_count mask(%parallel_loop3A_758 : vector<16xi1>) value(%parallel_loop3A_756 : vector<16xi32>) : vector<16xi1>, vector<16xi32>
      %parallel_loop3A_761 = arith.sitofp %parallel_loop3A_760 : vector<16xi32> to vector<16xf32>
      %parallel_loop3A_762 = arith.andi %parallel_loop3A_759, %lt3A_173 : vector<16xi1>
      tpu.vector_store_idx %arg5[%parallel_loop3A_756], %parallel_loop3A_761 masked %parallel_loop3A_762 {add = true} : memref<100352xf32, #tpu.memory_space<vmem>>[vector<16xi32>], vector<16xf32>, vector<16xi1>
    } {sc.loop_unroll_factor = 8 : i64, sc.parallel_access}
    %add3A_177 = arith.constant 256 : i32
    %add3A_178 = arith.addi %add3A_177, %add3A : i32
    %min3A_179 = arith.constant 624 : i32
    %min3A_180 = arith.minsi %add3A_178, %min3A_179 : i32
    %mul3A_181 = arith.constant 2560 : i32
    %mul3A_182 = arith.muli %min3A_180, %mul3A_181 : i32
    %multiple_of3A_183 = tpu.assume_multiple %mul3A_182, 128 : i32
    %dma_start3A_184 = arith.constant 0 : i32
    %dma_start3A_185 = tpu.memref_slice %arg2[%dma_start3A_184, %multiple_of3A_183] : memref<2x1600000xi32, #tpu.memory_space<hbm>> -> memref<2x2560xi32, #tpu.memory_space<hbm>>
    %dma_start3A_186 = arith.constant 0 : i32
    %dma_start3A_187 = tpu.memref_slice %arg2[%dma_start3A_186, %multiple_of3A_183] : memref<2x1600000xi32, #tpu.memory_space<hbm>> -> memref<2x2560xi32, #tpu.memory_space<hbm>>
    tpu.enqueue_dma source(%dma_start3A_187 : memref<2x2560xi32, #tpu.memory_space<hbm>>) target(%arg6 : memref<2x2560xi32, #tpu.memory_space<vmem>>) target_semaphore(%arg12 : memref<!tpu.dma_semaphore, #tpu.memory_space<semaphore_mem>>)
    %dma_wait3A_188 = arith.constant 0 : i32
    %dma_wait3A_189 = tpu.memref_slice %arg2[%dma_wait3A_188, %multiple_of3A_159] : memref<2x1600000xi32, #tpu.memory_space<hbm>> -> memref<2x2560xi32, #tpu.memory_space<hbm>>
    %dma_wait3A_190 = arith.constant 0 : i32
    %dma_wait3A_191 = tpu.memref_slice %arg2[%dma_wait3A_190, %multiple_of3A_159] : memref<2x1600000xi32, #tpu.memory_space<hbm>> -> memref<2x2560xi32, #tpu.memory_space<hbm>>
    tpu.wait_dma2 semaphore(%arg13 : memref<!tpu.dma_semaphore, #tpu.memory_space<semaphore_mem>>) src(%dma_wait3A_191 : memref<2x2560xi32, #tpu.memory_space<hbm>>) dst(%arg7 : memref<2x2560xi32, #tpu.memory_space<vmem>>)
    %add3A_192 = arith.constant 224 : i32
    %add3A_193 = arith.addi %add3A_192, %add3A : i32
    %broadcast_in_dim3A_194 = vector.broadcast %add3A_193 : i32 to vector<16xi32>
    %lt3A_195 = arith.constant 625 : i32
    %lt3A_196 = vector.broadcast %lt3A_195 : i32 to vector<16xi32>
    %lt3A_197 = arith.cmpi slt, %broadcast_in_dim3A_194, %lt3A_196 : vector<16xi32>
    %parallel_loop3A_198 = arith.constant 0 : i32
    %parallel_loop3A_199 = arith.constant 160 : i32
    %parallel_loop3A_200 = arith.constant 1 : i32
    scf.for %parallel_loop3A_749 = %parallel_loop3A_198 to %parallel_loop3A_199 step %parallel_loop3A_200  : i32 {
      %parallel_loop3A_750 = arith.constant 16 : i32
      %parallel_loop3A_751 = arith.muli %parallel_loop3A_749, %parallel_loop3A_750 : i32
      %parallel_loop3A_752 = arith.constant 1 : i32
      %parallel_loop3A_753 = arith.index_cast %parallel_loop3A_752 : i32 to index
      %parallel_loop3A_754 = arith.index_cast %parallel_loop3A_751 : i32 to index
      %parallel_loop3A_755 = tpu.vector_load %arg7[%parallel_loop3A_753, %parallel_loop3A_754] {strides = array<i32>} : memref<2x2560xi32, #tpu.memory_space<vmem>>, vector<16xi32>,
      %parallel_loop3A_756 = arith.addi %parallel_loop3A_755, %get3A_1 : vector<16xi32>
      %parallel_loop3A_757 = arith.constant true
      %parallel_loop3A_758 = vector.broadcast %parallel_loop3A_757 : i1 to vector<16xi1>
      %parallel_loop3A_759, %parallel_loop3A_760 = tpu.scan_count mask(%parallel_loop3A_758 : vector<16xi1>) value(%parallel_loop3A_756 : vector<16xi32>) : vector<16xi1>, vector<16xi32>
      %parallel_loop3A_761 = arith.sitofp %parallel_loop3A_760 : vector<16xi32> to vector<16xf32>
      %parallel_loop3A_762 = arith.andi %parallel_loop3A_759, %lt3A_197 : vector<16xi1>
      tpu.vector_store_idx %arg5[%parallel_loop3A_756], %parallel_loop3A_761 masked %parallel_loop3A_762 {add = true} : memref<100352xf32, #tpu.memory_space<vmem>>[vector<16xi32>], vector<16xf32>, vector<16xi1>
    } {sc.loop_unroll_factor = 8 : i64, sc.parallel_access}
    %add3A_201 = arith.constant 288 : i32
    %add3A_202 = arith.addi %add3A_201, %add3A : i32
    %min3A_203 = arith.constant 624 : i32
    %min3A_204 = arith.minsi %add3A_202, %min3A_203 : i32
    %mul3A_205 = arith.constant 2560 : i32
    %mul3A_206 = arith.muli %min3A_204, %mul3A_205 : i32
    %multiple_of3A_207 = tpu.assume_multiple %mul3A_206, 128 : i32
    %dma_start3A_208 = arith.constant 0 : i32
    %dma_start3A_209 = tpu.memref_slice %arg2[%dma_start3A_208, %multiple_of3A_207] : memref<2x1600000xi32, #tpu.memory_space<hbm>> -> memref<2x2560xi32, #tpu.memory_space<hbm>>
    %dma_start3A_210 = arith.constant 0 : i32
    %dma_start3A_211 = tpu.memref_slice %arg2[%dma_start3A_210, %multiple_of3A_207] : memref<2x1600000xi32, #tpu.memory_space<hbm>> -> memref<2x2560xi32, #tpu.memory_space<hbm>>
    tpu.enqueue_dma source(%dma_start3A_211 : memref<2x2560xi32, #tpu.memory_space<hbm>>) target(%arg7 : memref<2x2560xi32, #tpu.memory_space<vmem>>) target_semaphore(%arg13 : memref<!tpu.dma_semaphore, #tpu.memory_space<semaphore_mem>>)
    %dma_wait3A_212 = arith.constant 0 : i32
    %dma_wait3A_213 = tpu.memref_slice %arg2[%dma_wait3A_212, %multiple_of3A_183] : memref<2x1600000xi32, #tpu.memory_space<hbm>> -> memref<2x2560xi32, #tpu.memory_space<hbm>>
    %dma_wait3A_214 = arith.constant 0 : i32
    %dma_wait3A_215 = tpu.memref_slice %arg2[%dma_wait3A_214, %multiple_of3A_183] : memref<2x1600000xi32, #tpu.memory_space<hbm>> -> memref<2x2560xi32, #tpu.memory_space<hbm>>
    tpu.wait_dma2 semaphore(%arg12 : memref<!tpu.dma_semaphore, #tpu.memory_space<semaphore_mem>>) src(%dma_wait3A_215 : memref<2x2560xi32, #tpu.memory_space<hbm>>) dst(%arg6 : memref<2x2560xi32, #tpu.memory_space<vmem>>)
    %add3A_216 = arith.constant 256 : i32
    %add3A_217 = arith.addi %add3A_216, %add3A : i32
    %broadcast_in_dim3A_218 = vector.broadcast %add3A_217 : i32 to vector<16xi32>
    %lt3A_219 = arith.constant 625 : i32
    %lt3A_220 = vector.broadcast %lt3A_219 : i32 to vector<16xi32>
    %lt3A_221 = arith.cmpi slt, %broadcast_in_dim3A_218, %lt3A_220 : vector<16xi32>
    %parallel_loop3A_222 = arith.constant 0 : i32
    %parallel_loop3A_223 = arith.constant 160 : i32
    %parallel_loop3A_224 = arith.constant 1 : i32
    scf.for %parallel_loop3A_749 = %parallel_loop3A_222 to %parallel_loop3A_223 step %parallel_loop3A_224  : i32 {
      %parallel_loop3A_750 = arith.constant 16 : i32
      %parallel_loop3A_751 = arith.muli %parallel_loop3A_749, %parallel_loop3A_750 : i32
      %parallel_loop3A_752 = arith.constant 1 : i32
      %parallel_loop3A_753 = arith.index_cast %parallel_loop3A_752 : i32 to index
      %parallel_loop3A_754 = arith.index_cast %parallel_loop3A_751 : i32 to index
      %parallel_loop3A_755 = tpu.vector_load %arg6[%parallel_loop3A_753, %parallel_loop3A_754] {strides = array<i32>} : memref<2x2560xi32, #tpu.memory_space<vmem>>, vector<16xi32>,
      %parallel_loop3A_756 = arith.addi %parallel_loop3A_755, %get3A_1 : vector<16xi32>
      %parallel_loop3A_757 = arith.constant true
      %parallel_loop3A_758 = vector.broadcast %parallel_loop3A_757 : i1 to vector<16xi1>
      %parallel_loop3A_759, %parallel_loop3A_760 = tpu.scan_count mask(%parallel_loop3A_758 : vector<16xi1>) value(%parallel_loop3A_756 : vector<16xi32>) : vector<16xi1>, vector<16xi32>
      %parallel_loop3A_761 = arith.sitofp %parallel_loop3A_760 : vector<16xi32> to vector<16xf32>
      %parallel_loop3A_762 = arith.andi %parallel_loop3A_759, %lt3A_221 : vector<16xi1>
      tpu.vector_store_idx %arg5[%parallel_loop3A_756], %parallel_loop3A_761 masked %parallel_loop3A_762 {add = true} : memref<100352xf32, #tpu.memory_space<vmem>>[vector<16xi32>], vector<16xf32>, vector<16xi1>
    } {sc.loop_unroll_factor = 8 : i64, sc.parallel_access}
    %add3A_225 = arith.constant 320 : i32
    %add3A_226 = arith.addi %add3A_225, %add3A : i32
    %min3A_227 = arith.constant 624 : i32
    %min3A_228 = arith.minsi %add3A_226, %min3A_227 : i32
    %mul3A_229 = arith.constant 2560 : i32
    %mul3A_230 = arith.muli %min3A_228, %mul3A_229 : i32
    %multiple_of3A_231 = tpu.assume_multiple %mul3A_230, 128 : i32
    %dma_start3A_232 = arith.constant 0 : i32
    %dma_start3A_233 = tpu.memref_slice %arg2[%dma_start3A_232, %multiple_of3A_231] : memref<2x1600000xi32, #tpu.memory_space<hbm>> -> memref<2x2560xi32, #tpu.memory_space<hbm>>
    %dma_start3A_234 = arith.constant 0 : i32
    %dma_start3A_235 = tpu.memref_slice %arg2[%dma_start3A_234, %multiple_of3A_231] : memref<2x1600000xi32, #tpu.memory_space<hbm>> -> memref<2x2560xi32, #tpu.memory_space<hbm>>
    tpu.enqueue_dma source(%dma_start3A_235 : memref<2x2560xi32, #tpu.memory_space<hbm>>) target(%arg6 : memref<2x2560xi32, #tpu.memory_space<vmem>>) target_semaphore(%arg12 : memref<!tpu.dma_semaphore, #tpu.memory_space<semaphore_mem>>)
    %dma_wait3A_236 = arith.constant 0 : i32
    %dma_wait3A_237 = tpu.memref_slice %arg2[%dma_wait3A_236, %multiple_of3A_207] : memref<2x1600000xi32, #tpu.memory_space<hbm>> -> memref<2x2560xi32, #tpu.memory_space<hbm>>
    %dma_wait3A_238 = arith.constant 0 : i32
    %dma_wait3A_239 = tpu.memref_slice %arg2[%dma_wait3A_238, %multiple_of3A_207] : memref<2x1600000xi32, #tpu.memory_space<hbm>> -> memref<2x2560xi32, #tpu.memory_space<hbm>>
    tpu.wait_dma2 semaphore(%arg13 : memref<!tpu.dma_semaphore, #tpu.memory_space<semaphore_mem>>) src(%dma_wait3A_239 : memref<2x2560xi32, #tpu.memory_space<hbm>>) dst(%arg7 : memref<2x2560xi32, #tpu.memory_space<vmem>>)
    %add3A_240 = arith.constant 288 : i32
    %add3A_241 = arith.addi %add3A_240, %add3A : i32
    %broadcast_in_dim3A_242 = vector.broadcast %add3A_241 : i32 to vector<16xi32>
    %lt3A_243 = arith.constant 625 : i32
    %lt3A_244 = vector.broadcast %lt3A_243 : i32 to vector<16xi32>
    %lt3A_245 = arith.cmpi slt, %broadcast_in_dim3A_242, %lt3A_244 : vector<16xi32>
    %parallel_loop3A_246 = arith.constant 0 : i32
    %parallel_loop3A_247 = arith.constant 160 : i32
    %parallel_loop3A_248 = arith.constant 1 : i32
    scf.for %parallel_loop3A_749 = %parallel_loop3A_246 to %parallel_loop3A_247 step %parallel_loop3A_248  : i32 {
      %parallel_loop3A_750 = arith.constant 16 : i32
      %parallel_loop3A_751 = arith.muli %parallel_loop3A_749, %parallel_loop3A_750 : i32
      %parallel_loop3A_752 = arith.constant 1 : i32
      %parallel_loop3A_753 = arith.index_cast %parallel_loop3A_752 : i32 to index
      %parallel_loop3A_754 = arith.index_cast %parallel_loop3A_751 : i32 to index
      %parallel_loop3A_755 = tpu.vector_load %arg7[%parallel_loop3A_753, %parallel_loop3A_754] {strides = array<i32>} : memref<2x2560xi32, #tpu.memory_space<vmem>>, vector<16xi32>,
      %parallel_loop3A_756 = arith.addi %parallel_loop3A_755, %get3A_1 : vector<16xi32>
      %parallel_loop3A_757 = arith.constant true
      %parallel_loop3A_758 = vector.broadcast %parallel_loop3A_757 : i1 to vector<16xi1>
      %parallel_loop3A_759, %parallel_loop3A_760 = tpu.scan_count mask(%parallel_loop3A_758 : vector<16xi1>) value(%parallel_loop3A_756 : vector<16xi32>) : vector<16xi1>, vector<16xi32>
      %parallel_loop3A_761 = arith.sitofp %parallel_loop3A_760 : vector<16xi32> to vector<16xf32>
      %parallel_loop3A_762 = arith.andi %parallel_loop3A_759, %lt3A_245 : vector<16xi1>
      tpu.vector_store_idx %arg5[%parallel_loop3A_756], %parallel_loop3A_761 masked %parallel_loop3A_762 {add = true} : memref<100352xf32, #tpu.memory_space<vmem>>[vector<16xi32>], vector<16xf32>, vector<16xi1>
    } {sc.loop_unroll_factor = 8 : i64, sc.parallel_access}
    %add3A_249 = arith.constant 352 : i32
    %add3A_250 = arith.addi %add3A_249, %add3A : i32
    %min3A_251 = arith.constant 624 : i32
    %min3A_252 = arith.minsi %add3A_250, %min3A_251 : i32
    %mul3A_253 = arith.constant 2560 : i32
    %mul3A_254 = arith.muli %min3A_252, %mul3A_253 : i32
    %multiple_of3A_255 = tpu.assume_multiple %mul3A_254, 128 : i32
    %dma_start3A_256 = arith.constant 0 : i32
    %dma_start3A_257 = tpu.memref_slice %arg2[%dma_start3A_256, %multiple_of3A_255] : memref<2x1600000xi32, #tpu.memory_space<hbm>> -> memref<2x2560xi32, #tpu.memory_space<hbm>>
    %dma_start3A_258 = arith.constant 0 : i32
    %dma_start3A_259 = tpu.memref_slice %arg2[%dma_start3A_258, %multiple_of3A_255] : memref<2x1600000xi32, #tpu.memory_space<hbm>> -> memref<2x2560xi32, #tpu.memory_space<hbm>>
    tpu.enqueue_dma source(%dma_start3A_259 : memref<2x2560xi32, #tpu.memory_space<hbm>>) target(%arg7 : memref<2x2560xi32, #tpu.memory_space<vmem>>) target_semaphore(%arg13 : memref<!tpu.dma_semaphore, #tpu.memory_space<semaphore_mem>>)
    %dma_wait3A_260 = arith.constant 0 : i32
    %dma_wait3A_261 = tpu.memref_slice %arg2[%dma_wait3A_260, %multiple_of3A_231] : memref<2x1600000xi32, #tpu.memory_space<hbm>> -> memref<2x2560xi32, #tpu.memory_space<hbm>>
    %dma_wait3A_262 = arith.constant 0 : i32
    %dma_wait3A_263 = tpu.memref_slice %arg2[%dma_wait3A_262, %multiple_of3A_231] : memref<2x1600000xi32, #tpu.memory_space<hbm>> -> memref<2x2560xi32, #tpu.memory_space<hbm>>
    tpu.wait_dma2 semaphore(%arg12 : memref<!tpu.dma_semaphore, #tpu.memory_space<semaphore_mem>>) src(%dma_wait3A_263 : memref<2x2560xi32, #tpu.memory_space<hbm>>) dst(%arg6 : memref<2x2560xi32, #tpu.memory_space<vmem>>)
    %add3A_264 = arith.constant 320 : i32
    %add3A_265 = arith.addi %add3A_264, %add3A : i32
    %broadcast_in_dim3A_266 = vector.broadcast %add3A_265 : i32 to vector<16xi32>
    %lt3A_267 = arith.constant 625 : i32
    %lt3A_268 = vector.broadcast %lt3A_267 : i32 to vector<16xi32>
    %lt3A_269 = arith.cmpi slt, %broadcast_in_dim3A_266, %lt3A_268 : vector<16xi32>
    %parallel_loop3A_270 = arith.constant 0 : i32
    %parallel_loop3A_271 = arith.constant 160 : i32
    %parallel_loop3A_272 = arith.constant 1 : i32
    scf.for %parallel_loop3A_749 = %parallel_loop3A_270 to %parallel_loop3A_271 step %parallel_loop3A_272  : i32 {
      %parallel_loop3A_750 = arith.constant 16 : i32
      %parallel_loop3A_751 = arith.muli %parallel_loop3A_749, %parallel_loop3A_750 : i32
      %parallel_loop3A_752 = arith.constant 1 : i32
      %parallel_loop3A_753 = arith.index_cast %parallel_loop3A_752 : i32 to index
      %parallel_loop3A_754 = arith.index_cast %parallel_loop3A_751 : i32 to index
      %parallel_loop3A_755 = tpu.vector_load %arg6[%parallel_loop3A_753, %parallel_loop3A_754] {strides = array<i32>} : memref<2x2560xi32, #tpu.memory_space<vmem>>, vector<16xi32>,
      %parallel_loop3A_756 = arith.addi %parallel_loop3A_755, %get3A_1 : vector<16xi32>
      %parallel_loop3A_757 = arith.constant true
      %parallel_loop3A_758 = vector.broadcast %parallel_loop3A_757 : i1 to vector<16xi1>
      %parallel_loop3A_759, %parallel_loop3A_760 = tpu.scan_count mask(%parallel_loop3A_758 : vector<16xi1>) value(%parallel_loop3A_756 : vector<16xi32>) : vector<16xi1>, vector<16xi32>
      %parallel_loop3A_761 = arith.sitofp %parallel_loop3A_760 : vector<16xi32> to vector<16xf32>
      %parallel_loop3A_762 = arith.andi %parallel_loop3A_759, %lt3A_269 : vector<16xi1>
      tpu.vector_store_idx %arg5[%parallel_loop3A_756], %parallel_loop3A_761 masked %parallel_loop3A_762 {add = true} : memref<100352xf32, #tpu.memory_space<vmem>>[vector<16xi32>], vector<16xf32>, vector<16xi1>
    } {sc.loop_unroll_factor = 8 : i64, sc.parallel_access}
    %add3A_273 = arith.constant 384 : i32
    %add3A_274 = arith.addi %add3A_273, %add3A : i32
    %min3A_275 = arith.constant 624 : i32
    %min3A_276 = arith.minsi %add3A_274, %min3A_275 : i32
    %mul3A_277 = arith.constant 2560 : i32
    %mul3A_278 = arith.muli %min3A_276, %mul3A_277 : i32
    %multiple_of3A_279 = tpu.assume_multiple %mul3A_278, 128 : i32
    %dma_start3A_280 = arith.constant 0 : i32
    %dma_start3A_281 = tpu.memref_slice %arg2[%dma_start3A_280, %multiple_of3A_279] : memref<2x1600000xi32, #tpu.memory_space<hbm>> -> memref<2x2560xi32, #tpu.memory_space<hbm>>
    %dma_start3A_282 = arith.constant 0 : i32
    %dma_start3A_283 = tpu.memref_slice %arg2[%dma_start3A_282, %multiple_of3A_279] : memref<2x1600000xi32, #tpu.memory_space<hbm>> -> memref<2x2560xi32, #tpu.memory_space<hbm>>
    tpu.enqueue_dma source(%dma_start3A_283 : memref<2x2560xi32, #tpu.memory_space<hbm>>) target(%arg6 : memref<2x2560xi32, #tpu.memory_space<vmem>>) target_semaphore(%arg12 : memref<!tpu.dma_semaphore, #tpu.memory_space<semaphore_mem>>)
    %dma_wait3A_284 = arith.constant 0 : i32
    %dma_wait3A_285 = tpu.memref_slice %arg2[%dma_wait3A_284, %multiple_of3A_255] : memref<2x1600000xi32, #tpu.memory_space<hbm>> -> memref<2x2560xi32, #tpu.memory_space<hbm>>
    %dma_wait3A_286 = arith.constant 0 : i32
    %dma_wait3A_287 = tpu.memref_slice %arg2[%dma_wait3A_286, %multiple_of3A_255] : memref<2x1600000xi32, #tpu.memory_space<hbm>> -> memref<2x2560xi32, #tpu.memory_space<hbm>>
    tpu.wait_dma2 semaphore(%arg13 : memref<!tpu.dma_semaphore, #tpu.memory_space<semaphore_mem>>) src(%dma_wait3A_287 : memref<2x2560xi32, #tpu.memory_space<hbm>>) dst(%arg7 : memref<2x2560xi32, #tpu.memory_space<vmem>>)
    %add3A_288 = arith.constant 352 : i32
    %add3A_289 = arith.addi %add3A_288, %add3A : i32
    %broadcast_in_dim3A_290 = vector.broadcast %add3A_289 : i32 to vector<16xi32>
    %lt3A_291 = arith.constant 625 : i32
    %lt3A_292 = vector.broadcast %lt3A_291 : i32 to vector<16xi32>
    %lt3A_293 = arith.cmpi slt, %broadcast_in_dim3A_290, %lt3A_292 : vector<16xi32>
    %parallel_loop3A_294 = arith.constant 0 : i32
    %parallel_loop3A_295 = arith.constant 160 : i32
    %parallel_loop3A_296 = arith.constant 1 : i32
    scf.for %parallel_loop3A_749 = %parallel_loop3A_294 to %parallel_loop3A_295 step %parallel_loop3A_296  : i32 {
      %parallel_loop3A_750 = arith.constant 16 : i32
      %parallel_loop3A_751 = arith.muli %parallel_loop3A_749, %parallel_loop3A_750 : i32
      %parallel_loop3A_752 = arith.constant 1 : i32
      %parallel_loop3A_753 = arith.index_cast %parallel_loop3A_752 : i32 to index
      %parallel_loop3A_754 = arith.index_cast %parallel_loop3A_751 : i32 to index
      %parallel_loop3A_755 = tpu.vector_load %arg7[%parallel_loop3A_753, %parallel_loop3A_754] {strides = array<i32>} : memref<2x2560xi32, #tpu.memory_space<vmem>>, vector<16xi32>,
      %parallel_loop3A_756 = arith.addi %parallel_loop3A_755, %get3A_1 : vector<16xi32>
      %parallel_loop3A_757 = arith.constant true
      %parallel_loop3A_758 = vector.broadcast %parallel_loop3A_757 : i1 to vector<16xi1>
      %parallel_loop3A_759, %parallel_loop3A_760 = tpu.scan_count mask(%parallel_loop3A_758 : vector<16xi1>) value(%parallel_loop3A_756 : vector<16xi32>) : vector<16xi1>, vector<16xi32>
      %parallel_loop3A_761 = arith.sitofp %parallel_loop3A_760 : vector<16xi32> to vector<16xf32>
      %parallel_loop3A_762 = arith.andi %parallel_loop3A_759, %lt3A_293 : vector<16xi1>
      tpu.vector_store_idx %arg5[%parallel_loop3A_756], %parallel_loop3A_761 masked %parallel_loop3A_762 {add = true} : memref<100352xf32, #tpu.memory_space<vmem>>[vector<16xi32>], vector<16xf32>, vector<16xi1>
    } {sc.loop_unroll_factor = 8 : i64, sc.parallel_access}
    %add3A_297 = arith.constant 416 : i32
    %add3A_298 = arith.addi %add3A_297, %add3A : i32
    %min3A_299 = arith.constant 624 : i32
    %min3A_300 = arith.minsi %add3A_298, %min3A_299 : i32
    %mul3A_301 = arith.constant 2560 : i32
    %mul3A_302 = arith.muli %min3A_300, %mul3A_301 : i32
    %multiple_of3A_303 = tpu.assume_multiple %mul3A_302, 128 : i32
    %dma_start3A_304 = arith.constant 0 : i32
    %dma_start3A_305 = tpu.memref_slice %arg2[%dma_start3A_304, %multiple_of3A_303] : memref<2x1600000xi32, #tpu.memory_space<hbm>> -> memref<2x2560xi32, #tpu.memory_space<hbm>>
    %dma_start3A_306 = arith.constant 0 : i32
    %dma_start3A_307 = tpu.memref_slice %arg2[%dma_start3A_306, %multiple_of3A_303] : memref<2x1600000xi32, #tpu.memory_space<hbm>> -> memref<2x2560xi32, #tpu.memory_space<hbm>>
    tpu.enqueue_dma source(%dma_start3A_307 : memref<2x2560xi32, #tpu.memory_space<hbm>>) target(%arg7 : memref<2x2560xi32, #tpu.memory_space<vmem>>) target_semaphore(%arg13 : memref<!tpu.dma_semaphore, #tpu.memory_space<semaphore_mem>>)
    %dma_wait3A_308 = arith.constant 0 : i32
    %dma_wait3A_309 = tpu.memref_slice %arg2[%dma_wait3A_308, %multiple_of3A_279] : memref<2x1600000xi32, #tpu.memory_space<hbm>> -> memref<2x2560xi32, #tpu.memory_space<hbm>>
    %dma_wait3A_310 = arith.constant 0 : i32
    %dma_wait3A_311 = tpu.memref_slice %arg2[%dma_wait3A_310, %multiple_of3A_279] : memref<2x1600000xi32, #tpu.memory_space<hbm>> -> memref<2x2560xi32, #tpu.memory_space<hbm>>
    tpu.wait_dma2 semaphore(%arg12 : memref<!tpu.dma_semaphore, #tpu.memory_space<semaphore_mem>>) src(%dma_wait3A_311 : memref<2x2560xi32, #tpu.memory_space<hbm>>) dst(%arg6 : memref<2x2560xi32, #tpu.memory_space<vmem>>)
    %add3A_312 = arith.constant 384 : i32
    %add3A_313 = arith.addi %add3A_312, %add3A : i32
    %broadcast_in_dim3A_314 = vector.broadcast %add3A_313 : i32 to vector<16xi32>
    %lt3A_315 = arith.constant 625 : i32
    %lt3A_316 = vector.broadcast %lt3A_315 : i32 to vector<16xi32>
    %lt3A_317 = arith.cmpi slt, %broadcast_in_dim3A_314, %lt3A_316 : vector<16xi32>
    %parallel_loop3A_318 = arith.constant 0 : i32
    %parallel_loop3A_319 = arith.constant 160 : i32
    %parallel_loop3A_320 = arith.constant 1 : i32
    scf.for %parallel_loop3A_749 = %parallel_loop3A_318 to %parallel_loop3A_319 step %parallel_loop3A_320  : i32 {
      %parallel_loop3A_750 = arith.constant 16 : i32
      %parallel_loop3A_751 = arith.muli %parallel_loop3A_749, %parallel_loop3A_750 : i32
      %parallel_loop3A_752 = arith.constant 1 : i32
      %parallel_loop3A_753 = arith.index_cast %parallel_loop3A_752 : i32 to index
      %parallel_loop3A_754 = arith.index_cast %parallel_loop3A_751 : i32 to index
      %parallel_loop3A_755 = tpu.vector_load %arg6[%parallel_loop3A_753, %parallel_loop3A_754] {strides = array<i32>} : memref<2x2560xi32, #tpu.memory_space<vmem>>, vector<16xi32>,
      %parallel_loop3A_756 = arith.addi %parallel_loop3A_755, %get3A_1 : vector<16xi32>
      %parallel_loop3A_757 = arith.constant true
      %parallel_loop3A_758 = vector.broadcast %parallel_loop3A_757 : i1 to vector<16xi1>
      %parallel_loop3A_759, %parallel_loop3A_760 = tpu.scan_count mask(%parallel_loop3A_758 : vector<16xi1>) value(%parallel_loop3A_756 : vector<16xi32>) : vector<16xi1>, vector<16xi32>
      %parallel_loop3A_761 = arith.sitofp %parallel_loop3A_760 : vector<16xi32> to vector<16xf32>
      %parallel_loop3A_762 = arith.andi %parallel_loop3A_759, %lt3A_317 : vector<16xi1>
      tpu.vector_store_idx %arg5[%parallel_loop3A_756], %parallel_loop3A_761 masked %parallel_loop3A_762 {add = true} : memref<100352xf32, #tpu.memory_space<vmem>>[vector<16xi32>], vector<16xf32>, vector<16xi1>
    } {sc.loop_unroll_factor = 8 : i64, sc.parallel_access}
    %add3A_321 = arith.constant 448 : i32
    %add3A_322 = arith.addi %add3A_321, %add3A : i32
    %min3A_323 = arith.constant 624 : i32
    %min3A_324 = arith.minsi %add3A_322, %min3A_323 : i32
    %mul3A_325 = arith.constant 2560 : i32
    %mul3A_326 = arith.muli %min3A_324, %mul3A_325 : i32
    %multiple_of3A_327 = tpu.assume_multiple %mul3A_326, 128 : i32
    %dma_start3A_328 = arith.constant 0 : i32
    %dma_start3A_329 = tpu.memref_slice %arg2[%dma_start3A_328, %multiple_of3A_327] : memref<2x1600000xi32, #tpu.memory_space<hbm>> -> memref<2x2560xi32, #tpu.memory_space<hbm>>
    %dma_start3A_330 = arith.constant 0 : i32
    %dma_start3A_331 = tpu.memref_slice %arg2[%dma_start3A_330, %multiple_of3A_327] : memref<2x1600000xi32, #tpu.memory_space<hbm>> -> memref<2x2560xi32, #tpu.memory_space<hbm>>
    tpu.enqueue_dma source(%dma_start3A_331 : memref<2x2560xi32, #tpu.memory_space<hbm>>) target(%arg6 : memref<2x2560xi32, #tpu.memory_space<vmem>>) target_semaphore(%arg12 : memref<!tpu.dma_semaphore, #tpu.memory_space<semaphore_mem>>)
    %dma_wait3A_332 = arith.constant 0 : i32
    %dma_wait3A_333 = tpu.memref_slice %arg2[%dma_wait3A_332, %multiple_of3A_303] : memref<2x1600000xi32, #tpu.memory_space<hbm>> -> memref<2x2560xi32, #tpu.memory_space<hbm>>
    %dma_wait3A_334 = arith.constant 0 : i32
    %dma_wait3A_335 = tpu.memref_slice %arg2[%dma_wait3A_334, %multiple_of3A_303] : memref<2x1600000xi32, #tpu.memory_space<hbm>> -> memref<2x2560xi32, #tpu.memory_space<hbm>>
    tpu.wait_dma2 semaphore(%arg13 : memref<!tpu.dma_semaphore, #tpu.memory_space<semaphore_mem>>) src(%dma_wait3A_335 : memref<2x2560xi32, #tpu.memory_space<hbm>>) dst(%arg7 : memref<2x2560xi32, #tpu.memory_space<vmem>>)
    %add3A_336 = arith.constant 416 : i32
    %add3A_337 = arith.addi %add3A_336, %add3A : i32
    %broadcast_in_dim3A_338 = vector.broadcast %add3A_337 : i32 to vector<16xi32>
    %lt3A_339 = arith.constant 625 : i32
    %lt3A_340 = vector.broadcast %lt3A_339 : i32 to vector<16xi32>
    %lt3A_341 = arith.cmpi slt, %broadcast_in_dim3A_338, %lt3A_340 : vector<16xi32>
    %parallel_loop3A_342 = arith.constant 0 : i32
    %parallel_loop3A_343 = arith.constant 160 : i32
    %parallel_loop3A_344 = arith.constant 1 : i32
    scf.for %parallel_loop3A_749 = %parallel_loop3A_342 to %parallel_loop3A_343 step %parallel_loop3A_344  : i32 {
      %parallel_loop3A_750 = arith.constant 16 : i32
      %parallel_loop3A_751 = arith.muli %parallel_loop3A_749, %parallel_loop3A_750 : i32
      %parallel_loop3A_752 = arith.constant 1 : i32
      %parallel_loop3A_753 = arith.index_cast %parallel_loop3A_752 : i32 to index
      %parallel_loop3A_754 = arith.index_cast %parallel_loop3A_751 : i32 to index
      %parallel_loop3A_755 = tpu.vector_load %arg7[%parallel_loop3A_753, %parallel_loop3A_754] {strides = array<i32>} : memref<2x2560xi32, #tpu.memory_space<vmem>>, vector<16xi32>,
      %parallel_loop3A_756 = arith.addi %parallel_loop3A_755, %get3A_1 : vector<16xi32>
      %parallel_loop3A_757 = arith.constant true
      %parallel_loop3A_758 = vector.broadcast %parallel_loop3A_757 : i1 to vector<16xi1>
      %parallel_loop3A_759, %parallel_loop3A_760 = tpu.scan_count mask(%parallel_loop3A_758 : vector<16xi1>) value(%parallel_loop3A_756 : vector<16xi32>) : vector<16xi1>, vector<16xi32>
      %parallel_loop3A_761 = arith.sitofp %parallel_loop3A_760 : vector<16xi32> to vector<16xf32>
      %parallel_loop3A_762 = arith.andi %parallel_loop3A_759, %lt3A_341 : vector<16xi1>
      tpu.vector_store_idx %arg5[%parallel_loop3A_756], %parallel_loop3A_761 masked %parallel_loop3A_762 {add = true} : memref<100352xf32, #tpu.memory_space<vmem>>[vector<16xi32>], vector<16xf32>, vector<16xi1>
    } {sc.loop_unroll_factor = 8 : i64, sc.parallel_access}
    %add3A_345 = arith.constant 480 : i32
    %add3A_346 = arith.addi %add3A_345, %add3A : i32
    %min3A_347 = arith.constant 624 : i32
    %min3A_348 = arith.minsi %add3A_346, %min3A_347 : i32
    %mul3A_349 = arith.constant 2560 : i32
    %mul3A_350 = arith.muli %min3A_348, %mul3A_349 : i32
    %multiple_of3A_351 = tpu.assume_multiple %mul3A_350, 128 : i32
    %dma_start3A_352 = arith.constant 0 : i32
    %dma_start3A_353 = tpu.memref_slice %arg2[%dma_start3A_352, %multiple_of3A_351] : memref<2x1600000xi32, #tpu.memory_space<hbm>> -> memref<2x2560xi32, #tpu.memory_space<hbm>>
    %dma_start3A_354 = arith.constant 0 : i32
    %dma_start3A_355 = tpu.memref_slice %arg2[%dma_start3A_354, %multiple_of3A_351] : memref<2x1600000xi32, #tpu.memory_space<hbm>> -> memref<2x2560xi32, #tpu.memory_space<hbm>>
    tpu.enqueue_dma source(%dma_start3A_355 : memref<2x2560xi32, #tpu.memory_space<hbm>>) target(%arg7 : memref<2x2560xi32, #tpu.memory_space<vmem>>) target_semaphore(%arg13 : memref<!tpu.dma_semaphore, #tpu.memory_space<semaphore_mem>>)
    %dma_wait3A_356 = arith.constant 0 : i32
    %dma_wait3A_357 = tpu.memref_slice %arg2[%dma_wait3A_356, %multiple_of3A_327] : memref<2x1600000xi32, #tpu.memory_space<hbm>> -> memref<2x2560xi32, #tpu.memory_space<hbm>>
    %dma_wait3A_358 = arith.constant 0 : i32
    %dma_wait3A_359 = tpu.memref_slice %arg2[%dma_wait3A_358, %multiple_of3A_327] : memref<2x1600000xi32, #tpu.memory_space<hbm>> -> memref<2x2560xi32, #tpu.memory_space<hbm>>
    tpu.wait_dma2 semaphore(%arg12 : memref<!tpu.dma_semaphore, #tpu.memory_space<semaphore_mem>>) src(%dma_wait3A_359 : memref<2x2560xi32, #tpu.memory_space<hbm>>) dst(%arg6 : memref<2x2560xi32, #tpu.memory_space<vmem>>)
    %add3A_360 = arith.constant 448 : i32
    %add3A_361 = arith.addi %add3A_360, %add3A : i32
    %broadcast_in_dim3A_362 = vector.broadcast %add3A_361 : i32 to vector<16xi32>
    %lt3A_363 = arith.constant 625 : i32
    %lt3A_364 = vector.broadcast %lt3A_363 : i32 to vector<16xi32>
    %lt3A_365 = arith.cmpi slt, %broadcast_in_dim3A_362, %lt3A_364 : vector<16xi32>
    %parallel_loop3A_366 = arith.constant 0 : i32
    %parallel_loop3A_367 = arith.constant 160 : i32
    %parallel_loop3A_368 = arith.constant 1 : i32
    scf.for %parallel_loop3A_749 = %parallel_loop3A_366 to %parallel_loop3A_367 step %parallel_loop3A_368  : i32 {
      %parallel_loop3A_750 = arith.constant 16 : i32
      %parallel_loop3A_751 = arith.muli %parallel_loop3A_749, %parallel_loop3A_750 : i32
      %parallel_loop3A_752 = arith.constant 1 : i32
      %parallel_loop3A_753 = arith.index_cast %parallel_loop3A_752 : i32 to index
      %parallel_loop3A_754 = arith.index_cast %parallel_loop3A_751 : i32 to index
      %parallel_loop3A_755 = tpu.vector_load %arg6[%parallel_loop3A_753, %parallel_loop3A_754] {strides = array<i32>} : memref<2x2560xi32, #tpu.memory_space<vmem>>, vector<16xi32>,
      %parallel_loop3A_756 = arith.addi %parallel_loop3A_755, %get3A_1 : vector<16xi32>
      %parallel_loop3A_757 = arith.constant true
      %parallel_loop3A_758 = vector.broadcast %parallel_loop3A_757 : i1 to vector<16xi1>
      %parallel_loop3A_759, %parallel_loop3A_760 = tpu.scan_count mask(%parallel_loop3A_758 : vector<16xi1>) value(%parallel_loop3A_756 : vector<16xi32>) : vector<16xi1>, vector<16xi32>
      %parallel_loop3A_761 = arith.sitofp %parallel_loop3A_760 : vector<16xi32> to vector<16xf32>
      %parallel_loop3A_762 = arith.andi %parallel_loop3A_759, %lt3A_365 : vector<16xi1>
      tpu.vector_store_idx %arg5[%parallel_loop3A_756], %parallel_loop3A_761 masked %parallel_loop3A_762 {add = true} : memref<100352xf32, #tpu.memory_space<vmem>>[vector<16xi32>], vector<16xf32>, vector<16xi1>
    } {sc.loop_unroll_factor = 8 : i64, sc.parallel_access}
    %add3A_369 = arith.constant 512 : i32
    %add3A_370 = arith.addi %add3A_369, %add3A : i32
    %min3A_371 = arith.constant 624 : i32
    %min3A_372 = arith.minsi %add3A_370, %min3A_371 : i32
    %mul3A_373 = arith.constant 2560 : i32
    %mul3A_374 = arith.muli %min3A_372, %mul3A_373 : i32
    %multiple_of3A_375 = tpu.assume_multiple %mul3A_374, 128 : i32
    %dma_start3A_376 = arith.constant 0 : i32
    %dma_start3A_377 = tpu.memref_slice %arg2[%dma_start3A_376, %multiple_of3A_375] : memref<2x1600000xi32, #tpu.memory_space<hbm>> -> memref<2x2560xi32, #tpu.memory_space<hbm>>
    %dma_start3A_378 = arith.constant 0 : i32
    %dma_start3A_379 = tpu.memref_slice %arg2[%dma_start3A_378, %multiple_of3A_375] : memref<2x1600000xi32, #tpu.memory_space<hbm>> -> memref<2x2560xi32, #tpu.memory_space<hbm>>
    tpu.enqueue_dma source(%dma_start3A_379 : memref<2x2560xi32, #tpu.memory_space<hbm>>) target(%arg6 : memref<2x2560xi32, #tpu.memory_space<vmem>>) target_semaphore(%arg12 : memref<!tpu.dma_semaphore, #tpu.memory_space<semaphore_mem>>)
    %dma_wait3A_380 = arith.constant 0 : i32
    %dma_wait3A_381 = tpu.memref_slice %arg2[%dma_wait3A_380, %multiple_of3A_351] : memref<2x1600000xi32, #tpu.memory_space<hbm>> -> memref<2x2560xi32, #tpu.memory_space<hbm>>
    %dma_wait3A_382 = arith.constant 0 : i32
    %dma_wait3A_383 = tpu.memref_slice %arg2[%dma_wait3A_382, %multiple_of3A_351] : memref<2x1600000xi32, #tpu.memory_space<hbm>> -> memref<2x2560xi32, #tpu.memory_space<hbm>>
    tpu.wait_dma2 semaphore(%arg13 : memref<!tpu.dma_semaphore, #tpu.memory_space<semaphore_mem>>) src(%dma_wait3A_383 : memref<2x2560xi32, #tpu.memory_space<hbm>>) dst(%arg7 : memref<2x2560xi32, #tpu.memory_space<vmem>>)
    %add3A_384 = arith.constant 480 : i32
    %add3A_385 = arith.addi %add3A_384, %add3A : i32
    %broadcast_in_dim3A_386 = vector.broadcast %add3A_385 : i32 to vector<16xi32>
    %lt3A_387 = arith.constant 625 : i32
    %lt3A_388 = vector.broadcast %lt3A_387 : i32 to vector<16xi32>
    %lt3A_389 = arith.cmpi slt, %broadcast_in_dim3A_386, %lt3A_388 : vector<16xi32>
    %parallel_loop3A_390 = arith.constant 0 : i32
    %parallel_loop3A_391 = arith.constant 160 : i32
    %parallel_loop3A_392 = arith.constant 1 : i32
    scf.for %parallel_loop3A_749 = %parallel_loop3A_390 to %parallel_loop3A_391 step %parallel_loop3A_392  : i32 {
      %parallel_loop3A_750 = arith.constant 16 : i32
      %parallel_loop3A_751 = arith.muli %parallel_loop3A_749, %parallel_loop3A_750 : i32
      %parallel_loop3A_752 = arith.constant 1 : i32
      %parallel_loop3A_753 = arith.index_cast %parallel_loop3A_752 : i32 to index
      %parallel_loop3A_754 = arith.index_cast %parallel_loop3A_751 : i32 to index
      %parallel_loop3A_755 = tpu.vector_load %arg7[%parallel_loop3A_753, %parallel_loop3A_754] {strides = array<i32>} : memref<2x2560xi32, #tpu.memory_space<vmem>>, vector<16xi32>,
      %parallel_loop3A_756 = arith.addi %parallel_loop3A_755, %get3A_1 : vector<16xi32>
      %parallel_loop3A_757 = arith.constant true
      %parallel_loop3A_758 = vector.broadcast %parallel_loop3A_757 : i1 to vector<16xi1>
      %parallel_loop3A_759, %parallel_loop3A_760 = tpu.scan_count mask(%parallel_loop3A_758 : vector<16xi1>) value(%parallel_loop3A_756 : vector<16xi32>) : vector<16xi1>, vector<16xi32>
      %parallel_loop3A_761 = arith.sitofp %parallel_loop3A_760 : vector<16xi32> to vector<16xf32>
      %parallel_loop3A_762 = arith.andi %parallel_loop3A_759, %lt3A_389 : vector<16xi1>
      tpu.vector_store_idx %arg5[%parallel_loop3A_756], %parallel_loop3A_761 masked %parallel_loop3A_762 {add = true} : memref<100352xf32, #tpu.memory_space<vmem>>[vector<16xi32>], vector<16xf32>, vector<16xi1>
    } {sc.loop_unroll_factor = 8 : i64, sc.parallel_access}
    %add3A_393 = arith.constant 544 : i32
    %add3A_394 = arith.addi %add3A_393, %add3A : i32
    %min3A_395 = arith.constant 624 : i32
    %min3A_396 = arith.minsi %add3A_394, %min3A_395 : i32
    %mul3A_397 = arith.constant 2560 : i32
    %mul3A_398 = arith.muli %min3A_396, %mul3A_397 : i32
    %multiple_of3A_399 = tpu.assume_multiple %mul3A_398, 128 : i32
    %dma_start3A_400 = arith.constant 0 : i32
    %dma_start3A_401 = tpu.memref_slice %arg2[%dma_start3A_400, %multiple_of3A_399] : memref<2x1600000xi32, #tpu.memory_space<hbm>> -> memref<2x2560xi32, #tpu.memory_space<hbm>>
    %dma_start3A_402 = arith.constant 0 : i32
    %dma_start3A_403 = tpu.memref_slice %arg2[%dma_start3A_402, %multiple_of3A_399] : memref<2x1600000xi32, #tpu.memory_space<hbm>> -> memref<2x2560xi32, #tpu.memory_space<hbm>>
    tpu.enqueue_dma source(%dma_start3A_403 : memref<2x2560xi32, #tpu.memory_space<hbm>>) target(%arg7 : memref<2x2560xi32, #tpu.memory_space<vmem>>) target_semaphore(%arg13 : memref<!tpu.dma_semaphore, #tpu.memory_space<semaphore_mem>>)
    %dma_wait3A_404 = arith.constant 0 : i32
    %dma_wait3A_405 = tpu.memref_slice %arg2[%dma_wait3A_404, %multiple_of3A_375] : memref<2x1600000xi32, #tpu.memory_space<hbm>> -> memref<2x2560xi32, #tpu.memory_space<hbm>>
    %dma_wait3A_406 = arith.constant 0 : i32
    %dma_wait3A_407 = tpu.memref_slice %arg2[%dma_wait3A_406, %multiple_of3A_375] : memref<2x1600000xi32, #tpu.memory_space<hbm>> -> memref<2x2560xi32, #tpu.memory_space<hbm>>
    tpu.wait_dma2 semaphore(%arg12 : memref<!tpu.dma_semaphore, #tpu.memory_space<semaphore_mem>>) src(%dma_wait3A_407 : memref<2x2560xi32, #tpu.memory_space<hbm>>) dst(%arg6 : memref<2x2560xi32, #tpu.memory_space<vmem>>)
    %add3A_408 = arith.constant 512 : i32
    %add3A_409 = arith.addi %add3A_408, %add3A : i32
    %broadcast_in_dim3A_410 = vector.broadcast %add3A_409 : i32 to vector<16xi32>
    %lt3A_411 = arith.constant 625 : i32
    %lt3A_412 = vector.broadcast %lt3A_411 : i32 to vector<16xi32>
    %lt3A_413 = arith.cmpi slt, %broadcast_in_dim3A_410, %lt3A_412 : vector<16xi32>
    %parallel_loop3A_414 = arith.constant 0 : i32
    %parallel_loop3A_415 = arith.constant 160 : i32
    %parallel_loop3A_416 = arith.constant 1 : i32
    scf.for %parallel_loop3A_749 = %parallel_loop3A_414 to %parallel_loop3A_415 step %parallel_loop3A_416  : i32 {
      %parallel_loop3A_750 = arith.constant 16 : i32
      %parallel_loop3A_751 = arith.muli %parallel_loop3A_749, %parallel_loop3A_750 : i32
      %parallel_loop3A_752 = arith.constant 1 : i32
      %parallel_loop3A_753 = arith.index_cast %parallel_loop3A_752 : i32 to index
      %parallel_loop3A_754 = arith.index_cast %parallel_loop3A_751 : i32 to index
      %parallel_loop3A_755 = tpu.vector_load %arg6[%parallel_loop3A_753, %parallel_loop3A_754] {strides = array<i32>} : memref<2x2560xi32, #tpu.memory_space<vmem>>, vector<16xi32>,
      %parallel_loop3A_756 = arith.addi %parallel_loop3A_755, %get3A_1 : vector<16xi32>
      %parallel_loop3A_757 = arith.constant true
      %parallel_loop3A_758 = vector.broadcast %parallel_loop3A_757 : i1 to vector<16xi1>
      %parallel_loop3A_759, %parallel_loop3A_760 = tpu.scan_count mask(%parallel_loop3A_758 : vector<16xi1>) value(%parallel_loop3A_756 : vector<16xi32>) : vector<16xi1>, vector<16xi32>
      %parallel_loop3A_761 = arith.sitofp %parallel_loop3A_760 : vector<16xi32> to vector<16xf32>
      %parallel_loop3A_762 = arith.andi %parallel_loop3A_759, %lt3A_413 : vector<16xi1>
      tpu.vector_store_idx %arg5[%parallel_loop3A_756], %parallel_loop3A_761 masked %parallel_loop3A_762 {add = true} : memref<100352xf32, #tpu.memory_space<vmem>>[vector<16xi32>], vector<16xf32>, vector<16xi1>
    } {sc.loop_unroll_factor = 8 : i64, sc.parallel_access}
    %add3A_417 = arith.constant 576 : i32
    %add3A_418 = arith.addi %add3A_417, %add3A : i32
    %min3A_419 = arith.constant 624 : i32
    %min3A_420 = arith.minsi %add3A_418, %min3A_419 : i32
    %mul3A_421 = arith.constant 2560 : i32
    %mul3A_422 = arith.muli %min3A_420, %mul3A_421 : i32
    %multiple_of3A_423 = tpu.assume_multiple %mul3A_422, 128 : i32
    %dma_start3A_424 = arith.constant 0 : i32
    %dma_start3A_425 = tpu.memref_slice %arg2[%dma_start3A_424, %multiple_of3A_423] : memref<2x1600000xi32, #tpu.memory_space<hbm>> -> memref<2x2560xi32, #tpu.memory_space<hbm>>
    %dma_start3A_426 = arith.constant 0 : i32
    %dma_start3A_427 = tpu.memref_slice %arg2[%dma_start3A_426, %multiple_of3A_423] : memref<2x1600000xi32, #tpu.memory_space<hbm>> -> memref<2x2560xi32, #tpu.memory_space<hbm>>
    tpu.enqueue_dma source(%dma_start3A_427 : memref<2x2560xi32, #tpu.memory_space<hbm>>) target(%arg6 : memref<2x2560xi32, #tpu.memory_space<vmem>>) target_semaphore(%arg12 : memref<!tpu.dma_semaphore, #tpu.memory_space<semaphore_mem>>)
    %dma_wait3A_428 = arith.constant 0 : i32
    %dma_wait3A_429 = tpu.memref_slice %arg2[%dma_wait3A_428, %multiple_of3A_399] : memref<2x1600000xi32, #tpu.memory_space<hbm>> -> memref<2x2560xi32, #tpu.memory_space<hbm>>
    %dma_wait3A_430 = arith.constant 0 : i32
    %dma_wait3A_431 = tpu.memref_slice %arg2[%dma_wait3A_430, %multiple_of3A_399] : memref<2x1600000xi32, #tpu.memory_space<hbm>> -> memref<2x2560xi32, #tpu.memory_space<hbm>>
    tpu.wait_dma2 semaphore(%arg13 : memref<!tpu.dma_semaphore, #tpu.memory_space<semaphore_mem>>) src(%dma_wait3A_431 : memref<2x2560xi32, #tpu.memory_space<hbm>>) dst(%arg7 : memref<2x2560xi32, #tpu.memory_space<vmem>>)
    %add3A_432 = arith.constant 544 : i32
    %add3A_433 = arith.addi %add3A_432, %add3A : i32
    %broadcast_in_dim3A_434 = vector.broadcast %add3A_433 : i32 to vector<16xi32>
    %lt3A_435 = arith.constant 625 : i32
    %lt3A_436 = vector.broadcast %lt3A_435 : i32 to vector<16xi32>
    %lt3A_437 = arith.cmpi slt, %broadcast_in_dim3A_434, %lt3A_436 : vector<16xi32>
    %parallel_loop3A_438 = arith.constant 0 : i32
    %parallel_loop3A_439 = arith.constant 160 : i32
    %parallel_loop3A_440 = arith.constant 1 : i32
    scf.for %parallel_loop3A_749 = %parallel_loop3A_438 to %parallel_loop3A_439 step %parallel_loop3A_440  : i32 {
      %parallel_loop3A_750 = arith.constant 16 : i32
      %parallel_loop3A_751 = arith.muli %parallel_loop3A_749, %parallel_loop3A_750 : i32
      %parallel_loop3A_752 = arith.constant 1 : i32
      %parallel_loop3A_753 = arith.index_cast %parallel_loop3A_752 : i32 to index
      %parallel_loop3A_754 = arith.index_cast %parallel_loop3A_751 : i32 to index
      %parallel_loop3A_755 = tpu.vector_load %arg7[%parallel_loop3A_753, %parallel_loop3A_754] {strides = array<i32>} : memref<2x2560xi32, #tpu.memory_space<vmem>>, vector<16xi32>,
      %parallel_loop3A_756 = arith.addi %parallel_loop3A_755, %get3A_1 : vector<16xi32>
      %parallel_loop3A_757 = arith.constant true
      %parallel_loop3A_758 = vector.broadcast %parallel_loop3A_757 : i1 to vector<16xi1>
      %parallel_loop3A_759, %parallel_loop3A_760 = tpu.scan_count mask(%parallel_loop3A_758 : vector<16xi1>) value(%parallel_loop3A_756 : vector<16xi32>) : vector<16xi1>, vector<16xi32>
      %parallel_loop3A_761 = arith.sitofp %parallel_loop3A_760 : vector<16xi32> to vector<16xf32>
      %parallel_loop3A_762 = arith.andi %parallel_loop3A_759, %lt3A_437 : vector<16xi1>
      tpu.vector_store_idx %arg5[%parallel_loop3A_756], %parallel_loop3A_761 masked %parallel_loop3A_762 {add = true} : memref<100352xf32, #tpu.memory_space<vmem>>[vector<16xi32>], vector<16xf32>, vector<16xi1>
    } {sc.loop_unroll_factor = 8 : i64, sc.parallel_access}
    %add3A_441 = arith.constant 608 : i32
    %add3A_442 = arith.addi %add3A_441, %add3A : i32
    %min3A_443 = arith.constant 624 : i32
    %min3A_444 = arith.minsi %add3A_442, %min3A_443 : i32
    %mul3A_445 = arith.constant 2560 : i32
    %mul3A_446 = arith.muli %min3A_444, %mul3A_445 : i32
    %multiple_of3A_447 = tpu.assume_multiple %mul3A_446, 128 : i32
    %dma_start3A_448 = arith.constant 0 : i32
    %dma_start3A_449 = tpu.memref_slice %arg2[%dma_start3A_448, %multiple_of3A_447] : memref<2x1600000xi32, #tpu.memory_space<hbm>> -> memref<2x2560xi32, #tpu.memory_space<hbm>>
    %dma_start3A_450 = arith.constant 0 : i32
    %dma_start3A_451 = tpu.memref_slice %arg2[%dma_start3A_450, %multiple_of3A_447] : memref<2x1600000xi32, #tpu.memory_space<hbm>> -> memref<2x2560xi32, #tpu.memory_space<hbm>>
    tpu.enqueue_dma source(%dma_start3A_451 : memref<2x2560xi32, #tpu.memory_space<hbm>>) target(%arg7 : memref<2x2560xi32, #tpu.memory_space<vmem>>) target_semaphore(%arg13 : memref<!tpu.dma_semaphore, #tpu.memory_space<semaphore_mem>>)
    %dma_wait3A_452 = arith.constant 0 : i32
    %dma_wait3A_453 = tpu.memref_slice %arg2[%dma_wait3A_452, %multiple_of3A_423] : memref<2x1600000xi32, #tpu.memory_space<hbm>> -> memref<2x2560xi32, #tpu.memory_space<hbm>>
    %dma_wait3A_454 = arith.constant 0 : i32
    %dma_wait3A_455 = tpu.memref_slice %arg2[%dma_wait3A_454, %multiple_of3A_423] : memref<2x1600000xi32, #tpu.memory_space<hbm>> -> memref<2x2560xi32, #tpu.memory_space<hbm>>
    tpu.wait_dma2 semaphore(%arg12 : memref<!tpu.dma_semaphore, #tpu.memory_space<semaphore_mem>>) src(%dma_wait3A_455 : memref<2x2560xi32, #tpu.memory_space<hbm>>) dst(%arg6 : memref<2x2560xi32, #tpu.memory_space<vmem>>)
    %add3A_456 = arith.constant 576 : i32
    %add3A_457 = arith.addi %add3A_456, %add3A : i32
    %broadcast_in_dim3A_458 = vector.broadcast %add3A_457 : i32 to vector<16xi32>
    %lt3A_459 = arith.constant 625 : i32
    %lt3A_460 = vector.broadcast %lt3A_459 : i32 to vector<16xi32>
    %lt3A_461 = arith.cmpi slt, %broadcast_in_dim3A_458, %lt3A_460 : vector<16xi32>
    %parallel_loop3A_462 = arith.constant 0 : i32
    %parallel_loop3A_463 = arith.constant 160 : i32
    %parallel_loop3A_464 = arith.constant 1 : i32
    scf.for %parallel_loop3A_749 = %parallel_loop3A_462 to %parallel_loop3A_463 step %parallel_loop3A_464  : i32 {
      %parallel_loop3A_750 = arith.constant 16 : i32
      %parallel_loop3A_751 = arith.muli %parallel_loop3A_749, %parallel_loop3A_750 : i32
      %parallel_loop3A_752 = arith.constant 1 : i32
      %parallel_loop3A_753 = arith.index_cast %parallel_loop3A_752 : i32 to index
      %parallel_loop3A_754 = arith.index_cast %parallel_loop3A_751 : i32 to index
      %parallel_loop3A_755 = tpu.vector_load %arg6[%parallel_loop3A_753, %parallel_loop3A_754] {strides = array<i32>} : memref<2x2560xi32, #tpu.memory_space<vmem>>, vector<16xi32>,
      %parallel_loop3A_756 = arith.addi %parallel_loop3A_755, %get3A_1 : vector<16xi32>
      %parallel_loop3A_757 = arith.constant true
      %parallel_loop3A_758 = vector.broadcast %parallel_loop3A_757 : i1 to vector<16xi1>
      %parallel_loop3A_759, %parallel_loop3A_760 = tpu.scan_count mask(%parallel_loop3A_758 : vector<16xi1>) value(%parallel_loop3A_756 : vector<16xi32>) : vector<16xi1>, vector<16xi32>
      %parallel_loop3A_761 = arith.sitofp %parallel_loop3A_760 : vector<16xi32> to vector<16xf32>
      %parallel_loop3A_762 = arith.andi %parallel_loop3A_759, %lt3A_461 : vector<16xi1>
      tpu.vector_store_idx %arg5[%parallel_loop3A_756], %parallel_loop3A_761 masked %parallel_loop3A_762 {add = true} : memref<100352xf32, #tpu.memory_space<vmem>>[vector<16xi32>], vector<16xf32>, vector<16xi1>
    } {sc.loop_unroll_factor = 8 : i64, sc.parallel_access}
    %dma_wait3A_465 = arith.constant 0 : i32
    %dma_wait3A_466 = tpu.memref_slice %arg2[%dma_wait3A_465, %multiple_of3A_447] : memref<2x1600000xi32, #tpu.memory_space<hbm>> -> memref<2x2560xi32, #tpu.memory_space<hbm>>
    %dma_wait3A_467 = arith.constant 0 : i32
    %dma_wait3A_468 = tpu.memref_slice %arg2[%dma_wait3A_467, %multiple_of3A_447] : memref<2x1600000xi32, #tpu.memory_space<hbm>> -> memref<2x2560xi32, #tpu.memory_space<hbm>>
    tpu.wait_dma2 semaphore(%arg13 : memref<!tpu.dma_semaphore, #tpu.memory_space<semaphore_mem>>) src(%dma_wait3A_468 : memref<2x2560xi32, #tpu.memory_space<hbm>>) dst(%arg7 : memref<2x2560xi32, #tpu.memory_space<vmem>>)
    %add3A_469 = arith.constant 608 : i32
    %add3A_470 = arith.addi %add3A_469, %add3A : i32
    %broadcast_in_dim3A_471 = vector.broadcast %add3A_470 : i32 to vector<16xi32>
    %lt3A_472 = arith.constant 625 : i32
    %lt3A_473 = vector.broadcast %lt3A_472 : i32 to vector<16xi32>
    %lt3A_474 = arith.cmpi slt, %broadcast_in_dim3A_471, %lt3A_473 : vector<16xi32>
    %parallel_loop3A_475 = arith.constant 0 : i32
    %parallel_loop3A_476 = arith.constant 160 : i32
    %parallel_loop3A_477 = arith.constant 1 : i32
    scf.for %parallel_loop3A_749 = %parallel_loop3A_475 to %parallel_loop3A_476 step %parallel_loop3A_477  : i32 {
      %parallel_loop3A_750 = arith.constant 16 : i32
      %parallel_loop3A_751 = arith.muli %parallel_loop3A_749, %parallel_loop3A_750 : i32
      %parallel_loop3A_752 = arith.constant 1 : i32
      %parallel_loop3A_753 = arith.index_cast %parallel_loop3A_752 : i32 to index
      %parallel_loop3A_754 = arith.index_cast %parallel_loop3A_751 : i32 to index
      %parallel_loop3A_755 = tpu.vector_load %arg7[%parallel_loop3A_753, %parallel_loop3A_754] {strides = array<i32>} : memref<2x2560xi32, #tpu.memory_space<vmem>>, vector<16xi32>,
      %parallel_loop3A_756 = arith.addi %parallel_loop3A_755, %get3A_1 : vector<16xi32>
      %parallel_loop3A_757 = arith.constant true
      %parallel_loop3A_758 = vector.broadcast %parallel_loop3A_757 : i1 to vector<16xi1>
      %parallel_loop3A_759, %parallel_loop3A_760 = tpu.scan_count mask(%parallel_loop3A_758 : vector<16xi1>) value(%parallel_loop3A_756 : vector<16xi32>) : vector<16xi1>, vector<16xi32>
      %parallel_loop3A_761 = arith.sitofp %parallel_loop3A_760 : vector<16xi32> to vector<16xf32>
      %parallel_loop3A_762 = arith.andi %parallel_loop3A_759, %lt3A_474 : vector<16xi1>
      tpu.vector_store_idx %arg5[%parallel_loop3A_756], %parallel_loop3A_761 masked %parallel_loop3A_762 {add = true} : memref<100352xf32, #tpu.memory_space<vmem>>[vector<16xi32>], vector<16xf32>, vector<16xi1>
    } {sc.loop_unroll_factor = 8 : i64, sc.parallel_access}
    %add3A_478 = arith.constant 0 : i32
    %add3A_479 = arith.addi %arg1, %add3A_478 : i32
    %rem3A = arith.constant 16 : i32
    %rem3A_480 = arith.remsi %add3A_479, %rem3A : i32
    %mul3A_481 = arith.constant 6272 : i32
    %mul3A_482 = arith.muli %rem3A_480, %mul3A_481 : i32
    "tpu.region"() ({
      %run_scoped3A = tpu.sem_alloc : memref<!tpu.dma_semaphore, #tpu.memory_space<semaphore_mem>>
      %dma_start3A_749 = tpu.memref_slice %arg5[%mul3A_482] : memref<100352xf32, #tpu.memory_space<vmem>> -> memref<6272xf32, #tpu.memory_space<vmem>>
      %dma_start3A_750 = arith.constant 0 : i32
      %dma_start3A_751 = tpu.memref_slice %arg11[%arg1, %dma_start3A_750] : memref<16x6272xf32, #tpu.memory_space<vmem_shared>> -> memref<1x6272xf32, #tpu.memory_space<vmem_shared>>
      %dma_start3A_752 = tpu.memref_squeeze %dma_start3A_751 : memref<1x6272xf32, #tpu.memory_space<vmem_shared>> -> memref<6272xf32, #tpu.memory_space<vmem_shared>>
      %dma_start3A_753 = arith.constant 0 : i32
      %dma_start3A_754 = tpu.memref_slice %arg11[%arg1, %dma_start3A_753] : memref<16x6272xf32, #tpu.memory_space<vmem_shared>> -> memref<1x6272xf32, #tpu.memory_space<vmem_shared>>
      %dma_start3A_755 = tpu.memref_squeeze %dma_start3A_754 : memref<1x6272xf32, #tpu.memory_space<vmem_shared>> -> memref<6272xf32, #tpu.memory_space<vmem_shared>>
      %dma_start3A_756 = tpu.memref_slice %arg5[%mul3A_482] : memref<100352xf32, #tpu.memory_space<vmem>> -> memref<6272xf32, #tpu.memory_space<vmem>>
      tpu.enqueue_dma source(%dma_start3A_756 : memref<6272xf32, #tpu.memory_space<vmem>>) target(%dma_start3A_755 : memref<6272xf32, #tpu.memory_space<vmem_shared>>) target_semaphore(%run_scoped3A : memref<!tpu.dma_semaphore, #tpu.memory_space<semaphore_mem>>)
      %dma_wait3A_757 = tpu.memref_slice %arg5[%mul3A_482] : memref<100352xf32, #tpu.memory_space<vmem>> -> memref<6272xf32, #tpu.memory_space<vmem>>
      %dma_wait3A_758 = arith.constant 0 : i32
      %dma_wait3A_759 = tpu.memref_slice %arg11[%arg1, %dma_wait3A_758] : memref<16x6272xf32, #tpu.memory_space<vmem_shared>> -> memref<1x6272xf32, #tpu.memory_space<vmem_shared>>
      %dma_wait3A_760 = tpu.memref_squeeze %dma_wait3A_759 : memref<1x6272xf32, #tpu.memory_space<vmem_shared>> -> memref<6272xf32, #tpu.memory_space<vmem_shared>>
      %dma_wait3A_761 = arith.constant 0 : i32
      %dma_wait3A_762 = tpu.memref_slice %arg11[%arg1, %dma_wait3A_761] : memref<16x6272xf32, #tpu.memory_space<vmem_shared>> -> memref<1x6272xf32, #tpu.memory_space<vmem_shared>>
      %dma_wait3A_763 = tpu.memref_squeeze %dma_wait3A_762 : memref<1x6272xf32, #tpu.memory_space<vmem_shared>> -> memref<6272xf32, #tpu.memory_space<vmem_shared>>
      %dma_wait3A_764 = tpu.memref_slice %arg5[%mul3A_482] : memref<100352xf32, #tpu.memory_space<vmem>> -> memref<6272xf32, #tpu.memory_space<vmem>>
      tpu.wait_dma2 semaphore(%run_scoped3A : memref<!tpu.dma_semaphore, #tpu.memory_space<semaphore_mem>>) src(%dma_wait3A_764 : memref<6272xf32, #tpu.memory_space<vmem>>) dst(%dma_wait3A_763 : memref<6272xf32, #tpu.memory_space<vmem_shared>>)
      tpu.yield
    }) : () -> ()
    %barrier3A = arith.constant 0 : index
    tpu.barrier barrier_id(%barrier3A)
    %sub3A = arith.constant 0 : i32
    %sub3A_483 = arith.subi %arg1, %sub3A : i32
    %add3A_484 = arith.constant 16 : i32
    %add3A_485 = arith.addi %sub3A_483, %add3A_484 : i32
    %rem3A_486 = arith.constant 16 : i32
    %rem3A_487 = arith.remsi %add3A_485, %rem3A_486 : i32
    "tpu.region"() ({
      %run_scoped3A = tpu.sem_alloc : memref<!tpu.dma_semaphore, #tpu.memory_space<semaphore_mem>>
      %dma_start3A_749 = arith.constant 0 : i32
      %dma_start3A_750 = tpu.memref_slice %arg11[%rem3A_487, %dma_start3A_749] : memref<16x6272xf32, #tpu.memory_space<vmem_shared>> -> memref<1x6272xf32, #tpu.memory_space<vmem_shared>>
      %dma_start3A_751 = tpu.memref_squeeze %dma_start3A_750 : memref<1x6272xf32, #tpu.memory_space<vmem_shared>> -> memref<6272xf32, #tpu.memory_space<vmem_shared>>
      %dma_start3A_752 = arith.constant 0 : i32
      %dma_start3A_753 = tpu.memref_slice %arg11[%rem3A_487, %dma_start3A_752] : memref<16x6272xf32, #tpu.memory_space<vmem_shared>> -> memref<1x6272xf32, #tpu.memory_space<vmem_shared>>
      %dma_start3A_754 = tpu.memref_squeeze %dma_start3A_753 : memref<1x6272xf32, #tpu.memory_space<vmem_shared>> -> memref<6272xf32, #tpu.memory_space<vmem_shared>>
      tpu.enqueue_dma source(%dma_start3A_754 : memref<6272xf32, #tpu.memory_space<vmem_shared>>) target(%arg8 : memref<6272xf32, #tpu.memory_space<vmem>>) target_semaphore(%run_scoped3A : memref<!tpu.dma_semaphore, #tpu.memory_space<semaphore_mem>>)
      %dma_wait3A_755 = arith.constant 0 : i32
      %dma_wait3A_756 = tpu.memref_slice %arg11[%rem3A_487, %dma_wait3A_755] : memref<16x6272xf32, #tpu.memory_space<vmem_shared>> -> memref<1x6272xf32, #tpu.memory_space<vmem_shared>>
      %dma_wait3A_757 = tpu.memref_squeeze %dma_wait3A_756 : memref<1x6272xf32, #tpu.memory_space<vmem_shared>> -> memref<6272xf32, #tpu.memory_space<vmem_shared>>
      %dma_wait3A_758 = arith.constant 0 : i32
      %dma_wait3A_759 = tpu.memref_slice %arg11[%rem3A_487, %dma_wait3A_758] : memref<16x6272xf32, #tpu.memory_space<vmem_shared>> -> memref<1x6272xf32, #tpu.memory_space<vmem_shared>>
      %dma_wait3A_760 = tpu.memref_squeeze %dma_wait3A_759 : memref<1x6272xf32, #tpu.memory_space<vmem_shared>> -> memref<6272xf32, #tpu.memory_space<vmem_shared>>
      tpu.wait_dma2 semaphore(%run_scoped3A : memref<!tpu.dma_semaphore, #tpu.memory_space<semaphore_mem>>) src(%dma_wait3A_760 : memref<6272xf32, #tpu.memory_space<vmem_shared>>) dst(%arg8 : memref<6272xf32, #tpu.memory_space<vmem>>)
      tpu.yield
    }) : () -> ()
    %parallel_loop3A_488 = arith.constant 0 : i32
    %parallel_loop3A_489 = arith.constant 392 : i32
    %parallel_loop3A_490 = arith.constant 1 : i32
    scf.for %parallel_loop3A_749 = %parallel_loop3A_488 to %parallel_loop3A_489 step %parallel_loop3A_490  : i32 {
      %parallel_loop3A_750 = arith.constant 16 : i32
      %parallel_loop3A_751 = arith.muli %parallel_loop3A_749, %parallel_loop3A_750 : i32
      %parallel_loop3A_752 = arith.index_cast %parallel_loop3A_751 : i32 to index
      %parallel_loop3A_753 = tpu.vector_load %arg8[%parallel_loop3A_752] {strides = array<i32>} : memref<6272xf32, #tpu.memory_space<vmem>>, vector<16xf32>,
      %parallel_loop3A_754 = arith.index_cast %parallel_loop3A_751 : i32 to index
      %parallel_loop3A_755 = tpu.vector_load %arg9[%parallel_loop3A_754] {strides = array<i32>} : memref<6272xf32, #tpu.memory_space<vmem>>, vector<16xf32>,
      tpu.vector_store %arg9[%parallel_loop3A_754], %parallel_loop3A_753 {strides = array<i32>} : memref<6272xf32, #tpu.memory_space<vmem>>, vector<16xf32>,
    } {sc.loop_unroll_factor = 8 : i64, sc.parallel_access}
    %barrier3A_491 = arith.constant 0 : index
    tpu.barrier barrier_id(%barrier3A_491)
    %add3A_492 = arith.constant 1 : i32
    %add3A_493 = arith.addi %arg1, %add3A_492 : i32
    %rem3A_494 = arith.constant 16 : i32
    %rem3A_495 = arith.remsi %add3A_493, %rem3A_494 : i32
    %mul3A_496 = arith.constant 6272 : i32
    %mul3A_497 = arith.muli %rem3A_495, %mul3A_496 : i32
    "tpu.region"() ({
      %run_scoped3A = tpu.sem_alloc : memref<!tpu.dma_semaphore, #tpu.memory_space<semaphore_mem>>
      %dma_start3A_749 = tpu.memref_slice %arg5[%mul3A_497] : memref<100352xf32, #tpu.memory_space<vmem>> -> memref<6272xf32, #tpu.memory_space<vmem>>
      %dma_start3A_750 = arith.constant 0 : i32
      %dma_start3A_751 = tpu.memref_slice %arg11[%arg1, %dma_start3A_750] : memref<16x6272xf32, #tpu.memory_space<vmem_shared>> -> memref<1x6272xf32, #tpu.memory_space<vmem_shared>>
      %dma_start3A_752 = tpu.memref_squeeze %dma_start3A_751 : memref<1x6272xf32, #tpu.memory_space<vmem_shared>> -> memref<6272xf32, #tpu.memory_space<vmem_shared>>
      %dma_start3A_753 = arith.constant 0 : i32
      %dma_start3A_754 = tpu.memref_slice %arg11[%arg1, %dma_start3A_753] : memref<16x6272xf32, #tpu.memory_space<vmem_shared>> -> memref<1x6272xf32, #tpu.memory_space<vmem_shared>>
      %dma_start3A_755 = tpu.memref_squeeze %dma_start3A_754 : memref<1x6272xf32, #tpu.memory_space<vmem_shared>> -> memref<6272xf32, #tpu.memory_space<vmem_shared>>
      %dma_start3A_756 = tpu.memref_slice %arg5[%mul3A_497] : memref<100352xf32, #tpu.memory_space<vmem>> -> memref<6272xf32, #tpu.memory_space<vmem>>
      tpu.enqueue_dma source(%dma_start3A_756 : memref<6272xf32, #tpu.memory_space<vmem>>) target(%dma_start3A_755 : memref<6272xf32, #tpu.memory_space<vmem_shared>>) target_semaphore(%run_scoped3A : memref<!tpu.dma_semaphore, #tpu.memory_space<semaphore_mem>>)
      %dma_wait3A_757 = tpu.memref_slice %arg5[%mul3A_497] : memref<100352xf32, #tpu.memory_space<vmem>> -> memref<6272xf32, #tpu.memory_space<vmem>>
      %dma_wait3A_758 = arith.constant 0 : i32
      %dma_wait3A_759 = tpu.memref_slice %arg11[%arg1, %dma_wait3A_758] : memref<16x6272xf32, #tpu.memory_space<vmem_shared>> -> memref<1x6272xf32, #tpu.memory_space<vmem_shared>>
      %dma_wait3A_760 = tpu.memref_squeeze %dma_wait3A_759 : memref<1x6272xf32, #tpu.memory_space<vmem_shared>> -> memref<6272xf32, #tpu.memory_space<vmem_shared>>
      %dma_wait3A_761 = arith.constant 0 : i32
      %dma_wait3A_762 = tpu.memref_slice %arg11[%arg1, %dma_wait3A_761] : memref<16x6272xf32, #tpu.memory_space<vmem_shared>> -> memref<1x6272xf32, #tpu.memory_space<vmem_shared>>
      %dma_wait3A_763 = tpu.memref_squeeze %dma_wait3A_762 : memref<1x6272xf32, #tpu.memory_space<vmem_shared>> -> memref<6272xf32, #tpu.memory_space<vmem_shared>>
      %dma_wait3A_764 = tpu.memref_slice %arg5[%mul3A_497] : memref<100352xf32, #tpu.memory_space<vmem>> -> memref<6272xf32, #tpu.memory_space<vmem>>
      tpu.wait_dma2 semaphore(%run_scoped3A : memref<!tpu.dma_semaphore, #tpu.memory_space<semaphore_mem>>) src(%dma_wait3A_764 : memref<6272xf32, #tpu.memory_space<vmem>>) dst(%dma_wait3A_763 : memref<6272xf32, #tpu.memory_space<vmem_shared>>)
      tpu.yield
    }) : () -> ()
    %barrier3A_498 = arith.constant 0 : index
    tpu.barrier barrier_id(%barrier3A_498)
    %sub3A_499 = arith.constant 1 : i32
    %sub3A_500 = arith.subi %arg1, %sub3A_499 : i32
    %add3A_501 = arith.constant 16 : i32
    %add3A_502 = arith.addi %sub3A_500, %add3A_501 : i32
    %rem3A_503 = arith.constant 16 : i32
    %rem3A_504 = arith.remsi %add3A_502, %rem3A_503 : i32
    "tpu.region"() ({
      %run_scoped3A = tpu.sem_alloc : memref<!tpu.dma_semaphore, #tpu.memory_space<semaphore_mem>>
      %dma_start3A_749 = arith.constant 0 : i32
      %dma_start3A_750 = tpu.memref_slice %arg11[%rem3A_504, %dma_start3A_749] : memref<16x6272xf32, #tpu.memory_space<vmem_shared>> -> memref<1x6272xf32, #tpu.memory_space<vmem_shared>>
      %dma_start3A_751 = tpu.memref_squeeze %dma_start3A_750 : memref<1x6272xf32, #tpu.memory_space<vmem_shared>> -> memref<6272xf32, #tpu.memory_space<vmem_shared>>
      %dma_start3A_752 = arith.constant 0 : i32
      %dma_start3A_753 = tpu.memref_slice %arg11[%rem3A_504, %dma_start3A_752] : memref<16x6272xf32, #tpu.memory_space<vmem_shared>> -> memref<1x6272xf32, #tpu.memory_space<vmem_shared>>
      %dma_start3A_754 = tpu.memref_squeeze %dma_start3A_753 : memref<1x6272xf32, #tpu.memory_space<vmem_shared>> -> memref<6272xf32, #tpu.memory_space<vmem_shared>>
      tpu.enqueue_dma source(%dma_start3A_754 : memref<6272xf32, #tpu.memory_space<vmem_shared>>) target(%arg8 : memref<6272xf32, #tpu.memory_space<vmem>>) target_semaphore(%run_scoped3A : memref<!tpu.dma_semaphore, #tpu.memory_space<semaphore_mem>>)
      %dma_wait3A_755 = arith.constant 0 : i32
      %dma_wait3A_756 = tpu.memref_slice %arg11[%rem3A_504, %dma_wait3A_755] : memref<16x6272xf32, #tpu.memory_space<vmem_shared>> -> memref<1x6272xf32, #tpu.memory_space<vmem_shared>>
      %dma_wait3A_757 = tpu.memref_squeeze %dma_wait3A_756 : memref<1x6272xf32, #tpu.memory_space<vmem_shared>> -> memref<6272xf32, #tpu.memory_space<vmem_shared>>
      %dma_wait3A_758 = arith.constant 0 : i32
      %dma_wait3A_759 = tpu.memref_slice %arg11[%rem3A_504, %dma_wait3A_758] : memref<16x6272xf32, #tpu.memory_space<vmem_shared>> -> memref<1x6272xf32, #tpu.memory_space<vmem_shared>>
      %dma_wait3A_760 = tpu.memref_squeeze %dma_wait3A_759 : memref<1x6272xf32, #tpu.memory_space<vmem_shared>> -> memref<6272xf32, #tpu.memory_space<vmem_shared>>
      tpu.wait_dma2 semaphore(%run_scoped3A : memref<!tpu.dma_semaphore, #tpu.memory_space<semaphore_mem>>) src(%dma_wait3A_760 : memref<6272xf32, #tpu.memory_space<vmem_shared>>) dst(%arg8 : memref<6272xf32, #tpu.memory_space<vmem>>)
      tpu.yield
    }) : () -> ()
    %parallel_loop3A_505 = arith.constant 0 : i32
    %parallel_loop3A_506 = arith.constant 392 : i32
    %parallel_loop3A_507 = arith.constant 1 : i32
    scf.for %parallel_loop3A_749 = %parallel_loop3A_505 to %parallel_loop3A_506 step %parallel_loop3A_507  : i32 {
      %parallel_loop3A_750 = arith.constant 16 : i32
      %parallel_loop3A_751 = arith.muli %parallel_loop3A_749, %parallel_loop3A_750 : i32
      %parallel_loop3A_752 = arith.index_cast %parallel_loop3A_751 : i32 to index
      %parallel_loop3A_753 = tpu.vector_load %arg9[%parallel_loop3A_752] {strides = array<i32>} : memref<6272xf32, #tpu.memory_space<vmem>>, vector<16xf32>,
      %parallel_loop3A_754 = arith.index_cast %parallel_loop3A_751 : i32 to index
      %parallel_loop3A_755 = tpu.vector_load %arg8[%parallel_loop3A_754] {strides = array<i32>} : memref<6272xf32, #tpu.memory_space<vmem>>, vector<16xf32>,
      %parallel_loop3A_756 = arith.addf %parallel_loop3A_753, %parallel_loop3A_755 : vector<16xf32>
      %parallel_loop3A_757 = arith.index_cast %parallel_loop3A_751 : i32 to index
      %parallel_loop3A_758 = tpu.vector_load %arg9[%parallel_loop3A_757] {strides = array<i32>} : memref<6272xf32, #tpu.memory_space<vmem>>, vector<16xf32>,
      tpu.vector_store %arg9[%parallel_loop3A_757], %parallel_loop3A_756 {strides = array<i32>} : memref<6272xf32, #tpu.memory_space<vmem>>, vector<16xf32>,
    } {sc.loop_unroll_factor = 8 : i64, sc.parallel_access}
    %barrier3A_508 = arith.constant 0 : index
    tpu.barrier barrier_id(%barrier3A_508)
    %add3A_509 = arith.constant 2 : i32
    %add3A_510 = arith.addi %arg1, %add3A_509 : i32
    %rem3A_511 = arith.constant 16 : i32
    %rem3A_512 = arith.remsi %add3A_510, %rem3A_511 : i32
    %mul3A_513 = arith.constant 6272 : i32
    %mul3A_514 = arith.muli %rem3A_512, %mul3A_513 : i32
    "tpu.region"() ({
      %run_scoped3A = tpu.sem_alloc : memref<!tpu.dma_semaphore, #tpu.memory_space<semaphore_mem>>
      %dma_start3A_749 = tpu.memref_slice %arg5[%mul3A_514] : memref<100352xf32, #tpu.memory_space<vmem>> -> memref<6272xf32, #tpu.memory_space<vmem>>
      %dma_start3A_750 = arith.constant 0 : i32
      %dma_start3A_751 = tpu.memref_slice %arg11[%arg1, %dma_start3A_750] : memref<16x6272xf32, #tpu.memory_space<vmem_shared>> -> memref<1x6272xf32, #tpu.memory_space<vmem_shared>>
      %dma_start3A_752 = tpu.memref_squeeze %dma_start3A_751 : memref<1x6272xf32, #tpu.memory_space<vmem_shared>> -> memref<6272xf32, #tpu.memory_space<vmem_shared>>
      %dma_start3A_753 = arith.constant 0 : i32
      %dma_start3A_754 = tpu.memref_slice %arg11[%arg1, %dma_start3A_753] : memref<16x6272xf32, #tpu.memory_space<vmem_shared>> -> memref<1x6272xf32, #tpu.memory_space<vmem_shared>>
      %dma_start3A_755 = tpu.memref_squeeze %dma_start3A_754 : memref<1x6272xf32, #tpu.memory_space<vmem_shared>> -> memref<6272xf32, #tpu.memory_space<vmem_shared>>
      %dma_start3A_756 = tpu.memref_slice %arg5[%mul3A_514] : memref<100352xf32, #tpu.memory_space<vmem>> -> memref<6272xf32, #tpu.memory_space<vmem>>
      tpu.enqueue_dma source(%dma_start3A_756 : memref<6272xf32, #tpu.memory_space<vmem>>) target(%dma_start3A_755 : memref<6272xf32, #tpu.memory_space<vmem_shared>>) target_semaphore(%run_scoped3A : memref<!tpu.dma_semaphore, #tpu.memory_space<semaphore_mem>>)
      %dma_wait3A_757 = tpu.memref_slice %arg5[%mul3A_514] : memref<100352xf32, #tpu.memory_space<vmem>> -> memref<6272xf32, #tpu.memory_space<vmem>>
      %dma_wait3A_758 = arith.constant 0 : i32
      %dma_wait3A_759 = tpu.memref_slice %arg11[%arg1, %dma_wait3A_758] : memref<16x6272xf32, #tpu.memory_space<vmem_shared>> -> memref<1x6272xf32, #tpu.memory_space<vmem_shared>>
      %dma_wait3A_760 = tpu.memref_squeeze %dma_wait3A_759 : memref<1x6272xf32, #tpu.memory_space<vmem_shared>> -> memref<6272xf32, #tpu.memory_space<vmem_shared>>
      %dma_wait3A_761 = arith.constant 0 : i32
      %dma_wait3A_762 = tpu.memref_slice %arg11[%arg1, %dma_wait3A_761] : memref<16x6272xf32, #tpu.memory_space<vmem_shared>> -> memref<1x6272xf32, #tpu.memory_space<vmem_shared>>
      %dma_wait3A_763 = tpu.memref_squeeze %dma_wait3A_762 : memref<1x6272xf32, #tpu.memory_space<vmem_shared>> -> memref<6272xf32, #tpu.memory_space<vmem_shared>>
      %dma_wait3A_764 = tpu.memref_slice %arg5[%mul3A_514] : memref<100352xf32, #tpu.memory_space<vmem>> -> memref<6272xf32, #tpu.memory_space<vmem>>
      tpu.wait_dma2 semaphore(%run_scoped3A : memref<!tpu.dma_semaphore, #tpu.memory_space<semaphore_mem>>) src(%dma_wait3A_764 : memref<6272xf32, #tpu.memory_space<vmem>>) dst(%dma_wait3A_763 : memref<6272xf32, #tpu.memory_space<vmem_shared>>)
      tpu.yield
    }) : () -> ()
    %barrier3A_515 = arith.constant 0 : index
    tpu.barrier barrier_id(%barrier3A_515)
    %sub3A_516 = arith.constant 2 : i32
    %sub3A_517 = arith.subi %arg1, %sub3A_516 : i32
    %add3A_518 = arith.constant 16 : i32
    %add3A_519 = arith.addi %sub3A_517, %add3A_518 : i32
    %rem3A_520 = arith.constant 16 : i32
    %rem3A_521 = arith.remsi %add3A_519, %rem3A_520 : i32
    "tpu.region"() ({
      %run_scoped3A = tpu.sem_alloc : memref<!tpu.dma_semaphore, #tpu.memory_space<semaphore_mem>>
      %dma_start3A_749 = arith.constant 0 : i32
      %dma_start3A_750 = tpu.memref_slice %arg11[%rem3A_521, %dma_start3A_749] : memref<16x6272xf32, #tpu.memory_space<vmem_shared>> -> memref<1x6272xf32, #tpu.memory_space<vmem_shared>>
      %dma_start3A_751 = tpu.memref_squeeze %dma_start3A_750 : memref<1x6272xf32, #tpu.memory_space<vmem_shared>> -> memref<6272xf32, #tpu.memory_space<vmem_shared>>
      %dma_start3A_752 = arith.constant 0 : i32
      %dma_start3A_753 = tpu.memref_slice %arg11[%rem3A_521, %dma_start3A_752] : memref<16x6272xf32, #tpu.memory_space<vmem_shared>> -> memref<1x6272xf32, #tpu.memory_space<vmem_shared>>
      %dma_start3A_754 = tpu.memref_squeeze %dma_start3A_753 : memref<1x6272xf32, #tpu.memory_space<vmem_shared>> -> memref<6272xf32, #tpu.memory_space<vmem_shared>>
      tpu.enqueue_dma source(%dma_start3A_754 : memref<6272xf32, #tpu.memory_space<vmem_shared>>) target(%arg8 : memref<6272xf32, #tpu.memory_space<vmem>>) target_semaphore(%run_scoped3A : memref<!tpu.dma_semaphore, #tpu.memory_space<semaphore_mem>>)
      %dma_wait3A_755 = arith.constant 0 : i32
      %dma_wait3A_756 = tpu.memref_slice %arg11[%rem3A_521, %dma_wait3A_755] : memref<16x6272xf32, #tpu.memory_space<vmem_shared>> -> memref<1x6272xf32, #tpu.memory_space<vmem_shared>>
      %dma_wait3A_757 = tpu.memref_squeeze %dma_wait3A_756 : memref<1x6272xf32, #tpu.memory_space<vmem_shared>> -> memref<6272xf32, #tpu.memory_space<vmem_shared>>
      %dma_wait3A_758 = arith.constant 0 : i32
      %dma_wait3A_759 = tpu.memref_slice %arg11[%rem3A_521, %dma_wait3A_758] : memref<16x6272xf32, #tpu.memory_space<vmem_shared>> -> memref<1x6272xf32, #tpu.memory_space<vmem_shared>>
      %dma_wait3A_760 = tpu.memref_squeeze %dma_wait3A_759 : memref<1x6272xf32, #tpu.memory_space<vmem_shared>> -> memref<6272xf32, #tpu.memory_space<vmem_shared>>
      tpu.wait_dma2 semaphore(%run_scoped3A : memref<!tpu.dma_semaphore, #tpu.memory_space<semaphore_mem>>) src(%dma_wait3A_760 : memref<6272xf32, #tpu.memory_space<vmem_shared>>) dst(%arg8 : memref<6272xf32, #tpu.memory_space<vmem>>)
      tpu.yield
    }) : () -> ()
    %parallel_loop3A_522 = arith.constant 0 : i32
    %parallel_loop3A_523 = arith.constant 392 : i32
    %parallel_loop3A_524 = arith.constant 1 : i32
    scf.for %parallel_loop3A_749 = %parallel_loop3A_522 to %parallel_loop3A_523 step %parallel_loop3A_524  : i32 {
      %parallel_loop3A_750 = arith.constant 16 : i32
      %parallel_loop3A_751 = arith.muli %parallel_loop3A_749, %parallel_loop3A_750 : i32
      %parallel_loop3A_752 = arith.index_cast %parallel_loop3A_751 : i32 to index
      %parallel_loop3A_753 = tpu.vector_load %arg9[%parallel_loop3A_752] {strides = array<i32>} : memref<6272xf32, #tpu.memory_space<vmem>>, vector<16xf32>,
      %parallel_loop3A_754 = arith.index_cast %parallel_loop3A_751 : i32 to index
      %parallel_loop3A_755 = tpu.vector_load %arg8[%parallel_loop3A_754] {strides = array<i32>} : memref<6272xf32, #tpu.memory_space<vmem>>, vector<16xf32>,
      %parallel_loop3A_756 = arith.addf %parallel_loop3A_753, %parallel_loop3A_755 : vector<16xf32>
      %parallel_loop3A_757 = arith.index_cast %parallel_loop3A_751 : i32 to index
      %parallel_loop3A_758 = tpu.vector_load %arg9[%parallel_loop3A_757] {strides = array<i32>} : memref<6272xf32, #tpu.memory_space<vmem>>, vector<16xf32>,
      tpu.vector_store %arg9[%parallel_loop3A_757], %parallel_loop3A_756 {strides = array<i32>} : memref<6272xf32, #tpu.memory_space<vmem>>, vector<16xf32>,
    } {sc.loop_unroll_factor = 8 : i64, sc.parallel_access}
    %barrier3A_525 = arith.constant 0 : index
    tpu.barrier barrier_id(%barrier3A_525)
    %add3A_526 = arith.constant 3 : i32
    %add3A_527 = arith.addi %arg1, %add3A_526 : i32
    %rem3A_528 = arith.constant 16 : i32
    %rem3A_529 = arith.remsi %add3A_527, %rem3A_528 : i32
    %mul3A_530 = arith.constant 6272 : i32
    %mul3A_531 = arith.muli %rem3A_529, %mul3A_530 : i32
    "tpu.region"() ({
      %run_scoped3A = tpu.sem_alloc : memref<!tpu.dma_semaphore, #tpu.memory_space<semaphore_mem>>
      %dma_start3A_749 = tpu.memref_slice %arg5[%mul3A_531] : memref<100352xf32, #tpu.memory_space<vmem>> -> memref<6272xf32, #tpu.memory_space<vmem>>
      %dma_start3A_750 = arith.constant 0 : i32
      %dma_start3A_751 = tpu.memref_slice %arg11[%arg1, %dma_start3A_750] : memref<16x6272xf32, #tpu.memory_space<vmem_shared>> -> memref<1x6272xf32, #tpu.memory_space<vmem_shared>>
      %dma_start3A_752 = tpu.memref_squeeze %dma_start3A_751 : memref<1x6272xf32, #tpu.memory_space<vmem_shared>> -> memref<6272xf32, #tpu.memory_space<vmem_shared>>
      %dma_start3A_753 = arith.constant 0 : i32
      %dma_start3A_754 = tpu.memref_slice %arg11[%arg1, %dma_start3A_753] : memref<16x6272xf32, #tpu.memory_space<vmem_shared>> -> memref<1x6272xf32, #tpu.memory_space<vmem_shared>>
      %dma_start3A_755 = tpu.memref_squeeze %dma_start3A_754 : memref<1x6272xf32, #tpu.memory_space<vmem_shared>> -> memref<6272xf32, #tpu.memory_space<vmem_shared>>
      %dma_start3A_756 = tpu.memref_slice %arg5[%mul3A_531] : memref<100352xf32, #tpu.memory_space<vmem>> -> memref<6272xf32, #tpu.memory_space<vmem>>
      tpu.enqueue_dma source(%dma_start3A_756 : memref<6272xf32, #tpu.memory_space<vmem>>) target(%dma_start3A_755 : memref<6272xf32, #tpu.memory_space<vmem_shared>>) target_semaphore(%run_scoped3A : memref<!tpu.dma_semaphore, #tpu.memory_space<semaphore_mem>>)
      %dma_wait3A_757 = tpu.memref_slice %arg5[%mul3A_531] : memref<100352xf32, #tpu.memory_space<vmem>> -> memref<6272xf32, #tpu.memory_space<vmem>>
      %dma_wait3A_758 = arith.constant 0 : i32
      %dma_wait3A_759 = tpu.memref_slice %arg11[%arg1, %dma_wait3A_758] : memref<16x6272xf32, #tpu.memory_space<vmem_shared>> -> memref<1x6272xf32, #tpu.memory_space<vmem_shared>>
      %dma_wait3A_760 = tpu.memref_squeeze %dma_wait3A_759 : memref<1x6272xf32, #tpu.memory_space<vmem_shared>> -> memref<6272xf32, #tpu.memory_space<vmem_shared>>
      %dma_wait3A_761 = arith.constant 0 : i32
      %dma_wait3A_762 = tpu.memref_slice %arg11[%arg1, %dma_wait3A_761] : memref<16x6272xf32, #tpu.memory_space<vmem_shared>> -> memref<1x6272xf32, #tpu.memory_space<vmem_shared>>
      %dma_wait3A_763 = tpu.memref_squeeze %dma_wait3A_762 : memref<1x6272xf32, #tpu.memory_space<vmem_shared>> -> memref<6272xf32, #tpu.memory_space<vmem_shared>>
      %dma_wait3A_764 = tpu.memref_slice %arg5[%mul3A_531] : memref<100352xf32, #tpu.memory_space<vmem>> -> memref<6272xf32, #tpu.memory_space<vmem>>
      tpu.wait_dma2 semaphore(%run_scoped3A : memref<!tpu.dma_semaphore, #tpu.memory_space<semaphore_mem>>) src(%dma_wait3A_764 : memref<6272xf32, #tpu.memory_space<vmem>>) dst(%dma_wait3A_763 : memref<6272xf32, #tpu.memory_space<vmem_shared>>)
      tpu.yield
    }) : () -> ()
    %barrier3A_532 = arith.constant 0 : index
    tpu.barrier barrier_id(%barrier3A_532)
    %sub3A_533 = arith.constant 3 : i32
    %sub3A_534 = arith.subi %arg1, %sub3A_533 : i32
    %add3A_535 = arith.constant 16 : i32
    %add3A_536 = arith.addi %sub3A_534, %add3A_535 : i32
    %rem3A_537 = arith.constant 16 : i32
    %rem3A_538 = arith.remsi %add3A_536, %rem3A_537 : i32
    "tpu.region"() ({
      %run_scoped3A = tpu.sem_alloc : memref<!tpu.dma_semaphore, #tpu.memory_space<semaphore_mem>>
      %dma_start3A_749 = arith.constant 0 : i32
      %dma_start3A_750 = tpu.memref_slice %arg11[%rem3A_538, %dma_start3A_749] : memref<16x6272xf32, #tpu.memory_space<vmem_shared>> -> memref<1x6272xf32, #tpu.memory_space<vmem_shared>>
      %dma_start3A_751 = tpu.memref_squeeze %dma_start3A_750 : memref<1x6272xf32, #tpu.memory_space<vmem_shared>> -> memref<6272xf32, #tpu.memory_space<vmem_shared>>
      %dma_start3A_752 = arith.constant 0 : i32
      %dma_start3A_753 = tpu.memref_slice %arg11[%rem3A_538, %dma_start3A_752] : memref<16x6272xf32, #tpu.memory_space<vmem_shared>> -> memref<1x6272xf32, #tpu.memory_space<vmem_shared>>
      %dma_start3A_754 = tpu.memref_squeeze %dma_start3A_753 : memref<1x6272xf32, #tpu.memory_space<vmem_shared>> -> memref<6272xf32, #tpu.memory_space<vmem_shared>>
      tpu.enqueue_dma source(%dma_start3A_754 : memref<6272xf32, #tpu.memory_space<vmem_shared>>) target(%arg8 : memref<6272xf32, #tpu.memory_space<vmem>>) target_semaphore(%run_scoped3A : memref<!tpu.dma_semaphore, #tpu.memory_space<semaphore_mem>>)
      %dma_wait3A_755 = arith.constant 0 : i32
      %dma_wait3A_756 = tpu.memref_slice %arg11[%rem3A_538, %dma_wait3A_755] : memref<16x6272xf32, #tpu.memory_space<vmem_shared>> -> memref<1x6272xf32, #tpu.memory_space<vmem_shared>>
      %dma_wait3A_757 = tpu.memref_squeeze %dma_wait3A_756 : memref<1x6272xf32, #tpu.memory_space<vmem_shared>> -> memref<6272xf32, #tpu.memory_space<vmem_shared>>
      %dma_wait3A_758 = arith.constant 0 : i32
      %dma_wait3A_759 = tpu.memref_slice %arg11[%rem3A_538, %dma_wait3A_758] : memref<16x6272xf32, #tpu.memory_space<vmem_shared>> -> memref<1x6272xf32, #tpu.memory_space<vmem_shared>>
      %dma_wait3A_760 = tpu.memref_squeeze %dma_wait3A_759 : memref<1x6272xf32, #tpu.memory_space<vmem_shared>> -> memref<6272xf32, #tpu.memory_space<vmem_shared>>
      tpu.wait_dma2 semaphore(%run_scoped3A : memref<!tpu.dma_semaphore, #tpu.memory_space<semaphore_mem>>) src(%dma_wait3A_760 : memref<6272xf32, #tpu.memory_space<vmem_shared>>) dst(%arg8 : memref<6272xf32, #tpu.memory_space<vmem>>)
      tpu.yield
    }) : () -> ()
    %parallel_loop3A_539 = arith.constant 0 : i32
    %parallel_loop3A_540 = arith.constant 392 : i32
    %parallel_loop3A_541 = arith.constant 1 : i32
    scf.for %parallel_loop3A_749 = %parallel_loop3A_539 to %parallel_loop3A_540 step %parallel_loop3A_541  : i32 {
      %parallel_loop3A_750 = arith.constant 16 : i32
      %parallel_loop3A_751 = arith.muli %parallel_loop3A_749, %parallel_loop3A_750 : i32
      %parallel_loop3A_752 = arith.index_cast %parallel_loop3A_751 : i32 to index
      %parallel_loop3A_753 = tpu.vector_load %arg9[%parallel_loop3A_752] {strides = array<i32>} : memref<6272xf32, #tpu.memory_space<vmem>>, vector<16xf32>,
      %parallel_loop3A_754 = arith.index_cast %parallel_loop3A_751 : i32 to index
      %parallel_loop3A_755 = tpu.vector_load %arg8[%parallel_loop3A_754] {strides = array<i32>} : memref<6272xf32, #tpu.memory_space<vmem>>, vector<16xf32>,
      %parallel_loop3A_756 = arith.addf %parallel_loop3A_753, %parallel_loop3A_755 : vector<16xf32>
      %parallel_loop3A_757 = arith.index_cast %parallel_loop3A_751 : i32 to index
      %parallel_loop3A_758 = tpu.vector_load %arg9[%parallel_loop3A_757] {strides = array<i32>} : memref<6272xf32, #tpu.memory_space<vmem>>, vector<16xf32>,
      tpu.vector_store %arg9[%parallel_loop3A_757], %parallel_loop3A_756 {strides = array<i32>} : memref<6272xf32, #tpu.memory_space<vmem>>, vector<16xf32>,
    } {sc.loop_unroll_factor = 8 : i64, sc.parallel_access}
    %barrier3A_542 = arith.constant 0 : index
    tpu.barrier barrier_id(%barrier3A_542)
    %add3A_543 = arith.constant 4 : i32
    %add3A_544 = arith.addi %arg1, %add3A_543 : i32
    %rem3A_545 = arith.constant 16 : i32
    %rem3A_546 = arith.remsi %add3A_544, %rem3A_545 : i32
    %mul3A_547 = arith.constant 6272 : i32
    %mul3A_548 = arith.muli %rem3A_546, %mul3A_547 : i32
    "tpu.region"() ({
      %run_scoped3A = tpu.sem_alloc : memref<!tpu.dma_semaphore, #tpu.memory_space<semaphore_mem>>
      %dma_start3A_749 = tpu.memref_slice %arg5[%mul3A_548] : memref<100352xf32, #tpu.memory_space<vmem>> -> memref<6272xf32, #tpu.memory_space<vmem>>
      %dma_start3A_750 = arith.constant 0 : i32
      %dma_start3A_751 = tpu.memref_slice %arg11[%arg1, %dma_start3A_750] : memref<16x6272xf32, #tpu.memory_space<vmem_shared>> -> memref<1x6272xf32, #tpu.memory_space<vmem_shared>>
      %dma_start3A_752 = tpu.memref_squeeze %dma_start3A_751 : memref<1x6272xf32, #tpu.memory_space<vmem_shared>> -> memref<6272xf32, #tpu.memory_space<vmem_shared>>
      %dma_start3A_753 = arith.constant 0 : i32
      %dma_start3A_754 = tpu.memref_slice %arg11[%arg1, %dma_start3A_753] : memref<16x6272xf32, #tpu.memory_space<vmem_shared>> -> memref<1x6272xf32, #tpu.memory_space<vmem_shared>>
      %dma_start3A_755 = tpu.memref_squeeze %dma_start3A_754 : memref<1x6272xf32, #tpu.memory_space<vmem_shared>> -> memref<6272xf32, #tpu.memory_space<vmem_shared>>
      %dma_start3A_756 = tpu.memref_slice %arg5[%mul3A_548] : memref<100352xf32, #tpu.memory_space<vmem>> -> memref<6272xf32, #tpu.memory_space<vmem>>
      tpu.enqueue_dma source(%dma_start3A_756 : memref<6272xf32, #tpu.memory_space<vmem>>) target(%dma_start3A_755 : memref<6272xf32, #tpu.memory_space<vmem_shared>>) target_semaphore(%run_scoped3A : memref<!tpu.dma_semaphore, #tpu.memory_space<semaphore_mem>>)
      %dma_wait3A_757 = tpu.memref_slice %arg5[%mul3A_548] : memref<100352xf32, #tpu.memory_space<vmem>> -> memref<6272xf32, #tpu.memory_space<vmem>>
      %dma_wait3A_758 = arith.constant 0 : i32
      %dma_wait3A_759 = tpu.memref_slice %arg11[%arg1, %dma_wait3A_758] : memref<16x6272xf32, #tpu.memory_space<vmem_shared>> -> memref<1x6272xf32, #tpu.memory_space<vmem_shared>>
      %dma_wait3A_760 = tpu.memref_squeeze %dma_wait3A_759 : memref<1x6272xf32, #tpu.memory_space<vmem_shared>> -> memref<6272xf32, #tpu.memory_space<vmem_shared>>
      %dma_wait3A_761 = arith.constant 0 : i32
      %dma_wait3A_762 = tpu.memref_slice %arg11[%arg1, %dma_wait3A_761] : memref<16x6272xf32, #tpu.memory_space<vmem_shared>> -> memref<1x6272xf32, #tpu.memory_space<vmem_shared>>
      %dma_wait3A_763 = tpu.memref_squeeze %dma_wait3A_762 : memref<1x6272xf32, #tpu.memory_space<vmem_shared>> -> memref<6272xf32, #tpu.memory_space<vmem_shared>>
      %dma_wait3A_764 = tpu.memref_slice %arg5[%mul3A_548] : memref<100352xf32, #tpu.memory_space<vmem>> -> memref<6272xf32, #tpu.memory_space<vmem>>
      tpu.wait_dma2 semaphore(%run_scoped3A : memref<!tpu.dma_semaphore, #tpu.memory_space<semaphore_mem>>) src(%dma_wait3A_764 : memref<6272xf32, #tpu.memory_space<vmem>>) dst(%dma_wait3A_763 : memref<6272xf32, #tpu.memory_space<vmem_shared>>)
      tpu.yield
    }) : () -> ()
    %barrier3A_549 = arith.constant 0 : index
    tpu.barrier barrier_id(%barrier3A_549)
    %sub3A_550 = arith.constant 4 : i32
    %sub3A_551 = arith.subi %arg1, %sub3A_550 : i32
    %add3A_552 = arith.constant 16 : i32
    %add3A_553 = arith.addi %sub3A_551, %add3A_552 : i32
    %rem3A_554 = arith.constant 16 : i32
    %rem3A_555 = arith.remsi %add3A_553, %rem3A_554 : i32
    "tpu.region"() ({
      %run_scoped3A = tpu.sem_alloc : memref<!tpu.dma_semaphore, #tpu.memory_space<semaphore_mem>>
      %dma_start3A_749 = arith.constant 0 : i32
      %dma_start3A_750 = tpu.memref_slice %arg11[%rem3A_555, %dma_start3A_749] : memref<16x6272xf32, #tpu.memory_space<vmem_shared>> -> memref<1x6272xf32, #tpu.memory_space<vmem_shared>>
      %dma_start3A_751 = tpu.memref_squeeze %dma_start3A_750 : memref<1x6272xf32, #tpu.memory_space<vmem_shared>> -> memref<6272xf32, #tpu.memory_space<vmem_shared>>
      %dma_start3A_752 = arith.constant 0 : i32
      %dma_start3A_753 = tpu.memref_slice %arg11[%rem3A_555, %dma_start3A_752] : memref<16x6272xf32, #tpu.memory_space<vmem_shared>> -> memref<1x6272xf32, #tpu.memory_space<vmem_shared>>
      %dma_start3A_754 = tpu.memref_squeeze %dma_start3A_753 : memref<1x6272xf32, #tpu.memory_space<vmem_shared>> -> memref<6272xf32, #tpu.memory_space<vmem_shared>>
      tpu.enqueue_dma source(%dma_start3A_754 : memref<6272xf32, #tpu.memory_space<vmem_shared>>) target(%arg8 : memref<6272xf32, #tpu.memory_space<vmem>>) target_semaphore(%run_scoped3A : memref<!tpu.dma_semaphore, #tpu.memory_space<semaphore_mem>>)
      %dma_wait3A_755 = arith.constant 0 : i32
      %dma_wait3A_756 = tpu.memref_slice %arg11[%rem3A_555, %dma_wait3A_755] : memref<16x6272xf32, #tpu.memory_space<vmem_shared>> -> memref<1x6272xf32, #tpu.memory_space<vmem_shared>>
      %dma_wait3A_757 = tpu.memref_squeeze %dma_wait3A_756 : memref<1x6272xf32, #tpu.memory_space<vmem_shared>> -> memref<6272xf32, #tpu.memory_space<vmem_shared>>
      %dma_wait3A_758 = arith.constant 0 : i32
      %dma_wait3A_759 = tpu.memref_slice %arg11[%rem3A_555, %dma_wait3A_758] : memref<16x6272xf32, #tpu.memory_space<vmem_shared>> -> memref<1x6272xf32, #tpu.memory_space<vmem_shared>>
      %dma_wait3A_760 = tpu.memref_squeeze %dma_wait3A_759 : memref<1x6272xf32, #tpu.memory_space<vmem_shared>> -> memref<6272xf32, #tpu.memory_space<vmem_shared>>
      tpu.wait_dma2 semaphore(%run_scoped3A : memref<!tpu.dma_semaphore, #tpu.memory_space<semaphore_mem>>) src(%dma_wait3A_760 : memref<6272xf32, #tpu.memory_space<vmem_shared>>) dst(%arg8 : memref<6272xf32, #tpu.memory_space<vmem>>)
      tpu.yield
    }) : () -> ()
    %parallel_loop3A_556 = arith.constant 0 : i32
    %parallel_loop3A_557 = arith.constant 392 : i32
    %parallel_loop3A_558 = arith.constant 1 : i32
    scf.for %parallel_loop3A_749 = %parallel_loop3A_556 to %parallel_loop3A_557 step %parallel_loop3A_558  : i32 {
      %parallel_loop3A_750 = arith.constant 16 : i32
      %parallel_loop3A_751 = arith.muli %parallel_loop3A_749, %parallel_loop3A_750 : i32
      %parallel_loop3A_752 = arith.index_cast %parallel_loop3A_751 : i32 to index
      %parallel_loop3A_753 = tpu.vector_load %arg9[%parallel_loop3A_752] {strides = array<i32>} : memref<6272xf32, #tpu.memory_space<vmem>>, vector<16xf32>,
      %parallel_loop3A_754 = arith.index_cast %parallel_loop3A_751 : i32 to index
      %parallel_loop3A_755 = tpu.vector_load %arg8[%parallel_loop3A_754] {strides = array<i32>} : memref<6272xf32, #tpu.memory_space<vmem>>, vector<16xf32>,
      %parallel_loop3A_756 = arith.addf %parallel_loop3A_753, %parallel_loop3A_755 : vector<16xf32>
      %parallel_loop3A_757 = arith.index_cast %parallel_loop3A_751 : i32 to index
      %parallel_loop3A_758 = tpu.vector_load %arg9[%parallel_loop3A_757] {strides = array<i32>} : memref<6272xf32, #tpu.memory_space<vmem>>, vector<16xf32>,
      tpu.vector_store %arg9[%parallel_loop3A_757], %parallel_loop3A_756 {strides = array<i32>} : memref<6272xf32, #tpu.memory_space<vmem>>, vector<16xf32>,
    } {sc.loop_unroll_factor = 8 : i64, sc.parallel_access}
    %barrier3A_559 = arith.constant 0 : index
    tpu.barrier barrier_id(%barrier3A_559)
    %add3A_560 = arith.constant 5 : i32
    %add3A_561 = arith.addi %arg1, %add3A_560 : i32
    %rem3A_562 = arith.constant 16 : i32
    %rem3A_563 = arith.remsi %add3A_561, %rem3A_562 : i32
    %mul3A_564 = arith.constant 6272 : i32
    %mul3A_565 = arith.muli %rem3A_563, %mul3A_564 : i32
    "tpu.region"() ({
      %run_scoped3A = tpu.sem_alloc : memref<!tpu.dma_semaphore, #tpu.memory_space<semaphore_mem>>
      %dma_start3A_749 = tpu.memref_slice %arg5[%mul3A_565] : memref<100352xf32, #tpu.memory_space<vmem>> -> memref<6272xf32, #tpu.memory_space<vmem>>
      %dma_start3A_750 = arith.constant 0 : i32
      %dma_start3A_751 = tpu.memref_slice %arg11[%arg1, %dma_start3A_750] : memref<16x6272xf32, #tpu.memory_space<vmem_shared>> -> memref<1x6272xf32, #tpu.memory_space<vmem_shared>>
      %dma_start3A_752 = tpu.memref_squeeze %dma_start3A_751 : memref<1x6272xf32, #tpu.memory_space<vmem_shared>> -> memref<6272xf32, #tpu.memory_space<vmem_shared>>
      %dma_start3A_753 = arith.constant 0 : i32
      %dma_start3A_754 = tpu.memref_slice %arg11[%arg1, %dma_start3A_753] : memref<16x6272xf32, #tpu.memory_space<vmem_shared>> -> memref<1x6272xf32, #tpu.memory_space<vmem_shared>>
      %dma_start3A_755 = tpu.memref_squeeze %dma_start3A_754 : memref<1x6272xf32, #tpu.memory_space<vmem_shared>> -> memref<6272xf32, #tpu.memory_space<vmem_shared>>
      %dma_start3A_756 = tpu.memref_slice %arg5[%mul3A_565] : memref<100352xf32, #tpu.memory_space<vmem>> -> memref<6272xf32, #tpu.memory_space<vmem>>
      tpu.enqueue_dma source(%dma_start3A_756 : memref<6272xf32, #tpu.memory_space<vmem>>) target(%dma_start3A_755 : memref<6272xf32, #tpu.memory_space<vmem_shared>>) target_semaphore(%run_scoped3A : memref<!tpu.dma_semaphore, #tpu.memory_space<semaphore_mem>>)
      %dma_wait3A_757 = tpu.memref_slice %arg5[%mul3A_565] : memref<100352xf32, #tpu.memory_space<vmem>> -> memref<6272xf32, #tpu.memory_space<vmem>>
      %dma_wait3A_758 = arith.constant 0 : i32
      %dma_wait3A_759 = tpu.memref_slice %arg11[%arg1, %dma_wait3A_758] : memref<16x6272xf32, #tpu.memory_space<vmem_shared>> -> memref<1x6272xf32, #tpu.memory_space<vmem_shared>>
      %dma_wait3A_760 = tpu.memref_squeeze %dma_wait3A_759 : memref<1x6272xf32, #tpu.memory_space<vmem_shared>> -> memref<6272xf32, #tpu.memory_space<vmem_shared>>
      %dma_wait3A_761 = arith.constant 0 : i32
      %dma_wait3A_762 = tpu.memref_slice %arg11[%arg1, %dma_wait3A_761] : memref<16x6272xf32, #tpu.memory_space<vmem_shared>> -> memref<1x6272xf32, #tpu.memory_space<vmem_shared>>
      %dma_wait3A_763 = tpu.memref_squeeze %dma_wait3A_762 : memref<1x6272xf32, #tpu.memory_space<vmem_shared>> -> memref<6272xf32, #tpu.memory_space<vmem_shared>>
      %dma_wait3A_764 = tpu.memref_slice %arg5[%mul3A_565] : memref<100352xf32, #tpu.memory_space<vmem>> -> memref<6272xf32, #tpu.memory_space<vmem>>
      tpu.wait_dma2 semaphore(%run_scoped3A : memref<!tpu.dma_semaphore, #tpu.memory_space<semaphore_mem>>) src(%dma_wait3A_764 : memref<6272xf32, #tpu.memory_space<vmem>>) dst(%dma_wait3A_763 : memref<6272xf32, #tpu.memory_space<vmem_shared>>)
      tpu.yield
    }) : () -> ()
    %barrier3A_566 = arith.constant 0 : index
    tpu.barrier barrier_id(%barrier3A_566)
    %sub3A_567 = arith.constant 5 : i32
    %sub3A_568 = arith.subi %arg1, %sub3A_567 : i32
    %add3A_569 = arith.constant 16 : i32
    %add3A_570 = arith.addi %sub3A_568, %add3A_569 : i32
    %rem3A_571 = arith.constant 16 : i32
    %rem3A_572 = arith.remsi %add3A_570, %rem3A_571 : i32
    "tpu.region"() ({
      %run_scoped3A = tpu.sem_alloc : memref<!tpu.dma_semaphore, #tpu.memory_space<semaphore_mem>>
      %dma_start3A_749 = arith.constant 0 : i32
      %dma_start3A_750 = tpu.memref_slice %arg11[%rem3A_572, %dma_start3A_749] : memref<16x6272xf32, #tpu.memory_space<vmem_shared>> -> memref<1x6272xf32, #tpu.memory_space<vmem_shared>>
      %dma_start3A_751 = tpu.memref_squeeze %dma_start3A_750 : memref<1x6272xf32, #tpu.memory_space<vmem_shared>> -> memref<6272xf32, #tpu.memory_space<vmem_shared>>
      %dma_start3A_752 = arith.constant 0 : i32
      %dma_start3A_753 = tpu.memref_slice %arg11[%rem3A_572, %dma_start3A_752] : memref<16x6272xf32, #tpu.memory_space<vmem_shared>> -> memref<1x6272xf32, #tpu.memory_space<vmem_shared>>
      %dma_start3A_754 = tpu.memref_squeeze %dma_start3A_753 : memref<1x6272xf32, #tpu.memory_space<vmem_shared>> -> memref<6272xf32, #tpu.memory_space<vmem_shared>>
      tpu.enqueue_dma source(%dma_start3A_754 : memref<6272xf32, #tpu.memory_space<vmem_shared>>) target(%arg8 : memref<6272xf32, #tpu.memory_space<vmem>>) target_semaphore(%run_scoped3A : memref<!tpu.dma_semaphore, #tpu.memory_space<semaphore_mem>>)
      %dma_wait3A_755 = arith.constant 0 : i32
      %dma_wait3A_756 = tpu.memref_slice %arg11[%rem3A_572, %dma_wait3A_755] : memref<16x6272xf32, #tpu.memory_space<vmem_shared>> -> memref<1x6272xf32, #tpu.memory_space<vmem_shared>>
      %dma_wait3A_757 = tpu.memref_squeeze %dma_wait3A_756 : memref<1x6272xf32, #tpu.memory_space<vmem_shared>> -> memref<6272xf32, #tpu.memory_space<vmem_shared>>
      %dma_wait3A_758 = arith.constant 0 : i32
      %dma_wait3A_759 = tpu.memref_slice %arg11[%rem3A_572, %dma_wait3A_758] : memref<16x6272xf32, #tpu.memory_space<vmem_shared>> -> memref<1x6272xf32, #tpu.memory_space<vmem_shared>>
      %dma_wait3A_760 = tpu.memref_squeeze %dma_wait3A_759 : memref<1x6272xf32, #tpu.memory_space<vmem_shared>> -> memref<6272xf32, #tpu.memory_space<vmem_shared>>
      tpu.wait_dma2 semaphore(%run_scoped3A : memref<!tpu.dma_semaphore, #tpu.memory_space<semaphore_mem>>) src(%dma_wait3A_760 : memref<6272xf32, #tpu.memory_space<vmem_shared>>) dst(%arg8 : memref<6272xf32, #tpu.memory_space<vmem>>)
      tpu.yield
    }) : () -> ()
    %parallel_loop3A_573 = arith.constant 0 : i32
    %parallel_loop3A_574 = arith.constant 392 : i32
    %parallel_loop3A_575 = arith.constant 1 : i32
    scf.for %parallel_loop3A_749 = %parallel_loop3A_573 to %parallel_loop3A_574 step %parallel_loop3A_575  : i32 {
      %parallel_loop3A_750 = arith.constant 16 : i32
      %parallel_loop3A_751 = arith.muli %parallel_loop3A_749, %parallel_loop3A_750 : i32
      %parallel_loop3A_752 = arith.index_cast %parallel_loop3A_751 : i32 to index
      %parallel_loop3A_753 = tpu.vector_load %arg9[%parallel_loop3A_752] {strides = array<i32>} : memref<6272xf32, #tpu.memory_space<vmem>>, vector<16xf32>,
      %parallel_loop3A_754 = arith.index_cast %parallel_loop3A_751 : i32 to index
      %parallel_loop3A_755 = tpu.vector_load %arg8[%parallel_loop3A_754] {strides = array<i32>} : memref<6272xf32, #tpu.memory_space<vmem>>, vector<16xf32>,
      %parallel_loop3A_756 = arith.addf %parallel_loop3A_753, %parallel_loop3A_755 : vector<16xf32>
      %parallel_loop3A_757 = arith.index_cast %parallel_loop3A_751 : i32 to index
      %parallel_loop3A_758 = tpu.vector_load %arg9[%parallel_loop3A_757] {strides = array<i32>} : memref<6272xf32, #tpu.memory_space<vmem>>, vector<16xf32>,
      tpu.vector_store %arg9[%parallel_loop3A_757], %parallel_loop3A_756 {strides = array<i32>} : memref<6272xf32, #tpu.memory_space<vmem>>, vector<16xf32>,
    } {sc.loop_unroll_factor = 8 : i64, sc.parallel_access}
    %barrier3A_576 = arith.constant 0 : index
    tpu.barrier barrier_id(%barrier3A_576)
    %add3A_577 = arith.constant 6 : i32
    %add3A_578 = arith.addi %arg1, %add3A_577 : i32
    %rem3A_579 = arith.constant 16 : i32
    %rem3A_580 = arith.remsi %add3A_578, %rem3A_579 : i32
    %mul3A_581 = arith.constant 6272 : i32
    %mul3A_582 = arith.muli %rem3A_580, %mul3A_581 : i32
    "tpu.region"() ({
      %run_scoped3A = tpu.sem_alloc : memref<!tpu.dma_semaphore, #tpu.memory_space<semaphore_mem>>
      %dma_start3A_749 = tpu.memref_slice %arg5[%mul3A_582] : memref<100352xf32, #tpu.memory_space<vmem>> -> memref<6272xf32, #tpu.memory_space<vmem>>
      %dma_start3A_750 = arith.constant 0 : i32
      %dma_start3A_751 = tpu.memref_slice %arg11[%arg1, %dma_start3A_750] : memref<16x6272xf32, #tpu.memory_space<vmem_shared>> -> memref<1x6272xf32, #tpu.memory_space<vmem_shared>>
      %dma_start3A_752 = tpu.memref_squeeze %dma_start3A_751 : memref<1x6272xf32, #tpu.memory_space<vmem_shared>> -> memref<6272xf32, #tpu.memory_space<vmem_shared>>
      %dma_start3A_753 = arith.constant 0 : i32
      %dma_start3A_754 = tpu.memref_slice %arg11[%arg1, %dma_start3A_753] : memref<16x6272xf32, #tpu.memory_space<vmem_shared>> -> memref<1x6272xf32, #tpu.memory_space<vmem_shared>>
      %dma_start3A_755 = tpu.memref_squeeze %dma_start3A_754 : memref<1x6272xf32, #tpu.memory_space<vmem_shared>> -> memref<6272xf32, #tpu.memory_space<vmem_shared>>
      %dma_start3A_756 = tpu.memref_slice %arg5[%mul3A_582] : memref<100352xf32, #tpu.memory_space<vmem>> -> memref<6272xf32, #tpu.memory_space<vmem>>
      tpu.enqueue_dma source(%dma_start3A_756 : memref<6272xf32, #tpu.memory_space<vmem>>) target(%dma_start3A_755 : memref<6272xf32, #tpu.memory_space<vmem_shared>>) target_semaphore(%run_scoped3A : memref<!tpu.dma_semaphore, #tpu.memory_space<semaphore_mem>>)
      %dma_wait3A_757 = tpu.memref_slice %arg5[%mul3A_582] : memref<100352xf32, #tpu.memory_space<vmem>> -> memref<6272xf32, #tpu.memory_space<vmem>>
      %dma_wait3A_758 = arith.constant 0 : i32
      %dma_wait3A_759 = tpu.memref_slice %arg11[%arg1, %dma_wait3A_758] : memref<16x6272xf32, #tpu.memory_space<vmem_shared>> -> memref<1x6272xf32, #tpu.memory_space<vmem_shared>>
      %dma_wait3A_760 = tpu.memref_squeeze %dma_wait3A_759 : memref<1x6272xf32, #tpu.memory_space<vmem_shared>> -> memref<6272xf32, #tpu.memory_space<vmem_shared>>
      %dma_wait3A_761 = arith.constant 0 : i32
      %dma_wait3A_762 = tpu.memref_slice %arg11[%arg1, %dma_wait3A_761] : memref<16x6272xf32, #tpu.memory_space<vmem_shared>> -> memref<1x6272xf32, #tpu.memory_space<vmem_shared>>
      %dma_wait3A_763 = tpu.memref_squeeze %dma_wait3A_762 : memref<1x6272xf32, #tpu.memory_space<vmem_shared>> -> memref<6272xf32, #tpu.memory_space<vmem_shared>>
      %dma_wait3A_764 = tpu.memref_slice %arg5[%mul3A_582] : memref<100352xf32, #tpu.memory_space<vmem>> -> memref<6272xf32, #tpu.memory_space<vmem>>
      tpu.wait_dma2 semaphore(%run_scoped3A : memref<!tpu.dma_semaphore, #tpu.memory_space<semaphore_mem>>) src(%dma_wait3A_764 : memref<6272xf32, #tpu.memory_space<vmem>>) dst(%dma_wait3A_763 : memref<6272xf32, #tpu.memory_space<vmem_shared>>)
      tpu.yield
    }) : () -> ()
    %barrier3A_583 = arith.constant 0 : index
    tpu.barrier barrier_id(%barrier3A_583)
    %sub3A_584 = arith.constant 6 : i32
    %sub3A_585 = arith.subi %arg1, %sub3A_584 : i32
    %add3A_586 = arith.constant 16 : i32
    %add3A_587 = arith.addi %sub3A_585, %add3A_586 : i32
    %rem3A_588 = arith.constant 16 : i32
    %rem3A_589 = arith.remsi %add3A_587, %rem3A_588 : i32
    "tpu.region"() ({
      %run_scoped3A = tpu.sem_alloc : memref<!tpu.dma_semaphore, #tpu.memory_space<semaphore_mem>>
      %dma_start3A_749 = arith.constant 0 : i32
      %dma_start3A_750 = tpu.memref_slice %arg11[%rem3A_589, %dma_start3A_749] : memref<16x6272xf32, #tpu.memory_space<vmem_shared>> -> memref<1x6272xf32, #tpu.memory_space<vmem_shared>>
      %dma_start3A_751 = tpu.memref_squeeze %dma_start3A_750 : memref<1x6272xf32, #tpu.memory_space<vmem_shared>> -> memref<6272xf32, #tpu.memory_space<vmem_shared>>
      %dma_start3A_752 = arith.constant 0 : i32
      %dma_start3A_753 = tpu.memref_slice %arg11[%rem3A_589, %dma_start3A_752] : memref<16x6272xf32, #tpu.memory_space<vmem_shared>> -> memref<1x6272xf32, #tpu.memory_space<vmem_shared>>
      %dma_start3A_754 = tpu.memref_squeeze %dma_start3A_753 : memref<1x6272xf32, #tpu.memory_space<vmem_shared>> -> memref<6272xf32, #tpu.memory_space<vmem_shared>>
      tpu.enqueue_dma source(%dma_start3A_754 : memref<6272xf32, #tpu.memory_space<vmem_shared>>) target(%arg8 : memref<6272xf32, #tpu.memory_space<vmem>>) target_semaphore(%run_scoped3A : memref<!tpu.dma_semaphore, #tpu.memory_space<semaphore_mem>>)
      %dma_wait3A_755 = arith.constant 0 : i32
      %dma_wait3A_756 = tpu.memref_slice %arg11[%rem3A_589, %dma_wait3A_755] : memref<16x6272xf32, #tpu.memory_space<vmem_shared>> -> memref<1x6272xf32, #tpu.memory_space<vmem_shared>>
      %dma_wait3A_757 = tpu.memref_squeeze %dma_wait3A_756 : memref<1x6272xf32, #tpu.memory_space<vmem_shared>> -> memref<6272xf32, #tpu.memory_space<vmem_shared>>
      %dma_wait3A_758 = arith.constant 0 : i32
      %dma_wait3A_759 = tpu.memref_slice %arg11[%rem3A_589, %dma_wait3A_758] : memref<16x6272xf32, #tpu.memory_space<vmem_shared>> -> memref<1x6272xf32, #tpu.memory_space<vmem_shared>>
      %dma_wait3A_760 = tpu.memref_squeeze %dma_wait3A_759 : memref<1x6272xf32, #tpu.memory_space<vmem_shared>> -> memref<6272xf32, #tpu.memory_space<vmem_shared>>
      tpu.wait_dma2 semaphore(%run_scoped3A : memref<!tpu.dma_semaphore, #tpu.memory_space<semaphore_mem>>) src(%dma_wait3A_760 : memref<6272xf32, #tpu.memory_space<vmem_shared>>) dst(%arg8 : memref<6272xf32, #tpu.memory_space<vmem>>)
      tpu.yield
    }) : () -> ()
    %parallel_loop3A_590 = arith.constant 0 : i32
    %parallel_loop3A_591 = arith.constant 392 : i32
    %parallel_loop3A_592 = arith.constant 1 : i32
    scf.for %parallel_loop3A_749 = %parallel_loop3A_590 to %parallel_loop3A_591 step %parallel_loop3A_592  : i32 {
      %parallel_loop3A_750 = arith.constant 16 : i32
      %parallel_loop3A_751 = arith.muli %parallel_loop3A_749, %parallel_loop3A_750 : i32
      %parallel_loop3A_752 = arith.index_cast %parallel_loop3A_751 : i32 to index
      %parallel_loop3A_753 = tpu.vector_load %arg9[%parallel_loop3A_752] {strides = array<i32>} : memref<6272xf32, #tpu.memory_space<vmem>>, vector<16xf32>,
      %parallel_loop3A_754 = arith.index_cast %parallel_loop3A_751 : i32 to index
      %parallel_loop3A_755 = tpu.vector_load %arg8[%parallel_loop3A_754] {strides = array<i32>} : memref<6272xf32, #tpu.memory_space<vmem>>, vector<16xf32>,
      %parallel_loop3A_756 = arith.addf %parallel_loop3A_753, %parallel_loop3A_755 : vector<16xf32>
      %parallel_loop3A_757 = arith.index_cast %parallel_loop3A_751 : i32 to index
      %parallel_loop3A_758 = tpu.vector_load %arg9[%parallel_loop3A_757] {strides = array<i32>} : memref<6272xf32, #tpu.memory_space<vmem>>, vector<16xf32>,
      tpu.vector_store %arg9[%parallel_loop3A_757], %parallel_loop3A_756 {strides = array<i32>} : memref<6272xf32, #tpu.memory_space<vmem>>, vector<16xf32>,
    } {sc.loop_unroll_factor = 8 : i64, sc.parallel_access}
    %barrier3A_593 = arith.constant 0 : index
    tpu.barrier barrier_id(%barrier3A_593)
    %add3A_594 = arith.constant 7 : i32
    %add3A_595 = arith.addi %arg1, %add3A_594 : i32
    %rem3A_596 = arith.constant 16 : i32
    %rem3A_597 = arith.remsi %add3A_595, %rem3A_596 : i32
    %mul3A_598 = arith.constant 6272 : i32
    %mul3A_599 = arith.muli %rem3A_597, %mul3A_598 : i32
    "tpu.region"() ({
      %run_scoped3A = tpu.sem_alloc : memref<!tpu.dma_semaphore, #tpu.memory_space<semaphore_mem>>
      %dma_start3A_749 = tpu.memref_slice %arg5[%mul3A_599] : memref<100352xf32, #tpu.memory_space<vmem>> -> memref<6272xf32, #tpu.memory_space<vmem>>
      %dma_start3A_750 = arith.constant 0 : i32
      %dma_start3A_751 = tpu.memref_slice %arg11[%arg1, %dma_start3A_750] : memref<16x6272xf32, #tpu.memory_space<vmem_shared>> -> memref<1x6272xf32, #tpu.memory_space<vmem_shared>>
      %dma_start3A_752 = tpu.memref_squeeze %dma_start3A_751 : memref<1x6272xf32, #tpu.memory_space<vmem_shared>> -> memref<6272xf32, #tpu.memory_space<vmem_shared>>
      %dma_start3A_753 = arith.constant 0 : i32
      %dma_start3A_754 = tpu.memref_slice %arg11[%arg1, %dma_start3A_753] : memref<16x6272xf32, #tpu.memory_space<vmem_shared>> -> memref<1x6272xf32, #tpu.memory_space<vmem_shared>>
      %dma_start3A_755 = tpu.memref_squeeze %dma_start3A_754 : memref<1x6272xf32, #tpu.memory_space<vmem_shared>> -> memref<6272xf32, #tpu.memory_space<vmem_shared>>
      %dma_start3A_756 = tpu.memref_slice %arg5[%mul3A_599] : memref<100352xf32, #tpu.memory_space<vmem>> -> memref<6272xf32, #tpu.memory_space<vmem>>
      tpu.enqueue_dma source(%dma_start3A_756 : memref<6272xf32, #tpu.memory_space<vmem>>) target(%dma_start3A_755 : memref<6272xf32, #tpu.memory_space<vmem_shared>>) target_semaphore(%run_scoped3A : memref<!tpu.dma_semaphore, #tpu.memory_space<semaphore_mem>>)
      %dma_wait3A_757 = tpu.memref_slice %arg5[%mul3A_599] : memref<100352xf32, #tpu.memory_space<vmem>> -> memref<6272xf32, #tpu.memory_space<vmem>>
      %dma_wait3A_758 = arith.constant 0 : i32
      %dma_wait3A_759 = tpu.memref_slice %arg11[%arg1, %dma_wait3A_758] : memref<16x6272xf32, #tpu.memory_space<vmem_shared>> -> memref<1x6272xf32, #tpu.memory_space<vmem_shared>>
      %dma_wait3A_760 = tpu.memref_squeeze %dma_wait3A_759 : memref<1x6272xf32, #tpu.memory_space<vmem_shared>> -> memref<6272xf32, #tpu.memory_space<vmem_shared>>
      %dma_wait3A_761 = arith.constant 0 : i32
      %dma_wait3A_762 = tpu.memref_slice %arg11[%arg1, %dma_wait3A_761] : memref<16x6272xf32, #tpu.memory_space<vmem_shared>> -> memref<1x6272xf32, #tpu.memory_space<vmem_shared>>
      %dma_wait3A_763 = tpu.memref_squeeze %dma_wait3A_762 : memref<1x6272xf32, #tpu.memory_space<vmem_shared>> -> memref<6272xf32, #tpu.memory_space<vmem_shared>>
      %dma_wait3A_764 = tpu.memref_slice %arg5[%mul3A_599] : memref<100352xf32, #tpu.memory_space<vmem>> -> memref<6272xf32, #tpu.memory_space<vmem>>
      tpu.wait_dma2 semaphore(%run_scoped3A : memref<!tpu.dma_semaphore, #tpu.memory_space<semaphore_mem>>) src(%dma_wait3A_764 : memref<6272xf32, #tpu.memory_space<vmem>>) dst(%dma_wait3A_763 : memref<6272xf32, #tpu.memory_space<vmem_shared>>)
      tpu.yield
    }) : () -> ()
    %barrier3A_600 = arith.constant 0 : index
    tpu.barrier barrier_id(%barrier3A_600)
    %sub3A_601 = arith.constant 7 : i32
    %sub3A_602 = arith.subi %arg1, %sub3A_601 : i32
    %add3A_603 = arith.constant 16 : i32
    %add3A_604 = arith.addi %sub3A_602, %add3A_603 : i32
    %rem3A_605 = arith.constant 16 : i32
    %rem3A_606 = arith.remsi %add3A_604, %rem3A_605 : i32
    "tpu.region"() ({
      %run_scoped3A = tpu.sem_alloc : memref<!tpu.dma_semaphore, #tpu.memory_space<semaphore_mem>>
      %dma_start3A_749 = arith.constant 0 : i32
      %dma_start3A_750 = tpu.memref_slice %arg11[%rem3A_606, %dma_start3A_749] : memref<16x6272xf32, #tpu.memory_space<vmem_shared>> -> memref<1x6272xf32, #tpu.memory_space<vmem_shared>>
      %dma_start3A_751 = tpu.memref_squeeze %dma_start3A_750 : memref<1x6272xf32, #tpu.memory_space<vmem_shared>> -> memref<6272xf32, #tpu.memory_space<vmem_shared>>
      %dma_start3A_752 = arith.constant 0 : i32
      %dma_start3A_753 = tpu.memref_slice %arg11[%rem3A_606, %dma_start3A_752] : memref<16x6272xf32, #tpu.memory_space<vmem_shared>> -> memref<1x6272xf32, #tpu.memory_space<vmem_shared>>
      %dma_start3A_754 = tpu.memref_squeeze %dma_start3A_753 : memref<1x6272xf32, #tpu.memory_space<vmem_shared>> -> memref<6272xf32, #tpu.memory_space<vmem_shared>>
      tpu.enqueue_dma source(%dma_start3A_754 : memref<6272xf32, #tpu.memory_space<vmem_shared>>) target(%arg8 : memref<6272xf32, #tpu.memory_space<vmem>>) target_semaphore(%run_scoped3A : memref<!tpu.dma_semaphore, #tpu.memory_space<semaphore_mem>>)
      %dma_wait3A_755 = arith.constant 0 : i32
      %dma_wait3A_756 = tpu.memref_slice %arg11[%rem3A_606, %dma_wait3A_755] : memref<16x6272xf32, #tpu.memory_space<vmem_shared>> -> memref<1x6272xf32, #tpu.memory_space<vmem_shared>>
      %dma_wait3A_757 = tpu.memref_squeeze %dma_wait3A_756 : memref<1x6272xf32, #tpu.memory_space<vmem_shared>> -> memref<6272xf32, #tpu.memory_space<vmem_shared>>
      %dma_wait3A_758 = arith.constant 0 : i32
      %dma_wait3A_759 = tpu.memref_slice %arg11[%rem3A_606, %dma_wait3A_758] : memref<16x6272xf32, #tpu.memory_space<vmem_shared>> -> memref<1x6272xf32, #tpu.memory_space<vmem_shared>>
      %dma_wait3A_760 = tpu.memref_squeeze %dma_wait3A_759 : memref<1x6272xf32, #tpu.memory_space<vmem_shared>> -> memref<6272xf32, #tpu.memory_space<vmem_shared>>
      tpu.wait_dma2 semaphore(%run_scoped3A : memref<!tpu.dma_semaphore, #tpu.memory_space<semaphore_mem>>) src(%dma_wait3A_760 : memref<6272xf32, #tpu.memory_space<vmem_shared>>) dst(%arg8 : memref<6272xf32, #tpu.memory_space<vmem>>)
      tpu.yield
    }) : () -> ()
    %parallel_loop3A_607 = arith.constant 0 : i32
    %parallel_loop3A_608 = arith.constant 392 : i32
    %parallel_loop3A_609 = arith.constant 1 : i32
    scf.for %parallel_loop3A_749 = %parallel_loop3A_607 to %parallel_loop3A_608 step %parallel_loop3A_609  : i32 {
      %parallel_loop3A_750 = arith.constant 16 : i32
      %parallel_loop3A_751 = arith.muli %parallel_loop3A_749, %parallel_loop3A_750 : i32
      %parallel_loop3A_752 = arith.index_cast %parallel_loop3A_751 : i32 to index
      %parallel_loop3A_753 = tpu.vector_load %arg9[%parallel_loop3A_752] {strides = array<i32>} : memref<6272xf32, #tpu.memory_space<vmem>>, vector<16xf32>,
      %parallel_loop3A_754 = arith.index_cast %parallel_loop3A_751 : i32 to index
      %parallel_loop3A_755 = tpu.vector_load %arg8[%parallel_loop3A_754] {strides = array<i32>} : memref<6272xf32, #tpu.memory_space<vmem>>, vector<16xf32>,
      %parallel_loop3A_756 = arith.addf %parallel_loop3A_753, %parallel_loop3A_755 : vector<16xf32>
      %parallel_loop3A_757 = arith.index_cast %parallel_loop3A_751 : i32 to index
      %parallel_loop3A_758 = tpu.vector_load %arg9[%parallel_loop3A_757] {strides = array<i32>} : memref<6272xf32, #tpu.memory_space<vmem>>, vector<16xf32>,
      tpu.vector_store %arg9[%parallel_loop3A_757], %parallel_loop3A_756 {strides = array<i32>} : memref<6272xf32, #tpu.memory_space<vmem>>, vector<16xf32>,
    } {sc.loop_unroll_factor = 8 : i64, sc.parallel_access}
    %barrier3A_610 = arith.constant 0 : index
    tpu.barrier barrier_id(%barrier3A_610)
    %add3A_611 = arith.constant 8 : i32
    %add3A_612 = arith.addi %arg1, %add3A_611 : i32
    %rem3A_613 = arith.constant 16 : i32
    %rem3A_614 = arith.remsi %add3A_612, %rem3A_613 : i32
    %mul3A_615 = arith.constant 6272 : i32
    %mul3A_616 = arith.muli %rem3A_614, %mul3A_615 : i32
    "tpu.region"() ({
      %run_scoped3A = tpu.sem_alloc : memref<!tpu.dma_semaphore, #tpu.memory_space<semaphore_mem>>
      %dma_start3A_749 = tpu.memref_slice %arg5[%mul3A_616] : memref<100352xf32, #tpu.memory_space<vmem>> -> memref<6272xf32, #tpu.memory_space<vmem>>
      %dma_start3A_750 = arith.constant 0 : i32
      %dma_start3A_751 = tpu.memref_slice %arg11[%arg1, %dma_start3A_750] : memref<16x6272xf32, #tpu.memory_space<vmem_shared>> -> memref<1x6272xf32, #tpu.memory_space<vmem_shared>>
      %dma_start3A_752 = tpu.memref_squeeze %dma_start3A_751 : memref<1x6272xf32, #tpu.memory_space<vmem_shared>> -> memref<6272xf32, #tpu.memory_space<vmem_shared>>
      %dma_start3A_753 = arith.constant 0 : i32
      %dma_start3A_754 = tpu.memref_slice %arg11[%arg1, %dma_start3A_753] : memref<16x6272xf32, #tpu.memory_space<vmem_shared>> -> memref<1x6272xf32, #tpu.memory_space<vmem_shared>>
      %dma_start3A_755 = tpu.memref_squeeze %dma_start3A_754 : memref<1x6272xf32, #tpu.memory_space<vmem_shared>> -> memref<6272xf32, #tpu.memory_space<vmem_shared>>
      %dma_start3A_756 = tpu.memref_slice %arg5[%mul3A_616] : memref<100352xf32, #tpu.memory_space<vmem>> -> memref<6272xf32, #tpu.memory_space<vmem>>
      tpu.enqueue_dma source(%dma_start3A_756 : memref<6272xf32, #tpu.memory_space<vmem>>) target(%dma_start3A_755 : memref<6272xf32, #tpu.memory_space<vmem_shared>>) target_semaphore(%run_scoped3A : memref<!tpu.dma_semaphore, #tpu.memory_space<semaphore_mem>>)
      %dma_wait3A_757 = tpu.memref_slice %arg5[%mul3A_616] : memref<100352xf32, #tpu.memory_space<vmem>> -> memref<6272xf32, #tpu.memory_space<vmem>>
      %dma_wait3A_758 = arith.constant 0 : i32
      %dma_wait3A_759 = tpu.memref_slice %arg11[%arg1, %dma_wait3A_758] : memref<16x6272xf32, #tpu.memory_space<vmem_shared>> -> memref<1x6272xf32, #tpu.memory_space<vmem_shared>>
      %dma_wait3A_760 = tpu.memref_squeeze %dma_wait3A_759 : memref<1x6272xf32, #tpu.memory_space<vmem_shared>> -> memref<6272xf32, #tpu.memory_space<vmem_shared>>
      %dma_wait3A_761 = arith.constant 0 : i32
      %dma_wait3A_762 = tpu.memref_slice %arg11[%arg1, %dma_wait3A_761] : memref<16x6272xf32, #tpu.memory_space<vmem_shared>> -> memref<1x6272xf32, #tpu.memory_space<vmem_shared>>
      %dma_wait3A_763 = tpu.memref_squeeze %dma_wait3A_762 : memref<1x6272xf32, #tpu.memory_space<vmem_shared>> -> memref<6272xf32, #tpu.memory_space<vmem_shared>>
      %dma_wait3A_764 = tpu.memref_slice %arg5[%mul3A_616] : memref<100352xf32, #tpu.memory_space<vmem>> -> memref<6272xf32, #tpu.memory_space<vmem>>
      tpu.wait_dma2 semaphore(%run_scoped3A : memref<!tpu.dma_semaphore, #tpu.memory_space<semaphore_mem>>) src(%dma_wait3A_764 : memref<6272xf32, #tpu.memory_space<vmem>>) dst(%dma_wait3A_763 : memref<6272xf32, #tpu.memory_space<vmem_shared>>)
      tpu.yield
    }) : () -> ()
    %barrier3A_617 = arith.constant 0 : index
    tpu.barrier barrier_id(%barrier3A_617)
    %sub3A_618 = arith.constant 8 : i32
    %sub3A_619 = arith.subi %arg1, %sub3A_618 : i32
    %add3A_620 = arith.constant 16 : i32
    %add3A_621 = arith.addi %sub3A_619, %add3A_620 : i32
    %rem3A_622 = arith.constant 16 : i32
    %rem3A_623 = arith.remsi %add3A_621, %rem3A_622 : i32
    "tpu.region"() ({
      %run_scoped3A = tpu.sem_alloc : memref<!tpu.dma_semaphore, #tpu.memory_space<semaphore_mem>>
      %dma_start3A_749 = arith.constant 0 : i32
      %dma_start3A_750 = tpu.memref_slice %arg11[%rem3A_623, %dma_start3A_749] : memref<16x6272xf32, #tpu.memory_space<vmem_shared>> -> memref<1x6272xf32, #tpu.memory_space<vmem_shared>>
      %dma_start3A_751 = tpu.memref_squeeze %dma_start3A_750 : memref<1x6272xf32, #tpu.memory_space<vmem_shared>> -> memref<6272xf32, #tpu.memory_space<vmem_shared>>
      %dma_start3A_752 = arith.constant 0 : i32
      %dma_start3A_753 = tpu.memref_slice %arg11[%rem3A_623, %dma_start3A_752] : memref<16x6272xf32, #tpu.memory_space<vmem_shared>> -> memref<1x6272xf32, #tpu.memory_space<vmem_shared>>
      %dma_start3A_754 = tpu.memref_squeeze %dma_start3A_753 : memref<1x6272xf32, #tpu.memory_space<vmem_shared>> -> memref<6272xf32, #tpu.memory_space<vmem_shared>>
      tpu.enqueue_dma source(%dma_start3A_754 : memref<6272xf32, #tpu.memory_space<vmem_shared>>) target(%arg8 : memref<6272xf32, #tpu.memory_space<vmem>>) target_semaphore(%run_scoped3A : memref<!tpu.dma_semaphore, #tpu.memory_space<semaphore_mem>>)
      %dma_wait3A_755 = arith.constant 0 : i32
      %dma_wait3A_756 = tpu.memref_slice %arg11[%rem3A_623, %dma_wait3A_755] : memref<16x6272xf32, #tpu.memory_space<vmem_shared>> -> memref<1x6272xf32, #tpu.memory_space<vmem_shared>>
      %dma_wait3A_757 = tpu.memref_squeeze %dma_wait3A_756 : memref<1x6272xf32, #tpu.memory_space<vmem_shared>> -> memref<6272xf32, #tpu.memory_space<vmem_shared>>
      %dma_wait3A_758 = arith.constant 0 : i32
      %dma_wait3A_759 = tpu.memref_slice %arg11[%rem3A_623, %dma_wait3A_758] : memref<16x6272xf32, #tpu.memory_space<vmem_shared>> -> memref<1x6272xf32, #tpu.memory_space<vmem_shared>>
      %dma_wait3A_760 = tpu.memref_squeeze %dma_wait3A_759 : memref<1x6272xf32, #tpu.memory_space<vmem_shared>> -> memref<6272xf32, #tpu.memory_space<vmem_shared>>
      tpu.wait_dma2 semaphore(%run_scoped3A : memref<!tpu.dma_semaphore, #tpu.memory_space<semaphore_mem>>) src(%dma_wait3A_760 : memref<6272xf32, #tpu.memory_space<vmem_shared>>) dst(%arg8 : memref<6272xf32, #tpu.memory_space<vmem>>)
      tpu.yield
    }) : () -> ()
    %parallel_loop3A_624 = arith.constant 0 : i32
    %parallel_loop3A_625 = arith.constant 392 : i32
    %parallel_loop3A_626 = arith.constant 1 : i32
    scf.for %parallel_loop3A_749 = %parallel_loop3A_624 to %parallel_loop3A_625 step %parallel_loop3A_626  : i32 {
      %parallel_loop3A_750 = arith.constant 16 : i32
      %parallel_loop3A_751 = arith.muli %parallel_loop3A_749, %parallel_loop3A_750 : i32
      %parallel_loop3A_752 = arith.index_cast %parallel_loop3A_751 : i32 to index
      %parallel_loop3A_753 = tpu.vector_load %arg9[%parallel_loop3A_752] {strides = array<i32>} : memref<6272xf32, #tpu.memory_space<vmem>>, vector<16xf32>,
      %parallel_loop3A_754 = arith.index_cast %parallel_loop3A_751 : i32 to index
      %parallel_loop3A_755 = tpu.vector_load %arg8[%parallel_loop3A_754] {strides = array<i32>} : memref<6272xf32, #tpu.memory_space<vmem>>, vector<16xf32>,
      %parallel_loop3A_756 = arith.addf %parallel_loop3A_753, %parallel_loop3A_755 : vector<16xf32>
      %parallel_loop3A_757 = arith.index_cast %parallel_loop3A_751 : i32 to index
      %parallel_loop3A_758 = tpu.vector_load %arg9[%parallel_loop3A_757] {strides = array<i32>} : memref<6272xf32, #tpu.memory_space<vmem>>, vector<16xf32>,
      tpu.vector_store %arg9[%parallel_loop3A_757], %parallel_loop3A_756 {strides = array<i32>} : memref<6272xf32, #tpu.memory_space<vmem>>, vector<16xf32>,
    } {sc.loop_unroll_factor = 8 : i64, sc.parallel_access}
    %barrier3A_627 = arith.constant 0 : index
    tpu.barrier barrier_id(%barrier3A_627)
    %add3A_628 = arith.constant 9 : i32
    %add3A_629 = arith.addi %arg1, %add3A_628 : i32
    %rem3A_630 = arith.constant 16 : i32
    %rem3A_631 = arith.remsi %add3A_629, %rem3A_630 : i32
    %mul3A_632 = arith.constant 6272 : i32
    %mul3A_633 = arith.muli %rem3A_631, %mul3A_632 : i32
    "tpu.region"() ({
      %run_scoped3A = tpu.sem_alloc : memref<!tpu.dma_semaphore, #tpu.memory_space<semaphore_mem>>
      %dma_start3A_749 = tpu.memref_slice %arg5[%mul3A_633] : memref<100352xf32, #tpu.memory_space<vmem>> -> memref<6272xf32, #tpu.memory_space<vmem>>
      %dma_start3A_750 = arith.constant 0 : i32
      %dma_start3A_751 = tpu.memref_slice %arg11[%arg1, %dma_start3A_750] : memref<16x6272xf32, #tpu.memory_space<vmem_shared>> -> memref<1x6272xf32, #tpu.memory_space<vmem_shared>>
      %dma_start3A_752 = tpu.memref_squeeze %dma_start3A_751 : memref<1x6272xf32, #tpu.memory_space<vmem_shared>> -> memref<6272xf32, #tpu.memory_space<vmem_shared>>
      %dma_start3A_753 = arith.constant 0 : i32
      %dma_start3A_754 = tpu.memref_slice %arg11[%arg1, %dma_start3A_753] : memref<16x6272xf32, #tpu.memory_space<vmem_shared>> -> memref<1x6272xf32, #tpu.memory_space<vmem_shared>>
      %dma_start3A_755 = tpu.memref_squeeze %dma_start3A_754 : memref<1x6272xf32, #tpu.memory_space<vmem_shared>> -> memref<6272xf32, #tpu.memory_space<vmem_shared>>
      %dma_start3A_756 = tpu.memref_slice %arg5[%mul3A_633] : memref<100352xf32, #tpu.memory_space<vmem>> -> memref<6272xf32, #tpu.memory_space<vmem>>
      tpu.enqueue_dma source(%dma_start3A_756 : memref<6272xf32, #tpu.memory_space<vmem>>) target(%dma_start3A_755 : memref<6272xf32, #tpu.memory_space<vmem_shared>>) target_semaphore(%run_scoped3A : memref<!tpu.dma_semaphore, #tpu.memory_space<semaphore_mem>>)
      %dma_wait3A_757 = tpu.memref_slice %arg5[%mul3A_633] : memref<100352xf32, #tpu.memory_space<vmem>> -> memref<6272xf32, #tpu.memory_space<vmem>>
      %dma_wait3A_758 = arith.constant 0 : i32
      %dma_wait3A_759 = tpu.memref_slice %arg11[%arg1, %dma_wait3A_758] : memref<16x6272xf32, #tpu.memory_space<vmem_shared>> -> memref<1x6272xf32, #tpu.memory_space<vmem_shared>>
      %dma_wait3A_760 = tpu.memref_squeeze %dma_wait3A_759 : memref<1x6272xf32, #tpu.memory_space<vmem_shared>> -> memref<6272xf32, #tpu.memory_space<vmem_shared>>
      %dma_wait3A_761 = arith.constant 0 : i32
      %dma_wait3A_762 = tpu.memref_slice %arg11[%arg1, %dma_wait3A_761] : memref<16x6272xf32, #tpu.memory_space<vmem_shared>> -> memref<1x6272xf32, #tpu.memory_space<vmem_shared>>
      %dma_wait3A_763 = tpu.memref_squeeze %dma_wait3A_762 : memref<1x6272xf32, #tpu.memory_space<vmem_shared>> -> memref<6272xf32, #tpu.memory_space<vmem_shared>>
      %dma_wait3A_764 = tpu.memref_slice %arg5[%mul3A_633] : memref<100352xf32, #tpu.memory_space<vmem>> -> memref<6272xf32, #tpu.memory_space<vmem>>
      tpu.wait_dma2 semaphore(%run_scoped3A : memref<!tpu.dma_semaphore, #tpu.memory_space<semaphore_mem>>) src(%dma_wait3A_764 : memref<6272xf32, #tpu.memory_space<vmem>>) dst(%dma_wait3A_763 : memref<6272xf32, #tpu.memory_space<vmem_shared>>)
      tpu.yield
    }) : () -> ()
    %barrier3A_634 = arith.constant 0 : index
    tpu.barrier barrier_id(%barrier3A_634)
    %sub3A_635 = arith.constant 9 : i32
    %sub3A_636 = arith.subi %arg1, %sub3A_635 : i32
    %add3A_637 = arith.constant 16 : i32
    %add3A_638 = arith.addi %sub3A_636, %add3A_637 : i32
    %rem3A_639 = arith.constant 16 : i32
    %rem3A_640 = arith.remsi %add3A_638, %rem3A_639 : i32
    "tpu.region"() ({
      %run_scoped3A = tpu.sem_alloc : memref<!tpu.dma_semaphore, #tpu.memory_space<semaphore_mem>>
      %dma_start3A_749 = arith.constant 0 : i32
      %dma_start3A_750 = tpu.memref_slice %arg11[%rem3A_640, %dma_start3A_749] : memref<16x6272xf32, #tpu.memory_space<vmem_shared>> -> memref<1x6272xf32, #tpu.memory_space<vmem_shared>>
      %dma_start3A_751 = tpu.memref_squeeze %dma_start3A_750 : memref<1x6272xf32, #tpu.memory_space<vmem_shared>> -> memref<6272xf32, #tpu.memory_space<vmem_shared>>
      %dma_start3A_752 = arith.constant 0 : i32
      %dma_start3A_753 = tpu.memref_slice %arg11[%rem3A_640, %dma_start3A_752] : memref<16x6272xf32, #tpu.memory_space<vmem_shared>> -> memref<1x6272xf32, #tpu.memory_space<vmem_shared>>
      %dma_start3A_754 = tpu.memref_squeeze %dma_start3A_753 : memref<1x6272xf32, #tpu.memory_space<vmem_shared>> -> memref<6272xf32, #tpu.memory_space<vmem_shared>>
      tpu.enqueue_dma source(%dma_start3A_754 : memref<6272xf32, #tpu.memory_space<vmem_shared>>) target(%arg8 : memref<6272xf32, #tpu.memory_space<vmem>>) target_semaphore(%run_scoped3A : memref<!tpu.dma_semaphore, #tpu.memory_space<semaphore_mem>>)
      %dma_wait3A_755 = arith.constant 0 : i32
      %dma_wait3A_756 = tpu.memref_slice %arg11[%rem3A_640, %dma_wait3A_755] : memref<16x6272xf32, #tpu.memory_space<vmem_shared>> -> memref<1x6272xf32, #tpu.memory_space<vmem_shared>>
      %dma_wait3A_757 = tpu.memref_squeeze %dma_wait3A_756 : memref<1x6272xf32, #tpu.memory_space<vmem_shared>> -> memref<6272xf32, #tpu.memory_space<vmem_shared>>
      %dma_wait3A_758 = arith.constant 0 : i32
      %dma_wait3A_759 = tpu.memref_slice %arg11[%rem3A_640, %dma_wait3A_758] : memref<16x6272xf32, #tpu.memory_space<vmem_shared>> -> memref<1x6272xf32, #tpu.memory_space<vmem_shared>>
      %dma_wait3A_760 = tpu.memref_squeeze %dma_wait3A_759 : memref<1x6272xf32, #tpu.memory_space<vmem_shared>> -> memref<6272xf32, #tpu.memory_space<vmem_shared>>
      tpu.wait_dma2 semaphore(%run_scoped3A : memref<!tpu.dma_semaphore, #tpu.memory_space<semaphore_mem>>) src(%dma_wait3A_760 : memref<6272xf32, #tpu.memory_space<vmem_shared>>) dst(%arg8 : memref<6272xf32, #tpu.memory_space<vmem>>)
      tpu.yield
    }) : () -> ()
    %parallel_loop3A_641 = arith.constant 0 : i32
    %parallel_loop3A_642 = arith.constant 392 : i32
    %parallel_loop3A_643 = arith.constant 1 : i32
    scf.for %parallel_loop3A_749 = %parallel_loop3A_641 to %parallel_loop3A_642 step %parallel_loop3A_643  : i32 {
      %parallel_loop3A_750 = arith.constant 16 : i32
      %parallel_loop3A_751 = arith.muli %parallel_loop3A_749, %parallel_loop3A_750 : i32
      %parallel_loop3A_752 = arith.index_cast %parallel_loop3A_751 : i32 to index
      %parallel_loop3A_753 = tpu.vector_load %arg9[%parallel_loop3A_752] {strides = array<i32>} : memref<6272xf32, #tpu.memory_space<vmem>>, vector<16xf32>,
      %parallel_loop3A_754 = arith.index_cast %parallel_loop3A_751 : i32 to index
      %parallel_loop3A_755 = tpu.vector_load %arg8[%parallel_loop3A_754] {strides = array<i32>} : memref<6272xf32, #tpu.memory_space<vmem>>, vector<16xf32>,
      %parallel_loop3A_756 = arith.addf %parallel_loop3A_753, %parallel_loop3A_755 : vector<16xf32>
      %parallel_loop3A_757 = arith.index_cast %parallel_loop3A_751 : i32 to index
      %parallel_loop3A_758 = tpu.vector_load %arg9[%parallel_loop3A_757] {strides = array<i32>} : memref<6272xf32, #tpu.memory_space<vmem>>, vector<16xf32>,
      tpu.vector_store %arg9[%parallel_loop3A_757], %parallel_loop3A_756 {strides = array<i32>} : memref<6272xf32, #tpu.memory_space<vmem>>, vector<16xf32>,
    } {sc.loop_unroll_factor = 8 : i64, sc.parallel_access}
    %barrier3A_644 = arith.constant 0 : index
    tpu.barrier barrier_id(%barrier3A_644)
    %add3A_645 = arith.constant 10 : i32
    %add3A_646 = arith.addi %arg1, %add3A_645 : i32
    %rem3A_647 = arith.constant 16 : i32
    %rem3A_648 = arith.remsi %add3A_646, %rem3A_647 : i32
    %mul3A_649 = arith.constant 6272 : i32
    %mul3A_650 = arith.muli %rem3A_648, %mul3A_649 : i32
    "tpu.region"() ({
      %run_scoped3A = tpu.sem_alloc : memref<!tpu.dma_semaphore, #tpu.memory_space<semaphore_mem>>
      %dma_start3A_749 = tpu.memref_slice %arg5[%mul3A_650] : memref<100352xf32, #tpu.memory_space<vmem>> -> memref<6272xf32, #tpu.memory_space<vmem>>
      %dma_start3A_750 = arith.constant 0 : i32
      %dma_start3A_751 = tpu.memref_slice %arg11[%arg1, %dma_start3A_750] : memref<16x6272xf32, #tpu.memory_space<vmem_shared>> -> memref<1x6272xf32, #tpu.memory_space<vmem_shared>>
      %dma_start3A_752 = tpu.memref_squeeze %dma_start3A_751 : memref<1x6272xf32, #tpu.memory_space<vmem_shared>> -> memref<6272xf32, #tpu.memory_space<vmem_shared>>
      %dma_start3A_753 = arith.constant 0 : i32
      %dma_start3A_754 = tpu.memref_slice %arg11[%arg1, %dma_start3A_753] : memref<16x6272xf32, #tpu.memory_space<vmem_shared>> -> memref<1x6272xf32, #tpu.memory_space<vmem_shared>>
      %dma_start3A_755 = tpu.memref_squeeze %dma_start3A_754 : memref<1x6272xf32, #tpu.memory_space<vmem_shared>> -> memref<6272xf32, #tpu.memory_space<vmem_shared>>
      %dma_start3A_756 = tpu.memref_slice %arg5[%mul3A_650] : memref<100352xf32, #tpu.memory_space<vmem>> -> memref<6272xf32, #tpu.memory_space<vmem>>
      tpu.enqueue_dma source(%dma_start3A_756 : memref<6272xf32, #tpu.memory_space<vmem>>) target(%dma_start3A_755 : memref<6272xf32, #tpu.memory_space<vmem_shared>>) target_semaphore(%run_scoped3A : memref<!tpu.dma_semaphore, #tpu.memory_space<semaphore_mem>>)
      %dma_wait3A_757 = tpu.memref_slice %arg5[%mul3A_650] : memref<100352xf32, #tpu.memory_space<vmem>> -> memref<6272xf32, #tpu.memory_space<vmem>>
      %dma_wait3A_758 = arith.constant 0 : i32
      %dma_wait3A_759 = tpu.memref_slice %arg11[%arg1, %dma_wait3A_758] : memref<16x6272xf32, #tpu.memory_space<vmem_shared>> -> memref<1x6272xf32, #tpu.memory_space<vmem_shared>>
      %dma_wait3A_760 = tpu.memref_squeeze %dma_wait3A_759 : memref<1x6272xf32, #tpu.memory_space<vmem_shared>> -> memref<6272xf32, #tpu.memory_space<vmem_shared>>
      %dma_wait3A_761 = arith.constant 0 : i32
      %dma_wait3A_762 = tpu.memref_slice %arg11[%arg1, %dma_wait3A_761] : memref<16x6272xf32, #tpu.memory_space<vmem_shared>> -> memref<1x6272xf32, #tpu.memory_space<vmem_shared>>
      %dma_wait3A_763 = tpu.memref_squeeze %dma_wait3A_762 : memref<1x6272xf32, #tpu.memory_space<vmem_shared>> -> memref<6272xf32, #tpu.memory_space<vmem_shared>>
      %dma_wait3A_764 = tpu.memref_slice %arg5[%mul3A_650] : memref<100352xf32, #tpu.memory_space<vmem>> -> memref<6272xf32, #tpu.memory_space<vmem>>
      tpu.wait_dma2 semaphore(%run_scoped3A : memref<!tpu.dma_semaphore, #tpu.memory_space<semaphore_mem>>) src(%dma_wait3A_764 : memref<6272xf32, #tpu.memory_space<vmem>>) dst(%dma_wait3A_763 : memref<6272xf32, #tpu.memory_space<vmem_shared>>)
      tpu.yield
    }) : () -> ()
    %barrier3A_651 = arith.constant 0 : index
    tpu.barrier barrier_id(%barrier3A_651)
    %sub3A_652 = arith.constant 10 : i32
    %sub3A_653 = arith.subi %arg1, %sub3A_652 : i32
    %add3A_654 = arith.constant 16 : i32
    %add3A_655 = arith.addi %sub3A_653, %add3A_654 : i32
    %rem3A_656 = arith.constant 16 : i32
    %rem3A_657 = arith.remsi %add3A_655, %rem3A_656 : i32
    "tpu.region"() ({
      %run_scoped3A = tpu.sem_alloc : memref<!tpu.dma_semaphore, #tpu.memory_space<semaphore_mem>>
      %dma_start3A_749 = arith.constant 0 : i32
      %dma_start3A_750 = tpu.memref_slice %arg11[%rem3A_657, %dma_start3A_749] : memref<16x6272xf32, #tpu.memory_space<vmem_shared>> -> memref<1x6272xf32, #tpu.memory_space<vmem_shared>>
      %dma_start3A_751 = tpu.memref_squeeze %dma_start3A_750 : memref<1x6272xf32, #tpu.memory_space<vmem_shared>> -> memref<6272xf32, #tpu.memory_space<vmem_shared>>
      %dma_start3A_752 = arith.constant 0 : i32
      %dma_start3A_753 = tpu.memref_slice %arg11[%rem3A_657, %dma_start3A_752] : memref<16x6272xf32, #tpu.memory_space<vmem_shared>> -> memref<1x6272xf32, #tpu.memory_space<vmem_shared>>
      %dma_start3A_754 = tpu.memref_squeeze %dma_start3A_753 : memref<1x6272xf32, #tpu.memory_space<vmem_shared>> -> memref<6272xf32, #tpu.memory_space<vmem_shared>>
      tpu.enqueue_dma source(%dma_start3A_754 : memref<6272xf32, #tpu.memory_space<vmem_shared>>) target(%arg8 : memref<6272xf32, #tpu.memory_space<vmem>>) target_semaphore(%run_scoped3A : memref<!tpu.dma_semaphore, #tpu.memory_space<semaphore_mem>>)
      %dma_wait3A_755 = arith.constant 0 : i32
      %dma_wait3A_756 = tpu.memref_slice %arg11[%rem3A_657, %dma_wait3A_755] : memref<16x6272xf32, #tpu.memory_space<vmem_shared>> -> memref<1x6272xf32, #tpu.memory_space<vmem_shared>>
      %dma_wait3A_757 = tpu.memref_squeeze %dma_wait3A_756 : memref<1x6272xf32, #tpu.memory_space<vmem_shared>> -> memref<6272xf32, #tpu.memory_space<vmem_shared>>
      %dma_wait3A_758 = arith.constant 0 : i32
      %dma_wait3A_759 = tpu.memref_slice %arg11[%rem3A_657, %dma_wait3A_758] : memref<16x6272xf32, #tpu.memory_space<vmem_shared>> -> memref<1x6272xf32, #tpu.memory_space<vmem_shared>>
      %dma_wait3A_760 = tpu.memref_squeeze %dma_wait3A_759 : memref<1x6272xf32, #tpu.memory_space<vmem_shared>> -> memref<6272xf32, #tpu.memory_space<vmem_shared>>
      tpu.wait_dma2 semaphore(%run_scoped3A : memref<!tpu.dma_semaphore, #tpu.memory_space<semaphore_mem>>) src(%dma_wait3A_760 : memref<6272xf32, #tpu.memory_space<vmem_shared>>) dst(%arg8 : memref<6272xf32, #tpu.memory_space<vmem>>)
      tpu.yield
    }) : () -> ()
    %parallel_loop3A_658 = arith.constant 0 : i32
    %parallel_loop3A_659 = arith.constant 392 : i32
    %parallel_loop3A_660 = arith.constant 1 : i32
    scf.for %parallel_loop3A_749 = %parallel_loop3A_658 to %parallel_loop3A_659 step %parallel_loop3A_660  : i32 {
      %parallel_loop3A_750 = arith.constant 16 : i32
      %parallel_loop3A_751 = arith.muli %parallel_loop3A_749, %parallel_loop3A_750 : i32
      %parallel_loop3A_752 = arith.index_cast %parallel_loop3A_751 : i32 to index
      %parallel_loop3A_753 = tpu.vector_load %arg9[%parallel_loop3A_752] {strides = array<i32>} : memref<6272xf32, #tpu.memory_space<vmem>>, vector<16xf32>,
      %parallel_loop3A_754 = arith.index_cast %parallel_loop3A_751 : i32 to index
      %parallel_loop3A_755 = tpu.vector_load %arg8[%parallel_loop3A_754] {strides = array<i32>} : memref<6272xf32, #tpu.memory_space<vmem>>, vector<16xf32>,
      %parallel_loop3A_756 = arith.addf %parallel_loop3A_753, %parallel_loop3A_755 : vector<16xf32>
      %parallel_loop3A_757 = arith.index_cast %parallel_loop3A_751 : i32 to index
      %parallel_loop3A_758 = tpu.vector_load %arg9[%parallel_loop3A_757] {strides = array<i32>} : memref<6272xf32, #tpu.memory_space<vmem>>, vector<16xf32>,
      tpu.vector_store %arg9[%parallel_loop3A_757], %parallel_loop3A_756 {strides = array<i32>} : memref<6272xf32, #tpu.memory_space<vmem>>, vector<16xf32>,
    } {sc.loop_unroll_factor = 8 : i64, sc.parallel_access}
    %barrier3A_661 = arith.constant 0 : index
    tpu.barrier barrier_id(%barrier3A_661)
    %add3A_662 = arith.constant 11 : i32
    %add3A_663 = arith.addi %arg1, %add3A_662 : i32
    %rem3A_664 = arith.constant 16 : i32
    %rem3A_665 = arith.remsi %add3A_663, %rem3A_664 : i32
    %mul3A_666 = arith.constant 6272 : i32
    %mul3A_667 = arith.muli %rem3A_665, %mul3A_666 : i32
    "tpu.region"() ({
      %run_scoped3A = tpu.sem_alloc : memref<!tpu.dma_semaphore, #tpu.memory_space<semaphore_mem>>
      %dma_start3A_749 = tpu.memref_slice %arg5[%mul3A_667] : memref<100352xf32, #tpu.memory_space<vmem>> -> memref<6272xf32, #tpu.memory_space<vmem>>
      %dma_start3A_750 = arith.constant 0 : i32
      %dma_start3A_751 = tpu.memref_slice %arg11[%arg1, %dma_start3A_750] : memref<16x6272xf32, #tpu.memory_space<vmem_shared>> -> memref<1x6272xf32, #tpu.memory_space<vmem_shared>>
      %dma_start3A_752 = tpu.memref_squeeze %dma_start3A_751 : memref<1x6272xf32, #tpu.memory_space<vmem_shared>> -> memref<6272xf32, #tpu.memory_space<vmem_shared>>
      %dma_start3A_753 = arith.constant 0 : i32
      %dma_start3A_754 = tpu.memref_slice %arg11[%arg1, %dma_start3A_753] : memref<16x6272xf32, #tpu.memory_space<vmem_shared>> -> memref<1x6272xf32, #tpu.memory_space<vmem_shared>>
      %dma_start3A_755 = tpu.memref_squeeze %dma_start3A_754 : memref<1x6272xf32, #tpu.memory_space<vmem_shared>> -> memref<6272xf32, #tpu.memory_space<vmem_shared>>
      %dma_start3A_756 = tpu.memref_slice %arg5[%mul3A_667] : memref<100352xf32, #tpu.memory_space<vmem>> -> memref<6272xf32, #tpu.memory_space<vmem>>
      tpu.enqueue_dma source(%dma_start3A_756 : memref<6272xf32, #tpu.memory_space<vmem>>) target(%dma_start3A_755 : memref<6272xf32, #tpu.memory_space<vmem_shared>>) target_semaphore(%run_scoped3A : memref<!tpu.dma_semaphore, #tpu.memory_space<semaphore_mem>>)
      %dma_wait3A_757 = tpu.memref_slice %arg5[%mul3A_667] : memref<100352xf32, #tpu.memory_space<vmem>> -> memref<6272xf32, #tpu.memory_space<vmem>>
      %dma_wait3A_758 = arith.constant 0 : i32
      %dma_wait3A_759 = tpu.memref_slice %arg11[%arg1, %dma_wait3A_758] : memref<16x6272xf32, #tpu.memory_space<vmem_shared>> -> memref<1x6272xf32, #tpu.memory_space<vmem_shared>>
      %dma_wait3A_760 = tpu.memref_squeeze %dma_wait3A_759 : memref<1x6272xf32, #tpu.memory_space<vmem_shared>> -> memref<6272xf32, #tpu.memory_space<vmem_shared>>
      %dma_wait3A_761 = arith.constant 0 : i32
      %dma_wait3A_762 = tpu.memref_slice %arg11[%arg1, %dma_wait3A_761] : memref<16x6272xf32, #tpu.memory_space<vmem_shared>> -> memref<1x6272xf32, #tpu.memory_space<vmem_shared>>
      %dma_wait3A_763 = tpu.memref_squeeze %dma_wait3A_762 : memref<1x6272xf32, #tpu.memory_space<vmem_shared>> -> memref<6272xf32, #tpu.memory_space<vmem_shared>>
      %dma_wait3A_764 = tpu.memref_slice %arg5[%mul3A_667] : memref<100352xf32, #tpu.memory_space<vmem>> -> memref<6272xf32, #tpu.memory_space<vmem>>
      tpu.wait_dma2 semaphore(%run_scoped3A : memref<!tpu.dma_semaphore, #tpu.memory_space<semaphore_mem>>) src(%dma_wait3A_764 : memref<6272xf32, #tpu.memory_space<vmem>>) dst(%dma_wait3A_763 : memref<6272xf32, #tpu.memory_space<vmem_shared>>)
      tpu.yield
    }) : () -> ()
    %barrier3A_668 = arith.constant 0 : index
    tpu.barrier barrier_id(%barrier3A_668)
    %sub3A_669 = arith.constant 11 : i32
    %sub3A_670 = arith.subi %arg1, %sub3A_669 : i32
    %add3A_671 = arith.constant 16 : i32
    %add3A_672 = arith.addi %sub3A_670, %add3A_671 : i32
    %rem3A_673 = arith.constant 16 : i32
    %rem3A_674 = arith.remsi %add3A_672, %rem3A_673 : i32
    "tpu.region"() ({
      %run_scoped3A = tpu.sem_alloc : memref<!tpu.dma_semaphore, #tpu.memory_space<semaphore_mem>>
      %dma_start3A_749 = arith.constant 0 : i32
      %dma_start3A_750 = tpu.memref_slice %arg11[%rem3A_674, %dma_start3A_749] : memref<16x6272xf32, #tpu.memory_space<vmem_shared>> -> memref<1x6272xf32, #tpu.memory_space<vmem_shared>>
      %dma_start3A_751 = tpu.memref_squeeze %dma_start3A_750 : memref<1x6272xf32, #tpu.memory_space<vmem_shared>> -> memref<6272xf32, #tpu.memory_space<vmem_shared>>
      %dma_start3A_752 = arith.constant 0 : i32
      %dma_start3A_753 = tpu.memref_slice %arg11[%rem3A_674, %dma_start3A_752] : memref<16x6272xf32, #tpu.memory_space<vmem_shared>> -> memref<1x6272xf32, #tpu.memory_space<vmem_shared>>
      %dma_start3A_754 = tpu.memref_squeeze %dma_start3A_753 : memref<1x6272xf32, #tpu.memory_space<vmem_shared>> -> memref<6272xf32, #tpu.memory_space<vmem_shared>>
      tpu.enqueue_dma source(%dma_start3A_754 : memref<6272xf32, #tpu.memory_space<vmem_shared>>) target(%arg8 : memref<6272xf32, #tpu.memory_space<vmem>>) target_semaphore(%run_scoped3A : memref<!tpu.dma_semaphore, #tpu.memory_space<semaphore_mem>>)
      %dma_wait3A_755 = arith.constant 0 : i32
      %dma_wait3A_756 = tpu.memref_slice %arg11[%rem3A_674, %dma_wait3A_755] : memref<16x6272xf32, #tpu.memory_space<vmem_shared>> -> memref<1x6272xf32, #tpu.memory_space<vmem_shared>>
      %dma_wait3A_757 = tpu.memref_squeeze %dma_wait3A_756 : memref<1x6272xf32, #tpu.memory_space<vmem_shared>> -> memref<6272xf32, #tpu.memory_space<vmem_shared>>
      %dma_wait3A_758 = arith.constant 0 : i32
      %dma_wait3A_759 = tpu.memref_slice %arg11[%rem3A_674, %dma_wait3A_758] : memref<16x6272xf32, #tpu.memory_space<vmem_shared>> -> memref<1x6272xf32, #tpu.memory_space<vmem_shared>>
      %dma_wait3A_760 = tpu.memref_squeeze %dma_wait3A_759 : memref<1x6272xf32, #tpu.memory_space<vmem_shared>> -> memref<6272xf32, #tpu.memory_space<vmem_shared>>
      tpu.wait_dma2 semaphore(%run_scoped3A : memref<!tpu.dma_semaphore, #tpu.memory_space<semaphore_mem>>) src(%dma_wait3A_760 : memref<6272xf32, #tpu.memory_space<vmem_shared>>) dst(%arg8 : memref<6272xf32, #tpu.memory_space<vmem>>)
      tpu.yield
    }) : () -> ()
    %parallel_loop3A_675 = arith.constant 0 : i32
    %parallel_loop3A_676 = arith.constant 392 : i32
    %parallel_loop3A_677 = arith.constant 1 : i32
    scf.for %parallel_loop3A_749 = %parallel_loop3A_675 to %parallel_loop3A_676 step %parallel_loop3A_677  : i32 {
      %parallel_loop3A_750 = arith.constant 16 : i32
      %parallel_loop3A_751 = arith.muli %parallel_loop3A_749, %parallel_loop3A_750 : i32
      %parallel_loop3A_752 = arith.index_cast %parallel_loop3A_751 : i32 to index
      %parallel_loop3A_753 = tpu.vector_load %arg9[%parallel_loop3A_752] {strides = array<i32>} : memref<6272xf32, #tpu.memory_space<vmem>>, vector<16xf32>,
      %parallel_loop3A_754 = arith.index_cast %parallel_loop3A_751 : i32 to index
      %parallel_loop3A_755 = tpu.vector_load %arg8[%parallel_loop3A_754] {strides = array<i32>} : memref<6272xf32, #tpu.memory_space<vmem>>, vector<16xf32>,
      %parallel_loop3A_756 = arith.addf %parallel_loop3A_753, %parallel_loop3A_755 : vector<16xf32>
      %parallel_loop3A_757 = arith.index_cast %parallel_loop3A_751 : i32 to index
      %parallel_loop3A_758 = tpu.vector_load %arg9[%parallel_loop3A_757] {strides = array<i32>} : memref<6272xf32, #tpu.memory_space<vmem>>, vector<16xf32>,
      tpu.vector_store %arg9[%parallel_loop3A_757], %parallel_loop3A_756 {strides = array<i32>} : memref<6272xf32, #tpu.memory_space<vmem>>, vector<16xf32>,
    } {sc.loop_unroll_factor = 8 : i64, sc.parallel_access}
    %barrier3A_678 = arith.constant 0 : index
    tpu.barrier barrier_id(%barrier3A_678)
    %add3A_679 = arith.constant 12 : i32
    %add3A_680 = arith.addi %arg1, %add3A_679 : i32
    %rem3A_681 = arith.constant 16 : i32
    %rem3A_682 = arith.remsi %add3A_680, %rem3A_681 : i32
    %mul3A_683 = arith.constant 6272 : i32
    %mul3A_684 = arith.muli %rem3A_682, %mul3A_683 : i32
    "tpu.region"() ({
      %run_scoped3A = tpu.sem_alloc : memref<!tpu.dma_semaphore, #tpu.memory_space<semaphore_mem>>
      %dma_start3A_749 = tpu.memref_slice %arg5[%mul3A_684] : memref<100352xf32, #tpu.memory_space<vmem>> -> memref<6272xf32, #tpu.memory_space<vmem>>
      %dma_start3A_750 = arith.constant 0 : i32
      %dma_start3A_751 = tpu.memref_slice %arg11[%arg1, %dma_start3A_750] : memref<16x6272xf32, #tpu.memory_space<vmem_shared>> -> memref<1x6272xf32, #tpu.memory_space<vmem_shared>>
      %dma_start3A_752 = tpu.memref_squeeze %dma_start3A_751 : memref<1x6272xf32, #tpu.memory_space<vmem_shared>> -> memref<6272xf32, #tpu.memory_space<vmem_shared>>
      %dma_start3A_753 = arith.constant 0 : i32
      %dma_start3A_754 = tpu.memref_slice %arg11[%arg1, %dma_start3A_753] : memref<16x6272xf32, #tpu.memory_space<vmem_shared>> -> memref<1x6272xf32, #tpu.memory_space<vmem_shared>>
      %dma_start3A_755 = tpu.memref_squeeze %dma_start3A_754 : memref<1x6272xf32, #tpu.memory_space<vmem_shared>> -> memref<6272xf32, #tpu.memory_space<vmem_shared>>
      %dma_start3A_756 = tpu.memref_slice %arg5[%mul3A_684] : memref<100352xf32, #tpu.memory_space<vmem>> -> memref<6272xf32, #tpu.memory_space<vmem>>
      tpu.enqueue_dma source(%dma_start3A_756 : memref<6272xf32, #tpu.memory_space<vmem>>) target(%dma_start3A_755 : memref<6272xf32, #tpu.memory_space<vmem_shared>>) target_semaphore(%run_scoped3A : memref<!tpu.dma_semaphore, #tpu.memory_space<semaphore_mem>>)
      %dma_wait3A_757 = tpu.memref_slice %arg5[%mul3A_684] : memref<100352xf32, #tpu.memory_space<vmem>> -> memref<6272xf32, #tpu.memory_space<vmem>>
      %dma_wait3A_758 = arith.constant 0 : i32
      %dma_wait3A_759 = tpu.memref_slice %arg11[%arg1, %dma_wait3A_758] : memref<16x6272xf32, #tpu.memory_space<vmem_shared>> -> memref<1x6272xf32, #tpu.memory_space<vmem_shared>>
      %dma_wait3A_760 = tpu.memref_squeeze %dma_wait3A_759 : memref<1x6272xf32, #tpu.memory_space<vmem_shared>> -> memref<6272xf32, #tpu.memory_space<vmem_shared>>
      %dma_wait3A_761 = arith.constant 0 : i32
      %dma_wait3A_762 = tpu.memref_slice %arg11[%arg1, %dma_wait3A_761] : memref<16x6272xf32, #tpu.memory_space<vmem_shared>> -> memref<1x6272xf32, #tpu.memory_space<vmem_shared>>
      %dma_wait3A_763 = tpu.memref_squeeze %dma_wait3A_762 : memref<1x6272xf32, #tpu.memory_space<vmem_shared>> -> memref<6272xf32, #tpu.memory_space<vmem_shared>>
      %dma_wait3A_764 = tpu.memref_slice %arg5[%mul3A_684] : memref<100352xf32, #tpu.memory_space<vmem>> -> memref<6272xf32, #tpu.memory_space<vmem>>
      tpu.wait_dma2 semaphore(%run_scoped3A : memref<!tpu.dma_semaphore, #tpu.memory_space<semaphore_mem>>) src(%dma_wait3A_764 : memref<6272xf32, #tpu.memory_space<vmem>>) dst(%dma_wait3A_763 : memref<6272xf32, #tpu.memory_space<vmem_shared>>)
      tpu.yield
    }) : () -> ()
    %barrier3A_685 = arith.constant 0 : index
    tpu.barrier barrier_id(%barrier3A_685)
    %sub3A_686 = arith.constant 12 : i32
    %sub3A_687 = arith.subi %arg1, %sub3A_686 : i32
    %add3A_688 = arith.constant 16 : i32
    %add3A_689 = arith.addi %sub3A_687, %add3A_688 : i32
    %rem3A_690 = arith.constant 16 : i32
    %rem3A_691 = arith.remsi %add3A_689, %rem3A_690 : i32
    "tpu.region"() ({
      %run_scoped3A = tpu.sem_alloc : memref<!tpu.dma_semaphore, #tpu.memory_space<semaphore_mem>>
      %dma_start3A_749 = arith.constant 0 : i32
      %dma_start3A_750 = tpu.memref_slice %arg11[%rem3A_691, %dma_start3A_749] : memref<16x6272xf32, #tpu.memory_space<vmem_shared>> -> memref<1x6272xf32, #tpu.memory_space<vmem_shared>>
      %dma_start3A_751 = tpu.memref_squeeze %dma_start3A_750 : memref<1x6272xf32, #tpu.memory_space<vmem_shared>> -> memref<6272xf32, #tpu.memory_space<vmem_shared>>
      %dma_start3A_752 = arith.constant 0 : i32
      %dma_start3A_753 = tpu.memref_slice %arg11[%rem3A_691, %dma_start3A_752] : memref<16x6272xf32, #tpu.memory_space<vmem_shared>> -> memref<1x6272xf32, #tpu.memory_space<vmem_shared>>
      %dma_start3A_754 = tpu.memref_squeeze %dma_start3A_753 : memref<1x6272xf32, #tpu.memory_space<vmem_shared>> -> memref<6272xf32, #tpu.memory_space<vmem_shared>>
      tpu.enqueue_dma source(%dma_start3A_754 : memref<6272xf32, #tpu.memory_space<vmem_shared>>) target(%arg8 : memref<6272xf32, #tpu.memory_space<vmem>>) target_semaphore(%run_scoped3A : memref<!tpu.dma_semaphore, #tpu.memory_space<semaphore_mem>>)
      %dma_wait3A_755 = arith.constant 0 : i32
      %dma_wait3A_756 = tpu.memref_slice %arg11[%rem3A_691, %dma_wait3A_755] : memref<16x6272xf32, #tpu.memory_space<vmem_shared>> -> memref<1x6272xf32, #tpu.memory_space<vmem_shared>>
      %dma_wait3A_757 = tpu.memref_squeeze %dma_wait3A_756 : memref<1x6272xf32, #tpu.memory_space<vmem_shared>> -> memref<6272xf32, #tpu.memory_space<vmem_shared>>
      %dma_wait3A_758 = arith.constant 0 : i32
      %dma_wait3A_759 = tpu.memref_slice %arg11[%rem3A_691, %dma_wait3A_758] : memref<16x6272xf32, #tpu.memory_space<vmem_shared>> -> memref<1x6272xf32, #tpu.memory_space<vmem_shared>>
      %dma_wait3A_760 = tpu.memref_squeeze %dma_wait3A_759 : memref<1x6272xf32, #tpu.memory_space<vmem_shared>> -> memref<6272xf32, #tpu.memory_space<vmem_shared>>
      tpu.wait_dma2 semaphore(%run_scoped3A : memref<!tpu.dma_semaphore, #tpu.memory_space<semaphore_mem>>) src(%dma_wait3A_760 : memref<6272xf32, #tpu.memory_space<vmem_shared>>) dst(%arg8 : memref<6272xf32, #tpu.memory_space<vmem>>)
      tpu.yield
    }) : () -> ()
    %parallel_loop3A_692 = arith.constant 0 : i32
    %parallel_loop3A_693 = arith.constant 392 : i32
    %parallel_loop3A_694 = arith.constant 1 : i32
    scf.for %parallel_loop3A_749 = %parallel_loop3A_692 to %parallel_loop3A_693 step %parallel_loop3A_694  : i32 {
      %parallel_loop3A_750 = arith.constant 16 : i32
      %parallel_loop3A_751 = arith.muli %parallel_loop3A_749, %parallel_loop3A_750 : i32
      %parallel_loop3A_752 = arith.index_cast %parallel_loop3A_751 : i32 to index
      %parallel_loop3A_753 = tpu.vector_load %arg9[%parallel_loop3A_752] {strides = array<i32>} : memref<6272xf32, #tpu.memory_space<vmem>>, vector<16xf32>,
      %parallel_loop3A_754 = arith.index_cast %parallel_loop3A_751 : i32 to index
      %parallel_loop3A_755 = tpu.vector_load %arg8[%parallel_loop3A_754] {strides = array<i32>} : memref<6272xf32, #tpu.memory_space<vmem>>, vector<16xf32>,
      %parallel_loop3A_756 = arith.addf %parallel_loop3A_753, %parallel_loop3A_755 : vector<16xf32>
      %parallel_loop3A_757 = arith.index_cast %parallel_loop3A_751 : i32 to index
      %parallel_loop3A_758 = tpu.vector_load %arg9[%parallel_loop3A_757] {strides = array<i32>} : memref<6272xf32, #tpu.memory_space<vmem>>, vector<16xf32>,
      tpu.vector_store %arg9[%parallel_loop3A_757], %parallel_loop3A_756 {strides = array<i32>} : memref<6272xf32, #tpu.memory_space<vmem>>, vector<16xf32>,
    } {sc.loop_unroll_factor = 8 : i64, sc.parallel_access}
    %barrier3A_695 = arith.constant 0 : index
    tpu.barrier barrier_id(%barrier3A_695)
    %add3A_696 = arith.constant 13 : i32
    %add3A_697 = arith.addi %arg1, %add3A_696 : i32
    %rem3A_698 = arith.constant 16 : i32
    %rem3A_699 = arith.remsi %add3A_697, %rem3A_698 : i32
    %mul3A_700 = arith.constant 6272 : i32
    %mul3A_701 = arith.muli %rem3A_699, %mul3A_700 : i32
    "tpu.region"() ({
      %run_scoped3A = tpu.sem_alloc : memref<!tpu.dma_semaphore, #tpu.memory_space<semaphore_mem>>
      %dma_start3A_749 = tpu.memref_slice %arg5[%mul3A_701] : memref<100352xf32, #tpu.memory_space<vmem>> -> memref<6272xf32, #tpu.memory_space<vmem>>
      %dma_start3A_750 = arith.constant 0 : i32
      %dma_start3A_751 = tpu.memref_slice %arg11[%arg1, %dma_start3A_750] : memref<16x6272xf32, #tpu.memory_space<vmem_shared>> -> memref<1x6272xf32, #tpu.memory_space<vmem_shared>>
      %dma_start3A_752 = tpu.memref_squeeze %dma_start3A_751 : memref<1x6272xf32, #tpu.memory_space<vmem_shared>> -> memref<6272xf32, #tpu.memory_space<vmem_shared>>
      %dma_start3A_753 = arith.constant 0 : i32
      %dma_start3A_754 = tpu.memref_slice %arg11[%arg1, %dma_start3A_753] : memref<16x6272xf32, #tpu.memory_space<vmem_shared>> -> memref<1x6272xf32, #tpu.memory_space<vmem_shared>>
      %dma_start3A_755 = tpu.memref_squeeze %dma_start3A_754 : memref<1x6272xf32, #tpu.memory_space<vmem_shared>> -> memref<6272xf32, #tpu.memory_space<vmem_shared>>
      %dma_start3A_756 = tpu.memref_slice %arg5[%mul3A_701] : memref<100352xf32, #tpu.memory_space<vmem>> -> memref<6272xf32, #tpu.memory_space<vmem>>
      tpu.enqueue_dma source(%dma_start3A_756 : memref<6272xf32, #tpu.memory_space<vmem>>) target(%dma_start3A_755 : memref<6272xf32, #tpu.memory_space<vmem_shared>>) target_semaphore(%run_scoped3A : memref<!tpu.dma_semaphore, #tpu.memory_space<semaphore_mem>>)
      %dma_wait3A_757 = tpu.memref_slice %arg5[%mul3A_701] : memref<100352xf32, #tpu.memory_space<vmem>> -> memref<6272xf32, #tpu.memory_space<vmem>>
      %dma_wait3A_758 = arith.constant 0 : i32
      %dma_wait3A_759 = tpu.memref_slice %arg11[%arg1, %dma_wait3A_758] : memref<16x6272xf32, #tpu.memory_space<vmem_shared>> -> memref<1x6272xf32, #tpu.memory_space<vmem_shared>>
      %dma_wait3A_760 = tpu.memref_squeeze %dma_wait3A_759 : memref<1x6272xf32, #tpu.memory_space<vmem_shared>> -> memref<6272xf32, #tpu.memory_space<vmem_shared>>
      %dma_wait3A_761 = arith.constant 0 : i32
      %dma_wait3A_762 = tpu.memref_slice %arg11[%arg1, %dma_wait3A_761] : memref<16x6272xf32, #tpu.memory_space<vmem_shared>> -> memref<1x6272xf32, #tpu.memory_space<vmem_shared>>
      %dma_wait3A_763 = tpu.memref_squeeze %dma_wait3A_762 : memref<1x6272xf32, #tpu.memory_space<vmem_shared>> -> memref<6272xf32, #tpu.memory_space<vmem_shared>>
      %dma_wait3A_764 = tpu.memref_slice %arg5[%mul3A_701] : memref<100352xf32, #tpu.memory_space<vmem>> -> memref<6272xf32, #tpu.memory_space<vmem>>
      tpu.wait_dma2 semaphore(%run_scoped3A : memref<!tpu.dma_semaphore, #tpu.memory_space<semaphore_mem>>) src(%dma_wait3A_764 : memref<6272xf32, #tpu.memory_space<vmem>>) dst(%dma_wait3A_763 : memref<6272xf32, #tpu.memory_space<vmem_shared>>)
      tpu.yield
    }) : () -> ()
    %barrier3A_702 = arith.constant 0 : index
    tpu.barrier barrier_id(%barrier3A_702)
    %sub3A_703 = arith.constant 13 : i32
    %sub3A_704 = arith.subi %arg1, %sub3A_703 : i32
    %add3A_705 = arith.constant 16 : i32
    %add3A_706 = arith.addi %sub3A_704, %add3A_705 : i32
    %rem3A_707 = arith.constant 16 : i32
    %rem3A_708 = arith.remsi %add3A_706, %rem3A_707 : i32
    "tpu.region"() ({
      %run_scoped3A = tpu.sem_alloc : memref<!tpu.dma_semaphore, #tpu.memory_space<semaphore_mem>>
      %dma_start3A_749 = arith.constant 0 : i32
      %dma_start3A_750 = tpu.memref_slice %arg11[%rem3A_708, %dma_start3A_749] : memref<16x6272xf32, #tpu.memory_space<vmem_shared>> -> memref<1x6272xf32, #tpu.memory_space<vmem_shared>>
      %dma_start3A_751 = tpu.memref_squeeze %dma_start3A_750 : memref<1x6272xf32, #tpu.memory_space<vmem_shared>> -> memref<6272xf32, #tpu.memory_space<vmem_shared>>
      %dma_start3A_752 = arith.constant 0 : i32
      %dma_start3A_753 = tpu.memref_slice %arg11[%rem3A_708, %dma_start3A_752] : memref<16x6272xf32, #tpu.memory_space<vmem_shared>> -> memref<1x6272xf32, #tpu.memory_space<vmem_shared>>
      %dma_start3A_754 = tpu.memref_squeeze %dma_start3A_753 : memref<1x6272xf32, #tpu.memory_space<vmem_shared>> -> memref<6272xf32, #tpu.memory_space<vmem_shared>>
      tpu.enqueue_dma source(%dma_start3A_754 : memref<6272xf32, #tpu.memory_space<vmem_shared>>) target(%arg8 : memref<6272xf32, #tpu.memory_space<vmem>>) target_semaphore(%run_scoped3A : memref<!tpu.dma_semaphore, #tpu.memory_space<semaphore_mem>>)
      %dma_wait3A_755 = arith.constant 0 : i32
      %dma_wait3A_756 = tpu.memref_slice %arg11[%rem3A_708, %dma_wait3A_755] : memref<16x6272xf32, #tpu.memory_space<vmem_shared>> -> memref<1x6272xf32, #tpu.memory_space<vmem_shared>>
      %dma_wait3A_757 = tpu.memref_squeeze %dma_wait3A_756 : memref<1x6272xf32, #tpu.memory_space<vmem_shared>> -> memref<6272xf32, #tpu.memory_space<vmem_shared>>
      %dma_wait3A_758 = arith.constant 0 : i32
      %dma_wait3A_759 = tpu.memref_slice %arg11[%rem3A_708, %dma_wait3A_758] : memref<16x6272xf32, #tpu.memory_space<vmem_shared>> -> memref<1x6272xf32, #tpu.memory_space<vmem_shared>>
      %dma_wait3A_760 = tpu.memref_squeeze %dma_wait3A_759 : memref<1x6272xf32, #tpu.memory_space<vmem_shared>> -> memref<6272xf32, #tpu.memory_space<vmem_shared>>
      tpu.wait_dma2 semaphore(%run_scoped3A : memref<!tpu.dma_semaphore, #tpu.memory_space<semaphore_mem>>) src(%dma_wait3A_760 : memref<6272xf32, #tpu.memory_space<vmem_shared>>) dst(%arg8 : memref<6272xf32, #tpu.memory_space<vmem>>)
      tpu.yield
    }) : () -> ()
    %parallel_loop3A_709 = arith.constant 0 : i32
    %parallel_loop3A_710 = arith.constant 392 : i32
    %parallel_loop3A_711 = arith.constant 1 : i32
    scf.for %parallel_loop3A_749 = %parallel_loop3A_709 to %parallel_loop3A_710 step %parallel_loop3A_711  : i32 {
      %parallel_loop3A_750 = arith.constant 16 : i32
      %parallel_loop3A_751 = arith.muli %parallel_loop3A_749, %parallel_loop3A_750 : i32
      %parallel_loop3A_752 = arith.index_cast %parallel_loop3A_751 : i32 to index
      %parallel_loop3A_753 = tpu.vector_load %arg9[%parallel_loop3A_752] {strides = array<i32>} : memref<6272xf32, #tpu.memory_space<vmem>>, vector<16xf32>,
      %parallel_loop3A_754 = arith.index_cast %parallel_loop3A_751 : i32 to index
      %parallel_loop3A_755 = tpu.vector_load %arg8[%parallel_loop3A_754] {strides = array<i32>} : memref<6272xf32, #tpu.memory_space<vmem>>, vector<16xf32>,
      %parallel_loop3A_756 = arith.addf %parallel_loop3A_753, %parallel_loop3A_755 : vector<16xf32>
      %parallel_loop3A_757 = arith.index_cast %parallel_loop3A_751 : i32 to index
      %parallel_loop3A_758 = tpu.vector_load %arg9[%parallel_loop3A_757] {strides = array<i32>} : memref<6272xf32, #tpu.memory_space<vmem>>, vector<16xf32>,
      tpu.vector_store %arg9[%parallel_loop3A_757], %parallel_loop3A_756 {strides = array<i32>} : memref<6272xf32, #tpu.memory_space<vmem>>, vector<16xf32>,
    } {sc.loop_unroll_factor = 8 : i64, sc.parallel_access}
    %barrier3A_712 = arith.constant 0 : index
    tpu.barrier barrier_id(%barrier3A_712)
    %add3A_713 = arith.constant 14 : i32
    %add3A_714 = arith.addi %arg1, %add3A_713 : i32
    %rem3A_715 = arith.constant 16 : i32
    %rem3A_716 = arith.remsi %add3A_714, %rem3A_715 : i32
    %mul3A_717 = arith.constant 6272 : i32
    %mul3A_718 = arith.muli %rem3A_716, %mul3A_717 : i32
    "tpu.region"() ({
      %run_scoped3A = tpu.sem_alloc : memref<!tpu.dma_semaphore, #tpu.memory_space<semaphore_mem>>
      %dma_start3A_749 = tpu.memref_slice %arg5[%mul3A_718] : memref<100352xf32, #tpu.memory_space<vmem>> -> memref<6272xf32, #tpu.memory_space<vmem>>
      %dma_start3A_750 = arith.constant 0 : i32
      %dma_start3A_751 = tpu.memref_slice %arg11[%arg1, %dma_start3A_750] : memref<16x6272xf32, #tpu.memory_space<vmem_shared>> -> memref<1x6272xf32, #tpu.memory_space<vmem_shared>>
      %dma_start3A_752 = tpu.memref_squeeze %dma_start3A_751 : memref<1x6272xf32, #tpu.memory_space<vmem_shared>> -> memref<6272xf32, #tpu.memory_space<vmem_shared>>
      %dma_start3A_753 = arith.constant 0 : i32
      %dma_start3A_754 = tpu.memref_slice %arg11[%arg1, %dma_start3A_753] : memref<16x6272xf32, #tpu.memory_space<vmem_shared>> -> memref<1x6272xf32, #tpu.memory_space<vmem_shared>>
      %dma_start3A_755 = tpu.memref_squeeze %dma_start3A_754 : memref<1x6272xf32, #tpu.memory_space<vmem_shared>> -> memref<6272xf32, #tpu.memory_space<vmem_shared>>
      %dma_start3A_756 = tpu.memref_slice %arg5[%mul3A_718] : memref<100352xf32, #tpu.memory_space<vmem>> -> memref<6272xf32, #tpu.memory_space<vmem>>
      tpu.enqueue_dma source(%dma_start3A_756 : memref<6272xf32, #tpu.memory_space<vmem>>) target(%dma_start3A_755 : memref<6272xf32, #tpu.memory_space<vmem_shared>>) target_semaphore(%run_scoped3A : memref<!tpu.dma_semaphore, #tpu.memory_space<semaphore_mem>>)
      %dma_wait3A_757 = tpu.memref_slice %arg5[%mul3A_718] : memref<100352xf32, #tpu.memory_space<vmem>> -> memref<6272xf32, #tpu.memory_space<vmem>>
      %dma_wait3A_758 = arith.constant 0 : i32
      %dma_wait3A_759 = tpu.memref_slice %arg11[%arg1, %dma_wait3A_758] : memref<16x6272xf32, #tpu.memory_space<vmem_shared>> -> memref<1x6272xf32, #tpu.memory_space<vmem_shared>>
      %dma_wait3A_760 = tpu.memref_squeeze %dma_wait3A_759 : memref<1x6272xf32, #tpu.memory_space<vmem_shared>> -> memref<6272xf32, #tpu.memory_space<vmem_shared>>
      %dma_wait3A_761 = arith.constant 0 : i32
      %dma_wait3A_762 = tpu.memref_slice %arg11[%arg1, %dma_wait3A_761] : memref<16x6272xf32, #tpu.memory_space<vmem_shared>> -> memref<1x6272xf32, #tpu.memory_space<vmem_shared>>
      %dma_wait3A_763 = tpu.memref_squeeze %dma_wait3A_762 : memref<1x6272xf32, #tpu.memory_space<vmem_shared>> -> memref<6272xf32, #tpu.memory_space<vmem_shared>>
      %dma_wait3A_764 = tpu.memref_slice %arg5[%mul3A_718] : memref<100352xf32, #tpu.memory_space<vmem>> -> memref<6272xf32, #tpu.memory_space<vmem>>
      tpu.wait_dma2 semaphore(%run_scoped3A : memref<!tpu.dma_semaphore, #tpu.memory_space<semaphore_mem>>) src(%dma_wait3A_764 : memref<6272xf32, #tpu.memory_space<vmem>>) dst(%dma_wait3A_763 : memref<6272xf32, #tpu.memory_space<vmem_shared>>)
      tpu.yield
    }) : () -> ()
    %barrier3A_719 = arith.constant 0 : index
    tpu.barrier barrier_id(%barrier3A_719)
    %sub3A_720 = arith.constant 14 : i32
    %sub3A_721 = arith.subi %arg1, %sub3A_720 : i32
    %add3A_722 = arith.constant 16 : i32
    %add3A_723 = arith.addi %sub3A_721, %add3A_722 : i32
    %rem3A_724 = arith.constant 16 : i32
    %rem3A_725 = arith.remsi %add3A_723, %rem3A_724 : i32
    "tpu.region"() ({
      %run_scoped3A = tpu.sem_alloc : memref<!tpu.dma_semaphore, #tpu.memory_space<semaphore_mem>>
      %dma_start3A_749 = arith.constant 0 : i32
      %dma_start3A_750 = tpu.memref_slice %arg11[%rem3A_725, %dma_start3A_749] : memref<16x6272xf32, #tpu.memory_space<vmem_shared>> -> memref<1x6272xf32, #tpu.memory_space<vmem_shared>>
      %dma_start3A_751 = tpu.memref_squeeze %dma_start3A_750 : memref<1x6272xf32, #tpu.memory_space<vmem_shared>> -> memref<6272xf32, #tpu.memory_space<vmem_shared>>
      %dma_start3A_752 = arith.constant 0 : i32
      %dma_start3A_753 = tpu.memref_slice %arg11[%rem3A_725, %dma_start3A_752] : memref<16x6272xf32, #tpu.memory_space<vmem_shared>> -> memref<1x6272xf32, #tpu.memory_space<vmem_shared>>
      %dma_start3A_754 = tpu.memref_squeeze %dma_start3A_753 : memref<1x6272xf32, #tpu.memory_space<vmem_shared>> -> memref<6272xf32, #tpu.memory_space<vmem_shared>>
      tpu.enqueue_dma source(%dma_start3A_754 : memref<6272xf32, #tpu.memory_space<vmem_shared>>) target(%arg8 : memref<6272xf32, #tpu.memory_space<vmem>>) target_semaphore(%run_scoped3A : memref<!tpu.dma_semaphore, #tpu.memory_space<semaphore_mem>>)
      %dma_wait3A_755 = arith.constant 0 : i32
      %dma_wait3A_756 = tpu.memref_slice %arg11[%rem3A_725, %dma_wait3A_755] : memref<16x6272xf32, #tpu.memory_space<vmem_shared>> -> memref<1x6272xf32, #tpu.memory_space<vmem_shared>>
      %dma_wait3A_757 = tpu.memref_squeeze %dma_wait3A_756 : memref<1x6272xf32, #tpu.memory_space<vmem_shared>> -> memref<6272xf32, #tpu.memory_space<vmem_shared>>
      %dma_wait3A_758 = arith.constant 0 : i32
      %dma_wait3A_759 = tpu.memref_slice %arg11[%rem3A_725, %dma_wait3A_758] : memref<16x6272xf32, #tpu.memory_space<vmem_shared>> -> memref<1x6272xf32, #tpu.memory_space<vmem_shared>>
      %dma_wait3A_760 = tpu.memref_squeeze %dma_wait3A_759 : memref<1x6272xf32, #tpu.memory_space<vmem_shared>> -> memref<6272xf32, #tpu.memory_space<vmem_shared>>
      tpu.wait_dma2 semaphore(%run_scoped3A : memref<!tpu.dma_semaphore, #tpu.memory_space<semaphore_mem>>) src(%dma_wait3A_760 : memref<6272xf32, #tpu.memory_space<vmem_shared>>) dst(%arg8 : memref<6272xf32, #tpu.memory_space<vmem>>)
      tpu.yield
    }) : () -> ()
    %parallel_loop3A_726 = arith.constant 0 : i32
    %parallel_loop3A_727 = arith.constant 392 : i32
    %parallel_loop3A_728 = arith.constant 1 : i32
    scf.for %parallel_loop3A_749 = %parallel_loop3A_726 to %parallel_loop3A_727 step %parallel_loop3A_728  : i32 {
      %parallel_loop3A_750 = arith.constant 16 : i32
      %parallel_loop3A_751 = arith.muli %parallel_loop3A_749, %parallel_loop3A_750 : i32
      %parallel_loop3A_752 = arith.index_cast %parallel_loop3A_751 : i32 to index
      %parallel_loop3A_753 = tpu.vector_load %arg9[%parallel_loop3A_752] {strides = array<i32>} : memref<6272xf32, #tpu.memory_space<vmem>>, vector<16xf32>,
      %parallel_loop3A_754 = arith.index_cast %parallel_loop3A_751 : i32 to index
      %parallel_loop3A_755 = tpu.vector_load %arg8[%parallel_loop3A_754] {strides = array<i32>} : memref<6272xf32, #tpu.memory_space<vmem>>, vector<16xf32>,
      %parallel_loop3A_756 = arith.addf %parallel_loop3A_753, %parallel_loop3A_755 : vector<16xf32>
      %parallel_loop3A_757 = arith.index_cast %parallel_loop3A_751 : i32 to index
      %parallel_loop3A_758 = tpu.vector_load %arg9[%parallel_loop3A_757] {strides = array<i32>} : memref<6272xf32, #tpu.memory_space<vmem>>, vector<16xf32>,
      tpu.vector_store %arg9[%parallel_loop3A_757], %parallel_loop3A_756 {strides = array<i32>} : memref<6272xf32, #tpu.memory_space<vmem>>, vector<16xf32>,
    } {sc.loop_unroll_factor = 8 : i64, sc.parallel_access}
    %barrier3A_729 = arith.constant 0 : index
    tpu.barrier barrier_id(%barrier3A_729)
    %add3A_730 = arith.constant 15 : i32
    %add3A_731 = arith.addi %arg1, %add3A_730 : i32
    %rem3A_732 = arith.constant 16 : i32
    %rem3A_733 = arith.remsi %add3A_731, %rem3A_732 : i32
    %mul3A_734 = arith.constant 6272 : i32
    %mul3A_735 = arith.muli %rem3A_733, %mul3A_734 : i32
    "tpu.region"() ({
      %run_scoped3A = tpu.sem_alloc : memref<!tpu.dma_semaphore, #tpu.memory_space<semaphore_mem>>
      %dma_start3A_749 = tpu.memref_slice %arg5[%mul3A_735] : memref<100352xf32, #tpu.memory_space<vmem>> -> memref<6272xf32, #tpu.memory_space<vmem>>
      %dma_start3A_750 = arith.constant 0 : i32
      %dma_start3A_751 = tpu.memref_slice %arg11[%arg1, %dma_start3A_750] : memref<16x6272xf32, #tpu.memory_space<vmem_shared>> -> memref<1x6272xf32, #tpu.memory_space<vmem_shared>>
      %dma_start3A_752 = tpu.memref_squeeze %dma_start3A_751 : memref<1x6272xf32, #tpu.memory_space<vmem_shared>> -> memref<6272xf32, #tpu.memory_space<vmem_shared>>
      %dma_start3A_753 = arith.constant 0 : i32
      %dma_start3A_754 = tpu.memref_slice %arg11[%arg1, %dma_start3A_753] : memref<16x6272xf32, #tpu.memory_space<vmem_shared>> -> memref<1x6272xf32, #tpu.memory_space<vmem_shared>>
      %dma_start3A_755 = tpu.memref_squeeze %dma_start3A_754 : memref<1x6272xf32, #tpu.memory_space<vmem_shared>> -> memref<6272xf32, #tpu.memory_space<vmem_shared>>
      %dma_start3A_756 = tpu.memref_slice %arg5[%mul3A_735] : memref<100352xf32, #tpu.memory_space<vmem>> -> memref<6272xf32, #tpu.memory_space<vmem>>
      tpu.enqueue_dma source(%dma_start3A_756 : memref<6272xf32, #tpu.memory_space<vmem>>) target(%dma_start3A_755 : memref<6272xf32, #tpu.memory_space<vmem_shared>>) target_semaphore(%run_scoped3A : memref<!tpu.dma_semaphore, #tpu.memory_space<semaphore_mem>>)
      %dma_wait3A_757 = tpu.memref_slice %arg5[%mul3A_735] : memref<100352xf32, #tpu.memory_space<vmem>> -> memref<6272xf32, #tpu.memory_space<vmem>>
      %dma_wait3A_758 = arith.constant 0 : i32
      %dma_wait3A_759 = tpu.memref_slice %arg11[%arg1, %dma_wait3A_758] : memref<16x6272xf32, #tpu.memory_space<vmem_shared>> -> memref<1x6272xf32, #tpu.memory_space<vmem_shared>>
      %dma_wait3A_760 = tpu.memref_squeeze %dma_wait3A_759 : memref<1x6272xf32, #tpu.memory_space<vmem_shared>> -> memref<6272xf32, #tpu.memory_space<vmem_shared>>
      %dma_wait3A_761 = arith.constant 0 : i32
      %dma_wait3A_762 = tpu.memref_slice %arg11[%arg1, %dma_wait3A_761] : memref<16x6272xf32, #tpu.memory_space<vmem_shared>> -> memref<1x6272xf32, #tpu.memory_space<vmem_shared>>
      %dma_wait3A_763 = tpu.memref_squeeze %dma_wait3A_762 : memref<1x6272xf32, #tpu.memory_space<vmem_shared>> -> memref<6272xf32, #tpu.memory_space<vmem_shared>>
      %dma_wait3A_764 = tpu.memref_slice %arg5[%mul3A_735] : memref<100352xf32, #tpu.memory_space<vmem>> -> memref<6272xf32, #tpu.memory_space<vmem>>
      tpu.wait_dma2 semaphore(%run_scoped3A : memref<!tpu.dma_semaphore, #tpu.memory_space<semaphore_mem>>) src(%dma_wait3A_764 : memref<6272xf32, #tpu.memory_space<vmem>>) dst(%dma_wait3A_763 : memref<6272xf32, #tpu.memory_space<vmem_shared>>)
      tpu.yield
    }) : () -> ()
    %barrier3A_736 = arith.constant 0 : index
    tpu.barrier barrier_id(%barrier3A_736)
    %sub3A_737 = arith.constant 15 : i32
    %sub3A_738 = arith.subi %arg1, %sub3A_737 : i32
    %add3A_739 = arith.constant 16 : i32
    %add3A_740 = arith.addi %sub3A_738, %add3A_739 : i32
    %rem3A_741 = arith.constant 16 : i32
    %rem3A_742 = arith.remsi %add3A_740, %rem3A_741 : i32
    "tpu.region"() ({
      %run_scoped3A = tpu.sem_alloc : memref<!tpu.dma_semaphore, #tpu.memory_space<semaphore_mem>>
      %dma_start3A_749 = arith.constant 0 : i32
      %dma_start3A_750 = tpu.memref_slice %arg11[%rem3A_742, %dma_start3A_749] : memref<16x6272xf32, #tpu.memory_space<vmem_shared>> -> memref<1x6272xf32, #tpu.memory_space<vmem_shared>>
      %dma_start3A_751 = tpu.memref_squeeze %dma_start3A_750 : memref<1x6272xf32, #tpu.memory_space<vmem_shared>> -> memref<6272xf32, #tpu.memory_space<vmem_shared>>
      %dma_start3A_752 = arith.constant 0 : i32
      %dma_start3A_753 = tpu.memref_slice %arg11[%rem3A_742, %dma_start3A_752] : memref<16x6272xf32, #tpu.memory_space<vmem_shared>> -> memref<1x6272xf32, #tpu.memory_space<vmem_shared>>
      %dma_start3A_754 = tpu.memref_squeeze %dma_start3A_753 : memref<1x6272xf32, #tpu.memory_space<vmem_shared>> -> memref<6272xf32, #tpu.memory_space<vmem_shared>>
      tpu.enqueue_dma source(%dma_start3A_754 : memref<6272xf32, #tpu.memory_space<vmem_shared>>) target(%arg8 : memref<6272xf32, #tpu.memory_space<vmem>>) target_semaphore(%run_scoped3A : memref<!tpu.dma_semaphore, #tpu.memory_space<semaphore_mem>>)
      %dma_wait3A_755 = arith.constant 0 : i32
      %dma_wait3A_756 = tpu.memref_slice %arg11[%rem3A_742, %dma_wait3A_755] : memref<16x6272xf32, #tpu.memory_space<vmem_shared>> -> memref<1x6272xf32, #tpu.memory_space<vmem_shared>>
      %dma_wait3A_757 = tpu.memref_squeeze %dma_wait3A_756 : memref<1x6272xf32, #tpu.memory_space<vmem_shared>> -> memref<6272xf32, #tpu.memory_space<vmem_shared>>
      %dma_wait3A_758 = arith.constant 0 : i32
      %dma_wait3A_759 = tpu.memref_slice %arg11[%rem3A_742, %dma_wait3A_758] : memref<16x6272xf32, #tpu.memory_space<vmem_shared>> -> memref<1x6272xf32, #tpu.memory_space<vmem_shared>>
      %dma_wait3A_760 = tpu.memref_squeeze %dma_wait3A_759 : memref<1x6272xf32, #tpu.memory_space<vmem_shared>> -> memref<6272xf32, #tpu.memory_space<vmem_shared>>
      tpu.wait_dma2 semaphore(%run_scoped3A : memref<!tpu.dma_semaphore, #tpu.memory_space<semaphore_mem>>) src(%dma_wait3A_760 : memref<6272xf32, #tpu.memory_space<vmem_shared>>) dst(%arg8 : memref<6272xf32, #tpu.memory_space<vmem>>)
      tpu.yield
    }) : () -> ()
    %parallel_loop3A_743 = arith.constant 0 : i32
    %parallel_loop3A_744 = arith.constant 392 : i32
    %parallel_loop3A_745 = arith.constant 1 : i32
    scf.for %parallel_loop3A_749 = %parallel_loop3A_743 to %parallel_loop3A_744 step %parallel_loop3A_745  : i32 {
      %parallel_loop3A_750 = arith.constant 16 : i32
      %parallel_loop3A_751 = arith.muli %parallel_loop3A_749, %parallel_loop3A_750 : i32
      %parallel_loop3A_752 = arith.index_cast %parallel_loop3A_751 : i32 to index
      %parallel_loop3A_753 = tpu.vector_load %arg9[%parallel_loop3A_752] {strides = array<i32>} : memref<6272xf32, #tpu.memory_space<vmem>>, vector<16xf32>,
      %parallel_loop3A_754 = arith.index_cast %parallel_loop3A_751 : i32 to index
      %parallel_loop3A_755 = tpu.vector_load %arg8[%parallel_loop3A_754] {strides = array<i32>} : memref<6272xf32, #tpu.memory_space<vmem>>, vector<16xf32>,
      %parallel_loop3A_756 = arith.addf %parallel_loop3A_753, %parallel_loop3A_755 : vector<16xf32>
      %parallel_loop3A_757 = arith.index_cast %parallel_loop3A_751 : i32 to index
      %parallel_loop3A_758 = tpu.vector_load %arg9[%parallel_loop3A_757] {strides = array<i32>} : memref<6272xf32, #tpu.memory_space<vmem>>, vector<16xf32>,
      tpu.vector_store %arg9[%parallel_loop3A_757], %parallel_loop3A_756 {strides = array<i32>} : memref<6272xf32, #tpu.memory_space<vmem>>, vector<16xf32>,
    } {sc.loop_unroll_factor = 8 : i64, sc.parallel_access}
    %barrier3A_746 = arith.constant 0 : index
    tpu.barrier barrier_id(%barrier3A_746)
    %mul3A_747 = arith.constant 6272 : i32
    %mul3A_748 = arith.muli %arg1, %mul3A_747 : i32
    "tpu.region"() ({
      %run_scoped3A = tpu.sem_alloc : memref<!tpu.dma_semaphore, #tpu.memory_space<semaphore_mem>>
      %dma_start3A_749 = tpu.memref_slice %arg4[%arg0, %mul3A_748] : memref<2x100352xf32, #tpu.memory_space<hbm>> -> memref<1x6272xf32, #tpu.memory_space<hbm>>
      %dma_start3A_750 = tpu.memref_squeeze %dma_start3A_749 : memref<1x6272xf32, #tpu.memory_space<hbm>> -> memref<6272xf32, #tpu.memory_space<hbm>>
      %dma_start3A_751 = tpu.memref_slice %arg4[%arg0, %mul3A_748] : memref<2x100352xf32, #tpu.memory_space<hbm>> -> memref<1x6272xf32, #tpu.memory_space<hbm>>
      %dma_start3A_752 = tpu.memref_squeeze %dma_start3A_751 : memref<1x6272xf32, #tpu.memory_space<hbm>> -> memref<6272xf32, #tpu.memory_space<hbm>>
      tpu.enqueue_dma source(%arg9 : memref<6272xf32, #tpu.memory_space<vmem>>) target(%dma_start3A_752 : memref<6272xf32, #tpu.memory_space<hbm>>) target_semaphore(%run_scoped3A : memref<!tpu.dma_semaphore, #tpu.memory_space<semaphore_mem>>)
      %dma_wait3A_753 = tpu.memref_slice %arg4[%arg0, %mul3A_748] : memref<2x100352xf32, #tpu.memory_space<hbm>> -> memref<1x6272xf32, #tpu.memory_space<hbm>>
      %dma_wait3A_754 = tpu.memref_squeeze %dma_wait3A_753 : memref<1x6272xf32, #tpu.memory_space<hbm>> -> memref<6272xf32, #tpu.memory_space<hbm>>
      %dma_wait3A_755 = tpu.memref_slice %arg4[%arg0, %mul3A_748] : memref<2x100352xf32, #tpu.memory_space<hbm>> -> memref<1x6272xf32, #tpu.memory_space<hbm>>
      %dma_wait3A_756 = tpu.memref_squeeze %dma_wait3A_755 : memref<1x6272xf32, #tpu.memory_space<hbm>> -> memref<6272xf32, #tpu.memory_space<hbm>>
      tpu.wait_dma2 semaphore(%run_scoped3A : memref<!tpu.dma_semaphore, #tpu.memory_space<semaphore_mem>>) src(%arg9 : memref<6272xf32, #tpu.memory_space<vmem>>) dst(%dma_wait3A_756 : memref<6272xf32, #tpu.memory_space<hbm>>)
      tpu.yield
    }) : () -> ()
    return
  }
}

module attributes {stable_mosaic.version = 14 : i64} {
  func.func @body(%arg0: i32, %arg1: memref<2x8192xf32, #tpu.memory_space<vmem>>, %arg2: memref<32x1xf32, #tpu.memory_space<vmem>>, %arg3: memref<32x1xf32, #tpu.memory_space<vmem>>, %arg4: memref<32x32xf32, #tpu.memory_space<vmem>>, %arg5: memref<32x1xf32, #tpu.memory_space<vmem>>, %arg6: memref<32x8192xf32, #tpu.memory_space<vmem>>) attributes {dimension_semantics = [#tpu.dimension_semantics<arbitrary>], iteration_bounds = array<i64: 13>, scalar_prefetch = 0 : i64, scratch_operands = 0 : i64, tpu.core_type = #tpu.core_type<tc>, window_params = [{transform_indices = @transform_0, window_bounds = array<i64: 2, 8192>}, {pipeline_mode = #tpu.pipeline_mode<synchronous>, transform_indices = @transform_1, window_bounds = array<i64: 32, 1>}, {pipeline_mode = #tpu.pipeline_mode<synchronous>, transform_indices = @transform_2, window_bounds = array<i64: 32, 1>}, {pipeline_mode = #tpu.pipeline_mode<synchronous>, transform_indices = @transform_3, window_bounds = array<i64: 32, 32>}, {pipeline_mode = #tpu.pipeline_mode<synchronous>, transform_indices = @transform_4, window_bounds = array<i64: 32, 1>}, {transform_indices = @transform_5, window_bounds = array<i64: 32, 8192>}]} {
    %get3A = arith.constant 0 : index
    %get3A_0 = arith.constant 0 : index
    %get3A_1 = vector.load %arg1[%get3A, %get3A_0] : memref<2x8192xf32, #tpu.memory_space<vmem>>, vector<2x8192xf32>
    %reduce_sum3A = arith.constant dense<0.000000e+00> : vector<8192xf32>
    %reduce_sum3A_2 = vector.multi_reduction <add>, %get3A_1, %reduce_sum3A [0] : vector<2x8192xf32> to vector<8192xf32>
    %get3A_3 = arith.constant 0 : index
    %get3A_4 = arith.constant 0 : index
    %get3A_5 = vector.load %arg2[%get3A_3, %get3A_4] : memref<32x1xf32, #tpu.memory_space<vmem>>, vector<32x1xf32>
    %broadcast_in_dim3A = vector.shape_cast %reduce_sum3A_2 : vector<8192xf32> to vector<1x8192xf32>
    %mul3A = vector.broadcast %get3A_5 : vector<32x1xf32> to vector<32x8192xf32>
    %mul3A_6 = vector.broadcast %broadcast_in_dim3A : vector<1x8192xf32> to vector<32x8192xf32>
    %mul3A_7 = arith.mulf %mul3A, %mul3A_6 : vector<32x8192xf32>
    %get3A_8 = arith.constant 0 : index
    %get3A_9 = arith.constant 0 : index
    %get3A_10 = vector.load %arg3[%get3A_8, %get3A_9] : memref<32x1xf32, #tpu.memory_space<vmem>>, vector<32x1xf32>
    %add3A = vector.broadcast %get3A_10 : vector<32x1xf32> to vector<32x8192xf32>
    %add3A_11 = arith.addf %mul3A_7, %add3A : vector<32x8192xf32>
    %max3A = arith.constant 0.000000e+00 : f32
    %max3A_12 = vector.broadcast %max3A : f32 to vector<32x8192xf32>
    %max3A_13 = arith.maximumf %add3A_11, %max3A_12 : vector<32x8192xf32>
    %get3A_14 = arith.constant 0 : index
    %get3A_15 = arith.constant 0 : index
    %get3A_16 = vector.load %arg4[%get3A_14, %get3A_15] : memref<32x32xf32, #tpu.memory_space<vmem>>, vector<32x32xf32>
    %dot_general3A = arith.constant dense<0.000000e+00> : vector<32x8192xf32>
    %dot_general3A_17 = tpu.matmul %get3A_16, %max3A_13, %dot_general3A {dimension_numbers = #tpu.dot_dimension_numbers<[1], [0], [0], [1], [0, 0, 1, 1], [], []>, transpose_lhs_hint = false} : vector<32x32xf32>, vector<32x8192xf32>, vector<32x8192xf32> -> vector<32x8192xf32>
    %get3A_18 = arith.constant 0 : index
    %get3A_19 = arith.constant 0 : index
    %get3A_20 = vector.load %arg5[%get3A_18, %get3A_19] : memref<32x1xf32, #tpu.memory_space<vmem>>, vector<32x1xf32>
    %add3A_21 = vector.broadcast %get3A_20 : vector<32x1xf32> to vector<32x8192xf32>
    %add3A_22 = arith.addf %dot_general3A_17, %add3A_21 : vector<32x8192xf32>
    %swap3A = arith.constant 0 : index
    %swap3A_23 = arith.constant 0 : index
    %swap3A_24 = vector.load %arg6[%swap3A, %swap3A_23] : memref<32x8192xf32, #tpu.memory_space<vmem>>, vector<32x8192xf32>
    tpu.vector_store %arg6[%swap3A, %swap3A_23], %add3A_22 {strides = array<i32>} : memref<32x8192xf32, #tpu.memory_space<vmem>>, vector<32x8192xf32>,
    return
  }
  func.func @transform_0(%arg0: i32) -> (i32, i32) {
    %c0_i32 = arith.constant 0 : i32
    %c0_i32_0 = arith.constant 0 : i32
    return %c0_i32, %arg0 : i32, i32
  }
  func.func @transform_1(%arg0: i32) -> (i32, i32) {
    %c0_i32 = arith.constant 0 : i32
    %c0_i32_0 = arith.constant 0 : i32
    %c0_i32_1 = arith.constant 0 : i32
    return %c0_i32, %c0_i32_0 : i32, i32
  }
  func.func @transform_2(%arg0: i32) -> (i32, i32) {
    %c0_i32 = arith.constant 0 : i32
    %c0_i32_0 = arith.constant 0 : i32
    %c0_i32_1 = arith.constant 0 : i32
    return %c0_i32, %c0_i32_0 : i32, i32
  }
  func.func @transform_3(%arg0: i32) -> (i32, i32) {
    %c0_i32 = arith.constant 0 : i32
    %c0_i32_0 = arith.constant 0 : i32
    %c0_i32_1 = arith.constant 0 : i32
    return %c0_i32, %c0_i32_0 : i32, i32
  }
  func.func @transform_4(%arg0: i32) -> (i32, i32) {
    %c0_i32 = arith.constant 0 : i32
    %c0_i32_0 = arith.constant 0 : i32
    %c0_i32_1 = arith.constant 0 : i32
    return %c0_i32, %c0_i32_0 : i32, i32
  }
  func.func @transform_5(%arg0: i32) -> (i32, i32) {
    %c0_i32 = arith.constant 0 : i32
    %c0_i32_0 = arith.constant 0 : i32
    return %c0_i32, %arg0 : i32, i32
  }
}

</mosaic_0001>

<sc_bundles>
// kernel: kernel.4.cloned.1.call-start
scs
__scs_entry_jumppad:
0x0: {  	(pc) =	sbr.rel $0x88, $3  }
0x1: {  	(tag) =	ssettag $0x0;
	lr =	simm.s32 $0x1  }
0x2: {  	[smem:$0x3F97] =	sst lr;
	_ =	strace $0xD0000000  }
0x3: {  	_ = 	snop  }
0x4: {  	_ = 	snop  }
0x5: {  	_ = 	snop  }
0x6: {  	_ = 	snop  }
0x7: {  	_ = 	snop  }
__scs_overlays_trampoline_lowered:
0x8: {  	[smem:$0x3FA6] =	sst s0  }
0x9: {  	[smem:$0x3FA7] =	sst s1  }
0xa: {  	[smem:$0x3FA8] =	sst s2  }
0xb: {  	[smem:$0x3FA9] =	sst s3  }
0xc: {  	[smem:$0x3FAA] =	sst s4  }
0xd: {  	[smem:$0x3FAB] =	sst s5  }
0xe: {  	[smem:$0x3FAC] =	sst s6  }
0xf: {  	[smem:$0x3FAD] =	sst s7  }
0x10: {  	[smem:$0x3FAE] =	sst s8  }
0x11: {  	[smem:$0x3FAF] =	sst s9;
	s0 =	simm.s32 @!p0 $0x0  }
0x12: {  	s1 =	sld [smem:$0x3F95];
	s0 =	simm.s32 @p0 $0x1  }
0x13: {  	[smem:$0x3FB0] =	sst s0;
	s0 =	simm.s32 @!p1 $0x0  }
0x14: {  	s2 =	sld [smem:$0x3F94];
	s0 =	simm.s32 @p1 $0x1  }
0x15: {  	[smem:$0x3FB1] =	sst s0;
	s0 =	simm.s32 @!p2 $0x0  }
0x16: {  	s3 =	sld [smem:$0x3FDB];
	s0 =	simm.s32 @p2 $0x1  }
0x17: {  	s4 =	simm.s32 $0x1BF5;
	[smem:$0x3FB3] =	sst s0  }
0x18: {  	s0 =	sld [smem:$0x3F96];
	_ =	swait.ge [sflag:s4], $0x0  }
0x19: {  	s7 =	sld [smem:$0x3F97]  }
0x1a: {  	s8 =	sadd.s32 $0xFFFFE003, lr  }
0x1b: {  	s9 =	sadd.s32 $0xFFFFFEF7, lr;
	s5 =	simm.s32 $0xFFFFFFFF;
	p2 =	slt.u32 s8, $0xFFFFF086  }
0x1c: {  	p1 =	slt.u32 s9, $0xF7A;
	s5 =	simm.s32 @!p2 $0x0  }
0x1d: {  	s5 =	simm.s32 @p1 $0x1;
	p0 =	seq.s32 s7, s2  }
0x1e: {  	s7 =	smul.u32 @!p0 $0xF7A, s2;
	p2 =	seq.s32 @!p0 s5, $0x0  }
0x1f: {  	s9 =	smul.u32 $0xF7A, s1;
	s8 =	simm.s32 @!p0 $0x1BF5;
	p2 =	por !p2, p0  }
0x20: {  	[sflag:s8] =	ssyncset.s32 @!p0 $0xFFFFF086;
	s6 =	sadd.s32 @!p0 s3, s7;
	s7 =	simm.s32 @!p0 $0x108  }
0x21: {  	s3 =	sadd.s32 s3, s9;
	s6 =	sadd.s32 @!p0 $0x88, s6;
	s7 =	simm.s32 @p2 $0x1082  }
0x22: {  	[simem:s7], [sflag:s8] =	dma.local @!p0 [hbm:s6], $0xF7A  }
0x23: {  	s9 =	sor.u32 $0xD0000000, s2;
	s6 =	simm.s32 $0x108;
	_ =	swait.ge @!p0 [sflag:s8], $0x0  }
0x24: {  	s3 =	sadd.s32 $0x88, s3;
	s6 =	simm.s32 @!p1 $0x1082;
	[sflag:s4] =	ssyncset.s32 $0xFFFFF086  }
0x25: {  	[simem:s6], [sflag:s4] =	dma.local [hbm:s3], $0xF7A  }
0x26: {  	[smem:$0x3F97] =	sst s1;
	(tag) =	ssettag s2;
	_ =	strace s9  }
0x27: {  	s1 =	sld [smem:$0x3FA7]  }
0x28: {  	s2 =	sld [smem:$0x3FA8]  }
0x29: {  	s4 =	sld [smem:$0x3FAA]  }
0x2a: {  	p0 =	seq.s32 s5, $0x0;
	s5 =	sld [smem:$0x3FAB]  }
0x2b: {  	s6 =	sld [smem:$0x3FAC]  }
0x2c: {  	s7 =	sld [smem:$0x3FAD]  }
0x2d: {  	s3 =	simm.s32 $0x108;
	s8 =	sld [smem:$0x3FAE]  }
0x2e: {  	s3 =	simm.s32 @!p0 $0x1082;
	s9 =	sld [smem:$0x3FAF]  }
0x2f: {  	lr =	sadd.s32 s0, s3;
	s0 =	sld [smem:$0x3FA6]  }
0x30: {  	s3 =	sld [smem:$0x3FA9]  }
0x31: {  	[smem:$0x3FB2] =	sst s10  }
0x32: {  	s10 =	sld [smem:$0x3FB0];
	_ =	sdelay $0x3  }
0x33: {  	p0 =	seq.s32 s10, $0x1;
	s10 =	sld [smem:$0x3FB2];
	_ =	sdelay $0x3  }
0x34: {  	[smem:$0x3FB2] =	sst s10  }
0x35: {  	s10 =	sld [smem:$0x3FB1];
	_ =	sdelay $0x3  }
0x36: {  	p1 =	seq.s32 s10, $0x1;
	s10 =	sld [smem:$0x3FB2];
	_ =	sdelay $0x3  }
0x37: {  	[smem:$0x3FB2] =	sst s10  }
0x38: {  	s10 =	sld [smem:$0x3FB3]  }
0x39: {  	_ = 	snop;
	(pc) =	sbr.ind lr, $3  }
0x3a: {  	_ = 	snop  }
0x3b: {  	_ = 	snop  }
0x3c: {  	p2 =	seq.s32 s10, $0x1;
	s10 =	sld [smem:$0x3FB2]  }
0x3d: {  	_ =	shalt  }
0x3e: {  	_ =	shalt  }
0x3f: {  	_ =	shalt  }
0x40: {  	_ =	shalt  }
0x41: {  	_ =	shalt  }
0x42: {  	_ =	shalt  }
0x43: {  	_ =	shalt  }
0x44: {  	_ =	shalt  }
0x45: {  	_ =	shalt  }
0x46: {  	_ =	shalt  }
0x47: {  	_ =	shalt  }
0x48: {  	_ =	shalt  }
0x49: {  	_ =	shalt  }
0x4a: {  	_ =	shalt  }
0x4b: {  	_ =	shalt  }
0x4c: {  	_ =	shalt  }
0x4d: {  	_ =	shalt  }
0x4e: {  	_ =	shalt  }
0x4f: {  	_ =	shalt  }
0x50: {  	_ =	shalt  }
0x51: {  	_ =	shalt  }
0x52: {  	_ =	shalt  }
0x53: {  	_ =	shalt  }
0x54: {  	_ =	shalt  }
0x55: {  	_ =	shalt  }
0x56: {  	_ =	shalt  }
0x57: {  	_ =	shalt  }
0x58: {  	_ =	shalt  }
0x59: {  	_ =	shalt  }
0x5a: {  	_ =	shalt  }
0x5b: {  	_ =	shalt  }
0x5c: {  	_ =	shalt  }
0x5d: {  	_ =	shalt  }
0x5e: {  	_ =	shalt  }
0x5f: {  	_ =	shalt  }
0x60: {  	_ =	shalt  }
0x61: {  	_ =	shalt  }
0x62: {  	_ =	shalt  }
0x63: {  	_ =	shalt  }
0x64: {  	_ =	shalt  }
0x65: {  	_ =	shalt  }
0x66: {  	_ =	shalt  }
0x67: {  	_ =	shalt  }
0x68: {  	_ =	shalt  }
0x69: {  	_ =	shalt  }
0x6a: {  	_ =	shalt  }
0x6b: {  	_ =	shalt  }
0x6c: {  	_ =	shalt  }
0x6d: {  	_ =	shalt  }
0x6e: {  	_ =	shalt  }
0x6f: {  	_ =	shalt  }
0x70: {  	_ =	shalt  }
0x71: {  	_ =	shalt  }
0x72: {  	_ =	shalt  }
0x73: {  	_ =	shalt  }
0x74: {  	_ =	shalt  }
0x75: {  	_ =	shalt  }
0x76: {  	_ =	shalt  }
0x77: {  	_ =	shalt  }
0x78: {  	_ =	shalt  }
0x79: {  	_ =	shalt  }
0x7a: {  	_ =	shalt  }
0x7b: {  	_ =	shalt  }
0x7c: {  	_ =	shalt  }
0x7d: {  	_ =	shalt  }
0x7e: {  	_ =	shalt  }
0x7f: {  	_ =	shalt  }
0x80: {  	_ =	shalt  }
0x81: {  	_ =	shalt  }
0x82: {  	_ =	shalt  }
0x83: {  	_ =	shalt  }
0x84: {  	_ =	shalt  }
0x85: {  	_ =	shalt  }
0x86: {  	_ =	shalt  }
0x87: {  	_ =	shalt  }
.Lfunc_end0:
.L_simem_size_0:
called_computation_lowered:
.L_overlay_start_0:
0x88: {  	s2 =	sld [smem:$0x3FD9]  }
0x89: {  	s3 =	sld [smem:$0x3FFE];
	_ =	sdelay $0x1  }
0x8a: {  	s1 =	srdreg.scid  }
0x8b: {  	s0 =	sand.u32 $0x1, s1  }
0x8c: {  	s17 =	sshll.u32 s0, $0xA;
	s2 =	sadd.s32 s3, s2  }
0x8d: {  	s2 =	sadd.s32 s2, s17  }
0x8e: {  	[smem:$0x3FBE] =	sst s2  }
0x8f: {  	_ = 	snop  }
0x90: {  	s2 =	sld [smem:$0x3FC9]  }
0x91: {  	s18 =	sld [smem:$0x3FD0];
	(tm) =	ssettm $0x1  }
0x92: {  	s4 =	sld [smem:$0x3FFB];
	_ =	sdelay $0x3  }
0x93: {  	_ =	strace s4  }
0x94: {  	s4 =	sld [smem:$0x3FFC];
	_ =	sdelay $0x3  }
0x95: {  	_ =	strace s4  }
0x96: {  	s4 =	sld [smem:$0x3FFD];
	_ =	sdelay $0x3  }
0x97: {  	_ =	strace s4  }
0x98: {  	_ =	strace $0x8FFFFFFF  }
0x99: {  	s19 =	sld [smem:$0x3FDB];
	_ =	sdelay $0x1  }
0x9a: {  	s5 =	simm.s32 $_scs_section_size  }
0x9b: {  	s6 =	simm.s32 $_size__tile_overlayer_lowered;
	s7 =	simm.s32 $_tile_overlayer_lowered  }
0x9c: {  	s22 =	simm.s32 $0x1BFF;
	s21 =	sshll.u32 s7, $0x1;
	s4 =	sadd.s32 s5, s19  }
0x9d: {  	s8 =	simm.s32 $0x0;
	s20 =	sshll.u32 s6, $0x1;
	s6 =	sadd.s32 s21, s4  }
0x9e: {  	[timem:s8], [sflag:s22] =	dma.local [hbm:s6], s20  }
0x9f: {  	_ =	swait.ge [sflag:s22], s20  }
0xa0: {  	s5 =	ssub.s32 $0x0, s20;
	[sflag:s22] =	ssyncset.done $0x0  }
0xa1: {  	[sflag:s22] =	ssyncadd.s32 s5;
	_ =	sdelay $0x1  }
0xa2: {  	s23 =	simm.s32 $0x1B8B  }
0xa3: {  	_ =	swait.ge [sflag:s23], $0x1  }
0xa4: {  	[sflag:s23] =	ssyncset.done $0x0  }
0xa5: {  	s25 =	simm.s32 $0x1B8E;
	s24 =	sld [smem:$0x3FFE];
	[sflag:s23] =	ssyncadd.s32 $0xFFFFFFFF  }
0xa6: {  	s26 =	simm.s32 $execute0_lowered;
	[smem:$0x3FD2] =	sst s25  }
0xa7: {  	s6 =	sshll.u32 s26, $0x1;
	_ =	strace $0x80000046;
	[dreg:$0x1] =	wrdreg $0xFFFFFFFF  }
0xa8: {  	s28 =	simm.s32 $_size_execute0_lowered;
	s4 =	sadd.s32 s4, s6;
	[dreg:$0x0] =	wrdreg $0x0  }
0xa9: {  	s6 =	sshll.u32 s28, $0x1;
	[dreg:$0x2] =	wrdreg s4  }
0xaa: {  	[dreg:$0x3] =	wrdreg s6  }
0xab: {  	[dreg:$0x4] =	wrdreg $0xC0  }
0xac: {  	_ =	task [dreg:s8], $0x5FFFF  }
0xad: {  	[dreg:$0x1] =	wrdreg $0xFFFFFFFF  }
0xae: {  	[dreg:$0x0] =	wrdreg $0x60  }
0xaf: {  	[dreg:$0x2] =	wrdreg s2  }
0xb0: {  	[dreg:$0x3] =	wrdreg s24  }
0xb1: {  	[dreg:$0x4] =	wrdreg s18  }
0xb2: {  	[dreg:$0x5] =	wrdreg $0x1E1800  }
0xb3: {  	[dreg:$0x6] =	wrdreg $0x9  }
0xb4: {  	_ =	task.clear_ibuf [dreg:s8], $0x7FFFF;
	_ =	strace $0x90000046  }
0xb5: {  	s29 =	simm.s32 $0x9;
	_ =	strace $0x80000048  }
0xb6: {  	_ =	swait.ge [sflag:s29], $0x1  }
0xb7: {  	[sflag:s29] =	ssyncadd.s32 $0xFFFFFFFF  }
0xb8: {  	_ =	strace $0x90000048  }
0xb9: {  	_ =	sfence  }
0xba: {  	s30 =	sld [smem:$0x0];
	_ =	sdelay $0x2  }
0xbb: {  	s31 =	sshll.u32 s1, $0xD;
	s1 =	sshrl.u32 s1, $0x2  }
0xbc: {  	s3 =	sand.u32 $0x4000, s31;
	s1 =	sadd.s32 s1, s30  }
0xbd: {  	s0 =	sor.u32 s3, s0;
	s1 =	sshll.u32 s1, $0x11  }
0xbe: {  	s0 =	sor.u32 s1, s0  }
0xbf: {  	s0 =	sadd.s32 $0x8F2B, s0  }
0xc0: {  	[sflag:s0] =	ssyncadd.remote.s32 $0x1  }
0xc1: {  	_ =	sfence.sel $0xFFFF  }
0xc2: {  	[dreg:$0x0] =	wrdreg $0xFFFFFFFF;
	(pc) =	sbr.abs _section_cstart, $3  }
0xc3: {  	[dreg:$0x1] =	wrdreg $0xFFFFFFFF  }
0xc4: {  	_ =	task.clear_ibuf [dreg:s8], $0x2FFFF;
	_ =	strace $0x9FFFFFFF  }
0xc5: {  	(tm) =	ssettm $0x7FFFFFFF  }
tec
execute0_lowered:
.L_overlay_start_1:
0x0: {  	(tag) =	ssettag $0x1  }
0x1: {  	s0 =	srdreg.scid;
	s5 =	rddreg [dreg:$0x0]  }
0x2: {  	s25 =	stileid.u32;
	s6 =	rddreg [dreg:$0x3]  }
0x3: {  	s31 =	simm.s32 $0x3;
	s4 =	sand.u32 $0x1, s0;
	s21 =	sshll.u32 s25, $0x1  }
0x4: {  	s23 =	sadd.s32 $0xF, s25;
	s26 =	sshrl.u32 s25, $0x3;
	s11 =	sshll.u32 s25, $0x7  }
0x5: {  	s20 =	sadd.s32 $0xC, s25;
	s0 =	sor.u32 s4, s21;
	s1 =	ssub.s32 $0x2, s4  }
0x6: {  	s14 =	sand.u32 $0x380, s11;
	s11 =	sadd.s32 $0xD, s25;
	s4 =	sshll.u32 s4, $0x7  }
0x7: {  	s3 =	sor.u32 $0x260, s0;
	s2 =	smul.u32 $0x280, s0;
	s7 =	sshrl.u32 s1, $0x1  }
0x8: {  	s19 =	sshll.u32 s11, $0x7;
	s22 =	smin.u32 s3, $0x270;
	s0 =	ssub.s32 s1, s7  }
0x9: {  	p0 =	slt.s32 s3, $0x271;
	s1 =	sadd.s32 s5, s2;
	s2 =	sand.u32 $0xF, s23  }
0xa: {  	s7 =	sshll.u32 s23, $0x7;
	s8 =	smul.u32 $0x280, s22;
	s10 =	sshrl.u32 s2, $0x3  }
0xb: {  	s21 =	sand.u32 $0x380, s19;
	s9 =	smul.u32 $0x31000, s10;
	s10 =	sadd.s32 $0xE, s25  }
0xc: {  	s7 =	sand.u32 $0x380, s7;
	s24 =	sadd.s32 s5, s8;
	s3 =	sand.u32 $0xF, s10  }
0xd: {  	s5 =	sand.u32 $0xF, s11;
	[dreg:$0x5] =	wrdreg s24;
	s13 =	sshrl.u32 s3, $0x3  }
0xe: {  	s16 =	sshll.u32 s10, $0x7;
	s12 =	sshrl.u32 s9, $0x2;
	s9 =	smul.u32 $0x31000, s13  }
0xf: {  	s18 =	sshrl.u32 s5, $0x3;
	s8 =	sadd.s32 s12, s6;
	s13 =	smul.u32 $0x31000, s26  }
0x10: {  	s12 =	sadd.s32 $0xB, s25;
	s15 =	sadd.s32 s7, s8;
	s7 =	sand.u32 $0x380, s16  }
0x11: {  	s16 =	sadd.s32 $0xA, s25;
	[dreg:$0x6] =	wrdreg s15;
	s17 =	sshrl.u32 s9, $0x2  }
0x12: {  	s9 =	smul.u32 $0x31000, s18;
	s15 =	sshll.u32 s20, $0x7;
	s18 =	sadd.s32 $0x9, s25  }
0x13: {  	s19 =	sshll.u32 s16, $0x7;
	s8 =	sadd.s32 s17, s6;
	s23 =	sand.u32 $0x380, s15  }
0x14: {  	s7 =	sadd.s32 s7, s8;
	s9 =	sshrl.u32 s9, $0x2;
	s8 =	sand.u32 $0xF, s12  }
0x15: {  	s12 =	sshll.u32 s12, $0x7;
	[dreg:$0x7] =	wrdreg s7;
	s7 =	sand.u32 $0xF, s20  }
0x16: {  	s9 =	sadd.s32 s9, s6;
	s24 =	sshrl.u32 s8, $0x3;
	s12 =	sand.u32 $0x380, s12  }
0x17: {  	s22 =	sshrl.u32 s7, $0x3;
	s9 =	sadd.s32 s21, s9;
	s26 =	smul.u32 $0x31000, s24  }
0x18: {  	s11 =	smul.u32 $0x31000, s22;
	[dreg:$0x8] =	wrdreg s9;
	s9 =	sand.u32 $0xF, s16  }
0x19: {  	s22 =	sadd.s32 $0x7, s25;
	s15 =	sshrl.u32 s26, $0x2;
	s17 =	sshrl.u32 s9, $0x3  }
0x1a: {  	s26 =	sshrl.u32 s13, $0x2;
	s11 =	sshrl.u32 s11, $0x2;
	s15 =	sadd.s32 s15, s6  }
0x1b: {  	s17 =	smul.u32 $0x31000, s17;
	s11 =	sadd.s32 s11, s6;
	s15 =	sadd.s32 s12, s15  }
0x1c: {  	s13 =	sand.u32 $0xF, s22;
	s10 =	sadd.s32 s23, s11;
	[dreg:$0xa] =	wrdreg s15  }
0x1d: {  	s11 =	sand.u32 $0xF, s18;
	s20 =	sshrl.u32 s17, $0x2;
	s23 =	sshll.u32 s18, $0x7  }
0x1e: {  	s18 =	sshrl.u32 s13, $0x3;
	[dreg:$0x9] =	wrdreg s10;
	s21 =	sshrl.u32 s11, $0x3  }
0x1f: {  	s10 =	sand.u32 $0x380, s19;
	s12 =	sadd.s32 s20, s6;
	s15 =	smul.u32 $0x31000, s21  }
0x20: {  	s19 =	sshll.u32 s22, $0x7;
	s10 =	sadd.s32 s10, s12;
	s12 =	sxor.u32 $0x8, s25  }
0x21: {  	[dreg:$0xb] =	wrdreg s10;
	s24 =	sshrl.u32 s12, $0x3;
	s15 =	sshrl.u32 s15, $0x2  }
0x22: {  	s10 =	sand.u32 $0x380, s23;
	s17 =	smul.u32 $0x31000, s24;
	s15 =	sadd.s32 s15, s6  }
0x23: {  	s20 =	sadd.s32 $0x6, s25;
	s22 =	sadd.s32 $0x5, s25;
	s10 =	sadd.s32 s10, s15  }
0x24: {  	s15 =	sadd.s32 s26, s6;
	s17 =	sshrl.u32 s17, $0x2;
	s26 =	sadd.s32 $0x4, s25  }
0x25: {  	[dreg:$0xc] =	wrdreg s10;
	s10 =	sadd.s32 s14, s15;
	s15 =	sadd.s32 s17, s6  }
0x26: {  	s17 =	smul.u32 $0x31000, s18;
	s18 =	sshll.u32 s22, $0x7;
	s14 =	sadd.s32 s14, s15  }
0x27: {  	s15 =	sshll.u32 s20, $0x7;
	[dreg:$0xd] =	wrdreg s14;
	s14 =	sand.u32 $0x380, s19  }
0x28: {  	s21 =	sshrl.u32 s17, $0x2;
	s17 =	sand.u32 $0xF, s20;
	s20 =	sand.u32 $0xF, s22  }
0x29: {  	s16 =	sadd.s32 s21, s6;
	s19 =	sshrl.u32 s17, $0x3;
	s23 =	sshrl.u32 s20, $0x3  }
0x2a: {  	s21 =	sand.u32 $0xF, s26;
	s19 =	smul.u32 $0x31000, s19;
	s14 =	sadd.s32 s14, s16  }
0x2b: {  	[dreg:$0xe] =	wrdreg s14;
	s14 =	sand.u32 $0x380, s15;
	s15 =	smul.u32 $0x31000, s23  }
0x2c: {  	s18 =	sand.u32 $0x380, s18;
	s22 =	sshrl.u32 s21, $0x3;
	s24 =	sshrl.u32 s19, $0x2  }
0x2d: {  	s22 =	smul.u32 $0x31000, s22;
	s16 =	sadd.s32 s24, s6;
	s15 =	sshrl.u32 s15, $0x2  }
0x2e: {  	s23 =	sadd.s32 $0x3, s25;
	s15 =	sadd.s32 s15, s6;
	s14 =	sadd.s32 s14, s16  }
0x2f: {  	s19 =	sshrl.u32 s22, $0x2;
	[dreg:$0xf] =	wrdreg s14;
	s16 =	sadd.s32 s18, s15  }
0x30: {  	s14 =	sand.u32 $0xF, s23;
	s18 =	sshll.u32 s26, $0x7;
	[dreg:$0x10] =	wrdreg s16  }
0x31: {  	s22 =	sshrl.u32 s14, $0x3;
	s15 =	sand.u32 $0x380, s18;
	s16 =	sadd.s32 s19, s6  }
0x32: {  	s23 =	sshll.u32 s23, $0x7;
	s18 =	smul.u32 $0x31000, s22;
	s15 =	sadd.s32 s15, s16  }
0x33: {  	s16 =	sadd.s32 $0x2, s25;
	[dreg:$0x11] =	wrdreg s15;
	s15 =	sand.u32 $0x380, s23  }
0x34: {  	s24 =	sand.u32 $0xF, s16;
	s23 =	sadd.s32 $0x1, s25;
	s16 =	sshll.u32 s16, $0x7  }
0x35: {  	s18 =	sshrl.u32 s18, $0x2;
	s22 =	smul.u32 $0x6200, s24;
	s19 =	sshrl.u32 s24, $0x3  }
0x36: {  	s24 =	sand.u32 $0xF, s23;
	s18 =	sadd.s32 s18, s6;
	s19 =	smul.u32 $0x31000, s19  }
0x37: {  	s16 =	sand.u32 $0x380, s16;
	s26 =	sshrl.u32 s24, $0x3;
	s15 =	sadd.s32 s15, s18  }
0x38: {  	s18 =	smul.u32 $0x31000, s26;
	[dreg:$0x12] =	wrdreg s15;
	s19 =	sshrl.u32 s19, $0x2  }
0x39: {  	s15 =	smul.u32 $0x6200, s24;
	s24 =	sshll.u32 s23, $0x7;
	s19 =	sadd.s32 s19, s6  }
0x3a: {  	s18 =	sshrl.u32 s18, $0x2;
	s16 =	sadd.s32 s16, s19;
	s19 =	smul.u32 $0x6200, s20  }
0x3b: {  	s26 =	sand.u32 $0x380, s24;
	s24 =	rddreg [dreg:$0x2];
	s20 =	smul.u32 $0x3100, s25  }
0x3c: {  	s6 =	sadd.s32 s18, s6;
	s18 =	simm.s32 $0x0;
	[dreg:$0x13] =	wrdreg s16  }
0x3d: {  	s16 =	smul.u32 $0x6200, s21;
	[smem:$0x7FF] =	sst s18;
	s4 =	sor.u32 s4, s20  }
0x3e: {  	s6 =	sadd.s32 s26, s6;
	s21 =	rddreg [dreg:$0x1];
	s4 =	sshrl.u32 s4, $0x3  }
0x3f: {  	s26 =	smul.u32 $0x6200, s25;
	[dreg:$0x14] =	wrdreg s6;
	s4 =	sadd.s32 s24, s4  }
0x40: {  	s0 =	smax.u32 s0, $0x1;
	s24 =	sadd.s32 $0x1600, s21;
	[dreg:$0x15] =	wrdreg s4  }
0x41: {  	s25 =	sshrl.u32 s26, $0x2;
	_ =	strace $0x80000047;
	[dreg:$0x16] =	wrdreg s24  }
0x42: {  	s14 =	smul.u32 $0x6200, s14;
	s26 =	sshrl.u32 s15, $0x2;
	[dreg:$0x17] =	wrdreg s25  }
0x43: {  	s6 =	smul.u32 $0x6200, s12;
	s12 =	sshrl.u32 s22, $0x2;
	[dreg:$0x18] =	wrdreg s26  }
0x44: {  	s2 =	smul.u32 $0x6200, s2;
	s14 =	sshrl.u32 s14, $0x2;
	[dreg:$0x19] =	wrdreg s12  }
0x45: {  	s17 =	smul.u32 $0x6200, s17;
	s15 =	sshrl.u32 s16, $0x2;
	[dreg:$0x1a] =	wrdreg s14  }
0x46: {  	s13 =	smul.u32 $0x6200, s13;
	s16 =	sshrl.u32 s19, $0x2;
	[dreg:$0x1b] =	wrdreg s15  }
0x47: {  	s28 =	sadd.s32 $0x50000, s1;
	s17 =	sshrl.u32 s17, $0x2;
	[dreg:$0x1c] =	wrdreg s16  }
0x48: {  	s23 =	smul.u32 $0x6200, s11;
	s19 =	sshrl.u32 s13, $0x2;
	[dreg:$0x1d] =	wrdreg s17  }
0x49: {  	s9 =	smul.u32 $0x6200, s9;
	s6 =	sshrl.u32 s6, $0x2;
	[dreg:$0x1e] =	wrdreg s19  }
0x4a: {  	s8 =	smul.u32 $0x6200, s8;
	s4 =	sshrl.u32 s23, $0x2;
	[dreg:$0x1f] =	wrdreg s6  }
0x4b: {  	s7 =	smul.u32 $0x6200, s7;
	s20 =	sshrl.u32 s9, $0x2;
	[smem:$0x7F3] =	sst s4  }
0x4c: {  	s5 =	smul.u32 $0x6200, s5;
	s21 =	sshrl.u32 s8, $0x2;
	[smem:$0x7F4] =	sst s20  }
0x4d: {  	s3 =	smul.u32 $0x6200, s3;
	s22 =	sshrl.u32 s7, $0x2;
	[smem:$0x7F5] =	sst s21  }
0x4e: {  	s29 =	sadd.s32 $0x55000, s1;
	s23 =	sshrl.u32 s5, $0x2;
	[smem:$0x7F6] =	sst s22  }
0x4f: {  	s30 =	sadd.s32 $0x5A000, s1;
	s3 =	sshrl.u32 s3, $0x2;
	[smem:$0x7F7] =	sst s23  }
0x50: {  	s2 =	sshrl.u32 s2, $0x2;
	s7 =	simm.s32 $0x0;
	[smem:$0x7F8] =	sst s3  }
0x51: {  	s13 =	sadd.s32 $0x14000, s1;
	s5 =	simm.s32 $0x400;
	[smem:$0x7F9] =	sst s2  }
0x52: {  	[smem:$0x7FA] =	sst s0;
	s24 =	sadd.s32 $0x5000, s1;
	s25 =	sadd.s32 $0xA000, s1  }
0x53: {  	s26 =	sadd.s32 $0xF000, s1;
	s14 =	sadd.s32 $0x19000, s1;
	s15 =	sadd.s32 $0x1E000, s1  }
0x54: {  	s16 =	sadd.s32 $0x23000, s1;
	s17 =	sadd.s32 $0x28000, s1;
	s19 =	sadd.s32 $0x2D000, s1  }
0x55: {  	s21 =	sadd.s32 $0x32000, s1;
	s22 =	sadd.s32 $0x37000, s1;
	s23 =	sadd.s32 $0x3C000, s1  }
0x56: {  	s20 =	simm.s32 $0x18800;
	s0 =	simm.s32 $0x19C00;
	[smem:$0x7FB] =	sst s24  }
0x57: {  	s2 =	simm.s32 $0x1;
	s3 =	simm.s32 $0x2;
	[smem:$0x7FC] =	sst s25  }
0x58: {  	vm0 =	vmxor vm0, vm0;
	s4 =	simm.s32 $0x80;
	s6 =	simm.s32 $0x1B000;
	[smem:$0x7FD] =	sst s26  }
0x59: {  	v0 =	vimm.f32 $0.0e+00;
	vm0 =	vmneg @p0 vm0;
	s24 =	sadd.s32 $0x41000, s1;
	s25 =	sadd.s32 $0x46000, s1;
	s26 =	sadd.s32 $0x4B000, s1  }
.LBB2_1:
0x5a: {  	s8 =	rddreg [dreg:$0x16];
	s9 =	simm.s32 $0x1E100  }
0x5b: {  	[tilespmem:s9], [sflag:$0x3] =	stream.linear.gather [hbm4b:s8+s18], $0x80, $0x38;
	[tilespmem:$0x1FA00] =	vst v63  }
0x5c: {  	_ =	swait.ge [sflag:s31], $0x80  }
0x5d: {  	[sflag:s31] =	ssyncset.done $0x0  }
0x5e: {  	s8 =	simm.s32 $0x40;
	[sflag:s31] =	ssyncadd.s32 $0xFFFFFF80  }
0x5f: {  	v1 =	vld [tilespmem:$0x1E100];
	[tilespmem:s8+$0xFFFFFFC0] =	vst v0  }
0x60: {  	[tilespmem:s8+$0x30] =	vst v0  }
0x61: {  	[tilespmem:s8+$0x20] =	vst v0  }
0x62: {  	[tilespmem:s8+$0x10] =	vst v0  }
0x63: {  	[tilespmem:s8+$0x0] =	vst v0  }
0x64: {  	[tilespmem:s8+$0xFFFFFFF0] =	vst v0  }
0x65: {  	s9 =	simm.s32 $0x0;
	[tilespmem:s8+$0xFFFFFFE0] =	vst v0  }
.LBB2_2:
0x66: {  	s9 =	sadd.s32 $0x8, s9;
	[tilespmem:s8+$0xFFFFFFD0] =	vst v0;
	s8 =	sadd.s32 $0x80, s8  }
0x67: {  	[tilespmem:s8+$0xFFFFFFC0] =	vst v0;
	p0 =	slt.u32 s9, $0x1878  }
0x68: {  	[tilespmem:s8+$0x30] =	vst v0  }
.Ltmp0:
0x69: {  	[tilespmem:s8+$0x20] =	vst v0;
	(pc) =	sbr.rel @p0 .LBB2_2-.Ltmp0, $4  }
0x6a: {  	[tilespmem:s8+$0x10] =	vst v0  }
0x6b: {  	[tilespmem:s8+$0x0] =	vst v0  }
0x6c: {  	[tilespmem:s8+$0xFFFFFFF0] =	vst v0  }
0x6d: {  	[tilespmem:s8+$0xFFFFFFE0] =	vst v0  }
0x6e: {  	[tilespmem:s8+$0xFFFFFFD0] =	vst v0  }
0x6f: {  	s8 =	sld [smem:$0x7FB]  }
0x70: {  	[tilespmem:s20], [sflag:$0x1] =	stream.linear.gather [hbm4b:s1+s18], $0x1400, $0x38;
	[tilespmem:$0x1FA00] =	vst v63  }
0x71: {  	_ = 	snop  }
0x72: {  	[tilespmem:s0], [sflag:$0x2] =	stream.linear.gather [hbm4b:s8+s18], $0x1400, $0x38;
	[tilespmem:$0x1FA00] =	vst v63  }
0x73: {  	_ =	swait.ge [sflag:s2], $0x1400  }
0x74: {  	[sflag:s2] =	ssyncset.done $0x0  }
0x75: {  	s11 =	simm.s32 $0x188F0;
	[sflag:s2] =	ssyncadd.s32 $0xFFFFEC00  }
0x76: {  	v2 =	vld [tilespmem:s11+$0xFFFFFFB0];
	_ =	sdelay $0x4  }
0x77: {  	v18 =	vadd.s32 v1, v2  }
0x78: {  	(xrf1) =	vunique.msk.u32 $0xffff, v18  }
0x79: {  	v3 =	vld [tilespmem:s11+$0xFFFFFFA0];
	_ =	sdelay $0x1  }
0x7a: {  	v4 =	vld [tilespmem:s11+$0xFFFFFFF0];
	_ =	sdelay $0x2  }
0x7b: {  	v2 =	vld [tilespmem:s11+$0xFFFFFFD0];
	v5 =	vadd.s32 v1, v3  }
0x7c: {  	v6 =	vld [tilespmem:s11+$0xFFFFFFE0];
	(xrf1) =	vunique.msk.u32 $0xffff, v5  }
0x7d: {  	v3 =	vadd.s32 v1, v4;
	v4 =	vld [tilespmem:s11+$0xFFFFFF90];
	_ =	sdelay $0x1  }
0x7e: {  	v8 =	vld [tilespmem:s11+$0xFFFFFFC0]  }
0x7f: {  	(xrf1) =	vunique.msk.u32 $0xffff, v3;
	v2 =	vadd.s32 v1, v2  }
0x80: {  	v6 =	vadd.s32 v1, v6;
	(xrf1) =	vunique.msk.u32 $0xffff, v2  }
0x81: {  	v7 =	vld [tilespmem:s11+$0x0];
	v9 =	vadd.s32 v1, v4;
	(xrf1) =	vunique.msk.u32 $0xffff, v6  }
0x82: {  	_, v15, vm1 =	vpop (xrf1);
	(xrf1) =	vunique.msk.u32 $0xffff, v9  }
0x83: {  	s12 =	simm.s32 $0x189F0;
	v10 =	vadd.s32 v1, v8  }
0x84: {  	v11 =	vld [tilespmem:s12+$0xFFFFFFB0];
	(xrf1) =	vunique.msk.u32 $0xffff, v10  }
0x85: {  	v12 =	vld [tilespmem:s12+$0xFFFFFFA0]  }
0x86: {  	v7 =	vadd.s32 v1, v7  }
0x87: {  	v20 =	vld [tilespmem:s12+$0xFFFFFFF0];
	(xrf1) =	vunique.msk.u32 $0xffff, v7  }
0x88: {  	v19 =	vld [tilespmem:s12+$0xFFFFFFE0]  }
0x89: {  	v8 =	vadd.s32 v1, v11;
	v4 =	vld [tilespmem:s12+$0x0];
	_, v21, vm3 =	vpop (xrf1)  }
0x8a: {  	v16 =	vld [tilespmem:s12+$0xFFFFFFD0];
	v14 =	vadd.s32 v1, v12;
	(xrf1) =	vunique.msk.u32 $0xffff, v8  }
0x8b: {  	(xrf1) =	vunique.msk.u32 $0xffff, v14  }
0x8c: {  	v13 =	vld [tilespmem:s12+$0xFFFFFF90];
	v22 =	vcvt.s32.f32 v15  }
0x8d: {  	v17 =	vld [tilespmem:s12+$0xFFFFFFC0];
	v11 =	vadd.s32 v1, v19;
	_, v15, vm2 =	vpop (xrf1);
	v19 =	vcvt.s32.f32 v21  }
0x8e: {  	s9 =	simm.s32 $0x18AF0;
	s8 =	simm.s32 $0x8;
	v12 =	vadd.s32 v1, v20;
	v4 =	vadd.s32 v1, v4;
	[tilespmem:v18+s18+$0x0] =	vst.idx.add.f32.msk vm1, v22;
	_, v18, vm1 =	vpop (xrf1)  }
.LBB2_4:
0x8f: {  	s8 =	sadd.s32 $0x8, s8;
	v20 =	vadd.s32 v1, v16;
	(xrf1) =	vunique.msk.u32 $0xffff, v12;
	[tilespmem:v5+s18+$0x0] =	vst.idx.add.f32.msk vm3, v19;
	_, v16, vm4 =	vpop (xrf1);
	v5 =	vmov v14  }
0x90: {  	v14 =	vld [tilespmem:s9+$0xFFFFFFB0];
	p0 =	slt.u32 s8, $0x98;
	(xrf1) =	vunique.msk.u32 $0xffff, v20;
	v19 =	vcvt.s32.f32 v16;
	_, v16, vm3 =	vpop (xrf1)  }
0x91: {  	v22 =	vadd.s32 v1, v13;
	v18 =	vcvt.s32.f32 v18;
	v21 =	vld [tilespmem:s9+$0xFFFFFFA0];
	(xrf1) =	vunique.msk.u32 $0xffff, v11  }
0x92: {  	v13 =	vld [tilespmem:s9+$0xFFFFFF90];
	(xrf1) =	vunique.msk.u32 $0xffff, v22;
	_, v23, vm5 =	vpop (xrf1)  }
0x93: {  	v25 =	vcvt.s32.f32 v16;
	v17 =	vadd.s32 v1, v17;
	v24 =	vld [tilespmem:s9+$0xFFFFFFF0]  }
0x94: {  	v16 =	vld [tilespmem:s9+$0xFFFFFFD0];
	(xrf1) =	vunique.msk.u32 $0xffff, v17  }
0x95: {  	v26 =	vld [tilespmem:s9+$0xFFFFFFE0];
	_, v27, vm6 =	vpop (xrf1)  }
0x96: {  	v23 =	vcvt.s32.f32 v23;
	[tilespmem:v9+s18+$0x0] =	vst.idx.add.f32.msk vm3, v25;
	v9 =	vmov v22  }
0x97: {  	v15 =	vcvt.s32.f32 v15;
	v22 =	vld [tilespmem:s9+$0x0];
	(xrf1) =	vunique.msk.u32 $0xffff, v4  }
0x98: {  	_, v25, vm7 =	vpop (xrf1);
	[tilespmem:v10+s18+$0x0] =	vst.idx.add.f32.msk vm5, v23;
	v10 =	vmov v17  }
0x99: {  	v27 =	vcvt.s32.f32 v27;
	v23 =	vadd.s32 v1, v14;
	_, v28, vm3 =	vpop (xrf1);
	[tilespmem:v3+s18+$0x0] =	vst.idx.add.f32.msk vm2, v15;
	v3 =	vmov v12  }
.Ltmp1:
0x9a: {  	v14 =	vadd.s32 v1, v21;
	(xrf1) =	vunique.msk.u32 $0xffff, v23;
	[tilespmem:v6+s18+$0x0] =	vst.idx.add.f32.msk vm4, v19;
	v6 =	vmov v11;
	(pc) =	sbr.rel @p0 .LBB2_4-.Ltmp1, $4  }
0x9b: {  	(xrf1) =	vunique.msk.u32 $0xffff, v14;
	[tilespmem:v2+s18+$0x0] =	vst.idx.add.f32.msk vm1, v18;
	v2 =	vmov v20  }
0x9c: {  	v20 =	vcvt.s32.f32 v25;
	[tilespmem:v7+s18+$0x0] =	vst.idx.add.f32.msk vm6, v27;
	v7 =	vmov v4;
	v4 =	vadd.s32 v1, v22  }
0x9d: {  	v11 =	vadd.s32 v1, v26;
	v19 =	vcvt.s32.f32 v28;
	v17 =	vld [tilespmem:s9+$0xFFFFFFC0];
	_, v15, vm2 =	vpop (xrf1)  }
0x9e: {  	v12 =	vadd.s32 v1, v24;
	s9 =	sadd.s32 $0x100, s9;
	[tilespmem:v8+s18+$0x0] =	vst.idx.add.f32.msk vm7, v20;
	_, v18, vm1 =	vpop (xrf1);
	v8 =	vmov v23  }
0x9f: {  	v16 =	vadd.s32 v1, v16;
	(xrf1) =	vunique.msk.u32 $0xffff, v12  }
0xa0: {  	(xrf1) =	vunique.msk.u32 $0xffff, v16  }
0xa1: {  	v13 =	vadd.s32 v1, v13;
	(xrf1) =	vunique.msk.u32 $0xffff, v11  }
0xa2: {  	(xrf1) =	vunique.msk.u32 $0xffff, v13;
	v17 =	vadd.s32 v1, v17  }
0xa3: {  	(xrf1) =	vunique.msk.u32 $0xffff, v17  }
0xa4: {  	_, v20, vm4 =	vpop (xrf1)  }
0xa5: {  	_, v21, vm5 =	vpop (xrf1)  }
0xa6: {  	(xrf1) =	vunique.msk.u32 $0xffff, v4;
	_ =	sdelay $0x1  }
0xa7: {  	_, v22, vm6 =	vpop (xrf1)  }
0xa8: {  	v21 =	vcvt.s32.f32 v21  }
0xa9: {  	_, v23, vm7 =	vpop (xrf1)  }
0xaa: {  	[tilespmem:v9+s18+$0x0] =	vst.idx.add.f32.msk vm5, v21;
	v9 =	vcvt.s32.f32 v15;
	_, v24, vm8 =	vpop (xrf1)  }
0xab: {  	[tilespmem:v5+s18+$0x0] =	vst.idx.add.f32.msk vm3, v19;
	v5 =	vcvt.s32.f32 v22;
	_, v25, vm9 =	vpop (xrf1)  }
0xac: {  	[tilespmem:v3+s18+$0x0] =	vst.idx.add.f32.msk vm2, v9;
	v3 =	vcvt.s32.f32 v18;
	_, v19, vm3 =	vpop (xrf1)  }
0xad: {  	[tilespmem:v10+s18+$0x0] =	vst.idx.add.f32.msk vm6, v5;
	v5 =	vcvt.s32.f32 v20;
	_, v15, vm5 =	vpop (xrf1)  }
0xae: {  	[tilespmem:v2+s18+$0x0] =	vst.idx.add.f32.msk vm1, v3;
	v3 =	vcvt.s32.f32 v25;
	_, v10, vm6 =	vpop (xrf1)  }
0xaf: {  	[tilespmem:v6+s18+$0x0] =	vst.idx.add.f32.msk vm4, v5;
	v5 =	vcvt.s32.f32 v23;
	_, v9, vm2 =	vpop (xrf1)  }
0xb0: {  	v2 =	vcvt.s32.f32 v24;
	_, v6, vm4 =	vpop (xrf1)  }
0xb1: {  	[tilespmem:v7+s18+$0x0] =	vst.idx.add.f32.msk vm7, v5  }
0xb2: {  	[tilespmem:v8+s18+$0x0] =	vst.idx.add.f32.msk vm8, v2;
	v5 =	vcvt.s32.f32 v6;
	v6 =	vcvt.s32.f32 v10  }
0xb3: {  	[tilespmem:v14+s18+$0x0] =	vst.idx.add.f32.msk vm9, v3;
	v2 =	vcvt.s32.f32 v9;
	_, v3, vm1 =	vpop (xrf1)  }
0xb4: {  	[tilespmem:v11+s18+$0x0] =	vst.idx.add.f32.msk vm6, v6  }
0xb5: {  	[tilespmem:v13+s18+$0x0] =	vst.idx.add.f32.msk vm2, v2;
	v2 =	vcvt.s32.f32 v19  }
0xb6: {  	[tilespmem:v17+s18+$0x0] =	vst.idx.add.f32.msk vm4, v5;
	v5 =	vcvt.s32.f32 v15  }
0xb7: {  	[tilespmem:v12+s18+$0x0] =	vst.idx.add.f32.msk vm3, v2;
	v2 =	vcvt.s32.f32 v3  }
0xb8: {  	[tilespmem:v16+s18+$0x0] =	vst.idx.add.f32.msk vm5, v5  }
0xb9: {  	[tilespmem:v4+s18+$0x0] =	vst.idx.add.f32.msk vm1, v2  }
0xba: {  	s8 =	sld [smem:$0x7FC];
	_ =	sdelay $0x2  }
0xbb: {  	[tilespmem:s20], [sflag:$0x1] =	stream.linear.gather [hbm4b:s8+s18], $0x1400, $0x38;
	[tilespmem:$0x1FA00] =	vst v63  }
0xbc: {  	_ =	swait.ge [sflag:s3], $0x1400  }
0xbd: {  	[sflag:s3] =	ssyncset.done $0x0  }
0xbe: {  	s11 =	simm.s32 $0x19CF0;
	[sflag:s3] =	ssyncadd.s32 $0xFFFFEC00  }
0xbf: {  	v2 =	vld [tilespmem:s11+$0xFFFFFFB0]  }
0xc0: {  	v3 =	vld [tilespmem:s11+$0xFFFFFFA0];
	_ =	sdelay $0x1  }
0xc1: {  	v4 =	vld [tilespmem:s11+$0xFFFFFFF0];
	_ =	sdelay $0x1  }
0xc2: {  	v18 =	vadd.s32 v1, v2  }
0xc3: {  	v2 =	vld [tilespmem:s11+$0xFFFFFFD0];
	v5 =	vadd.s32 v1, v3;
	(xrf1) =	vunique.msk.u32 $0xffff, v18  }
0xc4: {  	v6 =	vld [tilespmem:s11+$0xFFFFFFE0];
	(xrf1) =	vunique.msk.u32 $0xffff, v5  }
0xc5: {  	v3 =	vadd.s32 v1, v4;
	v4 =	vld [tilespmem:s11+$0xFFFFFF90];
	_ =	sdelay $0x1  }
0xc6: {  	v8 =	vld [tilespmem:s11+$0xFFFFFFC0]  }
0xc7: {  	(xrf1) =	vunique.msk.u32 $0xffff, v3;
	v2 =	vadd.s32 v1, v2  }
0xc8: {  	v6 =	vadd.s32 v1, v6;
	(xrf1) =	vunique.msk.u32 $0xffff, v2  }
0xc9: {  	v7 =	vld [tilespmem:s11+$0x0];
	v9 =	vadd.s32 v1, v4;
	(xrf1) =	vunique.msk.u32 $0xffff, v6  }
0xca: {  	(xrf1) =	vunique.msk.u32 $0xffff, v9  }
0xcb: {  	s12 =	simm.s32 $0x19DF0;
	v10 =	vadd.s32 v1, v8  }
0xcc: {  	v11 =	vld [tilespmem:s12+$0xFFFFFFB0];
	(xrf1) =	vunique.msk.u32 $0xffff, v10  }
0xcd: {  	v12 =	vld [tilespmem:s12+$0xFFFFFFA0]  }
0xce: {  	v7 =	vadd.s32 v1, v7  }
0xcf: {  	v20 =	vld [tilespmem:s12+$0xFFFFFFF0];
	(xrf1) =	vunique.msk.u32 $0xffff, v7  }
0xd0: {  	v19 =	vld [tilespmem:s12+$0xFFFFFFE0];
	_, v15, vm1 =	vpop (xrf1)  }
0xd1: {  	v8 =	vadd.s32 v1, v11;
	v4 =	vld [tilespmem:s12+$0x0];
	_, v62, vm3 =	vpop (xrf1)  }
0xd2: {  	v16 =	vld [tilespmem:s12+$0xFFFFFFD0];
	v14 =	vadd.s32 v1, v12;
	(xrf1) =	vunique.msk.u32 $0xffff, v8  }
0xd3: {  	(xrf1) =	vunique.msk.u32 $0xffff, v14  }
0xd4: {  	v13 =	vld [tilespmem:s12+$0xFFFFFF90];
	v63 =	vcvt.s32.f32 v15  }
0xd5: {  	v17 =	vld [tilespmem:s12+$0xFFFFFFC0];
	v11 =	vadd.s32 v1, v19;
	_, v15, vm2 =	vpop (xrf1);
	v19 =	vcvt.s32.f32 v62  }
0xd6: {  	s9 =	simm.s32 $0x19EF0;
	s8 =	simm.s32 $0x8;
	v12 =	vadd.s32 v1, v20;
	v4 =	vadd.s32 v1, v4;
	[tilespmem:v18+s18+$0x0] =	vst.idx.add.f32.msk vm1, v63;
	_, v18, vm1 =	vpop (xrf1)  }
.LBB2_6:
0xd7: {  	s8 =	sadd.s32 $0x8, s8;
	v20 =	vadd.s32 v1, v16;
	(xrf1) =	vunique.msk.u32 $0xffff, v12;
	[tilespmem:v5+s18+$0x0] =	vst.idx.add.f32.msk vm3, v19;
	_, v16, vm4 =	vpop (xrf1);
	v5 =	vmov v14  }
0xd8: {  	v14 =	vld [tilespmem:s9+$0xFFFFFFB0];
	p0 =	slt.u32 s8, $0x98;
	(xrf1) =	vunique.msk.u32 $0xffff, v20;
	v19 =	vcvt.s32.f32 v16;
	_, v16, vm3 =	vpop (xrf1)  }
0xd9: {  	v22 =	vadd.s32 v1, v13;
	v18 =	vcvt.s32.f32 v18;
	v21 =	vld [tilespmem:s9+$0xFFFFFFA0];
	(xrf1) =	vunique.msk.u32 $0xffff, v11  }
0xda: {  	v13 =	vld [tilespmem:s9+$0xFFFFFF90];
	(xrf1) =	vunique.msk.u32 $0xffff, v22;
	_, v23, vm5 =	vpop (xrf1)  }
0xdb: {  	v25 =	vcvt.s32.f32 v16;
	v17 =	vadd.s32 v1, v17;
	v24 =	vld [tilespmem:s9+$0xFFFFFFF0]  }
0xdc: {  	v16 =	vld [tilespmem:s9+$0xFFFFFFD0];
	(xrf1) =	vunique.msk.u32 $0xffff, v17  }
0xdd: {  	v26 =	vld [tilespmem:s9+$0xFFFFFFE0];
	_, v27, vm6 =	vpop (xrf1)  }
0xde: {  	v23 =	vcvt.s32.f32 v23;
	[tilespmem:v9+s18+$0x0] =	vst.idx.add.f32.msk vm3, v25;
	v9 =	vmov v22  }
0xdf: {  	v15 =	vcvt.s32.f32 v15;
	v22 =	vld [tilespmem:s9+$0x0];
	(xrf1) =	vunique.msk.u32 $0xffff, v4  }
0xe0: {  	_, v25, vm7 =	vpop (xrf1);
	[tilespmem:v10+s18+$0x0] =	vst.idx.add.f32.msk vm5, v23;
	v10 =	vmov v17  }
0xe1: {  	v27 =	vcvt.s32.f32 v27;
	v23 =	vadd.s32 v1, v14;
	_, v28, vm3 =	vpop (xrf1);
	[tilespmem:v3+s18+$0x0] =	vst.idx.add.f32.msk vm2, v15;
	v3 =	vmov v12  }
.Ltmp2:
0xe2: {  	v14 =	vadd.s32 v1, v21;
	(xrf1) =	vunique.msk.u32 $0xffff, v23;
	[tilespmem:v6+s18+$0x0] =	vst.idx.add.f32.msk vm4, v19;
	v6 =	vmov v11;
	(pc) =	sbr.rel @p0 .LBB2_6-.Ltmp2, $4  }
0xe3: {  	(xrf1) =	vunique.msk.u32 $0xffff, v14;
	[tilespmem:v2+s18+$0x0] =	vst.idx.add.f32.msk vm1, v18;
	v2 =	vmov v20  }
0xe4: {  	v20 =	vcvt.s32.f32 v25;
	[tilespmem:v7+s18+$0x0] =	vst.idx.add.f32.msk vm6, v27;
	v7 =	vmov v4;
	v4 =	vadd.s32 v1, v22  }
0xe5: {  	v11 =	vadd.s32 v1, v26;
	v19 =	vcvt.s32.f32 v28;
	v17 =	vld [tilespmem:s9+$0xFFFFFFC0];
	_, v15, vm2 =	vpop (xrf1)  }
0xe6: {  	v12 =	vadd.s32 v1, v24;
	s9 =	sadd.s32 $0x100, s9;
	[tilespmem:v8+s18+$0x0] =	vst.idx.add.f32.msk vm7, v20;
	_, v18, vm1 =	vpop (xrf1);
	v8 =	vmov v23  }
0xe7: {  	v16 =	vadd.s32 v1, v16;
	(xrf1) =	vunique.msk.u32 $0xffff, v12  }
0xe8: {  	(xrf1) =	vunique.msk.u32 $0xffff, v16  }
0xe9: {  	v13 =	vadd.s32 v1, v13;
	(xrf1) =	vunique.msk.u32 $0xffff, v11  }
0xea: {  	(xrf1) =	vunique.msk.u32 $0xffff, v13;
	v17 =	vadd.s32 v1, v17  }
0xeb: {  	(xrf1) =	vunique.msk.u32 $0xffff, v17  }
0xec: {  	_, v20, vm4 =	vpop (xrf1)  }
0xed: {  	_, v21, vm5 =	vpop (xrf1)  }
0xee: {  	(xrf1) =	vunique.msk.u32 $0xffff, v4;
	_ =	sdelay $0x1  }
0xef: {  	_, v22, vm6 =	vpop (xrf1)  }
0xf0: {  	v21 =	vcvt.s32.f32 v21  }
0xf1: {  	_, v23, vm7 =	vpop (xrf1)  }
0xf2: {  	[tilespmem:v9+s18+$0x0] =	vst.idx.add.f32.msk vm5, v21;
	v9 =	vcvt.s32.f32 v15;
	_, v24, vm8 =	vpop (xrf1)  }
0xf3: {  	[tilespmem:v5+s18+$0x0] =	vst.idx.add.f32.msk vm3, v19;
	v5 =	vcvt.s32.f32 v22;
	_, v25, vm9 =	vpop (xrf1)  }
0xf4: {  	[tilespmem:v3+s18+$0x0] =	vst.idx.add.f32.msk vm2, v9;
	v3 =	vcvt.s32.f32 v18;
	_, v19, vm3 =	vpop (xrf1)  }
0xf5: {  	[tilespmem:v10+s18+$0x0] =	vst.idx.add.f32.msk vm6, v5;
	v5 =	vcvt.s32.f32 v20;
	_, v15, vm5 =	vpop (xrf1)  }
0xf6: {  	[tilespmem:v2+s18+$0x0] =	vst.idx.add.f32.msk vm1, v3;
	v3 =	vcvt.s32.f32 v25;
	_, v10, vm6 =	vpop (xrf1)  }
0xf7: {  	[tilespmem:v6+s18+$0x0] =	vst.idx.add.f32.msk vm4, v5;
	v5 =	vcvt.s32.f32 v23;
	_, v9, vm2 =	vpop (xrf1)  }
0xf8: {  	v2 =	vcvt.s32.f32 v24;
	_, v6, vm4 =	vpop (xrf1)  }
0xf9: {  	[tilespmem:v7+s18+$0x0] =	vst.idx.add.f32.msk vm7, v5  }
0xfa: {  	[tilespmem:v8+s18+$0x0] =	vst.idx.add.f32.msk vm8, v2;
	v5 =	vcvt.s32.f32 v6;
	v6 =	vcvt.s32.f32 v10  }
0xfb: {  	[tilespmem:v14+s18+$0x0] =	vst.idx.add.f32.msk vm9, v3;
	v2 =	vcvt.s32.f32 v9;
	_, v3, vm1 =	vpop (xrf1)  }
0xfc: {  	[tilespmem:v11+s18+$0x0] =	vst.idx.add.f32.msk vm6, v6  }
0xfd: {  	[tilespmem:v13+s18+$0x0] =	vst.idx.add.f32.msk vm2, v2;
	v2 =	vcvt.s32.f32 v19  }
0xfe: {  	[tilespmem:v17+s18+$0x0] =	vst.idx.add.f32.msk vm4, v5;
	v5 =	vcvt.s32.f32 v15  }
0xff: {  	[tilespmem:v12+s18+$0x0] =	vst.idx.add.f32.msk vm3, v2;
	v2 =	vcvt.s32.f32 v3  }
0x100: {  	[tilespmem:v16+s18+$0x0] =	vst.idx.add.f32.msk vm5, v5  }
0x101: {  	[tilespmem:v4+s18+$0x0] =	vst.idx.add.f32.msk vm1, v2  }
0x102: {  	s8 =	sld [smem:$0x7FD];
	_ =	sdelay $0x2  }
0x103: {  	[tilespmem:s0], [sflag:$0x2] =	stream.linear.gather [hbm4b:s8+s18], $0x1400, $0x38;
	[tilespmem:$0x1FA00] =	vst v63  }
0x104: {  	_ =	swait.ge [sflag:s2], $0x1400  }
0x105: {  	[sflag:s2] =	ssyncset.done $0x0  }
0x106: {  	s11 =	simm.s32 $0x188F0;
	[sflag:s2] =	ssyncadd.s32 $0xFFFFEC00  }
0x107: {  	v2 =	vld [tilespmem:s11+$0xFFFFFFB0]  }
0x108: {  	v3 =	vld [tilespmem:s11+$0xFFFFFFA0];
	_ =	sdelay $0x1  }
0x109: {  	v4 =	vld [tilespmem:s11+$0xFFFFFFF0];
	_ =	sdelay $0x1  }
0x10a: {  	v18 =	vadd.s32 v1, v2  }
0x10b: {  	v2 =	vld [tilespmem:s11+$0xFFFFFFD0];
	v5 =	vadd.s32 v1, v3;
	(xrf1) =	vunique.msk.u32 $0xffff, v18  }
0x10c: {  	v6 =	vld [tilespmem:s11+$0xFFFFFFE0];
	(xrf1) =	vunique.msk.u32 $0xffff, v5  }
0x10d: {  	v3 =	vadd.s32 v1, v4;
	v4 =	vld [tilespmem:s11+$0xFFFFFF90];
	_ =	sdelay $0x1  }
0x10e: {  	v8 =	vld [tilespmem:s11+$0xFFFFFFC0]  }
0x10f: {  	(xrf1) =	vunique.msk.u32 $0xffff, v3;
	v2 =	vadd.s32 v1, v2  }
0x110: {  	v6 =	vadd.s32 v1, v6;
	(xrf1) =	vunique.msk.u32 $0xffff, v2  }
0x111: {  	v7 =	vld [tilespmem:s11+$0x0];
	v9 =	vadd.s32 v1, v4;
	(xrf1) =	vunique.msk.u32 $0xffff, v6  }
0x112: {  	(xrf1) =	vunique.msk.u32 $0xffff, v9  }
0x113: {  	s12 =	simm.s32 $0x189F0;
	v10 =	vadd.s32 v1, v8  }
0x114: {  	v11 =	vld [tilespmem:s12+$0xFFFFFFB0];
	(xrf1) =	vunique.msk.u32 $0xffff, v10  }
0x115: {  	v12 =	vld [tilespmem:s12+$0xFFFFFFA0]  }
0x116: {  	v7 =	vadd.s32 v1, v7  }
0x117: {  	v20 =	vld [tilespmem:s12+$0xFFFFFFF0];
	(xrf1) =	vunique.msk.u32 $0xffff, v7  }
0x118: {  	v19 =	vld [tilespmem:s12+$0xFFFFFFE0];
	_, v15, vm1 =	vpop (xrf1)  }
0x119: {  	v8 =	vadd.s32 v1, v11;
	v4 =	vld [tilespmem:s12+$0x0];
	_, v62, vm3 =	vpop (xrf1)  }
0x11a: {  	v16 =	vld [tilespmem:s12+$0xFFFFFFD0];
	v14 =	vadd.s32 v1, v12;
	(xrf1) =	vunique.msk.u32 $0xffff, v8  }
0x11b: {  	(xrf1) =	vunique.msk.u32 $0xffff, v14  }
0x11c: {  	v13 =	vld [tilespmem:s12+$0xFFFFFF90];
	v63 =	vcvt.s32.f32 v15  }
0x11d: {  	v17 =	vld [tilespmem:s12+$0xFFFFFFC0];
	v11 =	vadd.s32 v1, v19;
	_, v15, vm2 =	vpop (xrf1);
	v19 =	vcvt.s32.f32 v62  }
0x11e: {  	s9 =	simm.s32 $0x18AF0;
	s8 =	simm.s32 $0x8;
	v12 =	vadd.s32 v1, v20;
	v4 =	vadd.s32 v1, v4;
	[tilespmem:v18+s18+$0x0] =	vst.idx.add.f32.msk vm1, v63;
	_, v18, vm1 =	vpop (xrf1)  }
.LBB2_8:
0x11f: {  	s8 =	sadd.s32 $0x8, s8;
	v20 =	vadd.s32 v1, v16;
	(xrf1) =	vunique.msk.u32 $0xffff, v12;
	[tilespmem:v5+s18+$0x0] =	vst.idx.add.f32.msk vm3, v19;
	_, v16, vm4 =	vpop (xrf1);
	v5 =	vmov v14  }
0x120: {  	v14 =	vld [tilespmem:s9+$0xFFFFFFB0];
	p0 =	slt.u32 s8, $0x98;
	(xrf1) =	vunique.msk.u32 $0xffff, v20;
	v19 =	vcvt.s32.f32 v16;
	_, v16, vm3 =	vpop (xrf1)  }
0x121: {  	v22 =	vadd.s32 v1, v13;
	v18 =	vcvt.s32.f32 v18;
	v21 =	vld [tilespmem:s9+$0xFFFFFFA0];
	(xrf1) =	vunique.msk.u32 $0xffff, v11  }
0x122: {  	v13 =	vld [tilespmem:s9+$0xFFFFFF90];
	(xrf1) =	vunique.msk.u32 $0xffff, v22;
	_, v23, vm5 =	vpop (xrf1)  }
0x123: {  	v25 =	vcvt.s32.f32 v16;
	v17 =	vadd.s32 v1, v17;
	v24 =	vld [tilespmem:s9+$0xFFFFFFF0]  }
0x124: {  	v16 =	vld [tilespmem:s9+$0xFFFFFFD0];
	(xrf1) =	vunique.msk.u32 $0xffff, v17  }
0x125: {  	v26 =	vld [tilespmem:s9+$0xFFFFFFE0];
	_, v27, vm6 =	vpop (xrf1)  }
0x126: {  	v23 =	vcvt.s32.f32 v23;
	[tilespmem:v9+s18+$0x0] =	vst.idx.add.f32.msk vm3, v25;
	v9 =	vmov v22  }
0x127: {  	v15 =	vcvt.s32.f32 v15;
	v22 =	vld [tilespmem:s9+$0x0];
	(xrf1) =	vunique.msk.u32 $0xffff, v4  }
0x128: {  	_, v25, vm7 =	vpop (xrf1);
	[tilespmem:v10+s18+$0x0] =	vst.idx.add.f32.msk vm5, v23;
	v10 =	vmov v17  }
0x129: {  	v27 =	vcvt.s32.f32 v27;
	v23 =	vadd.s32 v1, v14;
	_, v28, vm3 =	vpop (xrf1);
	[tilespmem:v3+s18+$0x0] =	vst.idx.add.f32.msk vm2, v15;
	v3 =	vmov v12  }
.Ltmp3:
0x12a: {  	v14 =	vadd.s32 v1, v21;
	(xrf1) =	vunique.msk.u32 $0xffff, v23;
	[tilespmem:v6+s18+$0x0] =	vst.idx.add.f32.msk vm4, v19;
	v6 =	vmov v11;
	(pc) =	sbr.rel @p0 .LBB2_8-.Ltmp3, $4  }
0x12b: {  	(xrf1) =	vunique.msk.u32 $0xffff, v14;
	[tilespmem:v2+s18+$0x0] =	vst.idx.add.f32.msk vm1, v18;
	v2 =	vmov v20  }
0x12c: {  	v20 =	vcvt.s32.f32 v25;
	[tilespmem:v7+s18+$0x0] =	vst.idx.add.f32.msk vm6, v27;
	v7 =	vmov v4;
	v4 =	vadd.s32 v1, v22  }
0x12d: {  	v11 =	vadd.s32 v1, v26;
	v19 =	vcvt.s32.f32 v28;
	v17 =	vld [tilespmem:s9+$0xFFFFFFC0];
	_, v15, vm2 =	vpop (xrf1)  }
0x12e: {  	v12 =	vadd.s32 v1, v24;
	s9 =	sadd.s32 $0x100, s9;
	[tilespmem:v8+s18+$0x0] =	vst.idx.add.f32.msk vm7, v20;
	_, v18, vm1 =	vpop (xrf1);
	v8 =	vmov v23  }
0x12f: {  	v16 =	vadd.s32 v1, v16;
	(xrf1) =	vunique.msk.u32 $0xffff, v12  }
0x130: {  	(xrf1) =	vunique.msk.u32 $0xffff, v16  }
0x131: {  	v13 =	vadd.s32 v1, v13;
	(xrf1) =	vunique.msk.u32 $0xffff, v11  }
0x132: {  	(xrf1) =	vunique.msk.u32 $0xffff, v13;
	v17 =	vadd.s32 v1, v17  }
0x133: {  	(xrf1) =	vunique.msk.u32 $0xffff, v17  }
0x134: {  	_, v20, vm4 =	vpop (xrf1)  }
0x135: {  	_, v21, vm5 =	vpop (xrf1)  }
0x136: {  	(xrf1) =	vunique.msk.u32 $0xffff, v4;
	_ =	sdelay $0x1  }
0x137: {  	_, v22, vm6 =	vpop (xrf1)  }
0x138: {  	v21 =	vcvt.s32.f32 v21  }
0x139: {  	_, v23, vm7 =	vpop (xrf1)  }
0x13a: {  	[tilespmem:v9+s18+$0x0] =	vst.idx.add.f32.msk vm5, v21;
	v9 =	vcvt.s32.f32 v15;
	_, v24, vm8 =	vpop (xrf1)  }
0x13b: {  	[tilespmem:v5+s18+$0x0] =	vst.idx.add.f32.msk vm3, v19;
	v5 =	vcvt.s32.f32 v22;
	_, v25, vm9 =	vpop (xrf1)  }
0x13c: {  	[tilespmem:v3+s18+$0x0] =	vst.idx.add.f32.msk vm2, v9;
	v3 =	vcvt.s32.f32 v18;
	_, v19, vm3 =	vpop (xrf1)  }
0x13d: {  	[tilespmem:v10+s18+$0x0] =	vst.idx.add.f32.msk vm6, v5;
	v5 =	vcvt.s32.f32 v20;
	_, v15, vm5 =	vpop (xrf1)  }
0x13e: {  	[tilespmem:v2+s18+$0x0] =	vst.idx.add.f32.msk vm1, v3;
	v3 =	vcvt.s32.f32 v25;
	_, v10, vm6 =	vpop (xrf1)  }
0x13f: {  	[tilespmem:v6+s18+$0x0] =	vst.idx.add.f32.msk vm4, v5;
	v5 =	vcvt.s32.f32 v23;
	_, v9, vm2 =	vpop (xrf1)  }
0x140: {  	v2 =	vcvt.s32.f32 v24;
	_, v6, vm4 =	vpop (xrf1)  }
0x141: {  	[tilespmem:v7+s18+$0x0] =	vst.idx.add.f32.msk vm7, v5  }
0x142: {  	[tilespmem:v8+s18+$0x0] =	vst.idx.add.f32.msk vm8, v2;
	v5 =	vcvt.s32.f32 v6;
	v6 =	vcvt.s32.f32 v10  }
0x143: {  	[tilespmem:v14+s18+$0x0] =	vst.idx.add.f32.msk vm9, v3;
	v2 =	vcvt.s32.f32 v9;
	_, v3, vm1 =	vpop (xrf1)  }
0x144: {  	[tilespmem:v11+s18+$0x0] =	vst.idx.add.f32.msk vm6, v6  }
0x145: {  	[tilespmem:v13+s18+$0x0] =	vst.idx.add.f32.msk vm2, v2;
	v2 =	vcvt.s32.f32 v19  }
0x146: {  	[tilespmem:v17+s18+$0x0] =	vst.idx.add.f32.msk vm4, v5;
	v5 =	vcvt.s32.f32 v15  }
0x147: {  	[tilespmem:v12+s18+$0x0] =	vst.idx.add.f32.msk vm3, v2;
	v2 =	vcvt.s32.f32 v3  }
0x148: {  	[tilespmem:v16+s18+$0x0] =	vst.idx.add.f32.msk vm5, v5  }
0x149: {  	[tilespmem:v4+s18+$0x0] =	vst.idx.add.f32.msk vm1, v2  }
0x14a: {  	[tilespmem:s20], [sflag:$0x1] =	stream.linear.gather [hbm4b:s13+s18], $0x1400, $0x38;
	[tilespmem:$0x1FA00] =	vst v63  }
0x14b: {  	_ =	swait.ge [sflag:s3], $0x1400  }
0x14c: {  	[sflag:s3] =	ssyncset.done $0x0  }
0x14d: {  	s8 =	simm.s32 $0x19CF0;
	[sflag:s3] =	ssyncadd.s32 $0xFFFFEC00  }
0x14e: {  	v2 =	vld [tilespmem:s8+$0xFFFFFFB0]  }
0x14f: {  	v3 =	vld [tilespmem:s8+$0xFFFFFFA0];
	_ =	sdelay $0x1  }
0x150: {  	v4 =	vld [tilespmem:s8+$0xFFFFFFF0];
	_ =	sdelay $0x1  }
0x151: {  	v18 =	vadd.s32 v1, v2  }
0x152: {  	v2 =	vld [tilespmem:s8+$0xFFFFFFD0];
	v5 =	vadd.s32 v1, v3;
	(xrf1) =	vunique.msk.u32 $0xffff, v18  }
0x153: {  	v6 =	vld [tilespmem:s8+$0xFFFFFFE0];
	(xrf1) =	vunique.msk.u32 $0xffff, v5  }
0x154: {  	v3 =	vadd.s32 v1, v4;
	v4 =	vld [tilespmem:s8+$0xFFFFFF90];
	_ =	sdelay $0x1  }
0x155: {  	v8 =	vld [tilespmem:s8+$0xFFFFFFC0]  }
0x156: {  	(xrf1) =	vunique.msk.u32 $0xffff, v3;
	v2 =	vadd.s32 v1, v2  }
0x157: {  	v6 =	vadd.s32 v1, v6;
	(xrf1) =	vunique.msk.u32 $0xffff, v2  }
0x158: {  	v7 =	vld [tilespmem:s8+$0x0];
	v9 =	vadd.s32 v1, v4;
	(xrf1) =	vunique.msk.u32 $0xffff, v6  }
0x159: {  	(xrf1) =	vunique.msk.u32 $0xffff, v9  }
0x15a: {  	s12 =	simm.s32 $0x19DF0;
	v10 =	vadd.s32 v1, v8  }
0x15b: {  	v11 =	vld [tilespmem:s12+$0xFFFFFFB0];
	(xrf1) =	vunique.msk.u32 $0xffff, v10  }
0x15c: {  	v12 =	vld [tilespmem:s12+$0xFFFFFFA0]  }
0x15d: {  	v7 =	vadd.s32 v1, v7  }
0x15e: {  	v20 =	vld [tilespmem:s12+$0xFFFFFFF0];
	(xrf1) =	vunique.msk.u32 $0xffff, v7  }
0x15f: {  	v19 =	vld [tilespmem:s12+$0xFFFFFFE0];
	_, v15, vm1 =	vpop (xrf1)  }
0x160: {  	v8 =	vadd.s32 v1, v11;
	v4 =	vld [tilespmem:s12+$0x0];
	_, v62, vm3 =	vpop (xrf1)  }
0x161: {  	v16 =	vld [tilespmem:s12+$0xFFFFFFD0];
	v14 =	vadd.s32 v1, v12;
	(xrf1) =	vunique.msk.u32 $0xffff, v8  }
0x162: {  	(xrf1) =	vunique.msk.u32 $0xffff, v14  }
0x163: {  	v13 =	vld [tilespmem:s12+$0xFFFFFF90];
	v63 =	vcvt.s32.f32 v15  }
0x164: {  	v17 =	vld [tilespmem:s12+$0xFFFFFFC0];
	v11 =	vadd.s32 v1, v19;
	_, v15, vm2 =	vpop (xrf1);
	v19 =	vcvt.s32.f32 v62  }
0x165: {  	s9 =	simm.s32 $0x19EF0;
	s8 =	simm.s32 $0x8;
	v12 =	vadd.s32 v1, v20;
	v4 =	vadd.s32 v1, v4;
	[tilespmem:v18+s18+$0x0] =	vst.idx.add.f32.msk vm1, v63;
	_, v18, vm1 =	vpop (xrf1)  }
.LBB2_10:
0x166: {  	s8 =	sadd.s32 $0x8, s8;
	v20 =	vadd.s32 v1, v16;
	(xrf1) =	vunique.msk.u32 $0xffff, v12;
	[tilespmem:v5+s18+$0x0] =	vst.idx.add.f32.msk vm3, v19;
	_, v16, vm4 =	vpop (xrf1);
	v5 =	vmov v14  }
0x167: {  	v14 =	vld [tilespmem:s9+$0xFFFFFFB0];
	p0 =	slt.u32 s8, $0x98;
	(xrf1) =	vunique.msk.u32 $0xffff, v20;
	v19 =	vcvt.s32.f32 v16;
	_, v16, vm3 =	vpop (xrf1)  }
0x168: {  	v22 =	vadd.s32 v1, v13;
	v18 =	vcvt.s32.f32 v18;
	v21 =	vld [tilespmem:s9+$0xFFFFFFA0];
	(xrf1) =	vunique.msk.u32 $0xffff, v11  }
0x169: {  	v13 =	vld [tilespmem:s9+$0xFFFFFF90];
	(xrf1) =	vunique.msk.u32 $0xffff, v22;
	_, v23, vm5 =	vpop (xrf1)  }
0x16a: {  	v25 =	vcvt.s32.f32 v16;
	v17 =	vadd.s32 v1, v17;
	v24 =	vld [tilespmem:s9+$0xFFFFFFF0]  }
0x16b: {  	v16 =	vld [tilespmem:s9+$0xFFFFFFD0];
	(xrf1) =	vunique.msk.u32 $0xffff, v17  }
0x16c: {  	v26 =	vld [tilespmem:s9+$0xFFFFFFE0];
	_, v27, vm6 =	vpop (xrf1)  }
0x16d: {  	v23 =	vcvt.s32.f32 v23;
	[tilespmem:v9+s18+$0x0] =	vst.idx.add.f32.msk vm3, v25;
	v9 =	vmov v22  }
0x16e: {  	v15 =	vcvt.s32.f32 v15;
	v22 =	vld [tilespmem:s9+$0x0];
	(xrf1) =	vunique.msk.u32 $0xffff, v4  }
0x16f: {  	_, v25, vm7 =	vpop (xrf1);
	[tilespmem:v10+s18+$0x0] =	vst.idx.add.f32.msk vm5, v23;
	v10 =	vmov v17  }
0x170: {  	v27 =	vcvt.s32.f32 v27;
	v23 =	vadd.s32 v1, v14;
	_, v28, vm3 =	vpop (xrf1);
	[tilespmem:v3+s18+$0x0] =	vst.idx.add.f32.msk vm2, v15;
	v3 =	vmov v12  }
.Ltmp4:
0x171: {  	v14 =	vadd.s32 v1, v21;
	(xrf1) =	vunique.msk.u32 $0xffff, v23;
	[tilespmem:v6+s18+$0x0] =	vst.idx.add.f32.msk vm4, v19;
	v6 =	vmov v11;
	(pc) =	sbr.rel @p0 .LBB2_10-.Ltmp4, $4  }
0x172: {  	(xrf1) =	vunique.msk.u32 $0xffff, v14;
	[tilespmem:v2+s18+$0x0] =	vst.idx.add.f32.msk vm1, v18;
	v2 =	vmov v20  }
0x173: {  	v20 =	vcvt.s32.f32 v25;
	[tilespmem:v7+s18+$0x0] =	vst.idx.add.f32.msk vm6, v27;
	v7 =	vmov v4;
	v4 =	vadd.s32 v1, v22  }
0x174: {  	v11 =	vadd.s32 v1, v26;
	v19 =	vcvt.s32.f32 v28;
	v17 =	vld [tilespmem:s9+$0xFFFFFFC0];
	_, v15, vm2 =	vpop (xrf1)  }
0x175: {  	v12 =	vadd.s32 v1, v24;
	s9 =	sadd.s32 $0x100, s9;
	[tilespmem:v8+s18+$0x0] =	vst.idx.add.f32.msk vm7, v20;
	_, v18, vm1 =	vpop (xrf1);
	v8 =	vmov v23  }
0x176: {  	v16 =	vadd.s32 v1, v16;
	(xrf1) =	vunique.msk.u32 $0xffff, v12  }
0x177: {  	(xrf1) =	vunique.msk.u32 $0xffff, v16  }
0x178: {  	v13 =	vadd.s32 v1, v13;
	(xrf1) =	vunique.msk.u32 $0xffff, v11  }
0x179: {  	(xrf1) =	vunique.msk.u32 $0xffff, v13;
	v17 =	vadd.s32 v1, v17  }
0x17a: {  	(xrf1) =	vunique.msk.u32 $0xffff, v17  }
0x17b: {  	_, v20, vm4 =	vpop (xrf1)  }
0x17c: {  	_, v21, vm5 =	vpop (xrf1)  }
0x17d: {  	(xrf1) =	vunique.msk.u32 $0xffff, v4;
	_ =	sdelay $0x1  }
0x17e: {  	_, v22, vm6 =	vpop (xrf1)  }
0x17f: {  	v21 =	vcvt.s32.f32 v21  }
0x180: {  	_, v23, vm7 =	vpop (xrf1)  }
0x181: {  	[tilespmem:v9+s18+$0x0] =	vst.idx.add.f32.msk vm5, v21;
	v9 =	vcvt.s32.f32 v15;
	_, v24, vm8 =	vpop (xrf1)  }
0x182: {  	[tilespmem:v5+s18+$0x0] =	vst.idx.add.f32.msk vm3, v19;
	v5 =	vcvt.s32.f32 v22;
	_, v25, vm9 =	vpop (xrf1)  }
0x183: {  	[tilespmem:v3+s18+$0x0] =	vst.idx.add.f32.msk vm2, v9;
	v3 =	vcvt.s32.f32 v18;
	_, v19, vm3 =	vpop (xrf1)  }
0x184: {  	[tilespmem:v10+s18+$0x0] =	vst.idx.add.f32.msk vm6, v5;
	v5 =	vcvt.s32.f32 v20;
	_, v15, vm5 =	vpop (xrf1)  }
0x185: {  	[tilespmem:v2+s18+$0x0] =	vst.idx.add.f32.msk vm1, v3;
	v3 =	vcvt.s32.f32 v25;
	_, v10, vm6 =	vpop (xrf1)  }
0x186: {  	[tilespmem:v6+s18+$0x0] =	vst.idx.add.f32.msk vm4, v5;
	v5 =	vcvt.s32.f32 v23;
	_, v9, vm2 =	vpop (xrf1)  }
0x187: {  	v2 =	vcvt.s32.f32 v24;
	_, v6, vm4 =	vpop (xrf1)  }
0x188: {  	[tilespmem:v7+s18+$0x0] =	vst.idx.add.f32.msk vm7, v5  }
0x189: {  	[tilespmem:v8+s18+$0x0] =	vst.idx.add.f32.msk vm8, v2;
	v5 =	vcvt.s32.f32 v6;
	v6 =	vcvt.s32.f32 v10  }
0x18a: {  	[tilespmem:v14+s18+$0x0] =	vst.idx.add.f32.msk vm9, v3;
	v2 =	vcvt.s32.f32 v9;
	_, v3, vm1 =	vpop (xrf1)  }
0x18b: {  	[tilespmem:v11+s18+$0x0] =	vst.idx.add.f32.msk vm6, v6  }
0x18c: {  	[tilespmem:v13+s18+$0x0] =	vst.idx.add.f32.msk vm2, v2;
	v2 =	vcvt.s32.f32 v19  }
0x18d: {  	[tilespmem:v17+s18+$0x0] =	vst.idx.add.f32.msk vm4, v5;
	v5 =	vcvt.s32.f32 v15  }
0x18e: {  	[tilespmem:v12+s18+$0x0] =	vst.idx.add.f32.msk vm3, v2;
	v2 =	vcvt.s32.f32 v3  }
0x18f: {  	[tilespmem:v16+s18+$0x0] =	vst.idx.add.f32.msk vm5, v5  }
0x190: {  	[tilespmem:v4+s18+$0x0] =	vst.idx.add.f32.msk vm1, v2  }
0x191: {  	[tilespmem:s0], [sflag:$0x2] =	stream.linear.gather [hbm4b:s14+s18], $0x1400, $0x38;
	[tilespmem:$0x1FA00] =	vst v63  }
0x192: {  	_ =	swait.ge [sflag:s2], $0x1400  }
0x193: {  	[sflag:s2] =	ssyncset.done $0x0  }
0x194: {  	s8 =	simm.s32 $0x188F0;
	[sflag:s2] =	ssyncadd.s32 $0xFFFFEC00  }
0x195: {  	v2 =	vld [tilespmem:s8+$0xFFFFFFB0]  }
0x196: {  	v3 =	vld [tilespmem:s8+$0xFFFFFFA0];
	_ =	sdelay $0x1  }
0x197: {  	v4 =	vld [tilespmem:s8+$0xFFFFFFF0];
	_ =	sdelay $0x1  }
0x198: {  	v18 =	vadd.s32 v1, v2  }
0x199: {  	v2 =	vld [tilespmem:s8+$0xFFFFFFD0];
	v5 =	vadd.s32 v1, v3;
	(xrf1) =	vunique.msk.u32 $0xffff, v18  }
0x19a: {  	v6 =	vld [tilespmem:s8+$0xFFFFFFE0];
	(xrf1) =	vunique.msk.u32 $0xffff, v5  }
0x19b: {  	v3 =	vadd.s32 v1, v4;
	v4 =	vld [tilespmem:s8+$0xFFFFFF90];
	_ =	sdelay $0x1  }
0x19c: {  	v8 =	vld [tilespmem:s8+$0xFFFFFFC0]  }
0x19d: {  	(xrf1) =	vunique.msk.u32 $0xffff, v3;
	v2 =	vadd.s32 v1, v2  }
0x19e: {  	v6 =	vadd.s32 v1, v6;
	(xrf1) =	vunique.msk.u32 $0xffff, v2  }
0x19f: {  	v7 =	vld [tilespmem:s8+$0x0];
	v9 =	vadd.s32 v1, v4;
	(xrf1) =	vunique.msk.u32 $0xffff, v6  }
0x1a0: {  	(xrf1) =	vunique.msk.u32 $0xffff, v9  }
0x1a1: {  	s12 =	simm.s32 $0x189F0;
	v10 =	vadd.s32 v1, v8  }
0x1a2: {  	v11 =	vld [tilespmem:s12+$0xFFFFFFB0];
	(xrf1) =	vunique.msk.u32 $0xffff, v10  }
0x1a3: {  	v12 =	vld [tilespmem:s12+$0xFFFFFFA0]  }
0x1a4: {  	v7 =	vadd.s32 v1, v7  }
0x1a5: {  	v20 =	vld [tilespmem:s12+$0xFFFFFFF0];
	(xrf1) =	vunique.msk.u32 $0xffff, v7  }
0x1a6: {  	v19 =	vld [tilespmem:s12+$0xFFFFFFE0];
	_, v15, vm1 =	vpop (xrf1)  }
0x1a7: {  	v8 =	vadd.s32 v1, v11;
	v4 =	vld [tilespmem:s12+$0x0];
	_, v62, vm3 =	vpop (xrf1)  }
0x1a8: {  	v16 =	vld [tilespmem:s12+$0xFFFFFFD0];
	v14 =	vadd.s32 v1, v12;
	(xrf1) =	vunique.msk.u32 $0xffff, v8  }
0x1a9: {  	(xrf1) =	vunique.msk.u32 $0xffff, v14  }
0x1aa: {  	v13 =	vld [tilespmem:s12+$0xFFFFFF90];
	v63 =	vcvt.s32.f32 v15  }
0x1ab: {  	v17 =	vld [tilespmem:s12+$0xFFFFFFC0];
	v11 =	vadd.s32 v1, v19;
	_, v15, vm2 =	vpop (xrf1);
	v19 =	vcvt.s32.f32 v62  }
0x1ac: {  	s9 =	simm.s32 $0x18AF0;
	s8 =	simm.s32 $0x8;
	v12 =	vadd.s32 v1, v20;
	v4 =	vadd.s32 v1, v4;
	[tilespmem:v18+s18+$0x0] =	vst.idx.add.f32.msk vm1, v63;
	_, v18, vm1 =	vpop (xrf1)  }
.LBB2_12:
0x1ad: {  	s8 =	sadd.s32 $0x8, s8;
	v20 =	vadd.s32 v1, v16;
	(xrf1) =	vunique.msk.u32 $0xffff, v12;
	[tilespmem:v5+s18+$0x0] =	vst.idx.add.f32.msk vm3, v19;
	_, v16, vm4 =	vpop (xrf1);
	v5 =	vmov v14  }
0x1ae: {  	v14 =	vld [tilespmem:s9+$0xFFFFFFB0];
	p0 =	slt.u32 s8, $0x98;
	(xrf1) =	vunique.msk.u32 $0xffff, v20;
	v19 =	vcvt.s32.f32 v16;
	_, v16, vm3 =	vpop (xrf1)  }
0x1af: {  	v22 =	vadd.s32 v1, v13;
	v18 =	vcvt.s32.f32 v18;
	v21 =	vld [tilespmem:s9+$0xFFFFFFA0];
	(xrf1) =	vunique.msk.u32 $0xffff, v11  }
0x1b0: {  	v13 =	vld [tilespmem:s9+$0xFFFFFF90];
	(xrf1) =	vunique.msk.u32 $0xffff, v22;
	_, v23, vm5 =	vpop (xrf1)  }
0x1b1: {  	v25 =	vcvt.s32.f32 v16;
	v17 =	vadd.s32 v1, v17;
	v24 =	vld [tilespmem:s9+$0xFFFFFFF0]  }
0x1b2: {  	v16 =	vld [tilespmem:s9+$0xFFFFFFD0];
	(xrf1) =	vunique.msk.u32 $0xffff, v17  }
0x1b3: {  	v26 =	vld [tilespmem:s9+$0xFFFFFFE0];
	_, v27, vm6 =	vpop (xrf1)  }
0x1b4: {  	v23 =	vcvt.s32.f32 v23;
	[tilespmem:v9+s18+$0x0] =	vst.idx.add.f32.msk vm3, v25;
	v9 =	vmov v22  }
0x1b5: {  	v15 =	vcvt.s32.f32 v15;
	v22 =	vld [tilespmem:s9+$0x0];
	(xrf1) =	vunique.msk.u32 $0xffff, v4  }
0x1b6: {  	_, v25, vm7 =	vpop (xrf1);
	[tilespmem:v10+s18+$0x0] =	vst.idx.add.f32.msk vm5, v23;
	v10 =	vmov v17  }
0x1b7: {  	v27 =	vcvt.s32.f32 v27;
	v23 =	vadd.s32 v1, v14;
	_, v28, vm3 =	vpop (xrf1);
	[tilespmem:v3+s18+$0x0] =	vst.idx.add.f32.msk vm2, v15;
	v3 =	vmov v12  }
.Ltmp5:
0x1b8: {  	v14 =	vadd.s32 v1, v21;
	(xrf1) =	vunique.msk.u32 $0xffff, v23;
	[tilespmem:v6+s18+$0x0] =	vst.idx.add.f32.msk vm4, v19;
	v6 =	vmov v11;
	(pc) =	sbr.rel @p0 .LBB2_12-.Ltmp5, $4  }
0x1b9: {  	(xrf1) =	vunique.msk.u32 $0xffff, v14;
	[tilespmem:v2+s18+$0x0] =	vst.idx.add.f32.msk vm1, v18;
	v2 =	vmov v20  }
0x1ba: {  	v20 =	vcvt.s32.f32 v25;
	[tilespmem:v7+s18+$0x0] =	vst.idx.add.f32.msk vm6, v27;
	v7 =	vmov v4;
	v4 =	vadd.s32 v1, v22  }
0x1bb: {  	v11 =	vadd.s32 v1, v26;
	v19 =	vcvt.s32.f32 v28;
	v17 =	vld [tilespmem:s9+$0xFFFFFFC0];
	_, v15, vm2 =	vpop (xrf1)  }
0x1bc: {  	v12 =	vadd.s32 v1, v24;
	s9 =	sadd.s32 $0x100, s9;
	[tilespmem:v8+s18+$0x0] =	vst.idx.add.f32.msk vm7, v20;
	_, v18, vm1 =	vpop (xrf1);
	v8 =	vmov v23  }
0x1bd: {  	v16 =	vadd.s32 v1, v16;
	(xrf1) =	vunique.msk.u32 $0xffff, v12  }
0x1be: {  	(xrf1) =	vunique.msk.u32 $0xffff, v16  }
0x1bf: {  	v13 =	vadd.s32 v1, v13;
	(xrf1) =	vunique.msk.u32 $0xffff, v11  }
0x1c0: {  	(xrf1) =	vunique.msk.u32 $0xffff, v13;
	v17 =	vadd.s32 v1, v17  }
0x1c1: {  	(xrf1) =	vunique.msk.u32 $0xffff, v17  }
0x1c2: {  	_, v20, vm4 =	vpop (xrf1)  }
0x1c3: {  	_, v21, vm5 =	vpop (xrf1)  }
0x1c4: {  	(xrf1) =	vunique.msk.u32 $0xffff, v4;
	_ =	sdelay $0x1  }
0x1c5: {  	_, v22, vm6 =	vpop (xrf1)  }
0x1c6: {  	v21 =	vcvt.s32.f32 v21  }
0x1c7: {  	_, v23, vm7 =	vpop (xrf1)  }
0x1c8: {  	[tilespmem:v9+s18+$0x0] =	vst.idx.add.f32.msk vm5, v21;
	v9 =	vcvt.s32.f32 v15;
	_, v24, vm8 =	vpop (xrf1)  }
0x1c9: {  	[tilespmem:v5+s18+$0x0] =	vst.idx.add.f32.msk vm3, v19;
	v5 =	vcvt.s32.f32 v22;
	_, v25, vm9 =	vpop (xrf1)  }
0x1ca: {  	[tilespmem:v3+s18+$0x0] =	vst.idx.add.f32.msk vm2, v9;
	v3 =	vcvt.s32.f32 v18;
	_, v19, vm3 =	vpop (xrf1)  }
0x1cb: {  	[tilespmem:v10+s18+$0x0] =	vst.idx.add.f32.msk vm6, v5;
	v5 =	vcvt.s32.f32 v20;
	_, v15, vm5 =	vpop (xrf1)  }
0x1cc: {  	[tilespmem:v2+s18+$0x0] =	vst.idx.add.f32.msk vm1, v3;
	v3 =	vcvt.s32.f32 v25;
	_, v10, vm6 =	vpop (xrf1)  }
0x1cd: {  	[tilespmem:v6+s18+$0x0] =	vst.idx.add.f32.msk vm4, v5;
	v5 =	vcvt.s32.f32 v23;
	_, v9, vm2 =	vpop (xrf1)  }
0x1ce: {  	v2 =	vcvt.s32.f32 v24;
	_, v6, vm4 =	vpop (xrf1)  }
0x1cf: {  	[tilespmem:v7+s18+$0x0] =	vst.idx.add.f32.msk vm7, v5  }
0x1d0: {  	[tilespmem:v8+s18+$0x0] =	vst.idx.add.f32.msk vm8, v2;
	v5 =	vcvt.s32.f32 v6;
	v6 =	vcvt.s32.f32 v10  }
0x1d1: {  	[tilespmem:v14+s18+$0x0] =	vst.idx.add.f32.msk vm9, v3;
	v2 =	vcvt.s32.f32 v9;
	_, v3, vm1 =	vpop (xrf1)  }
0x1d2: {  	[tilespmem:v11+s18+$0x0] =	vst.idx.add.f32.msk vm6, v6  }
0x1d3: {  	[tilespmem:v13+s18+$0x0] =	vst.idx.add.f32.msk vm2, v2;
	v2 =	vcvt.s32.f32 v19  }
0x1d4: {  	[tilespmem:v17+s18+$0x0] =	vst.idx.add.f32.msk vm4, v5;
	v5 =	vcvt.s32.f32 v15  }
0x1d5: {  	[tilespmem:v12+s18+$0x0] =	vst.idx.add.f32.msk vm3, v2;
	v2 =	vcvt.s32.f32 v3  }
0x1d6: {  	[tilespmem:v16+s18+$0x0] =	vst.idx.add.f32.msk vm5, v5  }
0x1d7: {  	[tilespmem:v4+s18+$0x0] =	vst.idx.add.f32.msk vm1, v2  }
0x1d8: {  	[tilespmem:s20], [sflag:$0x1] =	stream.linear.gather [hbm4b:s15+s18], $0x1400, $0x38;
	[tilespmem:$0x1FA00] =	vst v63  }
0x1d9: {  	_ =	swait.ge [sflag:s3], $0x1400  }
0x1da: {  	[sflag:s3] =	ssyncset.done $0x0  }
0x1db: {  	s8 =	simm.s32 $0x19CF0;
	[sflag:s3] =	ssyncadd.s32 $0xFFFFEC00  }
0x1dc: {  	v2 =	vld [tilespmem:s8+$0xFFFFFFB0]  }
0x1dd: {  	v3 =	vld [tilespmem:s8+$0xFFFFFFA0];
	_ =	sdelay $0x1  }
0x1de: {  	v4 =	vld [tilespmem:s8+$0xFFFFFFF0];
	_ =	sdelay $0x1  }
0x1df: {  	v18 =	vadd.s32 v1, v2  }
0x1e0: {  	v2 =	vld [tilespmem:s8+$0xFFFFFFD0];
	v5 =	vadd.s32 v1, v3;
	(xrf1) =	vunique.msk.u32 $0xffff, v18  }
0x1e1: {  	v6 =	vld [tilespmem:s8+$0xFFFFFFE0];
	(xrf1) =	vunique.msk.u32 $0xffff, v5  }
0x1e2: {  	v3 =	vadd.s32 v1, v4;
	v4 =	vld [tilespmem:s8+$0xFFFFFF90];
	_ =	sdelay $0x1  }
0x1e3: {  	v8 =	vld [tilespmem:s8+$0xFFFFFFC0]  }
0x1e4: {  	(xrf1) =	vunique.msk.u32 $0xffff, v3;
	v2 =	vadd.s32 v1, v2  }
0x1e5: {  	v6 =	vadd.s32 v1, v6;
	(xrf1) =	vunique.msk.u32 $0xffff, v2  }
0x1e6: {  	v7 =	vld [tilespmem:s8+$0x0];
	v9 =	vadd.s32 v1, v4;
	(xrf1) =	vunique.msk.u32 $0xffff, v6  }
0x1e7: {  	(xrf1) =	vunique.msk.u32 $0xffff, v9  }
0x1e8: {  	s12 =	simm.s32 $0x19DF0;
	v10 =	vadd.s32 v1, v8  }
0x1e9: {  	v11 =	vld [tilespmem:s12+$0xFFFFFFB0];
	(xrf1) =	vunique.msk.u32 $0xffff, v10  }
0x1ea: {  	v12 =	vld [tilespmem:s12+$0xFFFFFFA0]  }
0x1eb: {  	v7 =	vadd.s32 v1, v7  }
0x1ec: {  	v20 =	vld [tilespmem:s12+$0xFFFFFFF0];
	(xrf1) =	vunique.msk.u32 $0xffff, v7  }
0x1ed: {  	v19 =	vld [tilespmem:s12+$0xFFFFFFE0];
	_, v15, vm1 =	vpop (xrf1)  }
0x1ee: {  	v8 =	vadd.s32 v1, v11;
	v4 =	vld [tilespmem:s12+$0x0];
	_, v62, vm3 =	vpop (xrf1)  }
0x1ef: {  	v16 =	vld [tilespmem:s12+$0xFFFFFFD0];
	v14 =	vadd.s32 v1, v12;
	(xrf1) =	vunique.msk.u32 $0xffff, v8  }
0x1f0: {  	(xrf1) =	vunique.msk.u32 $0xffff, v14  }
0x1f1: {  	v13 =	vld [tilespmem:s12+$0xFFFFFF90];
	v63 =	vcvt.s32.f32 v15  }
0x1f2: {  	v17 =	vld [tilespmem:s12+$0xFFFFFFC0];
	v11 =	vadd.s32 v1, v19;
	_, v15, vm2 =	vpop (xrf1);
	v19 =	vcvt.s32.f32 v62  }
0x1f3: {  	s9 =	simm.s32 $0x19EF0;
	s8 =	simm.s32 $0x8;
	v12 =	vadd.s32 v1, v20;
	v4 =	vadd.s32 v1, v4;
	[tilespmem:v18+s18+$0x0] =	vst.idx.add.f32.msk vm1, v63;
	_, v18, vm1 =	vpop (xrf1)  }
.LBB2_14:
0x1f4: {  	s8 =	sadd.s32 $0x8, s8;
	v20 =	vadd.s32 v1, v16;
	(xrf1) =	vunique.msk.u32 $0xffff, v12;
	[tilespmem:v5+s18+$0x0] =	vst.idx.add.f32.msk vm3, v19;
	_, v16, vm4 =	vpop (xrf1);
	v5 =	vmov v14  }
0x1f5: {  	v14 =	vld [tilespmem:s9+$0xFFFFFFB0];
	p0 =	slt.u32 s8, $0x98;
	(xrf1) =	vunique.msk.u32 $0xffff, v20;
	v19 =	vcvt.s32.f32 v16;
	_, v16, vm3 =	vpop (xrf1)  }
0x1f6: {  	v22 =	vadd.s32 v1, v13;
	v18 =	vcvt.s32.f32 v18;
	v21 =	vld [tilespmem:s9+$0xFFFFFFA0];
	(xrf1) =	vunique.msk.u32 $0xffff, v11  }
0x1f7: {  	v13 =	vld [tilespmem:s9+$0xFFFFFF90];
	(xrf1) =	vunique.msk.u32 $0xffff, v22;
	_, v23, vm5 =	vpop (xrf1)  }
0x1f8: {  	v25 =	vcvt.s32.f32 v16;
	v17 =	vadd.s32 v1, v17;
	v24 =	vld [tilespmem:s9+$0xFFFFFFF0]  }
0x1f9: {  	v16 =	vld [tilespmem:s9+$0xFFFFFFD0];
	(xrf1) =	vunique.msk.u32 $0xffff, v17  }
0x1fa: {  	v26 =	vld [tilespmem:s9+$0xFFFFFFE0];
	_, v27, vm6 =	vpop (xrf1)  }
0x1fb: {  	v23 =	vcvt.s32.f32 v23;
	[tilespmem:v9+s18+$0x0] =	vst.idx.add.f32.msk vm3, v25;
	v9 =	vmov v22  }
0x1fc: {  	v15 =	vcvt.s32.f32 v15;
	v22 =	vld [tilespmem:s9+$0x0];
	(xrf1) =	vunique.msk.u32 $0xffff, v4  }
0x1fd: {  	_, v25, vm7 =	vpop (xrf1);
	[tilespmem:v10+s18+$0x0] =	vst.idx.add.f32.msk vm5, v23;
	v10 =	vmov v17  }
0x1fe: {  	v27 =	vcvt.s32.f32 v27;
	v23 =	vadd.s32 v1, v14;
	_, v28, vm3 =	vpop (xrf1);
	[tilespmem:v3+s18+$0x0] =	vst.idx.add.f32.msk vm2, v15;
	v3 =	vmov v12  }
.Ltmp6:
0x1ff: {  	v14 =	vadd.s32 v1, v21;
	(xrf1) =	vunique.msk.u32 $0xffff, v23;
	[tilespmem:v6+s18+$0x0] =	vst.idx.add.f32.msk vm4, v19;
	v6 =	vmov v11;
	(pc) =	sbr.rel @p0 .LBB2_14-.Ltmp6, $4  }
0x200: {  	(xrf1) =	vunique.msk.u32 $0xffff, v14;
	[tilespmem:v2+s18+$0x0] =	vst.idx.add.f32.msk vm1, v18;
	v2 =	vmov v20  }
0x201: {  	v20 =	vcvt.s32.f32 v25;
	[tilespmem:v7+s18+$0x0] =	vst.idx.add.f32.msk vm6, v27;
	v7 =	vmov v4;
	v4 =	vadd.s32 v1, v22  }
0x202: {  	v11 =	vadd.s32 v1, v26;
	v19 =	vcvt.s32.f32 v28;
	v17 =	vld [tilespmem:s9+$0xFFFFFFC0];
	_, v15, vm2 =	vpop (xrf1)  }
0x203: {  	v12 =	vadd.s32 v1, v24;
	s9 =	sadd.s32 $0x100, s9;
	[tilespmem:v8+s18+$0x0] =	vst.idx.add.f32.msk vm7, v20;
	_, v18, vm1 =	vpop (xrf1);
	v8 =	vmov v23  }
0x204: {  	v16 =	vadd.s32 v1, v16;
	(xrf1) =	vunique.msk.u32 $0xffff, v12  }
0x205: {  	(xrf1) =	vunique.msk.u32 $0xffff, v16  }
0x206: {  	v13 =	vadd.s32 v1, v13;
	(xrf1) =	vunique.msk.u32 $0xffff, v11  }
0x207: {  	(xrf1) =	vunique.msk.u32 $0xffff, v13;
	v17 =	vadd.s32 v1, v17  }
0x208: {  	(xrf1) =	vunique.msk.u32 $0xffff, v17  }
0x209: {  	_, v20, vm4 =	vpop (xrf1)  }
0x20a: {  	_, v21, vm5 =	vpop (xrf1)  }
0x20b: {  	(xrf1) =	vunique.msk.u32 $0xffff, v4;
	_ =	sdelay $0x1  }
0x20c: {  	_, v22, vm6 =	vpop (xrf1)  }
0x20d: {  	v21 =	vcvt.s32.f32 v21  }
0x20e: {  	_, v23, vm7 =	vpop (xrf1)  }
0x20f: {  	[tilespmem:v9+s18+$0x0] =	vst.idx.add.f32.msk vm5, v21;
	v9 =	vcvt.s32.f32 v15;
	_, v24, vm8 =	vpop (xrf1)  }
0x210: {  	[tilespmem:v5+s18+$0x0] =	vst.idx.add.f32.msk vm3, v19;
	v5 =	vcvt.s32.f32 v22;
	_, v25, vm9 =	vpop (xrf1)  }
0x211: {  	[tilespmem:v3+s18+$0x0] =	vst.idx.add.f32.msk vm2, v9;
	v3 =	vcvt.s32.f32 v18;
	_, v19, vm3 =	vpop (xrf1)  }
0x212: {  	[tilespmem:v10+s18+$0x0] =	vst.idx.add.f32.msk vm6, v5;
	v5 =	vcvt.s32.f32 v20;
	_, v15, vm5 =	vpop (xrf1)  }
0x213: {  	[tilespmem:v2+s18+$0x0] =	vst.idx.add.f32.msk vm1, v3;
	v3 =	vcvt.s32.f32 v25;
	_, v10, vm6 =	vpop (xrf1)  }
0x214: {  	[tilespmem:v6+s18+$0x0] =	vst.idx.add.f32.msk vm4, v5;
	v5 =	vcvt.s32.f32 v23;
	_, v9, vm2 =	vpop (xrf1)  }
0x215: {  	v2 =	vcvt.s32.f32 v24;
	_, v6, vm4 =	vpop (xrf1)  }
0x216: {  	[tilespmem:v7+s18+$0x0] =	vst.idx.add.f32.msk vm7, v5  }
0x217: {  	[tilespmem:v8+s18+$0x0] =	vst.idx.add.f32.msk vm8, v2;
	v5 =	vcvt.s32.f32 v6;
	v6 =	vcvt.s32.f32 v10  }
0x218: {  	[tilespmem:v14+s18+$0x0] =	vst.idx.add.f32.msk vm9, v3;
	v2 =	vcvt.s32.f32 v9;
	_, v3, vm1 =	vpop (xrf1)  }
0x219: {  	[tilespmem:v11+s18+$0x0] =	vst.idx.add.f32.msk vm6, v6  }
0x21a: {  	[tilespmem:v13+s18+$0x0] =	vst.idx.add.f32.msk vm2, v2;
	v2 =	vcvt.s32.f32 v19  }
0x21b: {  	[tilespmem:v17+s18+$0x0] =	vst.idx.add.f32.msk vm4, v5;
	v5 =	vcvt.s32.f32 v15  }
0x21c: {  	[tilespmem:v12+s18+$0x0] =	vst.idx.add.f32.msk vm3, v2;
	v2 =	vcvt.s32.f32 v3  }
0x21d: {  	[tilespmem:v16+s18+$0x0] =	vst.idx.add.f32.msk vm5, v5  }
0x21e: {  	[tilespmem:v4+s18+$0x0] =	vst.idx.add.f32.msk vm1, v2  }
0x21f: {  	[tilespmem:s0], [sflag:$0x2] =	stream.linear.gather [hbm4b:s16+s18], $0x1400, $0x38;
	[tilespmem:$0x1FA00] =	vst v63  }
0x220: {  	_ =	swait.ge [sflag:s2], $0x1400  }
0x221: {  	[sflag:s2] =	ssyncset.done $0x0  }
0x222: {  	s8 =	simm.s32 $0x188F0;
	[sflag:s2] =	ssyncadd.s32 $0xFFFFEC00  }
0x223: {  	v2 =	vld [tilespmem:s8+$0xFFFFFFB0]  }
0x224: {  	v3 =	vld [tilespmem:s8+$0xFFFFFFA0];
	_ =	sdelay $0x1  }
0x225: {  	v4 =	vld [tilespmem:s8+$0xFFFFFFF0];
	_ =	sdelay $0x1  }
0x226: {  	v18 =	vadd.s32 v1, v2  }
0x227: {  	v2 =	vld [tilespmem:s8+$0xFFFFFFD0];
	v5 =	vadd.s32 v1, v3;
	(xrf1) =	vunique.msk.u32 $0xffff, v18  }
0x228: {  	v6 =	vld [tilespmem:s8+$0xFFFFFFE0];
	(xrf1) =	vunique.msk.u32 $0xffff, v5  }
0x229: {  	v3 =	vadd.s32 v1, v4;
	v4 =	vld [tilespmem:s8+$0xFFFFFF90];
	_ =	sdelay $0x1  }
0x22a: {  	v8 =	vld [tilespmem:s8+$0xFFFFFFC0]  }
0x22b: {  	(xrf1) =	vunique.msk.u32 $0xffff, v3;
	v2 =	vadd.s32 v1, v2  }
0x22c: {  	v6 =	vadd.s32 v1, v6;
	(xrf1) =	vunique.msk.u32 $0xffff, v2  }
0x22d: {  	v7 =	vld [tilespmem:s8+$0x0];
	v9 =	vadd.s32 v1, v4;
	(xrf1) =	vunique.msk.u32 $0xffff, v6  }
0x22e: {  	(xrf1) =	vunique.msk.u32 $0xffff, v9  }
0x22f: {  	s12 =	simm.s32 $0x189F0;
	v10 =	vadd.s32 v1, v8  }
0x230: {  	v11 =	vld [tilespmem:s12+$0xFFFFFFB0];
	(xrf1) =	vunique.msk.u32 $0xffff, v10  }
0x231: {  	v12 =	vld [tilespmem:s12+$0xFFFFFFA0]  }
0x232: {  	v7 =	vadd.s32 v1, v7  }
0x233: {  	v20 =	vld [tilespmem:s12+$0xFFFFFFF0];
	(xrf1) =	vunique.msk.u32 $0xffff, v7  }
0x234: {  	v19 =	vld [tilespmem:s12+$0xFFFFFFE0];
	_, v15, vm1 =	vpop (xrf1)  }
0x235: {  	v8 =	vadd.s32 v1, v11;
	v4 =	vld [tilespmem:s12+$0x0];
	_, v62, vm3 =	vpop (xrf1)  }
0x236: {  	v16 =	vld [tilespmem:s12+$0xFFFFFFD0];
	v14 =	vadd.s32 v1, v12;
	(xrf1) =	vunique.msk.u32 $0xffff, v8  }
0x237: {  	(xrf1) =	vunique.msk.u32 $0xffff, v14  }
0x238: {  	v13 =	vld [tilespmem:s12+$0xFFFFFF90];
	v63 =	vcvt.s32.f32 v15  }
0x239: {  	v17 =	vld [tilespmem:s12+$0xFFFFFFC0];
	v11 =	vadd.s32 v1, v19;
	_, v15, vm2 =	vpop (xrf1);
	v19 =	vcvt.s32.f32 v62  }
0x23a: {  	s9 =	simm.s32 $0x18AF0;
	s8 =	simm.s32 $0x8;
	v12 =	vadd.s32 v1, v20;
	v4 =	vadd.s32 v1, v4;
	[tilespmem:v18+s18+$0x0] =	vst.idx.add.f32.msk vm1, v63;
	_, v18, vm1 =	vpop (xrf1)  }
.LBB2_16:
0x23b: {  	s8 =	sadd.s32 $0x8, s8;
	v20 =	vadd.s32 v1, v16;
	(xrf1) =	vunique.msk.u32 $0xffff, v12;
	[tilespmem:v5+s18+$0x0] =	vst.idx.add.f32.msk vm3, v19;
	_, v16, vm4 =	vpop (xrf1);
	v5 =	vmov v14  }
0x23c: {  	v14 =	vld [tilespmem:s9+$0xFFFFFFB0];
	p0 =	slt.u32 s8, $0x98;
	(xrf1) =	vunique.msk.u32 $0xffff, v20;
	v19 =	vcvt.s32.f32 v16;
	_, v16, vm3 =	vpop (xrf1)  }
0x23d: {  	v22 =	vadd.s32 v1, v13;
	v18 =	vcvt.s32.f32 v18;
	v21 =	vld [tilespmem:s9+$0xFFFFFFA0];
	(xrf1) =	vunique.msk.u32 $0xffff, v11  }
0x23e: {  	v13 =	vld [tilespmem:s9+$0xFFFFFF90];
	(xrf1) =	vunique.msk.u32 $0xffff, v22;
	_, v23, vm5 =	vpop (xrf1)  }
0x23f: {  	v25 =	vcvt.s32.f32 v16;
	v17 =	vadd.s32 v1, v17;
	v24 =	vld [tilespmem:s9+$0xFFFFFFF0]  }
0x240: {  	v16 =	vld [tilespmem:s9+$0xFFFFFFD0];
	(xrf1) =	vunique.msk.u32 $0xffff, v17  }
0x241: {  	v26 =	vld [tilespmem:s9+$0xFFFFFFE0];
	_, v27, vm6 =	vpop (xrf1)  }
0x242: {  	v23 =	vcvt.s32.f32 v23;
	[tilespmem:v9+s18+$0x0] =	vst.idx.add.f32.msk vm3, v25;
	v9 =	vmov v22  }
0x243: {  	v15 =	vcvt.s32.f32 v15;
	v22 =	vld [tilespmem:s9+$0x0];
	(xrf1) =	vunique.msk.u32 $0xffff, v4  }
0x244: {  	_, v25, vm7 =	vpop (xrf1);
	[tilespmem:v10+s18+$0x0] =	vst.idx.add.f32.msk vm5, v23;
	v10 =	vmov v17  }
0x245: {  	v27 =	vcvt.s32.f32 v27;
	v23 =	vadd.s32 v1, v14;
	_, v28, vm3 =	vpop (xrf1);
	[tilespmem:v3+s18+$0x0] =	vst.idx.add.f32.msk vm2, v15;
	v3 =	vmov v12  }
.Ltmp7:
0x246: {  	v14 =	vadd.s32 v1, v21;
	(xrf1) =	vunique.msk.u32 $0xffff, v23;
	[tilespmem:v6+s18+$0x0] =	vst.idx.add.f32.msk vm4, v19;
	v6 =	vmov v11;
	(pc) =	sbr.rel @p0 .LBB2_16-.Ltmp7, $4  }
0x247: {  	(xrf1) =	vunique.msk.u32 $0xffff, v14;
	[tilespmem:v2+s18+$0x0] =	vst.idx.add.f32.msk vm1, v18;
	v2 =	vmov v20  }
0x248: {  	v20 =	vcvt.s32.f32 v25;
	[tilespmem:v7+s18+$0x0] =	vst.idx.add.f32.msk vm6, v27;
	v7 =	vmov v4;
	v4 =	vadd.s32 v1, v22  }
0x249: {  	v11 =	vadd.s32 v1, v26;
	v19 =	vcvt.s32.f32 v28;
	v17 =	vld [tilespmem:s9+$0xFFFFFFC0];
	_, v15, vm2 =	vpop (xrf1)  }
0x24a: {  	v12 =	vadd.s32 v1, v24;
	s9 =	sadd.s32 $0x100, s9;
	[tilespmem:v8+s18+$0x0] =	vst.idx.add.f32.msk vm7, v20;
	_, v18, vm1 =	vpop (xrf1);
	v8 =	vmov v23  }
0x24b: {  	v16 =	vadd.s32 v1, v16;
	(xrf1) =	vunique.msk.u32 $0xffff, v12  }
0x24c: {  	(xrf1) =	vunique.msk.u32 $0xffff, v16  }
0x24d: {  	v13 =	vadd.s32 v1, v13;
	(xrf1) =	vunique.msk.u32 $0xffff, v11  }
0x24e: {  	(xrf1) =	vunique.msk.u32 $0xffff, v13;
	v17 =	vadd.s32 v1, v17  }
0x24f: {  	(xrf1) =	vunique.msk.u32 $0xffff, v17  }
0x250: {  	_, v20, vm4 =	vpop (xrf1)  }
0x251: {  	_, v21, vm5 =	vpop (xrf1)  }
0x252: {  	(xrf1) =	vunique.msk.u32 $0xffff, v4;
	_ =	sdelay $0x1  }
0x253: {  	_, v22, vm6 =	vpop (xrf1)  }
0x254: {  	v21 =	vcvt.s32.f32 v21  }
0x255: {  	_, v23, vm7 =	vpop (xrf1)  }
0x256: {  	[tilespmem:v9+s18+$0x0] =	vst.idx.add.f32.msk vm5, v21;
	v9 =	vcvt.s32.f32 v15;
	_, v24, vm8 =	vpop (xrf1)  }
0x257: {  	[tilespmem:v5+s18+$0x0] =	vst.idx.add.f32.msk vm3, v19;
	v5 =	vcvt.s32.f32 v22;
	_, v25, vm9 =	vpop (xrf1)  }
0x258: {  	[tilespmem:v3+s18+$0x0] =	vst.idx.add.f32.msk vm2, v9;
	v3 =	vcvt.s32.f32 v18;
	_, v19, vm3 =	vpop (xrf1)  }
0x259: {  	[tilespmem:v10+s18+$0x0] =	vst.idx.add.f32.msk vm6, v5;
	v5 =	vcvt.s32.f32 v20;
	_, v15, vm5 =	vpop (xrf1)  }
0x25a: {  	[tilespmem:v2+s18+$0x0] =	vst.idx.add.f32.msk vm1, v3;
	v3 =	vcvt.s32.f32 v25;
	_, v10, vm6 =	vpop (xrf1)  }
0x25b: {  	[tilespmem:v6+s18+$0x0] =	vst.idx.add.f32.msk vm4, v5;
	v5 =	vcvt.s32.f32 v23;
	_, v9, vm2 =	vpop (xrf1)  }
0x25c: {  	v2 =	vcvt.s32.f32 v24;
	_, v6, vm4 =	vpop (xrf1)  }
0x25d: {  	[tilespmem:v7+s18+$0x0] =	vst.idx.add.f32.msk vm7, v5  }
0x25e: {  	[tilespmem:v8+s18+$0x0] =	vst.idx.add.f32.msk vm8, v2;
	v5 =	vcvt.s32.f32 v6;
	v6 =	vcvt.s32.f32 v10  }
0x25f: {  	[tilespmem:v14+s18+$0x0] =	vst.idx.add.f32.msk vm9, v3;
	v2 =	vcvt.s32.f32 v9;
	_, v3, vm1 =	vpop (xrf1)  }
0x260: {  	[tilespmem:v11+s18+$0x0] =	vst.idx.add.f32.msk vm6, v6  }
0x261: {  	[tilespmem:v13+s18+$0x0] =	vst.idx.add.f32.msk vm2, v2;
	v2 =	vcvt.s32.f32 v19  }
0x262: {  	[tilespmem:v17+s18+$0x0] =	vst.idx.add.f32.msk vm4, v5;
	v5 =	vcvt.s32.f32 v15  }
0x263: {  	[tilespmem:v12+s18+$0x0] =	vst.idx.add.f32.msk vm3, v2;
	v2 =	vcvt.s32.f32 v3  }
0x264: {  	[tilespmem:v16+s18+$0x0] =	vst.idx.add.f32.msk vm5, v5  }
0x265: {  	[tilespmem:v4+s18+$0x0] =	vst.idx.add.f32.msk vm1, v2  }
0x266: {  	[tilespmem:s20], [sflag:$0x1] =	stream.linear.gather [hbm4b:s17+s18], $0x1400, $0x38;
	[tilespmem:$0x1FA00] =	vst v63  }
0x267: {  	_ =	swait.ge [sflag:s3], $0x1400  }
0x268: {  	[sflag:s3] =	ssyncset.done $0x0  }
0x269: {  	s8 =	simm.s32 $0x19CF0;
	[sflag:s3] =	ssyncadd.s32 $0xFFFFEC00  }
0x26a: {  	v2 =	vld [tilespmem:s8+$0xFFFFFFB0]  }
0x26b: {  	v3 =	vld [tilespmem:s8+$0xFFFFFFA0];
	_ =	sdelay $0x1  }
0x26c: {  	v4 =	vld [tilespmem:s8+$0xFFFFFFF0];
	_ =	sdelay $0x1  }
0x26d: {  	v18 =	vadd.s32 v1, v2  }
0x26e: {  	v2 =	vld [tilespmem:s8+$0xFFFFFFD0];
	v5 =	vadd.s32 v1, v3;
	(xrf1) =	vunique.msk.u32 $0xffff, v18  }
0x26f: {  	v6 =	vld [tilespmem:s8+$0xFFFFFFE0];
	(xrf1) =	vunique.msk.u32 $0xffff, v5  }
0x270: {  	v3 =	vadd.s32 v1, v4;
	v4 =	vld [tilespmem:s8+$0xFFFFFF90];
	_ =	sdelay $0x1  }
0x271: {  	v8 =	vld [tilespmem:s8+$0xFFFFFFC0]  }
0x272: {  	(xrf1) =	vunique.msk.u32 $0xffff, v3;
	v2 =	vadd.s32 v1, v2  }
0x273: {  	v6 =	vadd.s32 v1, v6;
	(xrf1) =	vunique.msk.u32 $0xffff, v2  }
0x274: {  	v7 =	vld [tilespmem:s8+$0x0];
	v9 =	vadd.s32 v1, v4;
	(xrf1) =	vunique.msk.u32 $0xffff, v6  }
0x275: {  	(xrf1) =	vunique.msk.u32 $0xffff, v9  }
0x276: {  	s12 =	simm.s32 $0x19DF0;
	v10 =	vadd.s32 v1, v8  }
0x277: {  	v11 =	vld [tilespmem:s12+$0xFFFFFFB0];
	(xrf1) =	vunique.msk.u32 $0xffff, v10  }
0x278: {  	v12 =	vld [tilespmem:s12+$0xFFFFFFA0]  }
0x279: {  	v7 =	vadd.s32 v1, v7  }
0x27a: {  	v20 =	vld [tilespmem:s12+$0xFFFFFFF0];
	(xrf1) =	vunique.msk.u32 $0xffff, v7  }
0x27b: {  	v19 =	vld [tilespmem:s12+$0xFFFFFFE0];
	_, v15, vm1 =	vpop (xrf1)  }
0x27c: {  	v8 =	vadd.s32 v1, v11;
	v4 =	vld [tilespmem:s12+$0x0];
	_, v62, vm3 =	vpop (xrf1)  }
0x27d: {  	v16 =	vld [tilespmem:s12+$0xFFFFFFD0];
	v14 =	vadd.s32 v1, v12;
	(xrf1) =	vunique.msk.u32 $0xffff, v8  }
0x27e: {  	(xrf1) =	vunique.msk.u32 $0xffff, v14  }
0x27f: {  	v13 =	vld [tilespmem:s12+$0xFFFFFF90];
	v63 =	vcvt.s32.f32 v15  }
0x280: {  	v17 =	vld [tilespmem:s12+$0xFFFFFFC0];
	v11 =	vadd.s32 v1, v19;
	_, v15, vm2 =	vpop (xrf1);
	v19 =	vcvt.s32.f32 v62  }
0x281: {  	s9 =	simm.s32 $0x19EF0;
	s8 =	simm.s32 $0x8;
	v12 =	vadd.s32 v1, v20;
	v4 =	vadd.s32 v1, v4;
	[tilespmem:v18+s18+$0x0] =	vst.idx.add.f32.msk vm1, v63;
	_, v18, vm1 =	vpop (xrf1)  }
.LBB2_18:
0x282: {  	s8 =	sadd.s32 $0x8, s8;
	v20 =	vadd.s32 v1, v16;
	(xrf1) =	vunique.msk.u32 $0xffff, v12;
	[tilespmem:v5+s18+$0x0] =	vst.idx.add.f32.msk vm3, v19;
	_, v16, vm4 =	vpop (xrf1);
	v5 =	vmov v14  }
0x283: {  	v14 =	vld [tilespmem:s9+$0xFFFFFFB0];
	p0 =	slt.u32 s8, $0x98;
	(xrf1) =	vunique.msk.u32 $0xffff, v20;
	v19 =	vcvt.s32.f32 v16;
	_, v16, vm3 =	vpop (xrf1)  }
0x284: {  	v22 =	vadd.s32 v1, v13;
	v18 =	vcvt.s32.f32 v18;
	v21 =	vld [tilespmem:s9+$0xFFFFFFA0];
	(xrf1) =	vunique.msk.u32 $0xffff, v11  }
0x285: {  	v13 =	vld [tilespmem:s9+$0xFFFFFF90];
	(xrf1) =	vunique.msk.u32 $0xffff, v22;
	_, v23, vm5 =	vpop (xrf1)  }
0x286: {  	v25 =	vcvt.s32.f32 v16;
	v17 =	vadd.s32 v1, v17;
	v24 =	vld [tilespmem:s9+$0xFFFFFFF0]  }
0x287: {  	v16 =	vld [tilespmem:s9+$0xFFFFFFD0];
	(xrf1) =	vunique.msk.u32 $0xffff, v17  }
0x288: {  	v26 =	vld [tilespmem:s9+$0xFFFFFFE0];
	_, v27, vm6 =	vpop (xrf1)  }
0x289: {  	v23 =	vcvt.s32.f32 v23;
	[tilespmem:v9+s18+$0x0] =	vst.idx.add.f32.msk vm3, v25;
	v9 =	vmov v22  }
0x28a: {  	v15 =	vcvt.s32.f32 v15;
	v22 =	vld [tilespmem:s9+$0x0];
	(xrf1) =	vunique.msk.u32 $0xffff, v4  }
0x28b: {  	_, v25, vm7 =	vpop (xrf1);
	[tilespmem:v10+s18+$0x0] =	vst.idx.add.f32.msk vm5, v23;
	v10 =	vmov v17  }
0x28c: {  	v27 =	vcvt.s32.f32 v27;
	v23 =	vadd.s32 v1, v14;
	_, v28, vm3 =	vpop (xrf1);
	[tilespmem:v3+s18+$0x0] =	vst.idx.add.f32.msk vm2, v15;
	v3 =	vmov v12  }
.Ltmp8:
0x28d: {  	v14 =	vadd.s32 v1, v21;
	(xrf1) =	vunique.msk.u32 $0xffff, v23;
	[tilespmem:v6+s18+$0x0] =	vst.idx.add.f32.msk vm4, v19;
	v6 =	vmov v11;
	(pc) =	sbr.rel @p0 .LBB2_18-.Ltmp8, $4  }
0x28e: {  	(xrf1) =	vunique.msk.u32 $0xffff, v14;
	[tilespmem:v2+s18+$0x0] =	vst.idx.add.f32.msk vm1, v18;
	v2 =	vmov v20  }
0x28f: {  	v20 =	vcvt.s32.f32 v25;
	[tilespmem:v7+s18+$0x0] =	vst.idx.add.f32.msk vm6, v27;
	v7 =	vmov v4;
	v4 =	vadd.s32 v1, v22  }
0x290: {  	v11 =	vadd.s32 v1, v26;
	v19 =	vcvt.s32.f32 v28;
	v17 =	vld [tilespmem:s9+$0xFFFFFFC0];
	_, v15, vm2 =	vpop (xrf1)  }
0x291: {  	v12 =	vadd.s32 v1, v24;
	s9 =	sadd.s32 $0x100, s9;
	[tilespmem:v8+s18+$0x0] =	vst.idx.add.f32.msk vm7, v20;
	_, v18, vm1 =	vpop (xrf1);
	v8 =	vmov v23  }
0x292: {  	v16 =	vadd.s32 v1, v16;
	(xrf1) =	vunique.msk.u32 $0xffff, v12  }
0x293: {  	(xrf1) =	vunique.msk.u32 $0xffff, v16  }
0x294: {  	v13 =	vadd.s32 v1, v13;
	(xrf1) =	vunique.msk.u32 $0xffff, v11  }
0x295: {  	(xrf1) =	vunique.msk.u32 $0xffff, v13;
	v17 =	vadd.s32 v1, v17  }
0x296: {  	(xrf1) =	vunique.msk.u32 $0xffff, v17  }
0x297: {  	_, v20, vm4 =	vpop (xrf1)  }
0x298: {  	_, v21, vm5 =	vpop (xrf1)  }
0x299: {  	(xrf1) =	vunique.msk.u32 $0xffff, v4;
	_ =	sdelay $0x1  }
0x29a: {  	_, v22, vm6 =	vpop (xrf1)  }
0x29b: {  	v21 =	vcvt.s32.f32 v21  }
0x29c: {  	_, v23, vm7 =	vpop (xrf1)  }
0x29d: {  	[tilespmem:v9+s18+$0x0] =	vst.idx.add.f32.msk vm5, v21;
	v9 =	vcvt.s32.f32 v15;
	_, v24, vm8 =	vpop (xrf1)  }
0x29e: {  	[tilespmem:v5+s18+$0x0] =	vst.idx.add.f32.msk vm3, v19;
	v5 =	vcvt.s32.f32 v22;
	_, v25, vm9 =	vpop (xrf1)  }
0x29f: {  	[tilespmem:v3+s18+$0x0] =	vst.idx.add.f32.msk vm2, v9;
	v3 =	vcvt.s32.f32 v18;
	_, v19, vm3 =	vpop (xrf1)  }
0x2a0: {  	[tilespmem:v10+s18+$0x0] =	vst.idx.add.f32.msk vm6, v5;
	v5 =	vcvt.s32.f32 v20;
	_, v15, vm5 =	vpop (xrf1)  }
0x2a1: {  	[tilespmem:v2+s18+$0x0] =	vst.idx.add.f32.msk vm1, v3;
	v3 =	vcvt.s32.f32 v25;
	_, v10, vm6 =	vpop (xrf1)  }
0x2a2: {  	[tilespmem:v6+s18+$0x0] =	vst.idx.add.f32.msk vm4, v5;
	v5 =	vcvt.s32.f32 v23;
	_, v9, vm2 =	vpop (xrf1)  }
0x2a3: {  	v2 =	vcvt.s32.f32 v24;
	_, v6, vm4 =	vpop (xrf1)  }
0x2a4: {  	[tilespmem:v7+s18+$0x0] =	vst.idx.add.f32.msk vm7, v5  }
0x2a5: {  	[tilespmem:v8+s18+$0x0] =	vst.idx.add.f32.msk vm8, v2;
	v5 =	vcvt.s32.f32 v6;
	v6 =	vcvt.s32.f32 v10  }
0x2a6: {  	[tilespmem:v14+s18+$0x0] =	vst.idx.add.f32.msk vm9, v3;
	v2 =	vcvt.s32.f32 v9;
	_, v3, vm1 =	vpop (xrf1)  }
0x2a7: {  	[tilespmem:v11+s18+$0x0] =	vst.idx.add.f32.msk vm6, v6  }
0x2a8: {  	[tilespmem:v13+s18+$0x0] =	vst.idx.add.f32.msk vm2, v2;
	v2 =	vcvt.s32.f32 v19  }
0x2a9: {  	[tilespmem:v17+s18+$0x0] =	vst.idx.add.f32.msk vm4, v5;
	v5 =	vcvt.s32.f32 v15  }
0x2aa: {  	[tilespmem:v12+s18+$0x0] =	vst.idx.add.f32.msk vm3, v2;
	v2 =	vcvt.s32.f32 v3  }
0x2ab: {  	[tilespmem:v16+s18+$0x0] =	vst.idx.add.f32.msk vm5, v5  }
0x2ac: {  	[tilespmem:v4+s18+$0x0] =	vst.idx.add.f32.msk vm1, v2  }
0x2ad: {  	[tilespmem:s0], [sflag:$0x2] =	stream.linear.gather [hbm4b:s19+s18], $0x1400, $0x38;
	[tilespmem:$0x1FA00] =	vst v63  }
0x2ae: {  	_ =	swait.ge [sflag:s2], $0x1400  }
0x2af: {  	[sflag:s2] =	ssyncset.done $0x0  }
0x2b0: {  	s8 =	simm.s32 $0x188F0;
	[sflag:s2] =	ssyncadd.s32 $0xFFFFEC00  }
0x2b1: {  	v2 =	vld [tilespmem:s8+$0xFFFFFFB0]  }
0x2b2: {  	v3 =	vld [tilespmem:s8+$0xFFFFFFA0];
	_ =	sdelay $0x1  }
0x2b3: {  	v4 =	vld [tilespmem:s8+$0xFFFFFFF0];
	_ =	sdelay $0x1  }
0x2b4: {  	v18 =	vadd.s32 v1, v2  }
0x2b5: {  	v2 =	vld [tilespmem:s8+$0xFFFFFFD0];
	v5 =	vadd.s32 v1, v3;
	(xrf1) =	vunique.msk.u32 $0xffff, v18  }
0x2b6: {  	v6 =	vld [tilespmem:s8+$0xFFFFFFE0];
	(xrf1) =	vunique.msk.u32 $0xffff, v5  }
0x2b7: {  	v3 =	vadd.s32 v1, v4;
	v4 =	vld [tilespmem:s8+$0xFFFFFF90];
	_ =	sdelay $0x1  }
0x2b8: {  	v8 =	vld [tilespmem:s8+$0xFFFFFFC0]  }
0x2b9: {  	(xrf1) =	vunique.msk.u32 $0xffff, v3;
	v2 =	vadd.s32 v1, v2  }
0x2ba: {  	v6 =	vadd.s32 v1, v6;
	(xrf1) =	vunique.msk.u32 $0xffff, v2  }
0x2bb: {  	v7 =	vld [tilespmem:s8+$0x0];
	v9 =	vadd.s32 v1, v4;
	(xrf1) =	vunique.msk.u32 $0xffff, v6  }
0x2bc: {  	(xrf1) =	vunique.msk.u32 $0xffff, v9  }
0x2bd: {  	s12 =	simm.s32 $0x189F0;
	v10 =	vadd.s32 v1, v8  }
0x2be: {  	v11 =	vld [tilespmem:s12+$0xFFFFFFB0];
	(xrf1) =	vunique.msk.u32 $0xffff, v10  }
0x2bf: {  	v12 =	vld [tilespmem:s12+$0xFFFFFFA0]  }
0x2c0: {  	v7 =	vadd.s32 v1, v7  }
0x2c1: {  	v20 =	vld [tilespmem:s12+$0xFFFFFFF0];
	(xrf1) =	vunique.msk.u32 $0xffff, v7  }
0x2c2: {  	v19 =	vld [tilespmem:s12+$0xFFFFFFE0];
	_, v15, vm1 =	vpop (xrf1)  }
0x2c3: {  	v8 =	vadd.s32 v1, v11;
	v4 =	vld [tilespmem:s12+$0x0];
	_, v62, vm3 =	vpop (xrf1)  }
0x2c4: {  	v16 =	vld [tilespmem:s12+$0xFFFFFFD0];
	v14 =	vadd.s32 v1, v12;
	(xrf1) =	vunique.msk.u32 $0xffff, v8  }
0x2c5: {  	(xrf1) =	vunique.msk.u32 $0xffff, v14  }
0x2c6: {  	v13 =	vld [tilespmem:s12+$0xFFFFFF90];
	v63 =	vcvt.s32.f32 v15  }
0x2c7: {  	v17 =	vld [tilespmem:s12+$0xFFFFFFC0];
	v11 =	vadd.s32 v1, v19;
	_, v15, vm2 =	vpop (xrf1);
	v19 =	vcvt.s32.f32 v62  }
0x2c8: {  	s9 =	simm.s32 $0x18AF0;
	s8 =	simm.s32 $0x8;
	v12 =	vadd.s32 v1, v20;
	v4 =	vadd.s32 v1, v4;
	[tilespmem:v18+s18+$0x0] =	vst.idx.add.f32.msk vm1, v63;
	_, v18, vm1 =	vpop (xrf1)  }
.LBB2_20:
0x2c9: {  	s8 =	sadd.s32 $0x8, s8;
	v20 =	vadd.s32 v1, v16;
	(xrf1) =	vunique.msk.u32 $0xffff, v12;
	[tilespmem:v5+s18+$0x0] =	vst.idx.add.f32.msk vm3, v19;
	_, v16, vm4 =	vpop (xrf1);
	v5 =	vmov v14  }
0x2ca: {  	v14 =	vld [tilespmem:s9+$0xFFFFFFB0];
	p0 =	slt.u32 s8, $0x98;
	(xrf1) =	vunique.msk.u32 $0xffff, v20;
	v19 =	vcvt.s32.f32 v16;
	_, v16, vm3 =	vpop (xrf1)  }
0x2cb: {  	v22 =	vadd.s32 v1, v13;
	v18 =	vcvt.s32.f32 v18;
	v21 =	vld [tilespmem:s9+$0xFFFFFFA0];
	(xrf1) =	vunique.msk.u32 $0xffff, v11  }
0x2cc: {  	v13 =	vld [tilespmem:s9+$0xFFFFFF90];
	(xrf1) =	vunique.msk.u32 $0xffff, v22;
	_, v23, vm5 =	vpop (xrf1)  }
0x2cd: {  	v25 =	vcvt.s32.f32 v16;
	v17 =	vadd.s32 v1, v17;
	v24 =	vld [tilespmem:s9+$0xFFFFFFF0]  }
0x2ce: {  	v16 =	vld [tilespmem:s9+$0xFFFFFFD0];
	(xrf1) =	vunique.msk.u32 $0xffff, v17  }
0x2cf: {  	v26 =	vld [tilespmem:s9+$0xFFFFFFE0];
	_, v27, vm6 =	vpop (xrf1)  }
0x2d0: {  	v23 =	vcvt.s32.f32 v23;
	[tilespmem:v9+s18+$0x0] =	vst.idx.add.f32.msk vm3, v25;
	v9 =	vmov v22  }
0x2d1: {  	v15 =	vcvt.s32.f32 v15;
	v22 =	vld [tilespmem:s9+$0x0];
	(xrf1) =	vunique.msk.u32 $0xffff, v4  }
0x2d2: {  	_, v25, vm7 =	vpop (xrf1);
	[tilespmem:v10+s18+$0x0] =	vst.idx.add.f32.msk vm5, v23;
	v10 =	vmov v17  }
0x2d3: {  	v27 =	vcvt.s32.f32 v27;
	v23 =	vadd.s32 v1, v14;
	_, v28, vm3 =	vpop (xrf1);
	[tilespmem:v3+s18+$0x0] =	vst.idx.add.f32.msk vm2, v15;
	v3 =	vmov v12  }
.Ltmp9:
0x2d4: {  	v14 =	vadd.s32 v1, v21;
	(xrf1) =	vunique.msk.u32 $0xffff, v23;
	[tilespmem:v6+s18+$0x0] =	vst.idx.add.f32.msk vm4, v19;
	v6 =	vmov v11;
	(pc) =	sbr.rel @p0 .LBB2_20-.Ltmp9, $4  }
0x2d5: {  	(xrf1) =	vunique.msk.u32 $0xffff, v14;
	[tilespmem:v2+s18+$0x0] =	vst.idx.add.f32.msk vm1, v18;
	v2 =	vmov v20  }
0x2d6: {  	v20 =	vcvt.s32.f32 v25;
	[tilespmem:v7+s18+$0x0] =	vst.idx.add.f32.msk vm6, v27;
	v7 =	vmov v4;
	v4 =	vadd.s32 v1, v22  }
0x2d7: {  	v11 =	vadd.s32 v1, v26;
	v19 =	vcvt.s32.f32 v28;
	v17 =	vld [tilespmem:s9+$0xFFFFFFC0];
	_, v15, vm2 =	vpop (xrf1)  }
0x2d8: {  	v12 =	vadd.s32 v1, v24;
	s9 =	sadd.s32 $0x100, s9;
	[tilespmem:v8+s18+$0x0] =	vst.idx.add.f32.msk vm7, v20;
	_, v18, vm1 =	vpop (xrf1);
	v8 =	vmov v23  }
0x2d9: {  	v16 =	vadd.s32 v1, v16;
	(xrf1) =	vunique.msk.u32 $0xffff, v12  }
0x2da: {  	(xrf1) =	vunique.msk.u32 $0xffff, v16  }
0x2db: {  	v13 =	vadd.s32 v1, v13;
	(xrf1) =	vunique.msk.u32 $0xffff, v11  }
0x2dc: {  	(xrf1) =	vunique.msk.u32 $0xffff, v13;
	v17 =	vadd.s32 v1, v17  }
0x2dd: {  	(xrf1) =	vunique.msk.u32 $0xffff, v17  }
0x2de: {  	_, v20, vm4 =	vpop (xrf1)  }
0x2df: {  	_, v21, vm5 =	vpop (xrf1)  }
0x2e0: {  	(xrf1) =	vunique.msk.u32 $0xffff, v4;
	_ =	sdelay $0x1  }
0x2e1: {  	_, v22, vm6 =	vpop (xrf1)  }
0x2e2: {  	v21 =	vcvt.s32.f32 v21  }
0x2e3: {  	_, v23, vm7 =	vpop (xrf1)  }
0x2e4: {  	[tilespmem:v9+s18+$0x0] =	vst.idx.add.f32.msk vm5, v21;
	v9 =	vcvt.s32.f32 v15;
	_, v24, vm8 =	vpop (xrf1)  }
0x2e5: {  	[tilespmem:v5+s18+$0x0] =	vst.idx.add.f32.msk vm3, v19;
	v5 =	vcvt.s32.f32 v22;
	_, v25, vm9 =	vpop (xrf1)  }
0x2e6: {  	[tilespmem:v3+s18+$0x0] =	vst.idx.add.f32.msk vm2, v9;
	v3 =	vcvt.s32.f32 v18;
	_, v19, vm3 =	vpop (xrf1)  }
0x2e7: {  	[tilespmem:v10+s18+$0x0] =	vst.idx.add.f32.msk vm6, v5;
	v5 =	vcvt.s32.f32 v20;
	_, v15, vm5 =	vpop (xrf1)  }
0x2e8: {  	[tilespmem:v2+s18+$0x0] =	vst.idx.add.f32.msk vm1, v3;
	v3 =	vcvt.s32.f32 v25;
	_, v10, vm6 =	vpop (xrf1)  }
0x2e9: {  	[tilespmem:v6+s18+$0x0] =	vst.idx.add.f32.msk vm4, v5;
	v5 =	vcvt.s32.f32 v23;
	_, v9, vm2 =	vpop (xrf1)  }
0x2ea: {  	v2 =	vcvt.s32.f32 v24;
	_, v6, vm4 =	vpop (xrf1)  }
0x2eb: {  	[tilespmem:v7+s18+$0x0] =	vst.idx.add.f32.msk vm7, v5  }
0x2ec: {  	[tilespmem:v8+s18+$0x0] =	vst.idx.add.f32.msk vm8, v2;
	v5 =	vcvt.s32.f32 v6;
	v6 =	vcvt.s32.f32 v10  }
0x2ed: {  	[tilespmem:v14+s18+$0x0] =	vst.idx.add.f32.msk vm9, v3;
	v2 =	vcvt.s32.f32 v9;
	_, v3, vm1 =	vpop (xrf1)  }
0x2ee: {  	[tilespmem:v11+s18+$0x0] =	vst.idx.add.f32.msk vm6, v6  }
0x2ef: {  	[tilespmem:v13+s18+$0x0] =	vst.idx.add.f32.msk vm2, v2;
	v2 =	vcvt.s32.f32 v19  }
0x2f0: {  	[tilespmem:v17+s18+$0x0] =	vst.idx.add.f32.msk vm4, v5;
	v5 =	vcvt.s32.f32 v15  }
0x2f1: {  	[tilespmem:v12+s18+$0x0] =	vst.idx.add.f32.msk vm3, v2;
	v2 =	vcvt.s32.f32 v3  }
0x2f2: {  	[tilespmem:v16+s18+$0x0] =	vst.idx.add.f32.msk vm5, v5  }
0x2f3: {  	[tilespmem:v4+s18+$0x0] =	vst.idx.add.f32.msk vm1, v2  }
0x2f4: {  	[tilespmem:s20], [sflag:$0x1] =	stream.linear.gather [hbm4b:s21+s18], $0x1400, $0x38;
	[tilespmem:$0x1FA00] =	vst v63  }
0x2f5: {  	_ =	swait.ge [sflag:s3], $0x1400  }
0x2f6: {  	[sflag:s3] =	ssyncset.done $0x0  }
0x2f7: {  	s8 =	simm.s32 $0x19CF0;
	[sflag:s3] =	ssyncadd.s32 $0xFFFFEC00  }
0x2f8: {  	v2 =	vld [tilespmem:s8+$0xFFFFFFB0]  }
0x2f9: {  	v3 =	vld [tilespmem:s8+$0xFFFFFFA0];
	_ =	sdelay $0x1  }
0x2fa: {  	v4 =	vld [tilespmem:s8+$0xFFFFFFF0];
	_ =	sdelay $0x1  }
0x2fb: {  	v18 =	vadd.s32 v1, v2  }
0x2fc: {  	v2 =	vld [tilespmem:s8+$0xFFFFFFD0];
	v5 =	vadd.s32 v1, v3;
	(xrf1) =	vunique.msk.u32 $0xffff, v18  }
0x2fd: {  	v6 =	vld [tilespmem:s8+$0xFFFFFFE0];
	(xrf1) =	vunique.msk.u32 $0xffff, v5  }
0x2fe: {  	v3 =	vadd.s32 v1, v4;
	v4 =	vld [tilespmem:s8+$0xFFFFFF90];
	_ =	sdelay $0x1  }
0x2ff: {  	v8 =	vld [tilespmem:s8+$0xFFFFFFC0]  }
0x300: {  	(xrf1) =	vunique.msk.u32 $0xffff, v3;
	v2 =	vadd.s32 v1, v2  }
0x301: {  	v6 =	vadd.s32 v1, v6;
	(xrf1) =	vunique.msk.u32 $0xffff, v2  }
0x302: {  	v7 =	vld [tilespmem:s8+$0x0];
	v9 =	vadd.s32 v1, v4;
	(xrf1) =	vunique.msk.u32 $0xffff, v6  }
0x303: {  	(xrf1) =	vunique.msk.u32 $0xffff, v9  }
0x304: {  	s12 =	simm.s32 $0x19DF0;
	v10 =	vadd.s32 v1, v8  }
0x305: {  	v11 =	vld [tilespmem:s12+$0xFFFFFFB0];
	(xrf1) =	vunique.msk.u32 $0xffff, v10  }
0x306: {  	v12 =	vld [tilespmem:s12+$0xFFFFFFA0]  }
0x307: {  	v7 =	vadd.s32 v1, v7  }
0x308: {  	v20 =	vld [tilespmem:s12+$0xFFFFFFF0];
	(xrf1) =	vunique.msk.u32 $0xffff, v7  }
0x309: {  	v19 =	vld [tilespmem:s12+$0xFFFFFFE0];
	_, v15, vm1 =	vpop (xrf1)  }
0x30a: {  	v8 =	vadd.s32 v1, v11;
	v4 =	vld [tilespmem:s12+$0x0];
	_, v62, vm3 =	vpop (xrf1)  }
0x30b: {  	v16 =	vld [tilespmem:s12+$0xFFFFFFD0];
	v14 =	vadd.s32 v1, v12;
	(xrf1) =	vunique.msk.u32 $0xffff, v8  }
0x30c: {  	(xrf1) =	vunique.msk.u32 $0xffff, v14  }
0x30d: {  	v13 =	vld [tilespmem:s12+$0xFFFFFF90];
	v63 =	vcvt.s32.f32 v15  }
0x30e: {  	v17 =	vld [tilespmem:s12+$0xFFFFFFC0];
	v11 =	vadd.s32 v1, v19;
	_, v15, vm2 =	vpop (xrf1);
	v19 =	vcvt.s32.f32 v62  }
0x30f: {  	s9 =	simm.s32 $0x19EF0;
	s8 =	simm.s32 $0x8;
	v12 =	vadd.s32 v1, v20;
	v4 =	vadd.s32 v1, v4;
	[tilespmem:v18+s18+$0x0] =	vst.idx.add.f32.msk vm1, v63;
	_, v18, vm1 =	vpop (xrf1)  }
.LBB2_22:
0x310: {  	s8 =	sadd.s32 $0x8, s8;
	v20 =	vadd.s32 v1, v16;
	(xrf1) =	vunique.msk.u32 $0xffff, v12;
	[tilespmem:v5+s18+$0x0] =	vst.idx.add.f32.msk vm3, v19;
	_, v16, vm4 =	vpop (xrf1);
	v5 =	vmov v14  }
0x311: {  	v14 =	vld [tilespmem:s9+$0xFFFFFFB0];
	p0 =	slt.u32 s8, $0x98;
	(xrf1) =	vunique.msk.u32 $0xffff, v20;
	v19 =	vcvt.s32.f32 v16;
	_, v16, vm3 =	vpop (xrf1)  }
0x312: {  	v22 =	vadd.s32 v1, v13;
	v18 =	vcvt.s32.f32 v18;
	v21 =	vld [tilespmem:s9+$0xFFFFFFA0];
	(xrf1) =	vunique.msk.u32 $0xffff, v11  }
0x313: {  	v13 =	vld [tilespmem:s9+$0xFFFFFF90];
	(xrf1) =	vunique.msk.u32 $0xffff, v22;
	_, v23, vm5 =	vpop (xrf1)  }
0x314: {  	v25 =	vcvt.s32.f32 v16;
	v17 =	vadd.s32 v1, v17;
	v24 =	vld [tilespmem:s9+$0xFFFFFFF0]  }
0x315: {  	v16 =	vld [tilespmem:s9+$0xFFFFFFD0];
	(xrf1) =	vunique.msk.u32 $0xffff, v17  }
0x316: {  	v26 =	vld [tilespmem:s9+$0xFFFFFFE0];
	_, v27, vm6 =	vpop (xrf1)  }
0x317: {  	v23 =	vcvt.s32.f32 v23;
	[tilespmem:v9+s18+$0x0] =	vst.idx.add.f32.msk vm3, v25;
	v9 =	vmov v22  }
0x318: {  	v15 =	vcvt.s32.f32 v15;
	v22 =	vld [tilespmem:s9+$0x0];
	(xrf1) =	vunique.msk.u32 $0xffff, v4  }
0x319: {  	_, v25, vm7 =	vpop (xrf1);
	[tilespmem:v10+s18+$0x0] =	vst.idx.add.f32.msk vm5, v23;
	v10 =	vmov v17  }
0x31a: {  	v27 =	vcvt.s32.f32 v27;
	v23 =	vadd.s32 v1, v14;
	_, v28, vm3 =	vpop (xrf1);
	[tilespmem:v3+s18+$0x0] =	vst.idx.add.f32.msk vm2, v15;
	v3 =	vmov v12  }
.Ltmp10:
0x31b: {  	v14 =	vadd.s32 v1, v21;
	(xrf1) =	vunique.msk.u32 $0xffff, v23;
	[tilespmem:v6+s18+$0x0] =	vst.idx.add.f32.msk vm4, v19;
	v6 =	vmov v11;
	(pc) =	sbr.rel @p0 .LBB2_22-.Ltmp10, $4  }
0x31c: {  	(xrf1) =	vunique.msk.u32 $0xffff, v14;
	[tilespmem:v2+s18+$0x0] =	vst.idx.add.f32.msk vm1, v18;
	v2 =	vmov v20  }
0x31d: {  	v20 =	vcvt.s32.f32 v25;
	[tilespmem:v7+s18+$0x0] =	vst.idx.add.f32.msk vm6, v27;
	v7 =	vmov v4;
	v4 =	vadd.s32 v1, v22  }
0x31e: {  	v11 =	vadd.s32 v1, v26;
	v19 =	vcvt.s32.f32 v28;
	v17 =	vld [tilespmem:s9+$0xFFFFFFC0];
	_, v15, vm2 =	vpop (xrf1)  }
0x31f: {  	v12 =	vadd.s32 v1, v24;
	s9 =	sadd.s32 $0x100, s9;
	[tilespmem:v8+s18+$0x0] =	vst.idx.add.f32.msk vm7, v20;
	_, v18, vm1 =	vpop (xrf1);
	v8 =	vmov v23  }
0x320: {  	v16 =	vadd.s32 v1, v16;
	(xrf1) =	vunique.msk.u32 $0xffff, v12  }
0x321: {  	(xrf1) =	vunique.msk.u32 $0xffff, v16  }
0x322: {  	v13 =	vadd.s32 v1, v13;
	(xrf1) =	vunique.msk.u32 $0xffff, v11  }
0x323: {  	(xrf1) =	vunique.msk.u32 $0xffff, v13;
	v17 =	vadd.s32 v1, v17  }
0x324: {  	(xrf1) =	vunique.msk.u32 $0xffff, v17  }
0x325: {  	_, v20, vm4 =	vpop (xrf1)  }
0x326: {  	_, v21, vm5 =	vpop (xrf1)  }
0x327: {  	(xrf1) =	vunique.msk.u32 $0xffff, v4;
	_ =	sdelay $0x1  }
0x328: {  	_, v22, vm6 =	vpop (xrf1)  }
0x329: {  	v21 =	vcvt.s32.f32 v21  }
0x32a: {  	_, v23, vm7 =	vpop (xrf1)  }
0x32b: {  	[tilespmem:v9+s18+$0x0] =	vst.idx.add.f32.msk vm5, v21;
	v9 =	vcvt.s32.f32 v15;
	_, v24, vm8 =	vpop (xrf1)  }
0x32c: {  	[tilespmem:v5+s18+$0x0] =	vst.idx.add.f32.msk vm3, v19;
	v5 =	vcvt.s32.f32 v22;
	_, v25, vm9 =	vpop (xrf1)  }
0x32d: {  	[tilespmem:v3+s18+$0x0] =	vst.idx.add.f32.msk vm2, v9;
	v3 =	vcvt.s32.f32 v18;
	_, v19, vm3 =	vpop (xrf1)  }
0x32e: {  	[tilespmem:v10+s18+$0x0] =	vst.idx.add.f32.msk vm6, v5;
	v5 =	vcvt.s32.f32 v20;
	_, v15, vm5 =	vpop (xrf1)  }
0x32f: {  	[tilespmem:v2+s18+$0x0] =	vst.idx.add.f32.msk vm1, v3;
	v3 =	vcvt.s32.f32 v25;
	_, v10, vm6 =	vpop (xrf1)  }
0x330: {  	[tilespmem:v6+s18+$0x0] =	vst.idx.add.f32.msk vm4, v5;
	v5 =	vcvt.s32.f32 v23;
	_, v9, vm2 =	vpop (xrf1)  }
0x331: {  	v2 =	vcvt.s32.f32 v24;
	_, v6, vm4 =	vpop (xrf1)  }
0x332: {  	[tilespmem:v7+s18+$0x0] =	vst.idx.add.f32.msk vm7, v5  }
0x333: {  	[tilespmem:v8+s18+$0x0] =	vst.idx.add.f32.msk vm8, v2;
	v5 =	vcvt.s32.f32 v6;
	v6 =	vcvt.s32.f32 v10  }
0x334: {  	[tilespmem:v14+s18+$0x0] =	vst.idx.add.f32.msk vm9, v3;
	v2 =	vcvt.s32.f32 v9;
	_, v3, vm1 =	vpop (xrf1)  }
0x335: {  	[tilespmem:v11+s18+$0x0] =	vst.idx.add.f32.msk vm6, v6  }
0x336: {  	[tilespmem:v13+s18+$0x0] =	vst.idx.add.f32.msk vm2, v2;
	v2 =	vcvt.s32.f32 v19  }
0x337: {  	[tilespmem:v17+s18+$0x0] =	vst.idx.add.f32.msk vm4, v5;
	v5 =	vcvt.s32.f32 v15  }
0x338: {  	[tilespmem:v12+s18+$0x0] =	vst.idx.add.f32.msk vm3, v2;
	v2 =	vcvt.s32.f32 v3  }
0x339: {  	[tilespmem:v16+s18+$0x0] =	vst.idx.add.f32.msk vm5, v5  }
0x33a: {  	[tilespmem:v4+s18+$0x0] =	vst.idx.add.f32.msk vm1, v2  }
0x33b: {  	[tilespmem:s0], [sflag:$0x2] =	stream.linear.gather [hbm4b:s22+s18], $0x1400, $0x38;
	[tilespmem:$0x1FA00] =	vst v63  }
0x33c: {  	_ =	swait.ge [sflag:s2], $0x1400  }
0x33d: {  	[sflag:s2] =	ssyncset.done $0x0  }
0x33e: {  	s8 =	simm.s32 $0x188F0;
	[sflag:s2] =	ssyncadd.s32 $0xFFFFEC00  }
0x33f: {  	v2 =	vld [tilespmem:s8+$0xFFFFFFB0]  }
0x340: {  	v3 =	vld [tilespmem:s8+$0xFFFFFFA0];
	_ =	sdelay $0x1  }
0x341: {  	v4 =	vld [tilespmem:s8+$0xFFFFFFF0];
	_ =	sdelay $0x1  }
0x342: {  	v18 =	vadd.s32 v1, v2  }
0x343: {  	v2 =	vld [tilespmem:s8+$0xFFFFFFD0];
	v5 =	vadd.s32 v1, v3;
	(xrf1) =	vunique.msk.u32 $0xffff, v18  }
0x344: {  	v6 =	vld [tilespmem:s8+$0xFFFFFFE0];
	(xrf1) =	vunique.msk.u32 $0xffff, v5  }
0x345: {  	v3 =	vadd.s32 v1, v4;
	v4 =	vld [tilespmem:s8+$0xFFFFFF90];
	_ =	sdelay $0x1  }
0x346: {  	v8 =	vld [tilespmem:s8+$0xFFFFFFC0]  }
0x347: {  	(xrf1) =	vunique.msk.u32 $0xffff, v3;
	v2 =	vadd.s32 v1, v2  }
0x348: {  	v6 =	vadd.s32 v1, v6;
	(xrf1) =	vunique.msk.u32 $0xffff, v2  }
0x349: {  	v7 =	vld [tilespmem:s8+$0x0];
	v9 =	vadd.s32 v1, v4;
	(xrf1) =	vunique.msk.u32 $0xffff, v6  }
0x34a: {  	(xrf1) =	vunique.msk.u32 $0xffff, v9  }
0x34b: {  	s12 =	simm.s32 $0x189F0;
	v10 =	vadd.s32 v1, v8  }
0x34c: {  	v11 =	vld [tilespmem:s12+$0xFFFFFFB0];
	(xrf1) =	vunique.msk.u32 $0xffff, v10  }
0x34d: {  	v12 =	vld [tilespmem:s12+$0xFFFFFFA0]  }
0x34e: {  	v7 =	vadd.s32 v1, v7  }
0x34f: {  	v20 =	vld [tilespmem:s12+$0xFFFFFFF0];
	(xrf1) =	vunique.msk.u32 $0xffff, v7  }
0x350: {  	v19 =	vld [tilespmem:s12+$0xFFFFFFE0];
	_, v15, vm1 =	vpop (xrf1)  }
0x351: {  	v8 =	vadd.s32 v1, v11;
	v4 =	vld [tilespmem:s12+$0x0];
	_, v62, vm3 =	vpop (xrf1)  }
0x352: {  	v16 =	vld [tilespmem:s12+$0xFFFFFFD0];
	v14 =	vadd.s32 v1, v12;
	(xrf1) =	vunique.msk.u32 $0xffff, v8  }
0x353: {  	(xrf1) =	vunique.msk.u32 $0xffff, v14  }
0x354: {  	v13 =	vld [tilespmem:s12+$0xFFFFFF90];
	v63 =	vcvt.s32.f32 v15  }
0x355: {  	v17 =	vld [tilespmem:s12+$0xFFFFFFC0];
	v11 =	vadd.s32 v1, v19;
	_, v15, vm2 =	vpop (xrf1);
	v19 =	vcvt.s32.f32 v62  }
0x356: {  	s9 =	simm.s32 $0x18AF0;
	s8 =	simm.s32 $0x8;
	v12 =	vadd.s32 v1, v20;
	v4 =	vadd.s32 v1, v4;
	[tilespmem:v18+s18+$0x0] =	vst.idx.add.f32.msk vm1, v63;
	_, v18, vm1 =	vpop (xrf1)  }
.LBB2_24:
0x357: {  	s8 =	sadd.s32 $0x8, s8;
	v20 =	vadd.s32 v1, v16;
	(xrf1) =	vunique.msk.u32 $0xffff, v12;
	[tilespmem:v5+s18+$0x0] =	vst.idx.add.f32.msk vm3, v19;
	_, v16, vm4 =	vpop (xrf1);
	v5 =	vmov v14  }
0x358: {  	v14 =	vld [tilespmem:s9+$0xFFFFFFB0];
	p0 =	slt.u32 s8, $0x98;
	(xrf1) =	vunique.msk.u32 $0xffff, v20;
	v19 =	vcvt.s32.f32 v16;
	_, v16, vm3 =	vpop (xrf1)  }
0x359: {  	v22 =	vadd.s32 v1, v13;
	v18 =	vcvt.s32.f32 v18;
	v21 =	vld [tilespmem:s9+$0xFFFFFFA0];
	(xrf1) =	vunique.msk.u32 $0xffff, v11  }
0x35a: {  	v13 =	vld [tilespmem:s9+$0xFFFFFF90];
	(xrf1) =	vunique.msk.u32 $0xffff, v22;
	_, v23, vm5 =	vpop (xrf1)  }
0x35b: {  	v25 =	vcvt.s32.f32 v16;
	v17 =	vadd.s32 v1, v17;
	v24 =	vld [tilespmem:s9+$0xFFFFFFF0]  }
0x35c: {  	v16 =	vld [tilespmem:s9+$0xFFFFFFD0];
	(xrf1) =	vunique.msk.u32 $0xffff, v17  }
0x35d: {  	v26 =	vld [tilespmem:s9+$0xFFFFFFE0];
	_, v27, vm6 =	vpop (xrf1)  }
0x35e: {  	v23 =	vcvt.s32.f32 v23;
	[tilespmem:v9+s18+$0x0] =	vst.idx.add.f32.msk vm3, v25;
	v9 =	vmov v22  }
0x35f: {  	v15 =	vcvt.s32.f32 v15;
	v22 =	vld [tilespmem:s9+$0x0];
	(xrf1) =	vunique.msk.u32 $0xffff, v4  }
0x360: {  	_, v25, vm7 =	vpop (xrf1);
	[tilespmem:v10+s18+$0x0] =	vst.idx.add.f32.msk vm5, v23;
	v10 =	vmov v17  }
0x361: {  	v27 =	vcvt.s32.f32 v27;
	v23 =	vadd.s32 v1, v14;
	_, v28, vm3 =	vpop (xrf1);
	[tilespmem:v3+s18+$0x0] =	vst.idx.add.f32.msk vm2, v15;
	v3 =	vmov v12  }
.Ltmp11:
0x362: {  	v14 =	vadd.s32 v1, v21;
	(xrf1) =	vunique.msk.u32 $0xffff, v23;
	[tilespmem:v6+s18+$0x0] =	vst.idx.add.f32.msk vm4, v19;
	v6 =	vmov v11;
	(pc) =	sbr.rel @p0 .LBB2_24-.Ltmp11, $4  }
0x363: {  	(xrf1) =	vunique.msk.u32 $0xffff, v14;
	[tilespmem:v2+s18+$0x0] =	vst.idx.add.f32.msk vm1, v18;
	v2 =	vmov v20  }
0x364: {  	v20 =	vcvt.s32.f32 v25;
	[tilespmem:v7+s18+$0x0] =	vst.idx.add.f32.msk vm6, v27;
	v7 =	vmov v4;
	v4 =	vadd.s32 v1, v22  }
0x365: {  	v11 =	vadd.s32 v1, v26;
	v19 =	vcvt.s32.f32 v28;
	v17 =	vld [tilespmem:s9+$0xFFFFFFC0];
	_, v15, vm2 =	vpop (xrf1)  }
0x366: {  	v12 =	vadd.s32 v1, v24;
	s9 =	sadd.s32 $0x100, s9;
	[tilespmem:v8+s18+$0x0] =	vst.idx.add.f32.msk vm7, v20;
	_, v18, vm1 =	vpop (xrf1);
	v8 =	vmov v23  }
0x367: {  	v16 =	vadd.s32 v1, v16;
	(xrf1) =	vunique.msk.u32 $0xffff, v12  }
0x368: {  	(xrf1) =	vunique.msk.u32 $0xffff, v16  }
0x369: {  	v13 =	vadd.s32 v1, v13;
	(xrf1) =	vunique.msk.u32 $0xffff, v11  }
0x36a: {  	(xrf1) =	vunique.msk.u32 $0xffff, v13;
	v17 =	vadd.s32 v1, v17  }
0x36b: {  	(xrf1) =	vunique.msk.u32 $0xffff, v17  }
0x36c: {  	_, v20, vm4 =	vpop (xrf1)  }
0x36d: {  	_, v21, vm5 =	vpop (xrf1)  }
0x36e: {  	(xrf1) =	vunique.msk.u32 $0xffff, v4;
	_ =	sdelay $0x1  }
0x36f: {  	_, v22, vm6 =	vpop (xrf1)  }
0x370: {  	v21 =	vcvt.s32.f32 v21  }
0x371: {  	_, v23, vm7 =	vpop (xrf1)  }
0x372: {  	[tilespmem:v9+s18+$0x0] =	vst.idx.add.f32.msk vm5, v21;
	v9 =	vcvt.s32.f32 v15;
	_, v24, vm8 =	vpop (xrf1)  }
0x373: {  	[tilespmem:v5+s18+$0x0] =	vst.idx.add.f32.msk vm3, v19;
	v5 =	vcvt.s32.f32 v22;
	_, v25, vm9 =	vpop (xrf1)  }
0x374: {  	[tilespmem:v3+s18+$0x0] =	vst.idx.add.f32.msk vm2, v9;
	v3 =	vcvt.s32.f32 v18;
	_, v19, vm3 =	vpop (xrf1)  }
0x375: {  	[tilespmem:v10+s18+$0x0] =	vst.idx.add.f32.msk vm6, v5;
	v5 =	vcvt.s32.f32 v20;
	_, v15, vm5 =	vpop (xrf1)  }
0x376: {  	[tilespmem:v2+s18+$0x0] =	vst.idx.add.f32.msk vm1, v3;
	v3 =	vcvt.s32.f32 v25;
	_, v10, vm6 =	vpop (xrf1)  }
0x377: {  	[tilespmem:v6+s18+$0x0] =	vst.idx.add.f32.msk vm4, v5;
	v5 =	vcvt.s32.f32 v23;
	_, v9, vm2 =	vpop (xrf1)  }
0x378: {  	v2 =	vcvt.s32.f32 v24;
	_, v6, vm4 =	vpop (xrf1)  }
0x379: {  	[tilespmem:v7+s18+$0x0] =	vst.idx.add.f32.msk vm7, v5  }
0x37a: {  	[tilespmem:v8+s18+$0x0] =	vst.idx.add.f32.msk vm8, v2;
	v5 =	vcvt.s32.f32 v6;
	v6 =	vcvt.s32.f32 v10  }
0x37b: {  	[tilespmem:v14+s18+$0x0] =	vst.idx.add.f32.msk vm9, v3;
	v2 =	vcvt.s32.f32 v9;
	_, v3, vm1 =	vpop (xrf1)  }
0x37c: {  	[tilespmem:v11+s18+$0x0] =	vst.idx.add.f32.msk vm6, v6  }
0x37d: {  	[tilespmem:v13+s18+$0x0] =	vst.idx.add.f32.msk vm2, v2;
	v2 =	vcvt.s32.f32 v19  }
0x37e: {  	[tilespmem:v17+s18+$0x0] =	vst.idx.add.f32.msk vm4, v5;
	v5 =	vcvt.s32.f32 v15  }
0x37f: {  	[tilespmem:v12+s18+$0x0] =	vst.idx.add.f32.msk vm3, v2;
	v2 =	vcvt.s32.f32 v3  }
0x380: {  	[tilespmem:v16+s18+$0x0] =	vst.idx.add.f32.msk vm5, v5  }
0x381: {  	[tilespmem:v4+s18+$0x0] =	vst.idx.add.f32.msk vm1, v2  }
0x382: {  	[tilespmem:s20], [sflag:$0x1] =	stream.linear.gather [hbm4b:s23+s18], $0x1400, $0x38;
	[tilespmem:$0x1FA00] =	vst v63  }
0x383: {  	_ =	swait.ge [sflag:s3], $0x1400  }
0x384: {  	[sflag:s3] =	ssyncset.done $0x0  }
0x385: {  	s8 =	simm.s32 $0x19CF0;
	[sflag:s3] =	ssyncadd.s32 $0xFFFFEC00  }
0x386: {  	v2 =	vld [tilespmem:s8+$0xFFFFFFB0]  }
0x387: {  	v3 =	vld [tilespmem:s8+$0xFFFFFFA0];
	_ =	sdelay $0x1  }
0x388: {  	v4 =	vld [tilespmem:s8+$0xFFFFFFF0];
	_ =	sdelay $0x1  }
0x389: {  	v18 =	vadd.s32 v1, v2  }
0x38a: {  	v2 =	vld [tilespmem:s8+$0xFFFFFFD0];
	v5 =	vadd.s32 v1, v3;
	(xrf1) =	vunique.msk.u32 $0xffff, v18  }
0x38b: {  	v6 =	vld [tilespmem:s8+$0xFFFFFFE0];
	(xrf1) =	vunique.msk.u32 $0xffff, v5  }
0x38c: {  	v3 =	vadd.s32 v1, v4;
	v4 =	vld [tilespmem:s8+$0xFFFFFF90];
	_ =	sdelay $0x1  }
0x38d: {  	v8 =	vld [tilespmem:s8+$0xFFFFFFC0]  }
0x38e: {  	(xrf1) =	vunique.msk.u32 $0xffff, v3;
	v2 =	vadd.s32 v1, v2  }
0x38f: {  	v6 =	vadd.s32 v1, v6;
	(xrf1) =	vunique.msk.u32 $0xffff, v2  }
0x390: {  	v7 =	vld [tilespmem:s8+$0x0];
	v9 =	vadd.s32 v1, v4;
	(xrf1) =	vunique.msk.u32 $0xffff, v6  }
0x391: {  	(xrf1) =	vunique.msk.u32 $0xffff, v9  }
0x392: {  	s12 =	simm.s32 $0x19DF0;
	v10 =	vadd.s32 v1, v8  }
0x393: {  	v11 =	vld [tilespmem:s12+$0xFFFFFFB0];
	(xrf1) =	vunique.msk.u32 $0xffff, v10  }
0x394: {  	v12 =	vld [tilespmem:s12+$0xFFFFFFA0]  }
0x395: {  	v7 =	vadd.s32 v1, v7  }
0x396: {  	v20 =	vld [tilespmem:s12+$0xFFFFFFF0];
	(xrf1) =	vunique.msk.u32 $0xffff, v7  }
0x397: {  	v19 =	vld [tilespmem:s12+$0xFFFFFFE0];
	_, v15, vm1 =	vpop (xrf1)  }
0x398: {  	v8 =	vadd.s32 v1, v11;
	v4 =	vld [tilespmem:s12+$0x0];
	_, v62, vm3 =	vpop (xrf1)  }
0x399: {  	v16 =	vld [tilespmem:s12+$0xFFFFFFD0];
	v14 =	vadd.s32 v1, v12;
	(xrf1) =	vunique.msk.u32 $0xffff, v8  }
0x39a: {  	(xrf1) =	vunique.msk.u32 $0xffff, v14  }
0x39b: {  	v13 =	vld [tilespmem:s12+$0xFFFFFF90];
	v63 =	vcvt.s32.f32 v15  }
0x39c: {  	v17 =	vld [tilespmem:s12+$0xFFFFFFC0];
	v11 =	vadd.s32 v1, v19;
	_, v15, vm2 =	vpop (xrf1);
	v19 =	vcvt.s32.f32 v62  }
0x39d: {  	s9 =	simm.s32 $0x19EF0;
	s8 =	simm.s32 $0x8;
	v12 =	vadd.s32 v1, v20;
	v4 =	vadd.s32 v1, v4;
	[tilespmem:v18+s18+$0x0] =	vst.idx.add.f32.msk vm1, v63;
	_, v18, vm1 =	vpop (xrf1)  }
.LBB2_26:
0x39e: {  	s8 =	sadd.s32 $0x8, s8;
	v20 =	vadd.s32 v1, v16;
	(xrf1) =	vunique.msk.u32 $0xffff, v12;
	[tilespmem:v5+s18+$0x0] =	vst.idx.add.f32.msk vm3, v19;
	_, v16, vm4 =	vpop (xrf1);
	v5 =	vmov v14  }
0x39f: {  	v14 =	vld [tilespmem:s9+$0xFFFFFFB0];
	p0 =	slt.u32 s8, $0x98;
	(xrf1) =	vunique.msk.u32 $0xffff, v20;
	v19 =	vcvt.s32.f32 v16;
	_, v16, vm3 =	vpop (xrf1)  }
0x3a0: {  	v22 =	vadd.s32 v1, v13;
	v18 =	vcvt.s32.f32 v18;
	v21 =	vld [tilespmem:s9+$0xFFFFFFA0];
	(xrf1) =	vunique.msk.u32 $0xffff, v11  }
0x3a1: {  	v13 =	vld [tilespmem:s9+$0xFFFFFF90];
	(xrf1) =	vunique.msk.u32 $0xffff, v22;
	_, v23, vm5 =	vpop (xrf1)  }
0x3a2: {  	v25 =	vcvt.s32.f32 v16;
	v17 =	vadd.s32 v1, v17;
	v24 =	vld [tilespmem:s9+$0xFFFFFFF0]  }
0x3a3: {  	v16 =	vld [tilespmem:s9+$0xFFFFFFD0];
	(xrf1) =	vunique.msk.u32 $0xffff, v17  }
0x3a4: {  	v26 =	vld [tilespmem:s9+$0xFFFFFFE0];
	_, v27, vm6 =	vpop (xrf1)  }
0x3a5: {  	v23 =	vcvt.s32.f32 v23;
	[tilespmem:v9+s18+$0x0] =	vst.idx.add.f32.msk vm3, v25;
	v9 =	vmov v22  }
0x3a6: {  	v15 =	vcvt.s32.f32 v15;
	v22 =	vld [tilespmem:s9+$0x0];
	(xrf1) =	vunique.msk.u32 $0xffff, v4  }
0x3a7: {  	_, v25, vm7 =	vpop (xrf1);
	[tilespmem:v10+s18+$0x0] =	vst.idx.add.f32.msk vm5, v23;
	v10 =	vmov v17  }
0x3a8: {  	v27 =	vcvt.s32.f32 v27;
	v23 =	vadd.s32 v1, v14;
	_, v28, vm3 =	vpop (xrf1);
	[tilespmem:v3+s18+$0x0] =	vst.idx.add.f32.msk vm2, v15;
	v3 =	vmov v12  }
.Ltmp12:
0x3a9: {  	v14 =	vadd.s32 v1, v21;
	(xrf1) =	vunique.msk.u32 $0xffff, v23;
	[tilespmem:v6+s18+$0x0] =	vst.idx.add.f32.msk vm4, v19;
	v6 =	vmov v11;
	(pc) =	sbr.rel @p0 .LBB2_26-.Ltmp12, $4  }
0x3aa: {  	(xrf1) =	vunique.msk.u32 $0xffff, v14;
	[tilespmem:v2+s18+$0x0] =	vst.idx.add.f32.msk vm1, v18;
	v2 =	vmov v20  }
0x3ab: {  	v20 =	vcvt.s32.f32 v25;
	[tilespmem:v7+s18+$0x0] =	vst.idx.add.f32.msk vm6, v27;
	v7 =	vmov v4;
	v4 =	vadd.s32 v1, v22  }
0x3ac: {  	v11 =	vadd.s32 v1, v26;
	v19 =	vcvt.s32.f32 v28;
	v17 =	vld [tilespmem:s9+$0xFFFFFFC0];
	_, v15, vm2 =	vpop (xrf1)  }
0x3ad: {  	v12 =	vadd.s32 v1, v24;
	s9 =	sadd.s32 $0x100, s9;
	[tilespmem:v8+s18+$0x0] =	vst.idx.add.f32.msk vm7, v20;
	_, v18, vm1 =	vpop (xrf1);
	v8 =	vmov v23  }
0x3ae: {  	v16 =	vadd.s32 v1, v16;
	(xrf1) =	vunique.msk.u32 $0xffff, v12  }
0x3af: {  	(xrf1) =	vunique.msk.u32 $0xffff, v16  }
0x3b0: {  	v13 =	vadd.s32 v1, v13;
	(xrf1) =	vunique.msk.u32 $0xffff, v11  }
0x3b1: {  	(xrf1) =	vunique.msk.u32 $0xffff, v13;
	v17 =	vadd.s32 v1, v17  }
0x3b2: {  	(xrf1) =	vunique.msk.u32 $0xffff, v17  }
0x3b3: {  	_, v20, vm4 =	vpop (xrf1)  }
0x3b4: {  	_, v21, vm5 =	vpop (xrf1)  }
0x3b5: {  	(xrf1) =	vunique.msk.u32 $0xffff, v4;
	_ =	sdelay $0x1  }
0x3b6: {  	_, v22, vm6 =	vpop (xrf1)  }
0x3b7: {  	v21 =	vcvt.s32.f32 v21  }
0x3b8: {  	_, v23, vm7 =	vpop (xrf1)  }
0x3b9: {  	[tilespmem:v9+s18+$0x0] =	vst.idx.add.f32.msk vm5, v21;
	v9 =	vcvt.s32.f32 v15;
	_, v24, vm8 =	vpop (xrf1)  }
0x3ba: {  	[tilespmem:v5+s18+$0x0] =	vst.idx.add.f32.msk vm3, v19;
	v5 =	vcvt.s32.f32 v22;
	_, v25, vm9 =	vpop (xrf1)  }
0x3bb: {  	[tilespmem:v3+s18+$0x0] =	vst.idx.add.f32.msk vm2, v9;
	v3 =	vcvt.s32.f32 v18;
	_, v19, vm3 =	vpop (xrf1)  }
0x3bc: {  	[tilespmem:v10+s18+$0x0] =	vst.idx.add.f32.msk vm6, v5;
	v5 =	vcvt.s32.f32 v20;
	_, v15, vm5 =	vpop (xrf1)  }
0x3bd: {  	[tilespmem:v2+s18+$0x0] =	vst.idx.add.f32.msk vm1, v3;
	v3 =	vcvt.s32.f32 v25;
	_, v10, vm6 =	vpop (xrf1)  }
0x3be: {  	[tilespmem:v6+s18+$0x0] =	vst.idx.add.f32.msk vm4, v5;
	v5 =	vcvt.s32.f32 v23;
	_, v9, vm2 =	vpop (xrf1)  }
0x3bf: {  	v2 =	vcvt.s32.f32 v24;
	_, v6, vm4 =	vpop (xrf1)  }
0x3c0: {  	[tilespmem:v7+s18+$0x0] =	vst.idx.add.f32.msk vm7, v5  }
0x3c1: {  	[tilespmem:v8+s18+$0x0] =	vst.idx.add.f32.msk vm8, v2;
	v5 =	vcvt.s32.f32 v6;
	v6 =	vcvt.s32.f32 v10  }
0x3c2: {  	[tilespmem:v14+s18+$0x0] =	vst.idx.add.f32.msk vm9, v3;
	v2 =	vcvt.s32.f32 v9;
	_, v3, vm1 =	vpop (xrf1)  }
0x3c3: {  	[tilespmem:v11+s18+$0x0] =	vst.idx.add.f32.msk vm6, v6  }
0x3c4: {  	[tilespmem:v13+s18+$0x0] =	vst.idx.add.f32.msk vm2, v2;
	v2 =	vcvt.s32.f32 v19  }
0x3c5: {  	[tilespmem:v17+s18+$0x0] =	vst.idx.add.f32.msk vm4, v5;
	v5 =	vcvt.s32.f32 v15  }
0x3c6: {  	[tilespmem:v12+s18+$0x0] =	vst.idx.add.f32.msk vm3, v2;
	v2 =	vcvt.s32.f32 v3  }
0x3c7: {  	[tilespmem:v16+s18+$0x0] =	vst.idx.add.f32.msk vm5, v5  }
0x3c8: {  	[tilespmem:v4+s18+$0x0] =	vst.idx.add.f32.msk vm1, v2  }
0x3c9: {  	[tilespmem:s0], [sflag:$0x2] =	stream.linear.gather [hbm4b:s24+s18], $0x1400, $0x38;
	[tilespmem:$0x1FA00] =	vst v63  }
0x3ca: {  	_ =	swait.ge [sflag:s2], $0x1400  }
0x3cb: {  	[sflag:s2] =	ssyncset.done $0x0  }
0x3cc: {  	s8 =	simm.s32 $0x188F0;
	[sflag:s2] =	ssyncadd.s32 $0xFFFFEC00  }
0x3cd: {  	v2 =	vld [tilespmem:s8+$0xFFFFFFB0]  }
0x3ce: {  	v3 =	vld [tilespmem:s8+$0xFFFFFFA0];
	_ =	sdelay $0x1  }
0x3cf: {  	v4 =	vld [tilespmem:s8+$0xFFFFFFF0];
	_ =	sdelay $0x1  }
0x3d0: {  	v18 =	vadd.s32 v1, v2  }
0x3d1: {  	v2 =	vld [tilespmem:s8+$0xFFFFFFD0];
	v5 =	vadd.s32 v1, v3;
	(xrf1) =	vunique.msk.u32 $0xffff, v18  }
0x3d2: {  	v6 =	vld [tilespmem:s8+$0xFFFFFFE0];
	(xrf1) =	vunique.msk.u32 $0xffff, v5  }
0x3d3: {  	v3 =	vadd.s32 v1, v4;
	v4 =	vld [tilespmem:s8+$0xFFFFFF90];
	_ =	sdelay $0x1  }
0x3d4: {  	v8 =	vld [tilespmem:s8+$0xFFFFFFC0]  }
0x3d5: {  	(xrf1) =	vunique.msk.u32 $0xffff, v3;
	v2 =	vadd.s32 v1, v2  }
0x3d6: {  	v6 =	vadd.s32 v1, v6;
	(xrf1) =	vunique.msk.u32 $0xffff, v2  }
0x3d7: {  	v7 =	vld [tilespmem:s8+$0x0];
	v9 =	vadd.s32 v1, v4;
	(xrf1) =	vunique.msk.u32 $0xffff, v6  }
0x3d8: {  	(xrf1) =	vunique.msk.u32 $0xffff, v9  }
0x3d9: {  	s12 =	simm.s32 $0x189F0;
	v10 =	vadd.s32 v1, v8  }
0x3da: {  	v11 =	vld [tilespmem:s12+$0xFFFFFFB0];
	(xrf1) =	vunique.msk.u32 $0xffff, v10  }
0x3db: {  	v12 =	vld [tilespmem:s12+$0xFFFFFFA0]  }
0x3dc: {  	v7 =	vadd.s32 v1, v7  }
0x3dd: {  	v20 =	vld [tilespmem:s12+$0xFFFFFFF0];
	(xrf1) =	vunique.msk.u32 $0xffff, v7  }
0x3de: {  	v19 =	vld [tilespmem:s12+$0xFFFFFFE0];
	_, v15, vm1 =	vpop (xrf1)  }
0x3df: {  	v8 =	vadd.s32 v1, v11;
	v4 =	vld [tilespmem:s12+$0x0];
	_, v62, vm3 =	vpop (xrf1)  }
0x3e0: {  	v16 =	vld [tilespmem:s12+$0xFFFFFFD0];
	v14 =	vadd.s32 v1, v12;
	(xrf1) =	vunique.msk.u32 $0xffff, v8  }
0x3e1: {  	(xrf1) =	vunique.msk.u32 $0xffff, v14  }
0x3e2: {  	v13 =	vld [tilespmem:s12+$0xFFFFFF90];
	v63 =	vcvt.s32.f32 v15  }
0x3e3: {  	v17 =	vld [tilespmem:s12+$0xFFFFFFC0];
	v11 =	vadd.s32 v1, v19;
	_, v15, vm2 =	vpop (xrf1);
	v19 =	vcvt.s32.f32 v62  }
0x3e4: {  	s9 =	simm.s32 $0x18AF0;
	s8 =	simm.s32 $0x8;
	v12 =	vadd.s32 v1, v20;
	v4 =	vadd.s32 v1, v4;
	[tilespmem:v18+s18+$0x0] =	vst.idx.add.f32.msk vm1, v63;
	_, v18, vm1 =	vpop (xrf1)  }
.LBB2_28:
0x3e5: {  	s8 =	sadd.s32 $0x8, s8;
	v20 =	vadd.s32 v1, v16;
	(xrf1) =	vunique.msk.u32 $0xffff, v12;
	[tilespmem:v5+s18+$0x0] =	vst.idx.add.f32.msk vm3, v19;
	_, v16, vm4 =	vpop (xrf1);
	v5 =	vmov v14  }
0x3e6: {  	v14 =	vld [tilespmem:s9+$0xFFFFFFB0];
	p0 =	slt.u32 s8, $0x98;
	(xrf1) =	vunique.msk.u32 $0xffff, v20;
	v19 =	vcvt.s32.f32 v16;
	_, v16, vm3 =	vpop (xrf1)  }
0x3e7: {  	v22 =	vadd.s32 v1, v13;
	v18 =	vcvt.s32.f32 v18;
	v21 =	vld [tilespmem:s9+$0xFFFFFFA0];
	(xrf1) =	vunique.msk.u32 $0xffff, v11  }
0x3e8: {  	v13 =	vld [tilespmem:s9+$0xFFFFFF90];
	(xrf1) =	vunique.msk.u32 $0xffff, v22;
	_, v23, vm5 =	vpop (xrf1)  }
0x3e9: {  	v25 =	vcvt.s32.f32 v16;
	v17 =	vadd.s32 v1, v17;
	v24 =	vld [tilespmem:s9+$0xFFFFFFF0]  }
0x3ea: {  	v16 =	vld [tilespmem:s9+$0xFFFFFFD0];
	(xrf1) =	vunique.msk.u32 $0xffff, v17  }
0x3eb: {  	v26 =	vld [tilespmem:s9+$0xFFFFFFE0];
	_, v27, vm6 =	vpop (xrf1)  }
0x3ec: {  	v23 =	vcvt.s32.f32 v23;
	[tilespmem:v9+s18+$0x0] =	vst.idx.add.f32.msk vm3, v25;
	v9 =	vmov v22  }
0x3ed: {  	v15 =	vcvt.s32.f32 v15;
	v22 =	vld [tilespmem:s9+$0x0];
	(xrf1) =	vunique.msk.u32 $0xffff, v4  }
0x3ee: {  	_, v25, vm7 =	vpop (xrf1);
	[tilespmem:v10+s18+$0x0] =	vst.idx.add.f32.msk vm5, v23;
	v10 =	vmov v17  }
0x3ef: {  	v27 =	vcvt.s32.f32 v27;
	v23 =	vadd.s32 v1, v14;
	_, v28, vm3 =	vpop (xrf1);
	[tilespmem:v3+s18+$0x0] =	vst.idx.add.f32.msk vm2, v15;
	v3 =	vmov v12  }
.Ltmp13:
0x3f0: {  	v14 =	vadd.s32 v1, v21;
	(xrf1) =	vunique.msk.u32 $0xffff, v23;
	[tilespmem:v6+s18+$0x0] =	vst.idx.add.f32.msk vm4, v19;
	v6 =	vmov v11;
	(pc) =	sbr.rel @p0 .LBB2_28-.Ltmp13, $4  }
0x3f1: {  	(xrf1) =	vunique.msk.u32 $0xffff, v14;
	[tilespmem:v2+s18+$0x0] =	vst.idx.add.f32.msk vm1, v18;
	v2 =	vmov v20  }
0x3f2: {  	v20 =	vcvt.s32.f32 v25;
	[tilespmem:v7+s18+$0x0] =	vst.idx.add.f32.msk vm6, v27;
	v7 =	vmov v4;
	v4 =	vadd.s32 v1, v22  }
0x3f3: {  	v11 =	vadd.s32 v1, v26;
	v19 =	vcvt.s32.f32 v28;
	v17 =	vld [tilespmem:s9+$0xFFFFFFC0];
	_, v15, vm2 =	vpop (xrf1)  }
0x3f4: {  	v12 =	vadd.s32 v1, v24;
	s9 =	sadd.s32 $0x100, s9;
	[tilespmem:v8+s18+$0x0] =	vst.idx.add.f32.msk vm7, v20;
	_, v18, vm1 =	vpop (xrf1);
	v8 =	vmov v23  }
0x3f5: {  	v16 =	vadd.s32 v1, v16;
	(xrf1) =	vunique.msk.u32 $0xffff, v12  }
0x3f6: {  	(xrf1) =	vunique.msk.u32 $0xffff, v16  }
0x3f7: {  	v13 =	vadd.s32 v1, v13;
	(xrf1) =	vunique.msk.u32 $0xffff, v11  }
0x3f8: {  	(xrf1) =	vunique.msk.u32 $0xffff, v13;
	v17 =	vadd.s32 v1, v17  }
0x3f9: {  	(xrf1) =	vunique.msk.u32 $0xffff, v17  }
0x3fa: {  	_, v20, vm4 =	vpop (xrf1)  }
0x3fb: {  	_, v21, vm5 =	vpop (xrf1)  }
0x3fc: {  	(xrf1) =	vunique.msk.u32 $0xffff, v4;
	_ =	sdelay $0x1  }
0x3fd: {  	_, v22, vm6 =	vpop (xrf1)  }
0x3fe: {  	v21 =	vcvt.s32.f32 v21  }
0x3ff: {  	_, v23, vm7 =	vpop (xrf1)  }
0x400: {  	[tilespmem:v9+s18+$0x0] =	vst.idx.add.f32.msk vm5, v21;
	v9 =	vcvt.s32.f32 v15;
	_, v24, vm8 =	vpop (xrf1)  }
0x401: {  	[tilespmem:v5+s18+$0x0] =	vst.idx.add.f32.msk vm3, v19;
	v5 =	vcvt.s32.f32 v22;
	_, v25, vm9 =	vpop (xrf1)  }
0x402: {  	[tilespmem:v3+s18+$0x0] =	vst.idx.add.f32.msk vm2, v9;
	v3 =	vcvt.s32.f32 v18;
	_, v19, vm3 =	vpop (xrf1)  }
0x403: {  	[tilespmem:v10+s18+$0x0] =	vst.idx.add.f32.msk vm6, v5;
	v5 =	vcvt.s32.f32 v20;
	_, v15, vm5 =	vpop (xrf1)  }
0x404: {  	[tilespmem:v2+s18+$0x0] =	vst.idx.add.f32.msk vm1, v3;
	v3 =	vcvt.s32.f32 v25;
	_, v10, vm6 =	vpop (xrf1)  }
0x405: {  	[tilespmem:v6+s18+$0x0] =	vst.idx.add.f32.msk vm4, v5;
	v5 =	vcvt.s32.f32 v23;
	_, v9, vm2 =	vpop (xrf1)  }
0x406: {  	v2 =	vcvt.s32.f32 v24;
	_, v6, vm4 =	vpop (xrf1)  }
0x407: {  	[tilespmem:v7+s18+$0x0] =	vst.idx.add.f32.msk vm7, v5  }
0x408: {  	[tilespmem:v8+s18+$0x0] =	vst.idx.add.f32.msk vm8, v2;
	v5 =	vcvt.s32.f32 v6;
	v6 =	vcvt.s32.f32 v10  }
0x409: {  	[tilespmem:v14+s18+$0x0] =	vst.idx.add.f32.msk vm9, v3;
	v2 =	vcvt.s32.f32 v9;
	_, v3, vm1 =	vpop (xrf1)  }
0x40a: {  	[tilespmem:v11+s18+$0x0] =	vst.idx.add.f32.msk vm6, v6  }
0x40b: {  	[tilespmem:v13+s18+$0x0] =	vst.idx.add.f32.msk vm2, v2;
	v2 =	vcvt.s32.f32 v19  }
0x40c: {  	[tilespmem:v17+s18+$0x0] =	vst.idx.add.f32.msk vm4, v5;
	v5 =	vcvt.s32.f32 v15  }
0x40d: {  	[tilespmem:v12+s18+$0x0] =	vst.idx.add.f32.msk vm3, v2;
	v2 =	vcvt.s32.f32 v3  }
0x40e: {  	[tilespmem:v16+s18+$0x0] =	vst.idx.add.f32.msk vm5, v5  }
0x40f: {  	[tilespmem:v4+s18+$0x0] =	vst.idx.add.f32.msk vm1, v2  }
0x410: {  	[tilespmem:s20], [sflag:$0x1] =	stream.linear.gather [hbm4b:s25+s18], $0x1400, $0x38;
	[tilespmem:$0x1FA00] =	vst v63  }
0x411: {  	_ =	swait.ge [sflag:s3], $0x1400  }
0x412: {  	[sflag:s3] =	ssyncset.done $0x0  }
0x413: {  	s8 =	simm.s32 $0x19CF0;
	[sflag:s3] =	ssyncadd.s32 $0xFFFFEC00  }
0x414: {  	v2 =	vld [tilespmem:s8+$0xFFFFFFB0]  }
0x415: {  	v3 =	vld [tilespmem:s8+$0xFFFFFFA0];
	_ =	sdelay $0x1  }
0x416: {  	v4 =	vld [tilespmem:s8+$0xFFFFFFF0];
	_ =	sdelay $0x1  }
0x417: {  	v18 =	vadd.s32 v1, v2  }
0x418: {  	v2 =	vld [tilespmem:s8+$0xFFFFFFD0];
	v5 =	vadd.s32 v1, v3;
	(xrf1) =	vunique.msk.u32 $0xffff, v18  }
0x419: {  	v6 =	vld [tilespmem:s8+$0xFFFFFFE0];
	(xrf1) =	vunique.msk.u32 $0xffff, v5  }
0x41a: {  	v3 =	vadd.s32 v1, v4;
	v4 =	vld [tilespmem:s8+$0xFFFFFF90];
	_ =	sdelay $0x1  }
0x41b: {  	v8 =	vld [tilespmem:s8+$0xFFFFFFC0]  }
0x41c: {  	(xrf1) =	vunique.msk.u32 $0xffff, v3;
	v2 =	vadd.s32 v1, v2  }
0x41d: {  	v6 =	vadd.s32 v1, v6;
	(xrf1) =	vunique.msk.u32 $0xffff, v2  }
0x41e: {  	v7 =	vld [tilespmem:s8+$0x0];
	v9 =	vadd.s32 v1, v4;
	(xrf1) =	vunique.msk.u32 $0xffff, v6  }
0x41f: {  	(xrf1) =	vunique.msk.u32 $0xffff, v9  }
0x420: {  	s12 =	simm.s32 $0x19DF0;
	v10 =	vadd.s32 v1, v8  }
0x421: {  	v11 =	vld [tilespmem:s12+$0xFFFFFFB0];
	(xrf1) =	vunique.msk.u32 $0xffff, v10  }
0x422: {  	v12 =	vld [tilespmem:s12+$0xFFFFFFA0]  }
0x423: {  	v7 =	vadd.s32 v1, v7  }
0x424: {  	v20 =	vld [tilespmem:s12+$0xFFFFFFF0];
	(xrf1) =	vunique.msk.u32 $0xffff, v7  }
0x425: {  	v19 =	vld [tilespmem:s12+$0xFFFFFFE0];
	_, v15, vm1 =	vpop (xrf1)  }
0x426: {  	v8 =	vadd.s32 v1, v11;
	v4 =	vld [tilespmem:s12+$0x0];
	_, v62, vm3 =	vpop (xrf1)  }
0x427: {  	v16 =	vld [tilespmem:s12+$0xFFFFFFD0];
	v14 =	vadd.s32 v1, v12;
	(xrf1) =	vunique.msk.u32 $0xffff, v8  }
0x428: {  	(xrf1) =	vunique.msk.u32 $0xffff, v14  }
0x429: {  	v13 =	vld [tilespmem:s12+$0xFFFFFF90];
	v63 =	vcvt.s32.f32 v15  }
0x42a: {  	v17 =	vld [tilespmem:s12+$0xFFFFFFC0];
	v11 =	vadd.s32 v1, v19;
	_, v15, vm2 =	vpop (xrf1);
	v19 =	vcvt.s32.f32 v62  }
0x42b: {  	s9 =	simm.s32 $0x19EF0;
	s8 =	simm.s32 $0x8;
	v12 =	vadd.s32 v1, v20;
	v4 =	vadd.s32 v1, v4;
	[tilespmem:v18+s18+$0x0] =	vst.idx.add.f32.msk vm1, v63;
	_, v18, vm1 =	vpop (xrf1)  }
.LBB2_30:
0x42c: {  	s8 =	sadd.s32 $0x8, s8;
	v20 =	vadd.s32 v1, v16;
	(xrf1) =	vunique.msk.u32 $0xffff, v12;
	[tilespmem:v5+s18+$0x0] =	vst.idx.add.f32.msk vm3, v19;
	_, v16, vm4 =	vpop (xrf1);
	v5 =	vmov v14  }
0x42d: {  	v14 =	vld [tilespmem:s9+$0xFFFFFFB0];
	p0 =	slt.u32 s8, $0x98;
	(xrf1) =	vunique.msk.u32 $0xffff, v20;
	v19 =	vcvt.s32.f32 v16;
	_, v16, vm3 =	vpop (xrf1)  }
0x42e: {  	v22 =	vadd.s32 v1, v13;
	v18 =	vcvt.s32.f32 v18;
	v21 =	vld [tilespmem:s9+$0xFFFFFFA0];
	(xrf1) =	vunique.msk.u32 $0xffff, v11  }
0x42f: {  	v13 =	vld [tilespmem:s9+$0xFFFFFF90];
	(xrf1) =	vunique.msk.u32 $0xffff, v22;
	_, v23, vm5 =	vpop (xrf1)  }
0x430: {  	v25 =	vcvt.s32.f32 v16;
	v17 =	vadd.s32 v1, v17;
	v24 =	vld [tilespmem:s9+$0xFFFFFFF0]  }
0x431: {  	v16 =	vld [tilespmem:s9+$0xFFFFFFD0];
	(xrf1) =	vunique.msk.u32 $0xffff, v17  }
0x432: {  	v26 =	vld [tilespmem:s9+$0xFFFFFFE0];
	_, v27, vm6 =	vpop (xrf1)  }
0x433: {  	v23 =	vcvt.s32.f32 v23;
	[tilespmem:v9+s18+$0x0] =	vst.idx.add.f32.msk vm3, v25;
	v9 =	vmov v22  }
0x434: {  	v15 =	vcvt.s32.f32 v15;
	v22 =	vld [tilespmem:s9+$0x0];
	(xrf1) =	vunique.msk.u32 $0xffff, v4  }
0x435: {  	_, v25, vm7 =	vpop (xrf1);
	[tilespmem:v10+s18+$0x0] =	vst.idx.add.f32.msk vm5, v23;
	v10 =	vmov v17  }
0x436: {  	v27 =	vcvt.s32.f32 v27;
	v23 =	vadd.s32 v1, v14;
	_, v28, vm3 =	vpop (xrf1);
	[tilespmem:v3+s18+$0x0] =	vst.idx.add.f32.msk vm2, v15;
	v3 =	vmov v12  }
.Ltmp14:
0x437: {  	v14 =	vadd.s32 v1, v21;
	(xrf1) =	vunique.msk.u32 $0xffff, v23;
	[tilespmem:v6+s18+$0x0] =	vst.idx.add.f32.msk vm4, v19;
	v6 =	vmov v11;
	(pc) =	sbr.rel @p0 .LBB2_30-.Ltmp14, $4  }
0x438: {  	(xrf1) =	vunique.msk.u32 $0xffff, v14;
	[tilespmem:v2+s18+$0x0] =	vst.idx.add.f32.msk vm1, v18;
	v2 =	vmov v20  }
0x439: {  	v20 =	vcvt.s32.f32 v25;
	[tilespmem:v7+s18+$0x0] =	vst.idx.add.f32.msk vm6, v27;
	v7 =	vmov v4;
	v4 =	vadd.s32 v1, v22  }
0x43a: {  	v11 =	vadd.s32 v1, v26;
	v19 =	vcvt.s32.f32 v28;
	v17 =	vld [tilespmem:s9+$0xFFFFFFC0];
	_, v15, vm2 =	vpop (xrf1)  }
0x43b: {  	v12 =	vadd.s32 v1, v24;
	s9 =	sadd.s32 $0x100, s9;
	[tilespmem:v8+s18+$0x0] =	vst.idx.add.f32.msk vm7, v20;
	_, v18, vm1 =	vpop (xrf1);
	v8 =	vmov v23  }
0x43c: {  	v16 =	vadd.s32 v1, v16;
	(xrf1) =	vunique.msk.u32 $0xffff, v12  }
0x43d: {  	(xrf1) =	vunique.msk.u32 $0xffff, v16  }
0x43e: {  	v13 =	vadd.s32 v1, v13;
	(xrf1) =	vunique.msk.u32 $0xffff, v11  }
0x43f: {  	(xrf1) =	vunique.msk.u32 $0xffff, v13;
	v17 =	vadd.s32 v1, v17  }
0x440: {  	(xrf1) =	vunique.msk.u32 $0xffff, v17  }
0x441: {  	_, v20, vm4 =	vpop (xrf1)  }
0x442: {  	_, v21, vm5 =	vpop (xrf1)  }
0x443: {  	(xrf1) =	vunique.msk.u32 $0xffff, v4;
	_ =	sdelay $0x1  }
0x444: {  	_, v22, vm6 =	vpop (xrf1)  }
0x445: {  	v21 =	vcvt.s32.f32 v21  }
0x446: {  	_, v23, vm7 =	vpop (xrf1)  }
0x447: {  	[tilespmem:v9+s18+$0x0] =	vst.idx.add.f32.msk vm5, v21;
	v9 =	vcvt.s32.f32 v15;
	_, v24, vm8 =	vpop (xrf1)  }
0x448: {  	[tilespmem:v5+s18+$0x0] =	vst.idx.add.f32.msk vm3, v19;
	v5 =	vcvt.s32.f32 v22;
	_, v25, vm9 =	vpop (xrf1)  }
0x449: {  	[tilespmem:v3+s18+$0x0] =	vst.idx.add.f32.msk vm2, v9;
	v3 =	vcvt.s32.f32 v18;
	_, v19, vm3 =	vpop (xrf1)  }
0x44a: {  	[tilespmem:v10+s18+$0x0] =	vst.idx.add.f32.msk vm6, v5;
	v5 =	vcvt.s32.f32 v20;
	_, v15, vm5 =	vpop (xrf1)  }
0x44b: {  	[tilespmem:v2+s18+$0x0] =	vst.idx.add.f32.msk vm1, v3;
	v3 =	vcvt.s32.f32 v25;
	_, v10, vm6 =	vpop (xrf1)  }
0x44c: {  	[tilespmem:v6+s18+$0x0] =	vst.idx.add.f32.msk vm4, v5;
	v5 =	vcvt.s32.f32 v23;
	_, v9, vm2 =	vpop (xrf1)  }
0x44d: {  	v2 =	vcvt.s32.f32 v24;
	_, v6, vm4 =	vpop (xrf1)  }
0x44e: {  	[tilespmem:v7+s18+$0x0] =	vst.idx.add.f32.msk vm7, v5  }
0x44f: {  	[tilespmem:v8+s18+$0x0] =	vst.idx.add.f32.msk vm8, v2;
	v5 =	vcvt.s32.f32 v6;
	v6 =	vcvt.s32.f32 v10  }
0x450: {  	[tilespmem:v14+s18+$0x0] =	vst.idx.add.f32.msk vm9, v3;
	v2 =	vcvt.s32.f32 v9;
	_, v3, vm1 =	vpop (xrf1)  }
0x451: {  	[tilespmem:v11+s18+$0x0] =	vst.idx.add.f32.msk vm6, v6  }
0x452: {  	[tilespmem:v13+s18+$0x0] =	vst.idx.add.f32.msk vm2, v2;
	v2 =	vcvt.s32.f32 v19  }
0x453: {  	[tilespmem:v17+s18+$0x0] =	vst.idx.add.f32.msk vm4, v5;
	v5 =	vcvt.s32.f32 v15  }
0x454: {  	[tilespmem:v12+s18+$0x0] =	vst.idx.add.f32.msk vm3, v2;
	v2 =	vcvt.s32.f32 v3  }
0x455: {  	[tilespmem:v16+s18+$0x0] =	vst.idx.add.f32.msk vm5, v5  }
0x456: {  	[tilespmem:v4+s18+$0x0] =	vst.idx.add.f32.msk vm1, v2  }
0x457: {  	[tilespmem:s0], [sflag:$0x2] =	stream.linear.gather [hbm4b:s26+s18], $0x1400, $0x38;
	[tilespmem:$0x1FA00] =	vst v63  }
0x458: {  	_ =	swait.ge [sflag:s2], $0x1400  }
0x459: {  	[sflag:s2] =	ssyncset.done $0x0  }
0x45a: {  	s8 =	simm.s32 $0x188F0;
	[sflag:s2] =	ssyncadd.s32 $0xFFFFEC00  }
0x45b: {  	v2 =	vld [tilespmem:s8+$0xFFFFFFB0]  }
0x45c: {  	v3 =	vld [tilespmem:s8+$0xFFFFFFA0];
	_ =	sdelay $0x1  }
0x45d: {  	v4 =	vld [tilespmem:s8+$0xFFFFFFF0];
	_ =	sdelay $0x1  }
0x45e: {  	v18 =	vadd.s32 v1, v2  }
0x45f: {  	v2 =	vld [tilespmem:s8+$0xFFFFFFD0];
	v5 =	vadd.s32 v1, v3;
	(xrf1) =	vunique.msk.u32 $0xffff, v18  }
0x460: {  	v6 =	vld [tilespmem:s8+$0xFFFFFFE0];
	(xrf1) =	vunique.msk.u32 $0xffff, v5  }
0x461: {  	v3 =	vadd.s32 v1, v4;
	v4 =	vld [tilespmem:s8+$0xFFFFFF90];
	_ =	sdelay $0x1  }
0x462: {  	v8 =	vld [tilespmem:s8+$0xFFFFFFC0]  }
0x463: {  	(xrf1) =	vunique.msk.u32 $0xffff, v3;
	v2 =	vadd.s32 v1, v2  }
0x464: {  	v6 =	vadd.s32 v1, v6;
	(xrf1) =	vunique.msk.u32 $0xffff, v2  }
0x465: {  	v7 =	vld [tilespmem:s8+$0x0];
	v9 =	vadd.s32 v1, v4;
	(xrf1) =	vunique.msk.u32 $0xffff, v6  }
0x466: {  	(xrf1) =	vunique.msk.u32 $0xffff, v9  }
0x467: {  	s12 =	simm.s32 $0x189F0;
	v10 =	vadd.s32 v1, v8  }
0x468: {  	v11 =	vld [tilespmem:s12+$0xFFFFFFB0];
	(xrf1) =	vunique.msk.u32 $0xffff, v10  }
0x469: {  	v12 =	vld [tilespmem:s12+$0xFFFFFFA0]  }
0x46a: {  	v7 =	vadd.s32 v1, v7  }
0x46b: {  	v20 =	vld [tilespmem:s12+$0xFFFFFFF0];
	(xrf1) =	vunique.msk.u32 $0xffff, v7  }
0x46c: {  	v19 =	vld [tilespmem:s12+$0xFFFFFFE0];
	_, v15, vm1 =	vpop (xrf1)  }
0x46d: {  	v8 =	vadd.s32 v1, v11;
	v4 =	vld [tilespmem:s12+$0x0];
	_, v62, vm3 =	vpop (xrf1)  }
0x46e: {  	v16 =	vld [tilespmem:s12+$0xFFFFFFD0];
	v14 =	vadd.s32 v1, v12;
	(xrf1) =	vunique.msk.u32 $0xffff, v8  }
0x46f: {  	(xrf1) =	vunique.msk.u32 $0xffff, v14  }
0x470: {  	v13 =	vld [tilespmem:s12+$0xFFFFFF90];
	v63 =	vcvt.s32.f32 v15  }
0x471: {  	v17 =	vld [tilespmem:s12+$0xFFFFFFC0];
	v11 =	vadd.s32 v1, v19;
	_, v15, vm2 =	vpop (xrf1);
	v19 =	vcvt.s32.f32 v62  }
0x472: {  	s9 =	simm.s32 $0x18AF0;
	s8 =	simm.s32 $0x8;
	v12 =	vadd.s32 v1, v20;
	v4 =	vadd.s32 v1, v4;
	[tilespmem:v18+s18+$0x0] =	vst.idx.add.f32.msk vm1, v63;
	_, v18, vm1 =	vpop (xrf1)  }
.LBB2_32:
0x473: {  	s8 =	sadd.s32 $0x8, s8;
	v20 =	vadd.s32 v1, v16;
	(xrf1) =	vunique.msk.u32 $0xffff, v12;
	[tilespmem:v5+s18+$0x0] =	vst.idx.add.f32.msk vm3, v19;
	_, v16, vm4 =	vpop (xrf1);
	v5 =	vmov v14  }
0x474: {  	v14 =	vld [tilespmem:s9+$0xFFFFFFB0];
	p0 =	slt.u32 s8, $0x98;
	(xrf1) =	vunique.msk.u32 $0xffff, v20;
	v19 =	vcvt.s32.f32 v16;
	_, v16, vm3 =	vpop (xrf1)  }
0x475: {  	v22 =	vadd.s32 v1, v13;
	v18 =	vcvt.s32.f32 v18;
	v21 =	vld [tilespmem:s9+$0xFFFFFFA0];
	(xrf1) =	vunique.msk.u32 $0xffff, v11  }
0x476: {  	v13 =	vld [tilespmem:s9+$0xFFFFFF90];
	(xrf1) =	vunique.msk.u32 $0xffff, v22;
	_, v23, vm5 =	vpop (xrf1)  }
0x477: {  	v25 =	vcvt.s32.f32 v16;
	v17 =	vadd.s32 v1, v17;
	v24 =	vld [tilespmem:s9+$0xFFFFFFF0]  }
0x478: {  	v16 =	vld [tilespmem:s9+$0xFFFFFFD0];
	(xrf1) =	vunique.msk.u32 $0xffff, v17  }
0x479: {  	v26 =	vld [tilespmem:s9+$0xFFFFFFE0];
	_, v27, vm6 =	vpop (xrf1)  }
0x47a: {  	v23 =	vcvt.s32.f32 v23;
	[tilespmem:v9+s18+$0x0] =	vst.idx.add.f32.msk vm3, v25;
	v9 =	vmov v22  }
0x47b: {  	v15 =	vcvt.s32.f32 v15;
	v22 =	vld [tilespmem:s9+$0x0];
	(xrf1) =	vunique.msk.u32 $0xffff, v4  }
0x47c: {  	_, v25, vm7 =	vpop (xrf1);
	[tilespmem:v10+s18+$0x0] =	vst.idx.add.f32.msk vm5, v23;
	v10 =	vmov v17  }
0x47d: {  	v27 =	vcvt.s32.f32 v27;
	v23 =	vadd.s32 v1, v14;
	_, v28, vm3 =	vpop (xrf1);
	[tilespmem:v3+s18+$0x0] =	vst.idx.add.f32.msk vm2, v15;
	v3 =	vmov v12  }
.Ltmp15:
0x47e: {  	v14 =	vadd.s32 v1, v21;
	(xrf1) =	vunique.msk.u32 $0xffff, v23;
	[tilespmem:v6+s18+$0x0] =	vst.idx.add.f32.msk vm4, v19;
	v6 =	vmov v11;
	(pc) =	sbr.rel @p0 .LBB2_32-.Ltmp15, $4  }
0x47f: {  	(xrf1) =	vunique.msk.u32 $0xffff, v14;
	[tilespmem:v2+s18+$0x0] =	vst.idx.add.f32.msk vm1, v18;
	v2 =	vmov v20  }
0x480: {  	v20 =	vcvt.s32.f32 v25;
	[tilespmem:v7+s18+$0x0] =	vst.idx.add.f32.msk vm6, v27;
	v7 =	vmov v4;
	v4 =	vadd.s32 v1, v22  }
0x481: {  	v11 =	vadd.s32 v1, v26;
	v19 =	vcvt.s32.f32 v28;
	v17 =	vld [tilespmem:s9+$0xFFFFFFC0];
	_, v15, vm2 =	vpop (xrf1)  }
0x482: {  	v12 =	vadd.s32 v1, v24;
	s9 =	sadd.s32 $0x100, s9;
	[tilespmem:v8+s18+$0x0] =	vst.idx.add.f32.msk vm7, v20;
	_, v18, vm1 =	vpop (xrf1);
	v8 =	vmov v23  }
0x483: {  	v16 =	vadd.s32 v1, v16;
	(xrf1) =	vunique.msk.u32 $0xffff, v12  }
0x484: {  	(xrf1) =	vunique.msk.u32 $0xffff, v16  }
0x485: {  	v13 =	vadd.s32 v1, v13;
	(xrf1) =	vunique.msk.u32 $0xffff, v11  }
0x486: {  	(xrf1) =	vunique.msk.u32 $0xffff, v13;
	v17 =	vadd.s32 v1, v17  }
0x487: {  	(xrf1) =	vunique.msk.u32 $0xffff, v17  }
0x488: {  	_, v20, vm4 =	vpop (xrf1)  }
0x489: {  	_, v21, vm5 =	vpop (xrf1)  }
0x48a: {  	(xrf1) =	vunique.msk.u32 $0xffff, v4;
	_ =	sdelay $0x1  }
0x48b: {  	_, v22, vm6 =	vpop (xrf1)  }
0x48c: {  	v21 =	vcvt.s32.f32 v21  }
0x48d: {  	_, v23, vm7 =	vpop (xrf1)  }
0x48e: {  	[tilespmem:v9+s18+$0x0] =	vst.idx.add.f32.msk vm5, v21;
	v9 =	vcvt.s32.f32 v15;
	_, v24, vm8 =	vpop (xrf1)  }
0x48f: {  	[tilespmem:v5+s18+$0x0] =	vst.idx.add.f32.msk vm3, v19;
	v5 =	vcvt.s32.f32 v22;
	_, v25, vm9 =	vpop (xrf1)  }
0x490: {  	[tilespmem:v3+s18+$0x0] =	vst.idx.add.f32.msk vm2, v9;
	v3 =	vcvt.s32.f32 v18;
	_, v19, vm3 =	vpop (xrf1)  }
0x491: {  	[tilespmem:v10+s18+$0x0] =	vst.idx.add.f32.msk vm6, v5;
	v5 =	vcvt.s32.f32 v20;
	_, v15, vm5 =	vpop (xrf1)  }
0x492: {  	[tilespmem:v2+s18+$0x0] =	vst.idx.add.f32.msk vm1, v3;
	v3 =	vcvt.s32.f32 v25;
	_, v10, vm6 =	vpop (xrf1)  }
0x493: {  	[tilespmem:v6+s18+$0x0] =	vst.idx.add.f32.msk vm4, v5;
	v5 =	vcvt.s32.f32 v23;
	_, v9, vm2 =	vpop (xrf1)  }
0x494: {  	v2 =	vcvt.s32.f32 v24;
	_, v6, vm4 =	vpop (xrf1)  }
0x495: {  	[tilespmem:v7+s18+$0x0] =	vst.idx.add.f32.msk vm7, v5  }
0x496: {  	[tilespmem:v8+s18+$0x0] =	vst.idx.add.f32.msk vm8, v2;
	v5 =	vcvt.s32.f32 v6;
	v6 =	vcvt.s32.f32 v10  }
0x497: {  	[tilespmem:v14+s18+$0x0] =	vst.idx.add.f32.msk vm9, v3;
	v2 =	vcvt.s32.f32 v9;
	_, v3, vm1 =	vpop (xrf1)  }
0x498: {  	[tilespmem:v11+s18+$0x0] =	vst.idx.add.f32.msk vm6, v6  }
0x499: {  	[tilespmem:v13+s18+$0x0] =	vst.idx.add.f32.msk vm2, v2;
	v2 =	vcvt.s32.f32 v19  }
0x49a: {  	[tilespmem:v17+s18+$0x0] =	vst.idx.add.f32.msk vm4, v5;
	v5 =	vcvt.s32.f32 v15  }
0x49b: {  	[tilespmem:v12+s18+$0x0] =	vst.idx.add.f32.msk vm3, v2;
	v2 =	vcvt.s32.f32 v3  }
0x49c: {  	[tilespmem:v16+s18+$0x0] =	vst.idx.add.f32.msk vm5, v5  }
0x49d: {  	[tilespmem:v4+s18+$0x0] =	vst.idx.add.f32.msk vm1, v2  }
0x49e: {  	[tilespmem:s20], [sflag:$0x1] =	stream.linear.gather [hbm4b:s28+s18], $0x1400, $0x38;
	[tilespmem:$0x1FA00] =	vst v63  }
0x49f: {  	_ =	swait.ge [sflag:s3], $0x1400  }
0x4a0: {  	[sflag:s3] =	ssyncset.done $0x0  }
0x4a1: {  	s8 =	simm.s32 $0x19CF0;
	[sflag:s3] =	ssyncadd.s32 $0xFFFFEC00  }
0x4a2: {  	v2 =	vld [tilespmem:s8+$0xFFFFFFB0]  }
0x4a3: {  	v3 =	vld [tilespmem:s8+$0xFFFFFFA0];
	_ =	sdelay $0x1  }
0x4a4: {  	v4 =	vld [tilespmem:s8+$0xFFFFFFF0];
	_ =	sdelay $0x1  }
0x4a5: {  	v18 =	vadd.s32 v1, v2  }
0x4a6: {  	v2 =	vld [tilespmem:s8+$0xFFFFFFD0];
	v5 =	vadd.s32 v1, v3;
	(xrf1) =	vunique.msk.u32 $0xffff, v18  }
0x4a7: {  	v6 =	vld [tilespmem:s8+$0xFFFFFFE0];
	(xrf1) =	vunique.msk.u32 $0xffff, v5  }
0x4a8: {  	v3 =	vadd.s32 v1, v4;
	v4 =	vld [tilespmem:s8+$0xFFFFFF90];
	_ =	sdelay $0x1  }
0x4a9: {  	v8 =	vld [tilespmem:s8+$0xFFFFFFC0]  }
0x4aa: {  	(xrf1) =	vunique.msk.u32 $0xffff, v3;
	v2 =	vadd.s32 v1, v2  }
0x4ab: {  	v6 =	vadd.s32 v1, v6;
	(xrf1) =	vunique.msk.u32 $0xffff, v2  }
0x4ac: {  	v7 =	vld [tilespmem:s8+$0x0];
	v9 =	vadd.s32 v1, v4;
	(xrf1) =	vunique.msk.u32 $0xffff, v6  }
0x4ad: {  	(xrf1) =	vunique.msk.u32 $0xffff, v9  }
0x4ae: {  	s12 =	simm.s32 $0x19DF0;
	v10 =	vadd.s32 v1, v8  }
0x4af: {  	v11 =	vld [tilespmem:s12+$0xFFFFFFB0];
	(xrf1) =	vunique.msk.u32 $0xffff, v10  }
0x4b0: {  	v12 =	vld [tilespmem:s12+$0xFFFFFFA0]  }
0x4b1: {  	v7 =	vadd.s32 v1, v7  }
0x4b2: {  	v20 =	vld [tilespmem:s12+$0xFFFFFFF0];
	(xrf1) =	vunique.msk.u32 $0xffff, v7  }
0x4b3: {  	v19 =	vld [tilespmem:s12+$0xFFFFFFE0];
	_, v15, vm1 =	vpop (xrf1)  }
0x4b4: {  	v8 =	vadd.s32 v1, v11;
	v4 =	vld [tilespmem:s12+$0x0];
	_, v62, vm3 =	vpop (xrf1)  }
0x4b5: {  	v16 =	vld [tilespmem:s12+$0xFFFFFFD0];
	v14 =	vadd.s32 v1, v12;
	(xrf1) =	vunique.msk.u32 $0xffff, v8  }
0x4b6: {  	(xrf1) =	vunique.msk.u32 $0xffff, v14  }
0x4b7: {  	v13 =	vld [tilespmem:s12+$0xFFFFFF90];
	v63 =	vcvt.s32.f32 v15  }
0x4b8: {  	v17 =	vld [tilespmem:s12+$0xFFFFFFC0];
	v11 =	vadd.s32 v1, v19;
	_, v15, vm2 =	vpop (xrf1);
	v19 =	vcvt.s32.f32 v62  }
0x4b9: {  	s9 =	simm.s32 $0x19EF0;
	s8 =	simm.s32 $0x8;
	v12 =	vadd.s32 v1, v20;
	v4 =	vadd.s32 v1, v4;
	[tilespmem:v18+s18+$0x0] =	vst.idx.add.f32.msk vm1, v63;
	_, v18, vm1 =	vpop (xrf1)  }
.LBB2_34:
0x4ba: {  	s8 =	sadd.s32 $0x8, s8;
	v20 =	vadd.s32 v1, v16;
	(xrf1) =	vunique.msk.u32 $0xffff, v12;
	[tilespmem:v5+s18+$0x0] =	vst.idx.add.f32.msk vm3, v19;
	_, v16, vm4 =	vpop (xrf1);
	v5 =	vmov v14  }
0x4bb: {  	v14 =	vld [tilespmem:s9+$0xFFFFFFB0];
	p0 =	slt.u32 s8, $0x98;
	(xrf1) =	vunique.msk.u32 $0xffff, v20;
	v19 =	vcvt.s32.f32 v16;
	_, v16, vm3 =	vpop (xrf1)  }
0x4bc: {  	v22 =	vadd.s32 v1, v13;
	v18 =	vcvt.s32.f32 v18;
	v21 =	vld [tilespmem:s9+$0xFFFFFFA0];
	(xrf1) =	vunique.msk.u32 $0xffff, v11  }
0x4bd: {  	v13 =	vld [tilespmem:s9+$0xFFFFFF90];
	(xrf1) =	vunique.msk.u32 $0xffff, v22;
	_, v23, vm5 =	vpop (xrf1)  }
0x4be: {  	v25 =	vcvt.s32.f32 v16;
	v17 =	vadd.s32 v1, v17;
	v24 =	vld [tilespmem:s9+$0xFFFFFFF0]  }
0x4bf: {  	v16 =	vld [tilespmem:s9+$0xFFFFFFD0];
	(xrf1) =	vunique.msk.u32 $0xffff, v17  }
0x4c0: {  	v26 =	vld [tilespmem:s9+$0xFFFFFFE0];
	_, v27, vm6 =	vpop (xrf1)  }
0x4c1: {  	v23 =	vcvt.s32.f32 v23;
	[tilespmem:v9+s18+$0x0] =	vst.idx.add.f32.msk vm3, v25;
	v9 =	vmov v22  }
0x4c2: {  	v15 =	vcvt.s32.f32 v15;
	v22 =	vld [tilespmem:s9+$0x0];
	(xrf1) =	vunique.msk.u32 $0xffff, v4  }
0x4c3: {  	_, v25, vm7 =	vpop (xrf1);
	[tilespmem:v10+s18+$0x0] =	vst.idx.add.f32.msk vm5, v23;
	v10 =	vmov v17  }
0x4c4: {  	v27 =	vcvt.s32.f32 v27;
	v23 =	vadd.s32 v1, v14;
	_, v28, vm3 =	vpop (xrf1);
	[tilespmem:v3+s18+$0x0] =	vst.idx.add.f32.msk vm2, v15;
	v3 =	vmov v12  }
.Ltmp16:
0x4c5: {  	v14 =	vadd.s32 v1, v21;
	(xrf1) =	vunique.msk.u32 $0xffff, v23;
	[tilespmem:v6+s18+$0x0] =	vst.idx.add.f32.msk vm4, v19;
	v6 =	vmov v11;
	(pc) =	sbr.rel @p0 .LBB2_34-.Ltmp16, $4  }
0x4c6: {  	(xrf1) =	vunique.msk.u32 $0xffff, v14;
	[tilespmem:v2+s18+$0x0] =	vst.idx.add.f32.msk vm1, v18;
	v2 =	vmov v20  }
0x4c7: {  	v20 =	vcvt.s32.f32 v25;
	[tilespmem:v7+s18+$0x0] =	vst.idx.add.f32.msk vm6, v27;
	v7 =	vmov v4;
	v4 =	vadd.s32 v1, v22  }
0x4c8: {  	v11 =	vadd.s32 v1, v26;
	v19 =	vcvt.s32.f32 v28;
	v17 =	vld [tilespmem:s9+$0xFFFFFFC0];
	_, v15, vm2 =	vpop (xrf1)  }
0x4c9: {  	v12 =	vadd.s32 v1, v24;
	s9 =	sadd.s32 $0x100, s9;
	[tilespmem:v8+s18+$0x0] =	vst.idx.add.f32.msk vm7, v20;
	_, v18, vm1 =	vpop (xrf1);
	v8 =	vmov v23  }
0x4ca: {  	v16 =	vadd.s32 v1, v16;
	(xrf1) =	vunique.msk.u32 $0xffff, v12  }
0x4cb: {  	(xrf1) =	vunique.msk.u32 $0xffff, v16  }
0x4cc: {  	v13 =	vadd.s32 v1, v13;
	(xrf1) =	vunique.msk.u32 $0xffff, v11  }
0x4cd: {  	(xrf1) =	vunique.msk.u32 $0xffff, v13;
	v17 =	vadd.s32 v1, v17  }
0x4ce: {  	(xrf1) =	vunique.msk.u32 $0xffff, v17  }
0x4cf: {  	_, v20, vm4 =	vpop (xrf1)  }
0x4d0: {  	_, v21, vm5 =	vpop (xrf1)  }
0x4d1: {  	(xrf1) =	vunique.msk.u32 $0xffff, v4;
	_ =	sdelay $0x1  }
0x4d2: {  	_, v22, vm6 =	vpop (xrf1)  }
0x4d3: {  	v21 =	vcvt.s32.f32 v21  }
0x4d4: {  	_, v23, vm7 =	vpop (xrf1)  }
0x4d5: {  	[tilespmem:v9+s18+$0x0] =	vst.idx.add.f32.msk vm5, v21;
	v9 =	vcvt.s32.f32 v15;
	_, v24, vm8 =	vpop (xrf1)  }
0x4d6: {  	[tilespmem:v5+s18+$0x0] =	vst.idx.add.f32.msk vm3, v19;
	v5 =	vcvt.s32.f32 v22;
	_, v25, vm9 =	vpop (xrf1)  }
0x4d7: {  	[tilespmem:v3+s18+$0x0] =	vst.idx.add.f32.msk vm2, v9;
	v3 =	vcvt.s32.f32 v18;
	_, v19, vm3 =	vpop (xrf1)  }
0x4d8: {  	[tilespmem:v10+s18+$0x0] =	vst.idx.add.f32.msk vm6, v5;
	v5 =	vcvt.s32.f32 v20;
	_, v15, vm5 =	vpop (xrf1)  }
0x4d9: {  	[tilespmem:v2+s18+$0x0] =	vst.idx.add.f32.msk vm1, v3;
	v3 =	vcvt.s32.f32 v25;
	_, v10, vm6 =	vpop (xrf1)  }
0x4da: {  	[tilespmem:v6+s18+$0x0] =	vst.idx.add.f32.msk vm4, v5;
	v5 =	vcvt.s32.f32 v23;
	_, v9, vm2 =	vpop (xrf1)  }
0x4db: {  	v2 =	vcvt.s32.f32 v24;
	_, v6, vm4 =	vpop (xrf1)  }
0x4dc: {  	[tilespmem:v7+s18+$0x0] =	vst.idx.add.f32.msk vm7, v5  }
0x4dd: {  	[tilespmem:v8+s18+$0x0] =	vst.idx.add.f32.msk vm8, v2;
	v5 =	vcvt.s32.f32 v6;
	v6 =	vcvt.s32.f32 v10  }
0x4de: {  	[tilespmem:v14+s18+$0x0] =	vst.idx.add.f32.msk vm9, v3;
	v2 =	vcvt.s32.f32 v9;
	_, v3, vm1 =	vpop (xrf1)  }
0x4df: {  	[tilespmem:v11+s18+$0x0] =	vst.idx.add.f32.msk vm6, v6  }
0x4e0: {  	[tilespmem:v13+s18+$0x0] =	vst.idx.add.f32.msk vm2, v2;
	v2 =	vcvt.s32.f32 v19  }
0x4e1: {  	[tilespmem:v17+s18+$0x0] =	vst.idx.add.f32.msk vm4, v5;
	v5 =	vcvt.s32.f32 v15  }
0x4e2: {  	[tilespmem:v12+s18+$0x0] =	vst.idx.add.f32.msk vm3, v2;
	v2 =	vcvt.s32.f32 v3  }
0x4e3: {  	[tilespmem:v16+s18+$0x0] =	vst.idx.add.f32.msk vm5, v5  }
0x4e4: {  	[tilespmem:v4+s18+$0x0] =	vst.idx.add.f32.msk vm1, v2  }
0x4e5: {  	[tilespmem:s0], [sflag:$0x2] =	stream.linear.gather [hbm4b:s29+s18], $0x1400, $0x38;
	[tilespmem:$0x1FA00] =	vst v63  }
0x4e6: {  	_ =	swait.ge [sflag:s2], $0x1400  }
0x4e7: {  	[sflag:s2] =	ssyncset.done $0x0  }
0x4e8: {  	s8 =	simm.s32 $0x188F0;
	[sflag:s2] =	ssyncadd.s32 $0xFFFFEC00  }
0x4e9: {  	v2 =	vld [tilespmem:s8+$0xFFFFFFB0]  }
0x4ea: {  	v3 =	vld [tilespmem:s8+$0xFFFFFFA0];
	_ =	sdelay $0x1  }
0x4eb: {  	v4 =	vld [tilespmem:s8+$0xFFFFFFF0];
	_ =	sdelay $0x1  }
0x4ec: {  	v18 =	vadd.s32 v1, v2  }
0x4ed: {  	v2 =	vld [tilespmem:s8+$0xFFFFFFD0];
	v5 =	vadd.s32 v1, v3;
	(xrf1) =	vunique.msk.u32 $0xffff, v18  }
0x4ee: {  	v6 =	vld [tilespmem:s8+$0xFFFFFFE0];
	(xrf1) =	vunique.msk.u32 $0xffff, v5  }
0x4ef: {  	v3 =	vadd.s32 v1, v4;
	v4 =	vld [tilespmem:s8+$0xFFFFFF90];
	_ =	sdelay $0x1  }
0x4f0: {  	v8 =	vld [tilespmem:s8+$0xFFFFFFC0]  }
0x4f1: {  	(xrf1) =	vunique.msk.u32 $0xffff, v3;
	v2 =	vadd.s32 v1, v2  }
0x4f2: {  	v6 =	vadd.s32 v1, v6;
	(xrf1) =	vunique.msk.u32 $0xffff, v2  }
0x4f3: {  	v7 =	vld [tilespmem:s8+$0x0];
	v9 =	vadd.s32 v1, v4;
	(xrf1) =	vunique.msk.u32 $0xffff, v6  }
0x4f4: {  	(xrf1) =	vunique.msk.u32 $0xffff, v9  }
0x4f5: {  	s12 =	simm.s32 $0x189F0;
	v10 =	vadd.s32 v1, v8  }
0x4f6: {  	v11 =	vld [tilespmem:s12+$0xFFFFFFB0];
	(xrf1) =	vunique.msk.u32 $0xffff, v10  }
0x4f7: {  	v12 =	vld [tilespmem:s12+$0xFFFFFFA0]  }
0x4f8: {  	v7 =	vadd.s32 v1, v7  }
0x4f9: {  	v20 =	vld [tilespmem:s12+$0xFFFFFFF0];
	(xrf1) =	vunique.msk.u32 $0xffff, v7  }
0x4fa: {  	v19 =	vld [tilespmem:s12+$0xFFFFFFE0];
	_, v15, vm1 =	vpop (xrf1)  }
0x4fb: {  	v8 =	vadd.s32 v1, v11;
	v4 =	vld [tilespmem:s12+$0x0];
	_, v62, vm3 =	vpop (xrf1)  }
0x4fc: {  	v16 =	vld [tilespmem:s12+$0xFFFFFFD0];
	v14 =	vadd.s32 v1, v12;
	(xrf1) =	vunique.msk.u32 $0xffff, v8  }
0x4fd: {  	(xrf1) =	vunique.msk.u32 $0xffff, v14  }
0x4fe: {  	v13 =	vld [tilespmem:s12+$0xFFFFFF90];
	v63 =	vcvt.s32.f32 v15  }
0x4ff: {  	v17 =	vld [tilespmem:s12+$0xFFFFFFC0];
	v11 =	vadd.s32 v1, v19;
	_, v15, vm2 =	vpop (xrf1);
	v19 =	vcvt.s32.f32 v62  }
0x500: {  	s9 =	simm.s32 $0x18AF0;
	s8 =	simm.s32 $0x8;
	v12 =	vadd.s32 v1, v20;
	v4 =	vadd.s32 v1, v4;
	[tilespmem:v18+s18+$0x0] =	vst.idx.add.f32.msk vm1, v63;
	_, v18, vm1 =	vpop (xrf1)  }
.LBB2_36:
0x501: {  	s8 =	sadd.s32 $0x8, s8;
	v20 =	vadd.s32 v1, v16;
	(xrf1) =	vunique.msk.u32 $0xffff, v12;
	[tilespmem:v5+s18+$0x0] =	vst.idx.add.f32.msk vm3, v19;
	_, v16, vm4 =	vpop (xrf1);
	v5 =	vmov v14  }
0x502: {  	v14 =	vld [tilespmem:s9+$0xFFFFFFB0];
	p0 =	slt.u32 s8, $0x98;
	(xrf1) =	vunique.msk.u32 $0xffff, v20;
	v19 =	vcvt.s32.f32 v16;
	_, v16, vm3 =	vpop (xrf1)  }
0x503: {  	v22 =	vadd.s32 v1, v13;
	v18 =	vcvt.s32.f32 v18;
	v21 =	vld [tilespmem:s9+$0xFFFFFFA0];
	(xrf1) =	vunique.msk.u32 $0xffff, v11  }
0x504: {  	v13 =	vld [tilespmem:s9+$0xFFFFFF90];
	(xrf1) =	vunique.msk.u32 $0xffff, v22;
	_, v23, vm5 =	vpop (xrf1)  }
0x505: {  	v25 =	vcvt.s32.f32 v16;
	v17 =	vadd.s32 v1, v17;
	v24 =	vld [tilespmem:s9+$0xFFFFFFF0]  }
0x506: {  	v16 =	vld [tilespmem:s9+$0xFFFFFFD0];
	(xrf1) =	vunique.msk.u32 $0xffff, v17  }
0x507: {  	v26 =	vld [tilespmem:s9+$0xFFFFFFE0];
	_, v27, vm6 =	vpop (xrf1)  }
0x508: {  	v23 =	vcvt.s32.f32 v23;
	[tilespmem:v9+s18+$0x0] =	vst.idx.add.f32.msk vm3, v25;
	v9 =	vmov v22  }
0x509: {  	v15 =	vcvt.s32.f32 v15;
	v22 =	vld [tilespmem:s9+$0x0];
	(xrf1) =	vunique.msk.u32 $0xffff, v4  }
0x50a: {  	_, v25, vm7 =	vpop (xrf1);
	[tilespmem:v10+s18+$0x0] =	vst.idx.add.f32.msk vm5, v23;
	v10 =	vmov v17  }
0x50b: {  	v27 =	vcvt.s32.f32 v27;
	v23 =	vadd.s32 v1, v14;
	_, v28, vm3 =	vpop (xrf1);
	[tilespmem:v3+s18+$0x0] =	vst.idx.add.f32.msk vm2, v15;
	v3 =	vmov v12  }
.Ltmp17:
0x50c: {  	v14 =	vadd.s32 v1, v21;
	(xrf1) =	vunique.msk.u32 $0xffff, v23;
	[tilespmem:v6+s18+$0x0] =	vst.idx.add.f32.msk vm4, v19;
	v6 =	vmov v11;
	(pc) =	sbr.rel @p0 .LBB2_36-.Ltmp17, $4  }
0x50d: {  	(xrf1) =	vunique.msk.u32 $0xffff, v14;
	[tilespmem:v2+s18+$0x0] =	vst.idx.add.f32.msk vm1, v18;
	v2 =	vmov v20  }
0x50e: {  	v20 =	vcvt.s32.f32 v25;
	[tilespmem:v7+s18+$0x0] =	vst.idx.add.f32.msk vm6, v27;
	v7 =	vmov v4;
	v4 =	vadd.s32 v1, v22  }
0x50f: {  	v11 =	vadd.s32 v1, v26;
	v19 =	vcvt.s32.f32 v28;
	v17 =	vld [tilespmem:s9+$0xFFFFFFC0];
	_, v15, vm2 =	vpop (xrf1)  }
0x510: {  	v12 =	vadd.s32 v1, v24;
	s9 =	sadd.s32 $0x100, s9;
	[tilespmem:v8+s18+$0x0] =	vst.idx.add.f32.msk vm7, v20;
	_, v18, vm1 =	vpop (xrf1);
	v8 =	vmov v23  }
0x511: {  	v16 =	vadd.s32 v1, v16;
	(xrf1) =	vunique.msk.u32 $0xffff, v12  }
0x512: {  	(xrf1) =	vunique.msk.u32 $0xffff, v16  }
0x513: {  	v13 =	vadd.s32 v1, v13;
	(xrf1) =	vunique.msk.u32 $0xffff, v11  }
0x514: {  	(xrf1) =	vunique.msk.u32 $0xffff, v13;
	v17 =	vadd.s32 v1, v17  }
0x515: {  	(xrf1) =	vunique.msk.u32 $0xffff, v17  }
0x516: {  	_, v20, vm4 =	vpop (xrf1)  }
0x517: {  	_, v21, vm5 =	vpop (xrf1)  }
0x518: {  	(xrf1) =	vunique.msk.u32 $0xffff, v4;
	_ =	sdelay $0x1  }
0x519: {  	_, v22, vm6 =	vpop (xrf1)  }
0x51a: {  	v21 =	vcvt.s32.f32 v21  }
0x51b: {  	_, v23, vm7 =	vpop (xrf1)  }
0x51c: {  	[tilespmem:v9+s18+$0x0] =	vst.idx.add.f32.msk vm5, v21;
	v9 =	vcvt.s32.f32 v15;
	_, v24, vm8 =	vpop (xrf1)  }
0x51d: {  	[tilespmem:v5+s18+$0x0] =	vst.idx.add.f32.msk vm3, v19;
	v5 =	vcvt.s32.f32 v22;
	_, v25, vm9 =	vpop (xrf1)  }
0x51e: {  	[tilespmem:v3+s18+$0x0] =	vst.idx.add.f32.msk vm2, v9;
	v3 =	vcvt.s32.f32 v18;
	_, v19, vm3 =	vpop (xrf1)  }
0x51f: {  	[tilespmem:v10+s18+$0x0] =	vst.idx.add.f32.msk vm6, v5;
	v5 =	vcvt.s32.f32 v20;
	_, v15, vm5 =	vpop (xrf1)  }
0x520: {  	[tilespmem:v2+s18+$0x0] =	vst.idx.add.f32.msk vm1, v3;
	v3 =	vcvt.s32.f32 v25;
	_, v10, vm6 =	vpop (xrf1)  }
0x521: {  	[tilespmem:v6+s18+$0x0] =	vst.idx.add.f32.msk vm4, v5;
	v5 =	vcvt.s32.f32 v23;
	_, v9, vm2 =	vpop (xrf1)  }
0x522: {  	v2 =	vcvt.s32.f32 v24;
	_, v6, vm4 =	vpop (xrf1)  }
0x523: {  	[tilespmem:v7+s18+$0x0] =	vst.idx.add.f32.msk vm7, v5  }
0x524: {  	[tilespmem:v8+s18+$0x0] =	vst.idx.add.f32.msk vm8, v2;
	v5 =	vcvt.s32.f32 v6;
	v6 =	vcvt.s32.f32 v10  }
0x525: {  	[tilespmem:v14+s18+$0x0] =	vst.idx.add.f32.msk vm9, v3;
	v2 =	vcvt.s32.f32 v9;
	_, v3, vm1 =	vpop (xrf1)  }
0x526: {  	[tilespmem:v11+s18+$0x0] =	vst.idx.add.f32.msk vm6, v6  }
0x527: {  	[tilespmem:v13+s18+$0x0] =	vst.idx.add.f32.msk vm2, v2;
	v2 =	vcvt.s32.f32 v19  }
0x528: {  	[tilespmem:v17+s18+$0x0] =	vst.idx.add.f32.msk vm4, v5;
	v5 =	vcvt.s32.f32 v15  }
0x529: {  	[tilespmem:v12+s18+$0x0] =	vst.idx.add.f32.msk vm3, v2;
	v2 =	vcvt.s32.f32 v3  }
0x52a: {  	[tilespmem:v16+s18+$0x0] =	vst.idx.add.f32.msk vm5, v5  }
0x52b: {  	[tilespmem:v4+s18+$0x0] =	vst.idx.add.f32.msk vm1, v2  }
0x52c: {  	[tilespmem:s20], [sflag:$0x1] =	stream.linear.gather [hbm4b:s30+s18], $0x1400, $0x38;
	[tilespmem:$0x1FA00] =	vst v63  }
0x52d: {  	_ =	swait.ge [sflag:s3], $0x1400  }
0x52e: {  	[sflag:s3] =	ssyncset.done $0x0  }
0x52f: {  	s8 =	simm.s32 $0x19CF0;
	[sflag:s3] =	ssyncadd.s32 $0xFFFFEC00  }
0x530: {  	v2 =	vld [tilespmem:s8+$0xFFFFFFB0]  }
0x531: {  	v3 =	vld [tilespmem:s8+$0xFFFFFFA0];
	_ =	sdelay $0x1  }
0x532: {  	v4 =	vld [tilespmem:s8+$0xFFFFFFF0];
	_ =	sdelay $0x1  }
0x533: {  	v18 =	vadd.s32 v1, v2  }
0x534: {  	v2 =	vld [tilespmem:s8+$0xFFFFFFD0];
	v5 =	vadd.s32 v1, v3;
	(xrf1) =	vunique.msk.u32 $0xffff, v18  }
0x535: {  	v6 =	vld [tilespmem:s8+$0xFFFFFFE0];
	(xrf1) =	vunique.msk.u32 $0xffff, v5  }
0x536: {  	v3 =	vadd.s32 v1, v4;
	v4 =	vld [tilespmem:s8+$0xFFFFFF90];
	_ =	sdelay $0x1  }
0x537: {  	v8 =	vld [tilespmem:s8+$0xFFFFFFC0]  }
0x538: {  	(xrf1) =	vunique.msk.u32 $0xffff, v3;
	v2 =	vadd.s32 v1, v2  }
0x539: {  	v6 =	vadd.s32 v1, v6;
	(xrf1) =	vunique.msk.u32 $0xffff, v2  }
0x53a: {  	v7 =	vld [tilespmem:s8+$0x0];
	v9 =	vadd.s32 v1, v4;
	(xrf1) =	vunique.msk.u32 $0xffff, v6  }
0x53b: {  	(xrf1) =	vunique.msk.u32 $0xffff, v9  }
0x53c: {  	s12 =	simm.s32 $0x19DF0;
	v10 =	vadd.s32 v1, v8  }
0x53d: {  	v11 =	vld [tilespmem:s12+$0xFFFFFFB0];
	(xrf1) =	vunique.msk.u32 $0xffff, v10  }
0x53e: {  	v12 =	vld [tilespmem:s12+$0xFFFFFFA0]  }
0x53f: {  	v7 =	vadd.s32 v1, v7  }
0x540: {  	v20 =	vld [tilespmem:s12+$0xFFFFFFF0];
	(xrf1) =	vunique.msk.u32 $0xffff, v7  }
0x541: {  	v19 =	vld [tilespmem:s12+$0xFFFFFFE0];
	_, v15, vm1 =	vpop (xrf1)  }
0x542: {  	v8 =	vadd.s32 v1, v11;
	v4 =	vld [tilespmem:s12+$0x0];
	_, v62, vm3 =	vpop (xrf1)  }
0x543: {  	v16 =	vld [tilespmem:s12+$0xFFFFFFD0];
	v14 =	vadd.s32 v1, v12;
	(xrf1) =	vunique.msk.u32 $0xffff, v8  }
0x544: {  	(xrf1) =	vunique.msk.u32 $0xffff, v14  }
0x545: {  	v13 =	vld [tilespmem:s12+$0xFFFFFF90];
	v63 =	vcvt.s32.f32 v15  }
0x546: {  	v17 =	vld [tilespmem:s12+$0xFFFFFFC0];
	v11 =	vadd.s32 v1, v19;
	_, v15, vm2 =	vpop (xrf1);
	v19 =	vcvt.s32.f32 v62  }
0x547: {  	s9 =	simm.s32 $0x19EF0;
	s8 =	simm.s32 $0x8;
	v12 =	vadd.s32 v1, v20;
	v4 =	vadd.s32 v1, v4;
	[tilespmem:v18+s18+$0x0] =	vst.idx.add.f32.msk vm1, v63;
	_, v18, vm1 =	vpop (xrf1)  }
.LBB2_38:
0x548: {  	s8 =	sadd.s32 $0x8, s8;
	v20 =	vadd.s32 v1, v16;
	(xrf1) =	vunique.msk.u32 $0xffff, v12;
	[tilespmem:v5+s18+$0x0] =	vst.idx.add.f32.msk vm3, v19;
	_, v16, vm4 =	vpop (xrf1);
	v5 =	vmov v14  }
0x549: {  	v14 =	vld [tilespmem:s9+$0xFFFFFFB0];
	p0 =	slt.u32 s8, $0x98;
	(xrf1) =	vunique.msk.u32 $0xffff, v20;
	v19 =	vcvt.s32.f32 v16;
	_, v16, vm3 =	vpop (xrf1)  }
0x54a: {  	v22 =	vadd.s32 v1, v13;
	v18 =	vcvt.s32.f32 v18;
	v21 =	vld [tilespmem:s9+$0xFFFFFFA0];
	(xrf1) =	vunique.msk.u32 $0xffff, v11  }
0x54b: {  	v13 =	vld [tilespmem:s9+$0xFFFFFF90];
	(xrf1) =	vunique.msk.u32 $0xffff, v22;
	_, v23, vm5 =	vpop (xrf1)  }
0x54c: {  	v25 =	vcvt.s32.f32 v16;
	v17 =	vadd.s32 v1, v17;
	v24 =	vld [tilespmem:s9+$0xFFFFFFF0]  }
0x54d: {  	v16 =	vld [tilespmem:s9+$0xFFFFFFD0];
	(xrf1) =	vunique.msk.u32 $0xffff, v17  }
0x54e: {  	v26 =	vld [tilespmem:s9+$0xFFFFFFE0];
	_, v27, vm6 =	vpop (xrf1)  }
0x54f: {  	v23 =	vcvt.s32.f32 v23;
	[tilespmem:v9+s18+$0x0] =	vst.idx.add.f32.msk vm3, v25;
	v9 =	vmov v22  }
0x550: {  	v15 =	vcvt.s32.f32 v15;
	v22 =	vld [tilespmem:s9+$0x0];
	(xrf1) =	vunique.msk.u32 $0xffff, v4  }
0x551: {  	_, v25, vm7 =	vpop (xrf1);
	[tilespmem:v10+s18+$0x0] =	vst.idx.add.f32.msk vm5, v23;
	v10 =	vmov v17  }
0x552: {  	v27 =	vcvt.s32.f32 v27;
	v23 =	vadd.s32 v1, v14;
	_, v28, vm3 =	vpop (xrf1);
	[tilespmem:v3+s18+$0x0] =	vst.idx.add.f32.msk vm2, v15;
	v3 =	vmov v12  }
.Ltmp18:
0x553: {  	v14 =	vadd.s32 v1, v21;
	(xrf1) =	vunique.msk.u32 $0xffff, v23;
	[tilespmem:v6+s18+$0x0] =	vst.idx.add.f32.msk vm4, v19;
	v6 =	vmov v11;
	(pc) =	sbr.rel @p0 .LBB2_38-.Ltmp18, $4  }
0x554: {  	(xrf1) =	vunique.msk.u32 $0xffff, v14;
	[tilespmem:v2+s18+$0x0] =	vst.idx.add.f32.msk vm1, v18;
	v2 =	vmov v20  }
0x555: {  	v20 =	vcvt.s32.f32 v25;
	[tilespmem:v7+s18+$0x0] =	vst.idx.add.f32.msk vm6, v27;
	v7 =	vmov v4;
	v4 =	vadd.s32 v1, v22  }
0x556: {  	v11 =	vadd.s32 v1, v26;
	v19 =	vcvt.s32.f32 v28;
	v17 =	vld [tilespmem:s9+$0xFFFFFFC0];
	_, v15, vm2 =	vpop (xrf1)  }
0x557: {  	v12 =	vadd.s32 v1, v24;
	s9 =	sadd.s32 $0x100, s9;
	[tilespmem:v8+s18+$0x0] =	vst.idx.add.f32.msk vm7, v20;
	_, v18, vm1 =	vpop (xrf1);
	v8 =	vmov v23  }
0x558: {  	v16 =	vadd.s32 v1, v16;
	(xrf1) =	vunique.msk.u32 $0xffff, v12  }
0x559: {  	(xrf1) =	vunique.msk.u32 $0xffff, v16  }
0x55a: {  	v13 =	vadd.s32 v1, v13;
	(xrf1) =	vunique.msk.u32 $0xffff, v11  }
0x55b: {  	(xrf1) =	vunique.msk.u32 $0xffff, v13;
	v17 =	vadd.s32 v1, v17  }
0x55c: {  	(xrf1) =	vunique.msk.u32 $0xffff, v17  }
0x55d: {  	_, v20, vm4 =	vpop (xrf1)  }
0x55e: {  	_, v21, vm5 =	vpop (xrf1)  }
0x55f: {  	(xrf1) =	vunique.msk.u32 $0xffff, v4;
	_ =	sdelay $0x1  }
0x560: {  	_, v22, vm6 =	vpop (xrf1)  }
0x561: {  	v21 =	vcvt.s32.f32 v21  }
0x562: {  	_, v23, vm7 =	vpop (xrf1)  }
0x563: {  	[tilespmem:v9+s18+$0x0] =	vst.idx.add.f32.msk vm5, v21;
	v9 =	vcvt.s32.f32 v15;
	_, v24, vm8 =	vpop (xrf1)  }
0x564: {  	[tilespmem:v5+s18+$0x0] =	vst.idx.add.f32.msk vm3, v19;
	v5 =	vcvt.s32.f32 v22;
	_, v25, vm9 =	vpop (xrf1)  }
0x565: {  	[tilespmem:v3+s18+$0x0] =	vst.idx.add.f32.msk vm2, v9;
	v3 =	vcvt.s32.f32 v18;
	_, v19, vm3 =	vpop (xrf1)  }
0x566: {  	[tilespmem:v10+s18+$0x0] =	vst.idx.add.f32.msk vm6, v5;
	v5 =	vcvt.s32.f32 v20;
	_, v15, vm5 =	vpop (xrf1)  }
0x567: {  	[tilespmem:v2+s18+$0x0] =	vst.idx.add.f32.msk vm1, v3;
	v3 =	vcvt.s32.f32 v25;
	_, v10, vm6 =	vpop (xrf1)  }
0x568: {  	[tilespmem:v6+s18+$0x0] =	vst.idx.add.f32.msk vm4, v5;
	v5 =	vcvt.s32.f32 v23;
	_, v9, vm2 =	vpop (xrf1)  }
0x569: {  	v2 =	vcvt.s32.f32 v24;
	_, v6, vm4 =	vpop (xrf1)  }
0x56a: {  	[tilespmem:v7+s18+$0x0] =	vst.idx.add.f32.msk vm7, v5  }
0x56b: {  	[tilespmem:v8+s18+$0x0] =	vst.idx.add.f32.msk vm8, v2;
	v5 =	vcvt.s32.f32 v6;
	v6 =	vcvt.s32.f32 v10  }
0x56c: {  	[tilespmem:v14+s18+$0x0] =	vst.idx.add.f32.msk vm9, v3;
	v2 =	vcvt.s32.f32 v9;
	_, v3, vm1 =	vpop (xrf1)  }
0x56d: {  	[tilespmem:v11+s18+$0x0] =	vst.idx.add.f32.msk vm6, v6  }
0x56e: {  	[tilespmem:v13+s18+$0x0] =	vst.idx.add.f32.msk vm2, v2;
	v2 =	vcvt.s32.f32 v19  }
0x56f: {  	[tilespmem:v17+s18+$0x0] =	vst.idx.add.f32.msk vm4, v5;
	v5 =	vcvt.s32.f32 v15  }
0x570: {  	[tilespmem:v12+s18+$0x0] =	vst.idx.add.f32.msk vm3, v2;
	v2 =	vcvt.s32.f32 v3  }
0x571: {  	[tilespmem:v16+s18+$0x0] =	vst.idx.add.f32.msk vm5, v5  }
0x572: {  	[tilespmem:v4+s18+$0x0] =	vst.idx.add.f32.msk vm1, v2  }
0x573: {  	s8 =	rddreg [dreg:$0x5]  }
0x574: {  	[tilespmem:s0], [sflag:$0x2] =	stream.linear.gather [hbm4b:s8+s18], $0x1400, $0x38;
	[tilespmem:$0x1FA00] =	vst v63  }
0x575: {  	_ =	swait.ge [sflag:s2], $0x1400  }
0x576: {  	[sflag:s2] =	ssyncset.done $0x0  }
0x577: {  	s11 =	simm.s32 $0x188F0;
	[sflag:s2] =	ssyncadd.s32 $0xFFFFEC00  }
0x578: {  	v2 =	vld [tilespmem:s11+$0xFFFFFFB0]  }
0x579: {  	v3 =	vld [tilespmem:s11+$0xFFFFFFA0];
	_ =	sdelay $0x1  }
0x57a: {  	v4 =	vld [tilespmem:s11+$0xFFFFFFF0];
	_ =	sdelay $0x1  }
0x57b: {  	v18 =	vadd.s32 v1, v2  }
0x57c: {  	v2 =	vld [tilespmem:s11+$0xFFFFFFD0];
	v5 =	vadd.s32 v1, v3;
	(xrf1) =	vunique.msk.u32 $0xffff, v18  }
0x57d: {  	v6 =	vld [tilespmem:s11+$0xFFFFFFE0];
	(xrf1) =	vunique.msk.u32 $0xffff, v5  }
0x57e: {  	v3 =	vadd.s32 v1, v4;
	v4 =	vld [tilespmem:s11+$0xFFFFFF90];
	_ =	sdelay $0x1  }
0x57f: {  	v8 =	vld [tilespmem:s11+$0xFFFFFFC0]  }
0x580: {  	(xrf1) =	vunique.msk.u32 $0xffff, v3;
	v2 =	vadd.s32 v1, v2  }
0x581: {  	v6 =	vadd.s32 v1, v6;
	(xrf1) =	vunique.msk.u32 $0xffff, v2  }
0x582: {  	v7 =	vld [tilespmem:s11+$0x0];
	v9 =	vadd.s32 v1, v4;
	(xrf1) =	vunique.msk.u32 $0xffff, v6  }
0x583: {  	(xrf1) =	vunique.msk.u32 $0xffff, v9  }
0x584: {  	s12 =	simm.s32 $0x189F0;
	v10 =	vadd.s32 v1, v8  }
0x585: {  	v11 =	vld [tilespmem:s12+$0xFFFFFFB0];
	(xrf1) =	vunique.msk.u32 $0xffff, v10  }
0x586: {  	v12 =	vld [tilespmem:s12+$0xFFFFFFA0]  }
0x587: {  	v7 =	vadd.s32 v1, v7  }
0x588: {  	v20 =	vld [tilespmem:s12+$0xFFFFFFF0];
	(xrf1) =	vunique.msk.u32 $0xffff, v7  }
0x589: {  	v19 =	vld [tilespmem:s12+$0xFFFFFFE0];
	_, v15, vm1 =	vpop (xrf1)  }
0x58a: {  	v8 =	vadd.s32 v1, v11;
	v4 =	vld [tilespmem:s12+$0x0];
	_, v62, vm3 =	vpop (xrf1)  }
0x58b: {  	v16 =	vld [tilespmem:s12+$0xFFFFFFD0];
	v14 =	vadd.s32 v1, v12;
	(xrf1) =	vunique.msk.u32 $0xffff, v8  }
0x58c: {  	(xrf1) =	vunique.msk.u32 $0xffff, v14  }
0x58d: {  	v13 =	vld [tilespmem:s12+$0xFFFFFF90];
	v63 =	vcvt.s32.f32 v15  }
0x58e: {  	v17 =	vld [tilespmem:s12+$0xFFFFFFC0];
	v11 =	vadd.s32 v1, v19;
	_, v15, vm2 =	vpop (xrf1);
	v19 =	vcvt.s32.f32 v62  }
0x58f: {  	s9 =	simm.s32 $0x18AF0;
	s8 =	simm.s32 $0x8;
	v12 =	vadd.s32 v1, v20;
	v4 =	vadd.s32 v1, v4;
	[tilespmem:v18+s18+$0x0] =	vst.idx.add.f32.msk vm1, v63;
	_, v18, vm1 =	vpop (xrf1)  }
.LBB2_40:
0x590: {  	s8 =	sadd.s32 $0x8, s8;
	v20 =	vadd.s32 v1, v16;
	(xrf1) =	vunique.msk.u32 $0xffff, v12;
	[tilespmem:v5+s18+$0x0] =	vst.idx.add.f32.msk vm3, v19;
	_, v16, vm4 =	vpop (xrf1);
	v5 =	vmov v14  }
0x591: {  	v14 =	vld [tilespmem:s9+$0xFFFFFFB0];
	p0 =	slt.u32 s8, $0x98;
	(xrf1) =	vunique.msk.u32 $0xffff, v20;
	v19 =	vcvt.s32.f32 v16;
	_, v16, vm3 =	vpop (xrf1)  }
0x592: {  	v22 =	vadd.s32 v1, v13;
	v18 =	vcvt.s32.f32 v18;
	v21 =	vld [tilespmem:s9+$0xFFFFFFA0];
	(xrf1) =	vunique.msk.u32 $0xffff, v11  }
0x593: {  	v13 =	vld [tilespmem:s9+$0xFFFFFF90];
	(xrf1) =	vunique.msk.u32 $0xffff, v22;
	_, v23, vm5 =	vpop (xrf1)  }
0x594: {  	v25 =	vcvt.s32.f32 v16;
	v17 =	vadd.s32 v1, v17;
	v24 =	vld [tilespmem:s9+$0xFFFFFFF0]  }
0x595: {  	v16 =	vld [tilespmem:s9+$0xFFFFFFD0];
	(xrf1) =	vunique.msk.u32 $0xffff, v17  }
0x596: {  	v26 =	vld [tilespmem:s9+$0xFFFFFFE0];
	_, v27, vm6 =	vpop (xrf1)  }
0x597: {  	v23 =	vcvt.s32.f32 v23;
	[tilespmem:v9+s18+$0x0] =	vst.idx.add.f32.msk vm3, v25;
	v9 =	vmov v22  }
0x598: {  	v15 =	vcvt.s32.f32 v15;
	v22 =	vld [tilespmem:s9+$0x0];
	(xrf1) =	vunique.msk.u32 $0xffff, v4  }
0x599: {  	_, v25, vm7 =	vpop (xrf1);
	[tilespmem:v10+s18+$0x0] =	vst.idx.add.f32.msk vm5, v23;
	v10 =	vmov v17  }
0x59a: {  	v27 =	vcvt.s32.f32 v27;
	v23 =	vadd.s32 v1, v14;
	_, v28, vm3 =	vpop (xrf1);
	[tilespmem:v3+s18+$0x0] =	vst.idx.add.f32.msk vm2, v15;
	v3 =	vmov v12  }
.Ltmp19:
0x59b: {  	v14 =	vadd.s32 v1, v21;
	(xrf1) =	vunique.msk.u32 $0xffff, v23;
	[tilespmem:v6+s18+$0x0] =	vst.idx.add.f32.msk vm4, v19;
	v6 =	vmov v11;
	(pc) =	sbr.rel @p0 .LBB2_40-.Ltmp19, $4  }
0x59c: {  	(xrf1) =	vunique.msk.u32 $0xffff, v14;
	[tilespmem:v2+s18+$0x0] =	vst.idx.add.f32.msk vm1, v18;
	v2 =	vmov v20  }
0x59d: {  	v20 =	vcvt.s32.f32 v25;
	[tilespmem:v7+s18+$0x0] =	vst.idx.add.f32.msk vm6, v27;
	v7 =	vmov v4;
	v4 =	vadd.s32 v1, v22  }
0x59e: {  	v11 =	vadd.s32 v1, v26;
	v19 =	vcvt.s32.f32 v28;
	v17 =	vld [tilespmem:s9+$0xFFFFFFC0];
	_, v15, vm2 =	vpop (xrf1)  }
0x59f: {  	v12 =	vadd.s32 v1, v24;
	s9 =	sadd.s32 $0x100, s9;
	[tilespmem:v8+s18+$0x0] =	vst.idx.add.f32.msk vm7, v20;
	_, v18, vm1 =	vpop (xrf1);
	v8 =	vmov v23  }
0x5a0: {  	v16 =	vadd.s32 v1, v16;
	(xrf1) =	vunique.msk.u32 $0xffff, v12  }
0x5a1: {  	(xrf1) =	vunique.msk.u32 $0xffff, v16  }
0x5a2: {  	v13 =	vadd.s32 v1, v13;
	(xrf1) =	vunique.msk.u32 $0xffff, v11  }
0x5a3: {  	(xrf1) =	vunique.msk.u32 $0xffff, v13;
	v17 =	vadd.s32 v1, v17  }
0x5a4: {  	(xrf1) =	vunique.msk.u32 $0xffff, v17  }
0x5a5: {  	_, v20, vm4 =	vpop (xrf1)  }
0x5a6: {  	_, v21, vm5 =	vpop (xrf1)  }
0x5a7: {  	(xrf1) =	vunique.msk.u32 $0xffff, v4;
	_ =	sdelay $0x1  }
0x5a8: {  	_, v22, vm6 =	vpop (xrf1)  }
0x5a9: {  	v21 =	vcvt.s32.f32 v21  }
0x5aa: {  	_, v23, vm7 =	vpop (xrf1)  }
0x5ab: {  	[tilespmem:v9+s18+$0x0] =	vst.idx.add.f32.msk vm5, v21;
	v9 =	vcvt.s32.f32 v15;
	_, v24, vm8 =	vpop (xrf1)  }
0x5ac: {  	[tilespmem:v5+s18+$0x0] =	vst.idx.add.f32.msk vm3, v19;
	v5 =	vcvt.s32.f32 v22;
	_, v25, vm9 =	vpop (xrf1)  }
0x5ad: {  	[tilespmem:v3+s18+$0x0] =	vst.idx.add.f32.msk vm2, v9;
	v3 =	vcvt.s32.f32 v18;
	_, v19, vm3 =	vpop (xrf1)  }
0x5ae: {  	[tilespmem:v10+s18+$0x0] =	vst.idx.add.f32.msk vm6, v5;
	v5 =	vcvt.s32.f32 v20;
	_, v15, vm5 =	vpop (xrf1)  }
0x5af: {  	[tilespmem:v2+s18+$0x0] =	vst.idx.add.f32.msk vm1, v3;
	v3 =	vcvt.s32.f32 v25;
	_, v10, vm6 =	vpop (xrf1)  }
0x5b0: {  	[tilespmem:v6+s18+$0x0] =	vst.idx.add.f32.msk vm4, v5;
	v5 =	vcvt.s32.f32 v23;
	_, v9, vm2 =	vpop (xrf1)  }
0x5b1: {  	v2 =	vcvt.s32.f32 v24;
	_, v6, vm4 =	vpop (xrf1)  }
0x5b2: {  	[tilespmem:v7+s18+$0x0] =	vst.idx.add.f32.msk vm7, v5  }
0x5b3: {  	[tilespmem:v8+s18+$0x0] =	vst.idx.add.f32.msk vm8, v2;
	v5 =	vcvt.s32.f32 v6;
	v6 =	vcvt.s32.f32 v10  }
0x5b4: {  	[tilespmem:v14+s18+$0x0] =	vst.idx.add.f32.msk vm9, v3;
	v2 =	vcvt.s32.f32 v9;
	_, v3, vm1 =	vpop (xrf1)  }
0x5b5: {  	[tilespmem:v11+s18+$0x0] =	vst.idx.add.f32.msk vm6, v6  }
0x5b6: {  	[tilespmem:v13+s18+$0x0] =	vst.idx.add.f32.msk vm2, v2;
	v2 =	vcvt.s32.f32 v19  }
0x5b7: {  	[tilespmem:v17+s18+$0x0] =	vst.idx.add.f32.msk vm4, v5;
	v5 =	vcvt.s32.f32 v15  }
0x5b8: {  	[tilespmem:v12+s18+$0x0] =	vst.idx.add.f32.msk vm3, v2;
	v2 =	vcvt.s32.f32 v3  }
0x5b9: {  	[tilespmem:v16+s18+$0x0] =	vst.idx.add.f32.msk vm5, v5  }
0x5ba: {  	[tilespmem:v4+s18+$0x0] =	vst.idx.add.f32.msk vm1, v2  }
0x5bb: {  	_ =	swait.ge [sflag:s3], $0x1400  }
0x5bc: {  	[sflag:s3] =	ssyncset.done $0x0  }
0x5bd: {  	s8 =	simm.s32 $0x19CF0;
	[sflag:s3] =	ssyncadd.s32 $0xFFFFEC00  }
0x5be: {  	v2 =	vld [tilespmem:s8+$0xFFFFFFB0];
	_ =	sdelay $0x4  }
0x5bf: {  	v19 =	vadd.s32 v1, v2  }
0x5c0: {  	(xrf1) =	vunique.msk.u32 $0xffff, v19  }
0x5c1: {  	v3 =	vld [tilespmem:s8+$0xFFFFFFA0]  }
0x5c2: {  	v4 =	vld [tilespmem:s8+$0xFFFFFFC0]  }
0x5c3: {  	v6 =	vld [tilespmem:s8+$0x0]  }
0x5c4: {  	v2 =	vld [tilespmem:s8+$0xFFFFFFE0];
	_ =	sdelay $0x2  }
0x5c5: {  	v8 =	vadd.s32 v1, v3  }
0x5c6: {  	v3 =	vld [tilespmem:s8+$0xFFFFFF90];
	(xrf1) =	vunique.msk.u32 $0xffff, v8  }
0x5c7: {  	v5 =	vadd.s32 v1, v4;
	v4 =	vadd.s32 v1, v2;
	v2 =	vadd.s32 v1, v6;
	v6 =	vld [tilespmem:s8+$0xFFFFFFF0];
	_ =	sdelay $0x1  }
0x5c8: {  	(xrf1) =	vunique.msk.u32 $0xffff, v5  }
0x5c9: {  	(xrf1) =	vunique.msk.u32 $0xffff, v4  }
0x5ca: {  	v3 =	vadd.s32 v1, v3;
	(xrf1) =	vunique.msk.u32 $0xffff, v2  }
0x5cb: {  	v9 =	vld [tilespmem:s8+$0xFFFFFFD0];
	v7 =	vadd.s32 v1, v6;
	_, v12, vm1 =	vpop (xrf1);
	(xrf1) =	vunique.msk.u32 $0xffff, v3  }
0x5cc: {  	s12 =	simm.s32 $0x19DF0;
	(xrf1) =	vunique.msk.u32 $0xffff, v7  }
0x5cd: {  	v10 =	vld [tilespmem:s12+$0xFFFFFFB0]  }
0x5ce: {  	v11 =	vld [tilespmem:s12+$0xFFFFFFA0];
	_ =	sdelay $0x1  }
0x5cf: {  	v6 =	vadd.s32 v1, v9  }
0x5d0: {  	(xrf1) =	vunique.msk.u32 $0xffff, v6  }
0x5d1: {  	v18 =	vld [tilespmem:s12+$0xFFFFFFC0];
	v10 =	vadd.s32 v1, v10;
	vm4 =	vmand vm0, vm1  }
0x5d2: {  	v20 =	vld [tilespmem:s12+$0xFFFFFFE0];
	v9 =	vadd.s32 v1, v11;
	_, v21, vm1 =	vpop (xrf1);
	(xrf1) =	vunique.msk.u32 $0xffff, v10  }
0x5d3: {  	v16 =	vld [tilespmem:s12+$0x0];
	vm2 =	vmand vm0, vm1;
	(xrf1) =	vunique.msk.u32 $0xffff, v9  }
0x5d4: {  	v14 =	vld [tilespmem:s12+$0xFFFFFF90]  }
0x5d5: {  	v15 =	vld [tilespmem:s12+$0xFFFFFFF0];
	v22 =	vcvt.s32.f32 v12;
	_, v17, vm3 =	vpop (xrf1)  }
0x5d6: {  	v13 =	vld [tilespmem:s12+$0xFFFFFFD0];
	v12 =	vadd.s32 v1, v18;
	vm1 =	vmand vm0, vm3;
	_, v18, vm3 =	vpop (xrf1)  }
0x5d7: {  	s9 =	simm.s32 $0x19EF0;
	s8 =	simm.s32 $0x8;
	v11 =	vadd.s32 v1, v20;
	v20 =	vcvt.s32.f32 v21;
	(xrf1) =	vunique.msk.u32 $0xffff, v12;
	[tilespmem:v19+s18+$0x0] =	vst.idx.add.f32.msk vm4, v22;
	_, v19, vm4 =	vpop (xrf1)  }
.LBB2_42:
0x5d8: {  	v21 =	vld [tilespmem:s9+$0xFFFFFFB0];
	s8 =	sadd.s32 $0x8, s8;
	v22 =	vadd.s32 v1, v16;
	(xrf1) =	vunique.msk.u32 $0xffff, v11;
	vm6 =	vmand vm0, vm3;
	vm4 =	vmand vm0, vm4;
	_, v16, vm3 =	vpop (xrf1)  }
0x5d9: {  	v23 =	vadd.s32 v1, v14;
	p0 =	slt.u32 s8, $0x98;
	(xrf1) =	vunique.msk.u32 $0xffff, v22;
	vm3 =	vmand vm0, vm3;
	[tilespmem:v8+s18+$0x0] =	vst.idx.add.f32.msk vm2, v20;
	_, v20, vm2 =	vpop (xrf1)  }
0x5da: {  	v25 =	vadd.s32 v1, v15;
	v14 =	vcvt.s32.f32 v17;
	v26 =	vmovc v10;
	v24 =	vld [tilespmem:s9+$0xFFFFFFA0];
	(xrf1) =	vunique.msk.u32 $0xffff, v23;
	vm5 =	vmand vm0, vm2  }
0x5db: {  	v10 =	vcvt.s32.f32 v18;
	v17 =	vcvt.s32.f32 v19;
	v8 =	vmovc v9;
	v27 =	vld [tilespmem:s9+$0xFFFFFFC0];
	(xrf1) =	vunique.msk.u32 $0xffff, v25  }
0x5dc: {  	[tilespmem:v5+s18+$0x0] =	vst.idx.add.f32.msk vm1, v14;
	v5 =	vmov v12  }
0x5dd: {  	v18 =	vcvt.s32.f32 v20;
	v12 =	vcvt.s32.f32 v16;
	v14 =	vld [tilespmem:s9+$0xFFFFFF90]  }
0x5de: {  	v16 =	vld [tilespmem:s9+$0x0];
	_, v19, vm1 =	vpop (xrf1)  }
0x5df: {  	v20 =	vadd.s32 v1, v13;
	v15 =	vld [tilespmem:s9+$0xFFFFFFF0];
	vm7 =	vmand vm0, vm1  }
0x5e0: {  	_, v28, vm1 =	vpop (xrf1);
	(xrf1) =	vunique.msk.u32 $0xffff, v20;
	[tilespmem:v4+s18+$0x0] =	vst.idx.add.f32.msk vm6, v10;
	v4 =	vmov v11  }
0x5e1: {  	v10 =	vadd.s32 v1, v21;
	v13 =	vld [tilespmem:s9+$0xFFFFFFD0];
	vm6 =	vmand vm0, vm1;
	_, v21, vm1 =	vpop (xrf1)  }
0x5e2: {  	v9 =	vadd.s32 v1, v24;
	v11 =	vld [tilespmem:s9+$0xFFFFFFE0];
	(xrf1) =	vunique.msk.u32 $0xffff, v10  }
.Ltmp20:
0x5e3: {  	v24 =	vcvt.s32.f32 v19;
	vm2 =	vmand vm0, vm1;
	(xrf1) =	vunique.msk.u32 $0xffff, v9;
	[tilespmem:v2+s18+$0x0] =	vst.idx.add.f32.msk vm4, v17;
	v2 =	vmovc v22;
	(pc) =	sbr.rel @p0 .LBB2_42-.Ltmp20, $4  }
0x5e4: {  	[tilespmem:v7+s18+$0x0] =	vst.idx.add.f32.msk vm5, v18;
	v7 =	vmov v25  }
0x5e5: {  	v22 =	vcvt.s32.f32 v28;
	_, v17, vm1 =	vpop (xrf1);
	[tilespmem:v3+s18+$0x0] =	vst.idx.add.f32.msk vm3, v12;
	v3 =	vmov v23  }
0x5e6: {  	v12 =	vadd.s32 v1, v27;
	vm1 =	vmand vm0, vm1;
	_, v18, vm3 =	vpop (xrf1);
	[tilespmem:v6+s18+$0x0] =	vst.idx.add.f32.msk vm7, v24;
	v6 =	vmov v20  }
0x5e7: {  	s9 =	sadd.s32 $0x100, s9;
	v20 =	vcvt.s32.f32 v21;
	v11 =	vadd.s32 v1, v11;
	(xrf1) =	vunique.msk.u32 $0xffff, v12;
	[tilespmem:v26+s18+$0x0] =	vst.idx.add.f32.msk vm6, v22;
	_, v19, vm4 =	vpop (xrf1)  }
0x5e8: {  	v16 =	vadd.s32 v1, v16;
	(xrf1) =	vunique.msk.u32 $0xffff, v11  }
0x5e9: {  	v14 =	vadd.s32 v1, v14;
	(xrf1) =	vunique.msk.u32 $0xffff, v16  }
0x5ea: {  	v15 =	vadd.s32 v1, v15;
	(xrf1) =	vunique.msk.u32 $0xffff, v14  }
0x5eb: {  	v1 =	vadd.s32 v1, v13;
	(xrf1) =	vunique.msk.u32 $0xffff, v15  }
0x5ec: {  	(xrf1) =	vunique.msk.u32 $0xffff, v1;
	_ =	sdelay $0x1  }
0x5ed: {  	vm4 =	vmand vm0, vm4  }
0x5ee: {  	_, v58, vm5 =	vpop (xrf1);
	vm3 =	vmand vm0, vm3  }
0x5ef: {  	v17 =	vcvt.s32.f32 v17;
	_, v21, vm6 =	vpop (xrf1)  }
0x5f0: {  	vm6 =	vmand vm0, vm6;
	_, v22, vm7 =	vpop (xrf1)  }
0x5f1: {  	vm5 =	vmand vm0, vm5;
	[tilespmem:v5+s18+$0x0] =	vst.idx.add.f32.msk vm1, v17;
	v5 =	vcvt.s32.f32 v19;
	_, v23, vm8 =	vpop (xrf1)  }
0x5f2: {  	v59 =	vcvt.s32.f32 v18;
	[tilespmem:v8+s18+$0x0] =	vst.idx.add.f32.msk vm2, v20;
	vm1 =	vmand vm0, vm8  }
0x5f3: {  	[tilespmem:v2+s18+$0x0] =	vst.idx.add.f32.msk vm4, v5;
	v2 =	vcvt.s32.f32 v58;
	vm2 =	vmand vm0, vm7;
	_, v60, vm12 =	vpop (xrf1)  }
0x5f4: {  	[tilespmem:v4+s18+$0x0] =	vst.idx.add.f32.msk vm3, v59;
	v4 =	vcvt.s32.f32 v21;
	vm3 =	vmand vm0, vm12;
	_, v61, vm13 =	vpop (xrf1)  }
0x5f5: {  	_, v62, vm14 =	vpop (xrf1);
	vm4 =	vmand vm0, vm13  }
0x5f6: {  	[tilespmem:v7+s18+$0x0] =	vst.idx.add.f32.msk vm6, v4;
	v63 =	vcvt.s32.f32 v23;
	_, v5, vm15 =	vpop (xrf1);
	vm6 =	vmand vm0, vm14  }
0x5f7: {  	v4 =	vcvt.s32.f32 v22;
	[tilespmem:v3+s18+$0x0] =	vst.idx.add.f32.msk vm5, v2;
	_, v7, vm12 =	vpop (xrf1);
	vm13 =	vmand vm0, vm15  }
0x5f8: {  	v3 =	vcvt.s32.f32 v60;
	[tilespmem:v10+s18+$0x0] =	vst.idx.add.f32.msk vm1, v63;
	_, v2, vm14 =	vpop (xrf1);
	vm1 =	vmand vm0, vm12  }
0x5f9: {  	[tilespmem:v6+s18+$0x0] =	vst.idx.add.f32.msk vm2, v4;
	v4 =	vcvt.s32.f32 v61;
	vm2 =	vmand vm0, vm14;
	_, v6, vm15 =	vpop (xrf1)  }
0x5fa: {  	[tilespmem:v9+s18+$0x0] =	vst.idx.add.f32.msk vm3, v3;
	v3 =	vcvt.s32.f32 v62;
	vm3 =	vmand vm0, vm15  }
0x5fb: {  	v5 =	vcvt.s32.f32 v5;
	[tilespmem:v12+s18+$0x0] =	vst.idx.add.f32.msk vm4, v4  }
0x5fc: {  	[tilespmem:v11+s18+$0x0] =	vst.idx.add.f32.msk vm6, v3;
	v3 =	vcvt.s32.f32 v7  }
0x5fd: {  	v2 =	vcvt.s32.f32 v2;
	[tilespmem:v16+s18+$0x0] =	vst.idx.add.f32.msk vm13, v5  }
0x5fe: {  	v4 =	vcvt.s32.f32 v6;
	[tilespmem:v14+s18+$0x0] =	vst.idx.add.f32.msk vm1, v3  }
0x5ff: {  	[tilespmem:v15+s18+$0x0] =	vst.idx.add.f32.msk vm2, v2  }
0x600: {  	[tilespmem:v1+s18+$0x0] =	vst.idx.add.f32.msk vm3, v4  }
0x601: {  	s8 =	rddreg [dreg:$0x17]  }
0x602: {  	[spmem:s10] =	stream.strided.scatter [tilespmem:s8], [sflag:$0x3], $0x1880, s5, s4, $0x38;
	[tilespmem:$0x1FA00] =	vst v63  }
0x603: {  	_ =	swait.ge [sflag:s31], $0x1880  }
0x604: {  	[sflag:s31] =	ssyncset.done $0x0  }
0x605: {  	[sflag:s31] =	ssyncadd.s32 $0xFFFFE780  }
0x606: {  	[bflag:$0x0] =	sbarrier.arrive $0xFFFF  }
0x607: {  	[tilespmem:s6], [sflag:$0x3] =	stream.strided.gather [spmem:s10], $0x1880, s5, s4, $0x38;
	[tilespmem:$0x1FA00] =	vst v63  }
0x608: {  	_ =	swait.ge [sflag:s31], $0x1880  }
0x609: {  	[sflag:s31] =	ssyncset.done $0x0  }
0x60a: {  	s11 =	simm.s32 $0x1B040;
	[sflag:s31] =	ssyncadd.s32 $0xFFFFE780  }
0x60b: {  	v4 =	vld [tilespmem:s11+$0x30]  }
0x60c: {  	v5 =	vld [tilespmem:s11+$0xFFFFFFD0]  }
0x60d: {  	v6 =	vld [tilespmem:s11+$0xFFFFFFE0]  }
0x60e: {  	v1 =	vld [tilespmem:s11+$0xFFFFFFF0]  }
0x60f: {  	s8 =	simm.s32 $0x1C8C0;
	v2 =	vld [tilespmem:s11+$0x0]  }
0x610: {  	v3 =	vld [tilespmem:s11+$0x10];
	[tilespmem:s8+$0x30] =	vst v4  }
0x611: {  	[tilespmem:s8+$0xFFFFFFD0] =	vst v5;
	v4 =	vld [tilespmem:s11+$0x20]  }
0x612: {  	s9 =	simm.s32 $0x0;
	v5 =	vld [tilespmem:s11+$0xFFFFFFC0];
	[tilespmem:s8+$0xFFFFFFE0] =	vst v6;
	s11 =	simm.s32 $0x1B0C0  }
.LBB2_44:
0x613: {  	v6 =	vld [tilespmem:s11+$0x30];
	s9 =	sadd.s32 $0x8, s9;
	[tilespmem:s8+$0xFFFFFFF0] =	vst v1  }
0x614: {  	v7 =	vld [tilespmem:s11+$0xFFFFFFD0];
	p0 =	slt.u32 s9, $0x180;
	[tilespmem:s8+$0x0] =	vst v2  }
0x615: {  	v8 =	vld [tilespmem:s11+$0xFFFFFFE0];
	[tilespmem:s8+$0x10] =	vst v3  }
.Ltmp21:
0x616: {  	v1 =	vld [tilespmem:s11+$0xFFFFFFF0];
	[tilespmem:s8+$0x20] =	vst v4;
	(pc) =	sbr.rel @p0 .LBB2_44-.Ltmp21, $4  }
0x617: {  	v2 =	vld [tilespmem:s11+$0x0];
	[tilespmem:s8+$0xFFFFFFC0] =	vst v5;
	s8 =	sadd.s32 $0x80, s8  }
0x618: {  	v3 =	vld [tilespmem:s11+$0x10];
	[tilespmem:s8+$0x30] =	vst v6  }
0x619: {  	[tilespmem:s8+$0xFFFFFFD0] =	vst v7;
	v4 =	vld [tilespmem:s11+$0x20]  }
0x61a: {  	v5 =	vld [tilespmem:s11+$0xFFFFFFC0];
	[tilespmem:s8+$0xFFFFFFE0] =	vst v8;
	s11 =	sadd.s32 $0x80, s11  }
0x61b: {  	[tilespmem:s8+$0xFFFFFFF0] =	vst v1  }
0x61c: {  	[tilespmem:s8+$0x0] =	vst v2  }
0x61d: {  	[tilespmem:s8+$0x10] =	vst v3  }
0x61e: {  	[tilespmem:s8+$0x20] =	vst v4  }
0x61f: {  	[tilespmem:s8+$0xFFFFFFC0] =	vst v5  }
0x620: {  	[bflag:$0x0] =	sbarrier.arrive $0xFFFF  }
0x621: {  	s11 =	rddreg [dreg:$0x18]  }
0x622: {  	[spmem:s10] =	stream.strided.scatter [tilespmem:s11], [sflag:$0x3], $0x1880, s5, s4, $0x38;
	[tilespmem:$0x1FA00] =	vst v63  }
0x623: {  	_ =	swait.ge [sflag:s31], $0x1880  }
0x624: {  	[sflag:s31] =	ssyncset.done $0x0  }
0x625: {  	[sflag:s31] =	ssyncadd.s32 $0xFFFFE780  }
0x626: {  	[bflag:$0x0] =	sbarrier.arrive $0xFFFF  }
0x627: {  	s12 =	rddreg [dreg:$0x6]  }
0x628: {  	[tilespmem:s6], [sflag:$0x3] =	stream.strided.gather [spmem:s12], $0x1880, s5, s4, $0x38;
	[tilespmem:$0x1FA00] =	vst v63  }
0x629: {  	_ =	swait.ge [sflag:s31], $0x1880  }
0x62a: {  	[sflag:s31] =	ssyncset.done $0x0  }
0x62b: {  	s8 =	simm.s32 $0x1C8C0;
	[sflag:s31] =	ssyncadd.s32 $0xFFFFE780  }
0x62c: {  	s9 =	simm.s32 $0x1B040;
	v2 =	vld [tilespmem:s8+$0x30]  }
0x62d: {  	v3 =	vld [tilespmem:s9+$0x30]  }
0x62e: {  	v1 =	vld [tilespmem:s9+$0xFFFFFFC0]  }
0x62f: {  	v4 =	vld [tilespmem:s8+$0xFFFFFFD0]  }
0x630: {  	v5 =	vld [tilespmem:s9+$0xFFFFFFD0]  }
0x631: {  	v6 =	vld [tilespmem:s8+$0xFFFFFFE0]  }
0x632: {  	v7 =	vld [tilespmem:s9+$0xFFFFFFE0]  }
0x633: {  	v8 =	vld [tilespmem:s8+$0xFFFFFFF0]  }
0x634: {  	v9 =	vld [tilespmem:s9+$0xFFFFFFF0]  }
0x635: {  	v10 =	vld [tilespmem:s8+$0x0]  }
0x636: {  	v11 =	vld [tilespmem:s9+$0x0];
	v3 =	vadd.f32 v3, v2  }
0x637: {  	v5 =	vadd.f32 v5, v4;
	v2 =	vld [tilespmem:s8+$0x10]  }
0x638: {  	v6 =	vadd.f32 v7, v6;
	v4 =	vld [tilespmem:s9+$0x10];
	[tilespmem:s8+$0x30] =	vst v3  }
0x639: {  	v7 =	vadd.f32 v9, v8;
	[tilespmem:s8+$0xFFFFFFD0] =	vst v5;
	v3 =	vld [tilespmem:s8+$0x20]  }
0x63a: {  	[tilespmem:s8+$0xFFFFFFE0] =	vst v6;
	v6 =	vld [tilespmem:s9+$0x20]  }
0x63b: {  	s11 =	simm.s32 $0x0;
	s12 =	simm.s32 $0x1C940;
	v5 =	vld [tilespmem:s8+$0xFFFFFFC0];
	[tilespmem:s8+$0xFFFFFFF0] =	vst v7;
	v7 =	vadd.f32 v11, v10  }
.LBB2_46:
0x63c: {  	v8 =	vld [tilespmem:s12+$0x30];
	s9 =	sadd.s32 $0x80, s9  }
0x63d: {  	s11 =	sadd.s32 $0x8, s11;
	v9 =	vld [tilespmem:s9+$0x30];
	[tilespmem:s8+$0x0] =	vst v7;
	v2 =	vadd.f32 v4, v2  }
0x63e: {  	p0 =	slt.u32 s11, $0x180;
	v4 =	vld [tilespmem:s9+$0xFFFFFFC0]  }
0x63f: {  	v7 =	vld [tilespmem:s12+$0xFFFFFFD0];
	[tilespmem:s8+$0x10] =	vst v2;
	v2 =	vadd.f32 v6, v3  }
0x640: {  	v3 =	vld [tilespmem:s9+$0xFFFFFFD0];
	v10 =	vadd.f32 v1, v5  }
0x641: {  	v5 =	vld [tilespmem:s12+$0xFFFFFFE0];
	[tilespmem:s8+$0x20] =	vst v2  }
0x642: {  	v2 =	vld [tilespmem:s9+$0xFFFFFFE0];
	v6 =	vadd.f32 v9, v8;
	[tilespmem:s8+$0xFFFFFFC0] =	vst v10;
	s8 =	smov.u32 s12  }
0x643: {  	v8 =	vld [tilespmem:s12+$0xFFFFFFF0];
	v1 =	vmov v4  }
0x644: {  	v9 =	vld [tilespmem:s9+$0xFFFFFFF0];
	[tilespmem:s12+$0x30] =	vst v6  }
0x645: {  	v3 =	vadd.f32 v3, v7;
	v7 =	vld [tilespmem:s12+$0x0]  }
0x646: {  	v10 =	vld [tilespmem:s9+$0x0]  }
.Ltmp22:
0x647: {  	[tilespmem:s12+$0xFFFFFFD0] =	vst v3;
	v3 =	vadd.f32 v2, v5;
	v2 =	vld [tilespmem:s12+$0x10];
	(pc) =	sbr.rel @p0 .LBB2_46-.Ltmp22, $4  }
0x648: {  	v4 =	vld [tilespmem:s9+$0x10]  }
0x649: {  	[tilespmem:s12+$0xFFFFFFE0] =	vst v3;
	v8 =	vadd.f32 v9, v8;
	v3 =	vld [tilespmem:s12+$0x20]  }
0x64a: {  	v6 =	vld [tilespmem:s9+$0x20]  }
0x64b: {  	s12 =	sadd.s32 $0x80, s12;
	v5 =	vld [tilespmem:s8+$0xFFFFFFC0];
	[tilespmem:s8+$0xFFFFFFF0] =	vst v8;
	v7 =	vadd.f32 v10, v7  }
0x64c: {  	_ =	sdelay $0x1  }
0x64d: {  	v2 =	vadd.f32 v4, v2  }
0x64e: {  	[tilespmem:s8+$0x0] =	vst v7;
	v3 =	vadd.f32 v6, v3  }
0x64f: {  	[tilespmem:s8+$0x10] =	vst v2;
	v1 =	vadd.f32 v1, v5  }
0x650: {  	[tilespmem:s8+$0x20] =	vst v3  }
0x651: {  	[tilespmem:s8+$0xFFFFFFC0] =	vst v1  }
0x652: {  	[bflag:$0x0] =	sbarrier.arrive $0xFFFF  }
0x653: {  	s11 =	rddreg [dreg:$0x19]  }
0x654: {  	[spmem:s10] =	stream.strided.scatter [tilespmem:s11], [sflag:$0x3], $0x1880, s5, s4, $0x38;
	[tilespmem:$0x1FA00] =	vst v63  }
0x655: {  	_ =	swait.ge [sflag:s31], $0x1880  }
0x656: {  	[sflag:s31] =	ssyncset.done $0x0  }
0x657: {  	[sflag:s31] =	ssyncadd.s32 $0xFFFFE780  }
0x658: {  	[bflag:$0x0] =	sbarrier.arrive $0xFFFF  }
0x659: {  	s12 =	rddreg [dreg:$0x7]  }
0x65a: {  	[tilespmem:s6], [sflag:$0x3] =	stream.strided.gather [spmem:s12], $0x1880, s5, s4, $0x38;
	[tilespmem:$0x1FA00] =	vst v63  }
0x65b: {  	_ =	swait.ge [sflag:s31], $0x1880  }
0x65c: {  	[sflag:s31] =	ssyncset.done $0x0  }
0x65d: {  	s8 =	simm.s32 $0x1C8C0;
	[sflag:s31] =	ssyncadd.s32 $0xFFFFE780  }
0x65e: {  	s9 =	simm.s32 $0x1B040;
	v2 =	vld [tilespmem:s8+$0x30]  }
0x65f: {  	v3 =	vld [tilespmem:s9+$0x30]  }
0x660: {  	v1 =	vld [tilespmem:s9+$0xFFFFFFC0]  }
0x661: {  	v4 =	vld [tilespmem:s8+$0xFFFFFFD0]  }
0x662: {  	v5 =	vld [tilespmem:s9+$0xFFFFFFD0]  }
0x663: {  	v6 =	vld [tilespmem:s8+$0xFFFFFFE0]  }
0x664: {  	v7 =	vld [tilespmem:s9+$0xFFFFFFE0]  }
0x665: {  	v8 =	vld [tilespmem:s8+$0xFFFFFFF0]  }
0x666: {  	v9 =	vld [tilespmem:s9+$0xFFFFFFF0]  }
0x667: {  	v10 =	vld [tilespmem:s8+$0x0]  }
0x668: {  	v11 =	vld [tilespmem:s9+$0x0];
	v3 =	vadd.f32 v3, v2  }
0x669: {  	v5 =	vadd.f32 v5, v4;
	v2 =	vld [tilespmem:s8+$0x10]  }
0x66a: {  	v6 =	vadd.f32 v7, v6;
	v4 =	vld [tilespmem:s9+$0x10];
	[tilespmem:s8+$0x30] =	vst v3  }
0x66b: {  	v7 =	vadd.f32 v9, v8;
	[tilespmem:s8+$0xFFFFFFD0] =	vst v5;
	v3 =	vld [tilespmem:s8+$0x20]  }
0x66c: {  	[tilespmem:s8+$0xFFFFFFE0] =	vst v6;
	v6 =	vld [tilespmem:s9+$0x20]  }
0x66d: {  	s11 =	simm.s32 $0x0;
	s12 =	simm.s32 $0x1C940;
	v5 =	vld [tilespmem:s8+$0xFFFFFFC0];
	[tilespmem:s8+$0xFFFFFFF0] =	vst v7;
	v7 =	vadd.f32 v11, v10  }
.LBB2_48:
0x66e: {  	v8 =	vld [tilespmem:s12+$0x30];
	s9 =	sadd.s32 $0x80, s9  }
0x66f: {  	s11 =	sadd.s32 $0x8, s11;
	v9 =	vld [tilespmem:s9+$0x30];
	[tilespmem:s8+$0x0] =	vst v7;
	v2 =	vadd.f32 v4, v2  }
0x670: {  	p0 =	slt.u32 s11, $0x180;
	v4 =	vld [tilespmem:s9+$0xFFFFFFC0]  }
0x671: {  	v7 =	vld [tilespmem:s12+$0xFFFFFFD0];
	[tilespmem:s8+$0x10] =	vst v2;
	v2 =	vadd.f32 v6, v3  }
0x672: {  	v3 =	vld [tilespmem:s9+$0xFFFFFFD0];
	v10 =	vadd.f32 v1, v5  }
0x673: {  	v5 =	vld [tilespmem:s12+$0xFFFFFFE0];
	[tilespmem:s8+$0x20] =	vst v2  }
0x674: {  	v2 =	vld [tilespmem:s9+$0xFFFFFFE0];
	v6 =	vadd.f32 v9, v8;
	[tilespmem:s8+$0xFFFFFFC0] =	vst v10;
	s8 =	smov.u32 s12  }
0x675: {  	v8 =	vld [tilespmem:s12+$0xFFFFFFF0];
	v1 =	vmov v4  }
0x676: {  	v9 =	vld [tilespmem:s9+$0xFFFFFFF0];
	[tilespmem:s12+$0x30] =	vst v6  }
0x677: {  	v3 =	vadd.f32 v3, v7;
	v7 =	vld [tilespmem:s12+$0x0]  }
0x678: {  	v10 =	vld [tilespmem:s9+$0x0]  }
.Ltmp23:
0x679: {  	[tilespmem:s12+$0xFFFFFFD0] =	vst v3;
	v3 =	vadd.f32 v2, v5;
	v2 =	vld [tilespmem:s12+$0x10];
	(pc) =	sbr.rel @p0 .LBB2_48-.Ltmp23, $4  }
0x67a: {  	v4 =	vld [tilespmem:s9+$0x10]  }
0x67b: {  	[tilespmem:s12+$0xFFFFFFE0] =	vst v3;
	v8 =	vadd.f32 v9, v8;
	v3 =	vld [tilespmem:s12+$0x20]  }
0x67c: {  	v6 =	vld [tilespmem:s9+$0x20]  }
0x67d: {  	s12 =	sadd.s32 $0x80, s12;
	v5 =	vld [tilespmem:s8+$0xFFFFFFC0];
	[tilespmem:s8+$0xFFFFFFF0] =	vst v8;
	v7 =	vadd.f32 v10, v7  }
0x67e: {  	_ =	sdelay $0x1  }
0x67f: {  	v2 =	vadd.f32 v4, v2  }
0x680: {  	[tilespmem:s8+$0x0] =	vst v7;
	v3 =	vadd.f32 v6, v3  }
0x681: {  	[tilespmem:s8+$0x10] =	vst v2;
	v1 =	vadd.f32 v1, v5  }
0x682: {  	[tilespmem:s8+$0x20] =	vst v3  }
0x683: {  	[tilespmem:s8+$0xFFFFFFC0] =	vst v1  }
0x684: {  	[bflag:$0x0] =	sbarrier.arrive $0xFFFF  }
0x685: {  	s11 =	rddreg [dreg:$0x1a]  }
0x686: {  	[spmem:s10] =	stream.strided.scatter [tilespmem:s11], [sflag:$0x3], $0x1880, s5, s4, $0x38;
	[tilespmem:$0x1FA00] =	vst v63  }
0x687: {  	_ =	swait.ge [sflag:s31], $0x1880  }
0x688: {  	[sflag:s31] =	ssyncset.done $0x0  }
0x689: {  	[sflag:s31] =	ssyncadd.s32 $0xFFFFE780  }
0x68a: {  	[bflag:$0x0] =	sbarrier.arrive $0xFFFF  }
0x68b: {  	s12 =	rddreg [dreg:$0x8]  }
0x68c: {  	[tilespmem:s6], [sflag:$0x3] =	stream.strided.gather [spmem:s12], $0x1880, s5, s4, $0x38;
	[tilespmem:$0x1FA00] =	vst v63  }
0x68d: {  	_ =	swait.ge [sflag:s31], $0x1880  }
0x68e: {  	[sflag:s31] =	ssyncset.done $0x0  }
0x68f: {  	s8 =	simm.s32 $0x1C8C0;
	[sflag:s31] =	ssyncadd.s32 $0xFFFFE780  }
0x690: {  	s9 =	simm.s32 $0x1B040;
	v2 =	vld [tilespmem:s8+$0x30]  }
0x691: {  	v3 =	vld [tilespmem:s9+$0x30]  }
0x692: {  	v1 =	vld [tilespmem:s9+$0xFFFFFFC0]  }
0x693: {  	v4 =	vld [tilespmem:s8+$0xFFFFFFD0]  }
0x694: {  	v5 =	vld [tilespmem:s9+$0xFFFFFFD0]  }
0x695: {  	v6 =	vld [tilespmem:s8+$0xFFFFFFE0]  }
0x696: {  	v7 =	vld [tilespmem:s9+$0xFFFFFFE0]  }
0x697: {  	v8 =	vld [tilespmem:s8+$0xFFFFFFF0]  }
0x698: {  	v9 =	vld [tilespmem:s9+$0xFFFFFFF0]  }
0x699: {  	v10 =	vld [tilespmem:s8+$0x0]  }
0x69a: {  	v11 =	vld [tilespmem:s9+$0x0];
	v3 =	vadd.f32 v3, v2  }
0x69b: {  	v5 =	vadd.f32 v5, v4;
	v2 =	vld [tilespmem:s8+$0x10]  }
0x69c: {  	v6 =	vadd.f32 v7, v6;
	v4 =	vld [tilespmem:s9+$0x10];
	[tilespmem:s8+$0x30] =	vst v3  }
0x69d: {  	v7 =	vadd.f32 v9, v8;
	[tilespmem:s8+$0xFFFFFFD0] =	vst v5;
	v3 =	vld [tilespmem:s8+$0x20]  }
0x69e: {  	[tilespmem:s8+$0xFFFFFFE0] =	vst v6;
	v6 =	vld [tilespmem:s9+$0x20]  }
0x69f: {  	s11 =	simm.s32 $0x0;
	s12 =	simm.s32 $0x1C940;
	v5 =	vld [tilespmem:s8+$0xFFFFFFC0];
	[tilespmem:s8+$0xFFFFFFF0] =	vst v7;
	v7 =	vadd.f32 v11, v10  }
.LBB2_50:
0x6a0: {  	v8 =	vld [tilespmem:s12+$0x30];
	s9 =	sadd.s32 $0x80, s9  }
0x6a1: {  	s11 =	sadd.s32 $0x8, s11;
	v9 =	vld [tilespmem:s9+$0x30];
	[tilespmem:s8+$0x0] =	vst v7;
	v2 =	vadd.f32 v4, v2  }
0x6a2: {  	p0 =	slt.u32 s11, $0x180;
	v4 =	vld [tilespmem:s9+$0xFFFFFFC0]  }
0x6a3: {  	v7 =	vld [tilespmem:s12+$0xFFFFFFD0];
	[tilespmem:s8+$0x10] =	vst v2;
	v2 =	vadd.f32 v6, v3  }
0x6a4: {  	v3 =	vld [tilespmem:s9+$0xFFFFFFD0];
	v10 =	vadd.f32 v1, v5  }
0x6a5: {  	v5 =	vld [tilespmem:s12+$0xFFFFFFE0];
	[tilespmem:s8+$0x20] =	vst v2  }
0x6a6: {  	v2 =	vld [tilespmem:s9+$0xFFFFFFE0];
	v6 =	vadd.f32 v9, v8;
	[tilespmem:s8+$0xFFFFFFC0] =	vst v10;
	s8 =	smov.u32 s12  }
0x6a7: {  	v8 =	vld [tilespmem:s12+$0xFFFFFFF0];
	v1 =	vmov v4  }
0x6a8: {  	v9 =	vld [tilespmem:s9+$0xFFFFFFF0];
	[tilespmem:s12+$0x30] =	vst v6  }
0x6a9: {  	v3 =	vadd.f32 v3, v7;
	v7 =	vld [tilespmem:s12+$0x0]  }
0x6aa: {  	v10 =	vld [tilespmem:s9+$0x0]  }
.Ltmp24:
0x6ab: {  	[tilespmem:s12+$0xFFFFFFD0] =	vst v3;
	v3 =	vadd.f32 v2, v5;
	v2 =	vld [tilespmem:s12+$0x10];
	(pc) =	sbr.rel @p0 .LBB2_50-.Ltmp24, $4  }
0x6ac: {  	v4 =	vld [tilespmem:s9+$0x10]  }
0x6ad: {  	[tilespmem:s12+$0xFFFFFFE0] =	vst v3;
	v8 =	vadd.f32 v9, v8;
	v3 =	vld [tilespmem:s12+$0x20]  }
0x6ae: {  	v6 =	vld [tilespmem:s9+$0x20]  }
0x6af: {  	s12 =	sadd.s32 $0x80, s12;
	v5 =	vld [tilespmem:s8+$0xFFFFFFC0];
	[tilespmem:s8+$0xFFFFFFF0] =	vst v8;
	v7 =	vadd.f32 v10, v7  }
0x6b0: {  	_ =	sdelay $0x1  }
0x6b1: {  	v2 =	vadd.f32 v4, v2  }
0x6b2: {  	[tilespmem:s8+$0x0] =	vst v7;
	v3 =	vadd.f32 v6, v3  }
0x6b3: {  	[tilespmem:s8+$0x10] =	vst v2;
	v1 =	vadd.f32 v1, v5  }
0x6b4: {  	[tilespmem:s8+$0x20] =	vst v3  }
0x6b5: {  	[tilespmem:s8+$0xFFFFFFC0] =	vst v1  }
0x6b6: {  	[bflag:$0x0] =	sbarrier.arrive $0xFFFF  }
0x6b7: {  	s11 =	rddreg [dreg:$0x1b]  }
0x6b8: {  	[spmem:s10] =	stream.strided.scatter [tilespmem:s11], [sflag:$0x3], $0x1880, s5, s4, $0x38;
	[tilespmem:$0x1FA00] =	vst v63  }
0x6b9: {  	_ =	swait.ge [sflag:s31], $0x1880  }
0x6ba: {  	[sflag:s31] =	ssyncset.done $0x0  }
0x6bb: {  	[sflag:s31] =	ssyncadd.s32 $0xFFFFE780  }
0x6bc: {  	[bflag:$0x0] =	sbarrier.arrive $0xFFFF  }
0x6bd: {  	s12 =	rddreg [dreg:$0x9]  }
0x6be: {  	[tilespmem:s6], [sflag:$0x3] =	stream.strided.gather [spmem:s12], $0x1880, s5, s4, $0x38;
	[tilespmem:$0x1FA00] =	vst v63  }
0x6bf: {  	_ =	swait.ge [sflag:s31], $0x1880  }
0x6c0: {  	[sflag:s31] =	ssyncset.done $0x0  }
0x6c1: {  	s8 =	simm.s32 $0x1C8C0;
	[sflag:s31] =	ssyncadd.s32 $0xFFFFE780  }
0x6c2: {  	s9 =	simm.s32 $0x1B040;
	v2 =	vld [tilespmem:s8+$0x30]  }
0x6c3: {  	v3 =	vld [tilespmem:s9+$0x30]  }
0x6c4: {  	v1 =	vld [tilespmem:s9+$0xFFFFFFC0]  }
0x6c5: {  	v4 =	vld [tilespmem:s8+$0xFFFFFFD0]  }
0x6c6: {  	v5 =	vld [tilespmem:s9+$0xFFFFFFD0]  }
0x6c7: {  	v6 =	vld [tilespmem:s8+$0xFFFFFFE0]  }
0x6c8: {  	v7 =	vld [tilespmem:s9+$0xFFFFFFE0]  }
0x6c9: {  	v8 =	vld [tilespmem:s8+$0xFFFFFFF0]  }
0x6ca: {  	v9 =	vld [tilespmem:s9+$0xFFFFFFF0]  }
0x6cb: {  	v10 =	vld [tilespmem:s8+$0x0]  }
0x6cc: {  	v11 =	vld [tilespmem:s9+$0x0];
	v3 =	vadd.f32 v3, v2  }
0x6cd: {  	v5 =	vadd.f32 v5, v4;
	v2 =	vld [tilespmem:s8+$0x10]  }
0x6ce: {  	v6 =	vadd.f32 v7, v6;
	v4 =	vld [tilespmem:s9+$0x10];
	[tilespmem:s8+$0x30] =	vst v3  }
0x6cf: {  	v7 =	vadd.f32 v9, v8;
	[tilespmem:s8+$0xFFFFFFD0] =	vst v5;
	v3 =	vld [tilespmem:s8+$0x20]  }
0x6d0: {  	[tilespmem:s8+$0xFFFFFFE0] =	vst v6;
	v6 =	vld [tilespmem:s9+$0x20]  }
0x6d1: {  	s11 =	simm.s32 $0x0;
	s12 =	simm.s32 $0x1C940;
	v5 =	vld [tilespmem:s8+$0xFFFFFFC0];
	[tilespmem:s8+$0xFFFFFFF0] =	vst v7;
	v7 =	vadd.f32 v11, v10  }
.LBB2_52:
0x6d2: {  	v8 =	vld [tilespmem:s12+$0x30];
	s9 =	sadd.s32 $0x80, s9  }
0x6d3: {  	s11 =	sadd.s32 $0x8, s11;
	v9 =	vld [tilespmem:s9+$0x30];
	[tilespmem:s8+$0x0] =	vst v7;
	v2 =	vadd.f32 v4, v2  }
0x6d4: {  	p0 =	slt.u32 s11, $0x180;
	v4 =	vld [tilespmem:s9+$0xFFFFFFC0]  }
0x6d5: {  	v7 =	vld [tilespmem:s12+$0xFFFFFFD0];
	[tilespmem:s8+$0x10] =	vst v2;
	v2 =	vadd.f32 v6, v3  }
0x6d6: {  	v3 =	vld [tilespmem:s9+$0xFFFFFFD0];
	v10 =	vadd.f32 v1, v5  }
0x6d7: {  	v5 =	vld [tilespmem:s12+$0xFFFFFFE0];
	[tilespmem:s8+$0x20] =	vst v2  }
0x6d8: {  	v2 =	vld [tilespmem:s9+$0xFFFFFFE0];
	v6 =	vadd.f32 v9, v8;
	[tilespmem:s8+$0xFFFFFFC0] =	vst v10;
	s8 =	smov.u32 s12  }
0x6d9: {  	v8 =	vld [tilespmem:s12+$0xFFFFFFF0];
	v1 =	vmov v4  }
0x6da: {  	v9 =	vld [tilespmem:s9+$0xFFFFFFF0];
	[tilespmem:s12+$0x30] =	vst v6  }
0x6db: {  	v3 =	vadd.f32 v3, v7;
	v7 =	vld [tilespmem:s12+$0x0]  }
0x6dc: {  	v10 =	vld [tilespmem:s9+$0x0]  }
.Ltmp25:
0x6dd: {  	[tilespmem:s12+$0xFFFFFFD0] =	vst v3;
	v3 =	vadd.f32 v2, v5;
	v2 =	vld [tilespmem:s12+$0x10];
	(pc) =	sbr.rel @p0 .LBB2_52-.Ltmp25, $4  }
0x6de: {  	v4 =	vld [tilespmem:s9+$0x10]  }
0x6df: {  	[tilespmem:s12+$0xFFFFFFE0] =	vst v3;
	v8 =	vadd.f32 v9, v8;
	v3 =	vld [tilespmem:s12+$0x20]  }
0x6e0: {  	v6 =	vld [tilespmem:s9+$0x20]  }
0x6e1: {  	s12 =	sadd.s32 $0x80, s12;
	v5 =	vld [tilespmem:s8+$0xFFFFFFC0];
	[tilespmem:s8+$0xFFFFFFF0] =	vst v8;
	v7 =	vadd.f32 v10, v7  }
0x6e2: {  	_ =	sdelay $0x1  }
0x6e3: {  	v2 =	vadd.f32 v4, v2  }
0x6e4: {  	[tilespmem:s8+$0x0] =	vst v7;
	v3 =	vadd.f32 v6, v3  }
0x6e5: {  	[tilespmem:s8+$0x10] =	vst v2;
	v1 =	vadd.f32 v1, v5  }
0x6e6: {  	[tilespmem:s8+$0x20] =	vst v3  }
0x6e7: {  	[tilespmem:s8+$0xFFFFFFC0] =	vst v1  }
0x6e8: {  	[bflag:$0x0] =	sbarrier.arrive $0xFFFF  }
0x6e9: {  	s11 =	rddreg [dreg:$0x1c]  }
0x6ea: {  	[spmem:s10] =	stream.strided.scatter [tilespmem:s11], [sflag:$0x3], $0x1880, s5, s4, $0x38;
	[tilespmem:$0x1FA00] =	vst v63  }
0x6eb: {  	_ =	swait.ge [sflag:s31], $0x1880  }
0x6ec: {  	[sflag:s31] =	ssyncset.done $0x0  }
0x6ed: {  	[sflag:s31] =	ssyncadd.s32 $0xFFFFE780  }
0x6ee: {  	[bflag:$0x0] =	sbarrier.arrive $0xFFFF  }
0x6ef: {  	s12 =	rddreg [dreg:$0xa]  }
0x6f0: {  	[tilespmem:s6], [sflag:$0x3] =	stream.strided.gather [spmem:s12], $0x1880, s5, s4, $0x38;
	[tilespmem:$0x1FA00] =	vst v63  }
0x6f1: {  	_ =	swait.ge [sflag:s31], $0x1880  }
0x6f2: {  	[sflag:s31] =	ssyncset.done $0x0  }
0x6f3: {  	s8 =	simm.s32 $0x1C8C0;
	[sflag:s31] =	ssyncadd.s32 $0xFFFFE780  }
0x6f4: {  	s9 =	simm.s32 $0x1B040;
	v2 =	vld [tilespmem:s8+$0x30]  }
0x6f5: {  	v3 =	vld [tilespmem:s9+$0x30]  }
0x6f6: {  	v1 =	vld [tilespmem:s9+$0xFFFFFFC0]  }
0x6f7: {  	v4 =	vld [tilespmem:s8+$0xFFFFFFD0]  }
0x6f8: {  	v5 =	vld [tilespmem:s9+$0xFFFFFFD0]  }
0x6f9: {  	v6 =	vld [tilespmem:s8+$0xFFFFFFE0]  }
0x6fa: {  	v7 =	vld [tilespmem:s9+$0xFFFFFFE0]  }
0x6fb: {  	v8 =	vld [tilespmem:s8+$0xFFFFFFF0]  }
0x6fc: {  	v9 =	vld [tilespmem:s9+$0xFFFFFFF0]  }
0x6fd: {  	v10 =	vld [tilespmem:s8+$0x0]  }
0x6fe: {  	v11 =	vld [tilespmem:s9+$0x0];
	v3 =	vadd.f32 v3, v2  }
0x6ff: {  	v5 =	vadd.f32 v5, v4;
	v2 =	vld [tilespmem:s8+$0x10]  }
0x700: {  	v6 =	vadd.f32 v7, v6;
	v4 =	vld [tilespmem:s9+$0x10];
	[tilespmem:s8+$0x30] =	vst v3  }
0x701: {  	v7 =	vadd.f32 v9, v8;
	[tilespmem:s8+$0xFFFFFFD0] =	vst v5;
	v3 =	vld [tilespmem:s8+$0x20]  }
0x702: {  	[tilespmem:s8+$0xFFFFFFE0] =	vst v6;
	v6 =	vld [tilespmem:s9+$0x20]  }
0x703: {  	s11 =	simm.s32 $0x0;
	s12 =	simm.s32 $0x1C940;
	v5 =	vld [tilespmem:s8+$0xFFFFFFC0];
	[tilespmem:s8+$0xFFFFFFF0] =	vst v7;
	v7 =	vadd.f32 v11, v10  }
.LBB2_54:
0x704: {  	v8 =	vld [tilespmem:s12+$0x30];
	s9 =	sadd.s32 $0x80, s9  }
0x705: {  	s11 =	sadd.s32 $0x8, s11;
	v9 =	vld [tilespmem:s9+$0x30];
	[tilespmem:s8+$0x0] =	vst v7;
	v2 =	vadd.f32 v4, v2  }
0x706: {  	p0 =	slt.u32 s11, $0x180;
	v4 =	vld [tilespmem:s9+$0xFFFFFFC0]  }
0x707: {  	v7 =	vld [tilespmem:s12+$0xFFFFFFD0];
	[tilespmem:s8+$0x10] =	vst v2;
	v2 =	vadd.f32 v6, v3  }
0x708: {  	v3 =	vld [tilespmem:s9+$0xFFFFFFD0];
	v10 =	vadd.f32 v1, v5  }
0x709: {  	v5 =	vld [tilespmem:s12+$0xFFFFFFE0];
	[tilespmem:s8+$0x20] =	vst v2  }
0x70a: {  	v2 =	vld [tilespmem:s9+$0xFFFFFFE0];
	v6 =	vadd.f32 v9, v8;
	[tilespmem:s8+$0xFFFFFFC0] =	vst v10;
	s8 =	smov.u32 s12  }
0x70b: {  	v8 =	vld [tilespmem:s12+$0xFFFFFFF0];
	v1 =	vmov v4  }
0x70c: {  	v9 =	vld [tilespmem:s9+$0xFFFFFFF0];
	[tilespmem:s12+$0x30] =	vst v6  }
0x70d: {  	v3 =	vadd.f32 v3, v7;
	v7 =	vld [tilespmem:s12+$0x0]  }
0x70e: {  	v10 =	vld [tilespmem:s9+$0x0]  }
.Ltmp26:
0x70f: {  	[tilespmem:s12+$0xFFFFFFD0] =	vst v3;
	v3 =	vadd.f32 v2, v5;
	v2 =	vld [tilespmem:s12+$0x10];
	(pc) =	sbr.rel @p0 .LBB2_54-.Ltmp26, $4  }
0x710: {  	v4 =	vld [tilespmem:s9+$0x10]  }
0x711: {  	[tilespmem:s12+$0xFFFFFFE0] =	vst v3;
	v8 =	vadd.f32 v9, v8;
	v3 =	vld [tilespmem:s12+$0x20]  }
0x712: {  	v6 =	vld [tilespmem:s9+$0x20]  }
0x713: {  	s12 =	sadd.s32 $0x80, s12;
	v5 =	vld [tilespmem:s8+$0xFFFFFFC0];
	[tilespmem:s8+$0xFFFFFFF0] =	vst v8;
	v7 =	vadd.f32 v10, v7  }
0x714: {  	_ =	sdelay $0x1  }
0x715: {  	v2 =	vadd.f32 v4, v2  }
0x716: {  	[tilespmem:s8+$0x0] =	vst v7;
	v3 =	vadd.f32 v6, v3  }
0x717: {  	[tilespmem:s8+$0x10] =	vst v2;
	v1 =	vadd.f32 v1, v5  }
0x718: {  	[tilespmem:s8+$0x20] =	vst v3  }
0x719: {  	[tilespmem:s8+$0xFFFFFFC0] =	vst v1  }
0x71a: {  	[bflag:$0x0] =	sbarrier.arrive $0xFFFF  }
0x71b: {  	s11 =	rddreg [dreg:$0x1d]  }
0x71c: {  	[spmem:s10] =	stream.strided.scatter [tilespmem:s11], [sflag:$0x3], $0x1880, s5, s4, $0x38;
	[tilespmem:$0x1FA00] =	vst v63  }
0x71d: {  	_ =	swait.ge [sflag:s31], $0x1880  }
0x71e: {  	[sflag:s31] =	ssyncset.done $0x0  }
0x71f: {  	[sflag:s31] =	ssyncadd.s32 $0xFFFFE780  }
0x720: {  	[bflag:$0x0] =	sbarrier.arrive $0xFFFF  }
0x721: {  	s12 =	rddreg [dreg:$0xb]  }
0x722: {  	[tilespmem:s6], [sflag:$0x3] =	stream.strided.gather [spmem:s12], $0x1880, s5, s4, $0x38;
	[tilespmem:$0x1FA00] =	vst v63  }
0x723: {  	_ =	swait.ge [sflag:s31], $0x1880  }
0x724: {  	[sflag:s31] =	ssyncset.done $0x0  }
0x725: {  	s8 =	simm.s32 $0x1C8C0;
	[sflag:s31] =	ssyncadd.s32 $0xFFFFE780  }
0x726: {  	s9 =	simm.s32 $0x1B040;
	v2 =	vld [tilespmem:s8+$0x30]  }
0x727: {  	v3 =	vld [tilespmem:s9+$0x30]  }
0x728: {  	v1 =	vld [tilespmem:s9+$0xFFFFFFC0]  }
0x729: {  	v4 =	vld [tilespmem:s8+$0xFFFFFFD0]  }
0x72a: {  	v5 =	vld [tilespmem:s9+$0xFFFFFFD0]  }
0x72b: {  	v6 =	vld [tilespmem:s8+$0xFFFFFFE0]  }
0x72c: {  	v7 =	vld [tilespmem:s9+$0xFFFFFFE0]  }
0x72d: {  	v8 =	vld [tilespmem:s8+$0xFFFFFFF0]  }
0x72e: {  	v9 =	vld [tilespmem:s9+$0xFFFFFFF0]  }
0x72f: {  	v10 =	vld [tilespmem:s8+$0x0]  }
0x730: {  	v11 =	vld [tilespmem:s9+$0x0];
	v3 =	vadd.f32 v3, v2  }
0x731: {  	v5 =	vadd.f32 v5, v4;
	v2 =	vld [tilespmem:s8+$0x10]  }
0x732: {  	v6 =	vadd.f32 v7, v6;
	v4 =	vld [tilespmem:s9+$0x10];
	[tilespmem:s8+$0x30] =	vst v3  }
0x733: {  	v7 =	vadd.f32 v9, v8;
	[tilespmem:s8+$0xFFFFFFD0] =	vst v5;
	v3 =	vld [tilespmem:s8+$0x20]  }
0x734: {  	[tilespmem:s8+$0xFFFFFFE0] =	vst v6;
	v6 =	vld [tilespmem:s9+$0x20]  }
0x735: {  	s11 =	simm.s32 $0x0;
	s12 =	simm.s32 $0x1C940;
	v5 =	vld [tilespmem:s8+$0xFFFFFFC0];
	[tilespmem:s8+$0xFFFFFFF0] =	vst v7;
	v7 =	vadd.f32 v11, v10  }
.LBB2_56:
0x736: {  	v8 =	vld [tilespmem:s12+$0x30];
	s9 =	sadd.s32 $0x80, s9  }
0x737: {  	s11 =	sadd.s32 $0x8, s11;
	v9 =	vld [tilespmem:s9+$0x30];
	[tilespmem:s8+$0x0] =	vst v7;
	v2 =	vadd.f32 v4, v2  }
0x738: {  	p0 =	slt.u32 s11, $0x180;
	v4 =	vld [tilespmem:s9+$0xFFFFFFC0]  }
0x739: {  	v7 =	vld [tilespmem:s12+$0xFFFFFFD0];
	[tilespmem:s8+$0x10] =	vst v2;
	v2 =	vadd.f32 v6, v3  }
0x73a: {  	v3 =	vld [tilespmem:s9+$0xFFFFFFD0];
	v10 =	vadd.f32 v1, v5  }
0x73b: {  	v5 =	vld [tilespmem:s12+$0xFFFFFFE0];
	[tilespmem:s8+$0x20] =	vst v2  }
0x73c: {  	v2 =	vld [tilespmem:s9+$0xFFFFFFE0];
	v6 =	vadd.f32 v9, v8;
	[tilespmem:s8+$0xFFFFFFC0] =	vst v10;
	s8 =	smov.u32 s12  }
0x73d: {  	v8 =	vld [tilespmem:s12+$0xFFFFFFF0];
	v1 =	vmov v4  }
0x73e: {  	v9 =	vld [tilespmem:s9+$0xFFFFFFF0];
	[tilespmem:s12+$0x30] =	vst v6  }
0x73f: {  	v3 =	vadd.f32 v3, v7;
	v7 =	vld [tilespmem:s12+$0x0]  }
0x740: {  	v10 =	vld [tilespmem:s9+$0x0]  }
.Ltmp27:
0x741: {  	[tilespmem:s12+$0xFFFFFFD0] =	vst v3;
	v3 =	vadd.f32 v2, v5;
	v2 =	vld [tilespmem:s12+$0x10];
	(pc) =	sbr.rel @p0 .LBB2_56-.Ltmp27, $4  }
0x742: {  	v4 =	vld [tilespmem:s9+$0x10]  }
0x743: {  	[tilespmem:s12+$0xFFFFFFE0] =	vst v3;
	v8 =	vadd.f32 v9, v8;
	v3 =	vld [tilespmem:s12+$0x20]  }
0x744: {  	v6 =	vld [tilespmem:s9+$0x20]  }
0x745: {  	s12 =	sadd.s32 $0x80, s12;
	v5 =	vld [tilespmem:s8+$0xFFFFFFC0];
	[tilespmem:s8+$0xFFFFFFF0] =	vst v8;
	v7 =	vadd.f32 v10, v7  }
0x746: {  	_ =	sdelay $0x1  }
0x747: {  	v2 =	vadd.f32 v4, v2  }
0x748: {  	[tilespmem:s8+$0x0] =	vst v7;
	v3 =	vadd.f32 v6, v3  }
0x749: {  	[tilespmem:s8+$0x10] =	vst v2;
	v1 =	vadd.f32 v1, v5  }
0x74a: {  	[tilespmem:s8+$0x20] =	vst v3  }
0x74b: {  	[tilespmem:s8+$0xFFFFFFC0] =	vst v1  }
0x74c: {  	[bflag:$0x0] =	sbarrier.arrive $0xFFFF  }
0x74d: {  	s11 =	rddreg [dreg:$0x1e]  }
0x74e: {  	[spmem:s10] =	stream.strided.scatter [tilespmem:s11], [sflag:$0x3], $0x1880, s5, s4, $0x38;
	[tilespmem:$0x1FA00] =	vst v63  }
0x74f: {  	_ =	swait.ge [sflag:s31], $0x1880  }
0x750: {  	[sflag:s31] =	ssyncset.done $0x0  }
0x751: {  	[sflag:s31] =	ssyncadd.s32 $0xFFFFE780  }
0x752: {  	[bflag:$0x0] =	sbarrier.arrive $0xFFFF  }
0x753: {  	s12 =	rddreg [dreg:$0xc]  }
0x754: {  	[tilespmem:s6], [sflag:$0x3] =	stream.strided.gather [spmem:s12], $0x1880, s5, s4, $0x38;
	[tilespmem:$0x1FA00] =	vst v63  }
0x755: {  	_ =	swait.ge [sflag:s31], $0x1880  }
0x756: {  	[sflag:s31] =	ssyncset.done $0x0  }
0x757: {  	s8 =	simm.s32 $0x1C8C0;
	[sflag:s31] =	ssyncadd.s32 $0xFFFFE780  }
0x758: {  	s9 =	simm.s32 $0x1B040;
	v2 =	vld [tilespmem:s8+$0x30]  }
0x759: {  	v3 =	vld [tilespmem:s9+$0x30]  }
0x75a: {  	v1 =	vld [tilespmem:s9+$0xFFFFFFC0]  }
0x75b: {  	v4 =	vld [tilespmem:s8+$0xFFFFFFD0]  }
0x75c: {  	v5 =	vld [tilespmem:s9+$0xFFFFFFD0]  }
0x75d: {  	v6 =	vld [tilespmem:s8+$0xFFFFFFE0]  }
0x75e: {  	v7 =	vld [tilespmem:s9+$0xFFFFFFE0]  }
0x75f: {  	v8 =	vld [tilespmem:s8+$0xFFFFFFF0]  }
0x760: {  	v9 =	vld [tilespmem:s9+$0xFFFFFFF0]  }
0x761: {  	v10 =	vld [tilespmem:s8+$0x0]  }
0x762: {  	v11 =	vld [tilespmem:s9+$0x0];
	v3 =	vadd.f32 v3, v2  }
0x763: {  	v5 =	vadd.f32 v5, v4;
	v2 =	vld [tilespmem:s8+$0x10]  }
0x764: {  	v6 =	vadd.f32 v7, v6;
	v4 =	vld [tilespmem:s9+$0x10];
	[tilespmem:s8+$0x30] =	vst v3  }
0x765: {  	v7 =	vadd.f32 v9, v8;
	[tilespmem:s8+$0xFFFFFFD0] =	vst v5;
	v3 =	vld [tilespmem:s8+$0x20]  }
0x766: {  	[tilespmem:s8+$0xFFFFFFE0] =	vst v6;
	v6 =	vld [tilespmem:s9+$0x20]  }
0x767: {  	s11 =	simm.s32 $0x0;
	s12 =	simm.s32 $0x1C940;
	v5 =	vld [tilespmem:s8+$0xFFFFFFC0];
	[tilespmem:s8+$0xFFFFFFF0] =	vst v7;
	v7 =	vadd.f32 v11, v10  }
.LBB2_58:
0x768: {  	v8 =	vld [tilespmem:s12+$0x30];
	s9 =	sadd.s32 $0x80, s9  }
0x769: {  	s11 =	sadd.s32 $0x8, s11;
	v9 =	vld [tilespmem:s9+$0x30];
	[tilespmem:s8+$0x0] =	vst v7;
	v2 =	vadd.f32 v4, v2  }
0x76a: {  	p0 =	slt.u32 s11, $0x180;
	v4 =	vld [tilespmem:s9+$0xFFFFFFC0]  }
0x76b: {  	v7 =	vld [tilespmem:s12+$0xFFFFFFD0];
	[tilespmem:s8+$0x10] =	vst v2;
	v2 =	vadd.f32 v6, v3  }
0x76c: {  	v3 =	vld [tilespmem:s9+$0xFFFFFFD0];
	v10 =	vadd.f32 v1, v5  }
0x76d: {  	v5 =	vld [tilespmem:s12+$0xFFFFFFE0];
	[tilespmem:s8+$0x20] =	vst v2  }
0x76e: {  	v2 =	vld [tilespmem:s9+$0xFFFFFFE0];
	v6 =	vadd.f32 v9, v8;
	[tilespmem:s8+$0xFFFFFFC0] =	vst v10;
	s8 =	smov.u32 s12  }
0x76f: {  	v8 =	vld [tilespmem:s12+$0xFFFFFFF0];
	v1 =	vmov v4  }
0x770: {  	v9 =	vld [tilespmem:s9+$0xFFFFFFF0];
	[tilespmem:s12+$0x30] =	vst v6  }
0x771: {  	v3 =	vadd.f32 v3, v7;
	v7 =	vld [tilespmem:s12+$0x0]  }
0x772: {  	v10 =	vld [tilespmem:s9+$0x0]  }
.Ltmp28:
0x773: {  	[tilespmem:s12+$0xFFFFFFD0] =	vst v3;
	v3 =	vadd.f32 v2, v5;
	v2 =	vld [tilespmem:s12+$0x10];
	(pc) =	sbr.rel @p0 .LBB2_58-.Ltmp28, $4  }
0x774: {  	v4 =	vld [tilespmem:s9+$0x10]  }
0x775: {  	[tilespmem:s12+$0xFFFFFFE0] =	vst v3;
	v8 =	vadd.f32 v9, v8;
	v3 =	vld [tilespmem:s12+$0x20]  }
0x776: {  	v6 =	vld [tilespmem:s9+$0x20]  }
0x777: {  	s12 =	sadd.s32 $0x80, s12;
	v5 =	vld [tilespmem:s8+$0xFFFFFFC0];
	[tilespmem:s8+$0xFFFFFFF0] =	vst v8;
	v7 =	vadd.f32 v10, v7  }
0x778: {  	_ =	sdelay $0x1  }
0x779: {  	v2 =	vadd.f32 v4, v2  }
0x77a: {  	[tilespmem:s8+$0x0] =	vst v7;
	v3 =	vadd.f32 v6, v3  }
0x77b: {  	[tilespmem:s8+$0x10] =	vst v2;
	v1 =	vadd.f32 v1, v5  }
0x77c: {  	[tilespmem:s8+$0x20] =	vst v3  }
0x77d: {  	[tilespmem:s8+$0xFFFFFFC0] =	vst v1  }
0x77e: {  	[bflag:$0x0] =	sbarrier.arrive $0xFFFF  }
0x77f: {  	s11 =	rddreg [dreg:$0x1f]  }
0x780: {  	[spmem:s10] =	stream.strided.scatter [tilespmem:s11], [sflag:$0x3], $0x1880, s5, s4, $0x38;
	[tilespmem:$0x1FA00] =	vst v63  }
0x781: {  	_ =	swait.ge [sflag:s31], $0x1880  }
0x782: {  	[sflag:s31] =	ssyncset.done $0x0  }
0x783: {  	[sflag:s31] =	ssyncadd.s32 $0xFFFFE780  }
0x784: {  	[bflag:$0x0] =	sbarrier.arrive $0xFFFF  }
0x785: {  	s12 =	rddreg [dreg:$0xd]  }
0x786: {  	[tilespmem:s6], [sflag:$0x3] =	stream.strided.gather [spmem:s12], $0x1880, s5, s4, $0x38;
	[tilespmem:$0x1FA00] =	vst v63  }
0x787: {  	_ =	swait.ge [sflag:s31], $0x1880  }
0x788: {  	[sflag:s31] =	ssyncset.done $0x0  }
0x789: {  	s8 =	simm.s32 $0x1C8C0;
	[sflag:s31] =	ssyncadd.s32 $0xFFFFE780  }
0x78a: {  	s9 =	simm.s32 $0x1B040;
	v2 =	vld [tilespmem:s8+$0x30]  }
0x78b: {  	v3 =	vld [tilespmem:s9+$0x30]  }
0x78c: {  	v1 =	vld [tilespmem:s9+$0xFFFFFFC0]  }
0x78d: {  	v4 =	vld [tilespmem:s8+$0xFFFFFFD0]  }
0x78e: {  	v5 =	vld [tilespmem:s9+$0xFFFFFFD0]  }
0x78f: {  	v6 =	vld [tilespmem:s8+$0xFFFFFFE0]  }
0x790: {  	v7 =	vld [tilespmem:s9+$0xFFFFFFE0]  }
0x791: {  	v8 =	vld [tilespmem:s8+$0xFFFFFFF0]  }
0x792: {  	v9 =	vld [tilespmem:s9+$0xFFFFFFF0]  }
0x793: {  	v10 =	vld [tilespmem:s8+$0x0]  }
0x794: {  	v11 =	vld [tilespmem:s9+$0x0];
	v3 =	vadd.f32 v3, v2  }
0x795: {  	v5 =	vadd.f32 v5, v4;
	v2 =	vld [tilespmem:s8+$0x10]  }
0x796: {  	v6 =	vadd.f32 v7, v6;
	v4 =	vld [tilespmem:s9+$0x10];
	[tilespmem:s8+$0x30] =	vst v3  }
0x797: {  	v7 =	vadd.f32 v9, v8;
	[tilespmem:s8+$0xFFFFFFD0] =	vst v5;
	v3 =	vld [tilespmem:s8+$0x20]  }
0x798: {  	[tilespmem:s8+$0xFFFFFFE0] =	vst v6;
	v6 =	vld [tilespmem:s9+$0x20]  }
0x799: {  	s11 =	simm.s32 $0x0;
	s12 =	simm.s32 $0x1C940;
	v5 =	vld [tilespmem:s8+$0xFFFFFFC0];
	[tilespmem:s8+$0xFFFFFFF0] =	vst v7;
	v7 =	vadd.f32 v11, v10  }
.LBB2_60:
0x79a: {  	v8 =	vld [tilespmem:s12+$0x30];
	s9 =	sadd.s32 $0x80, s9  }
0x79b: {  	s11 =	sadd.s32 $0x8, s11;
	v9 =	vld [tilespmem:s9+$0x30];
	[tilespmem:s8+$0x0] =	vst v7;
	v2 =	vadd.f32 v4, v2  }
0x79c: {  	p0 =	slt.u32 s11, $0x180;
	v4 =	vld [tilespmem:s9+$0xFFFFFFC0]  }
0x79d: {  	v7 =	vld [tilespmem:s12+$0xFFFFFFD0];
	[tilespmem:s8+$0x10] =	vst v2;
	v2 =	vadd.f32 v6, v3  }
0x79e: {  	v3 =	vld [tilespmem:s9+$0xFFFFFFD0];
	v10 =	vadd.f32 v1, v5  }
0x79f: {  	v5 =	vld [tilespmem:s12+$0xFFFFFFE0];
	[tilespmem:s8+$0x20] =	vst v2  }
0x7a0: {  	v2 =	vld [tilespmem:s9+$0xFFFFFFE0];
	v6 =	vadd.f32 v9, v8;
	[tilespmem:s8+$0xFFFFFFC0] =	vst v10;
	s8 =	smov.u32 s12  }
0x7a1: {  	v8 =	vld [tilespmem:s12+$0xFFFFFFF0];
	v1 =	vmov v4  }
0x7a2: {  	v9 =	vld [tilespmem:s9+$0xFFFFFFF0];
	[tilespmem:s12+$0x30] =	vst v6  }
0x7a3: {  	v3 =	vadd.f32 v3, v7;
	v7 =	vld [tilespmem:s12+$0x0]  }
0x7a4: {  	v10 =	vld [tilespmem:s9+$0x0]  }
.Ltmp29:
0x7a5: {  	[tilespmem:s12+$0xFFFFFFD0] =	vst v3;
	v3 =	vadd.f32 v2, v5;
	v2 =	vld [tilespmem:s12+$0x10];
	(pc) =	sbr.rel @p0 .LBB2_60-.Ltmp29, $4  }
0x7a6: {  	v4 =	vld [tilespmem:s9+$0x10]  }
0x7a7: {  	[tilespmem:s12+$0xFFFFFFE0] =	vst v3;
	v8 =	vadd.f32 v9, v8;
	v3 =	vld [tilespmem:s12+$0x20]  }
0x7a8: {  	v6 =	vld [tilespmem:s9+$0x20]  }
0x7a9: {  	s12 =	sadd.s32 $0x80, s12;
	v5 =	vld [tilespmem:s8+$0xFFFFFFC0];
	[tilespmem:s8+$0xFFFFFFF0] =	vst v8;
	v7 =	vadd.f32 v10, v7  }
0x7aa: {  	_ =	sdelay $0x1  }
0x7ab: {  	v2 =	vadd.f32 v4, v2  }
0x7ac: {  	[tilespmem:s8+$0x0] =	vst v7;
	v3 =	vadd.f32 v6, v3  }
0x7ad: {  	[tilespmem:s8+$0x10] =	vst v2;
	v1 =	vadd.f32 v1, v5  }
0x7ae: {  	[tilespmem:s8+$0x20] =	vst v3  }
0x7af: {  	[tilespmem:s8+$0xFFFFFFC0] =	vst v1  }
0x7b0: {  	[bflag:$0x0] =	sbarrier.arrive $0xFFFF  }
0x7b1: {  	s11 =	sld [smem:$0x7F3];
	_ =	sdelay $0x2  }
0x7b2: {  	[spmem:s10] =	stream.strided.scatter [tilespmem:s11], [sflag:$0x3], $0x1880, s5, s4, $0x38;
	[tilespmem:$0x1FA00] =	vst v63  }
0x7b3: {  	_ =	swait.ge [sflag:s31], $0x1880  }
0x7b4: {  	[sflag:s31] =	ssyncset.done $0x0  }
0x7b5: {  	[sflag:s31] =	ssyncadd.s32 $0xFFFFE780  }
0x7b6: {  	[bflag:$0x0] =	sbarrier.arrive $0xFFFF  }
0x7b7: {  	s12 =	rddreg [dreg:$0xe]  }
0x7b8: {  	[tilespmem:s6], [sflag:$0x3] =	stream.strided.gather [spmem:s12], $0x1880, s5, s4, $0x38;
	[tilespmem:$0x1FA00] =	vst v63  }
0x7b9: {  	_ =	swait.ge [sflag:s31], $0x1880  }
0x7ba: {  	[sflag:s31] =	ssyncset.done $0x0  }
0x7bb: {  	s8 =	simm.s32 $0x1C8C0;
	[sflag:s31] =	ssyncadd.s32 $0xFFFFE780  }
0x7bc: {  	s9 =	simm.s32 $0x1B040;
	v2 =	vld [tilespmem:s8+$0x30]  }
0x7bd: {  	v3 =	vld [tilespmem:s9+$0x30]  }
0x7be: {  	v1 =	vld [tilespmem:s9+$0xFFFFFFC0]  }
0x7bf: {  	v4 =	vld [tilespmem:s8+$0xFFFFFFD0]  }
0x7c0: {  	v5 =	vld [tilespmem:s9+$0xFFFFFFD0]  }
0x7c1: {  	v6 =	vld [tilespmem:s8+$0xFFFFFFE0]  }
0x7c2: {  	v7 =	vld [tilespmem:s9+$0xFFFFFFE0]  }
0x7c3: {  	v8 =	vld [tilespmem:s8+$0xFFFFFFF0]  }
0x7c4: {  	v9 =	vld [tilespmem:s9+$0xFFFFFFF0]  }
0x7c5: {  	v10 =	vld [tilespmem:s8+$0x0]  }
0x7c6: {  	v11 =	vld [tilespmem:s9+$0x0];
	v3 =	vadd.f32 v3, v2  }
0x7c7: {  	v5 =	vadd.f32 v5, v4;
	v2 =	vld [tilespmem:s8+$0x10]  }
0x7c8: {  	v6 =	vadd.f32 v7, v6;
	v4 =	vld [tilespmem:s9+$0x10];
	[tilespmem:s8+$0x30] =	vst v3  }
0x7c9: {  	v7 =	vadd.f32 v9, v8;
	[tilespmem:s8+$0xFFFFFFD0] =	vst v5;
	v3 =	vld [tilespmem:s8+$0x20]  }
0x7ca: {  	[tilespmem:s8+$0xFFFFFFE0] =	vst v6;
	v6 =	vld [tilespmem:s9+$0x20]  }
0x7cb: {  	s11 =	simm.s32 $0x0;
	s12 =	simm.s32 $0x1C940;
	v5 =	vld [tilespmem:s8+$0xFFFFFFC0];
	[tilespmem:s8+$0xFFFFFFF0] =	vst v7;
	v7 =	vadd.f32 v11, v10  }
.LBB2_62:
0x7cc: {  	v8 =	vld [tilespmem:s12+$0x30];
	s9 =	sadd.s32 $0x80, s9  }
0x7cd: {  	s11 =	sadd.s32 $0x8, s11;
	v9 =	vld [tilespmem:s9+$0x30];
	[tilespmem:s8+$0x0] =	vst v7;
	v2 =	vadd.f32 v4, v2  }
0x7ce: {  	p0 =	slt.u32 s11, $0x180;
	v4 =	vld [tilespmem:s9+$0xFFFFFFC0]  }
0x7cf: {  	v7 =	vld [tilespmem:s12+$0xFFFFFFD0];
	[tilespmem:s8+$0x10] =	vst v2;
	v2 =	vadd.f32 v6, v3  }
0x7d0: {  	v3 =	vld [tilespmem:s9+$0xFFFFFFD0];
	v10 =	vadd.f32 v1, v5  }
0x7d1: {  	v5 =	vld [tilespmem:s12+$0xFFFFFFE0];
	[tilespmem:s8+$0x20] =	vst v2  }
0x7d2: {  	v2 =	vld [tilespmem:s9+$0xFFFFFFE0];
	v6 =	vadd.f32 v9, v8;
	[tilespmem:s8+$0xFFFFFFC0] =	vst v10;
	s8 =	smov.u32 s12  }
0x7d3: {  	v8 =	vld [tilespmem:s12+$0xFFFFFFF0];
	v1 =	vmov v4  }
0x7d4: {  	v9 =	vld [tilespmem:s9+$0xFFFFFFF0];
	[tilespmem:s12+$0x30] =	vst v6  }
0x7d5: {  	v3 =	vadd.f32 v3, v7;
	v7 =	vld [tilespmem:s12+$0x0]  }
0x7d6: {  	v10 =	vld [tilespmem:s9+$0x0]  }
.Ltmp30:
0x7d7: {  	[tilespmem:s12+$0xFFFFFFD0] =	vst v3;
	v3 =	vadd.f32 v2, v5;
	v2 =	vld [tilespmem:s12+$0x10];
	(pc) =	sbr.rel @p0 .LBB2_62-.Ltmp30, $4  }
0x7d8: {  	v4 =	vld [tilespmem:s9+$0x10]  }
0x7d9: {  	[tilespmem:s12+$0xFFFFFFE0] =	vst v3;
	v8 =	vadd.f32 v9, v8;
	v3 =	vld [tilespmem:s12+$0x20]  }
0x7da: {  	v6 =	vld [tilespmem:s9+$0x20]  }
0x7db: {  	s12 =	sadd.s32 $0x80, s12;
	v5 =	vld [tilespmem:s8+$0xFFFFFFC0];
	[tilespmem:s8+$0xFFFFFFF0] =	vst v8;
	v7 =	vadd.f32 v10, v7  }
0x7dc: {  	_ =	sdelay $0x1  }
0x7dd: {  	v2 =	vadd.f32 v4, v2  }
0x7de: {  	[tilespmem:s8+$0x0] =	vst v7;
	v3 =	vadd.f32 v6, v3  }
0x7df: {  	[tilespmem:s8+$0x10] =	vst v2;
	v1 =	vadd.f32 v1, v5  }
0x7e0: {  	[tilespmem:s8+$0x20] =	vst v3  }
0x7e1: {  	[tilespmem:s8+$0xFFFFFFC0] =	vst v1  }
0x7e2: {  	[bflag:$0x0] =	sbarrier.arrive $0xFFFF  }
0x7e3: {  	s11 =	sld [smem:$0x7F4];
	_ =	sdelay $0x2  }
0x7e4: {  	[spmem:s10] =	stream.strided.scatter [tilespmem:s11], [sflag:$0x3], $0x1880, s5, s4, $0x38;
	[tilespmem:$0x1FA00] =	vst v63  }
0x7e5: {  	_ =	swait.ge [sflag:s31], $0x1880  }
0x7e6: {  	[sflag:s31] =	ssyncset.done $0x0  }
0x7e7: {  	[sflag:s31] =	ssyncadd.s32 $0xFFFFE780  }
0x7e8: {  	[bflag:$0x0] =	sbarrier.arrive $0xFFFF  }
0x7e9: {  	s12 =	rddreg [dreg:$0xf]  }
0x7ea: {  	[tilespmem:s6], [sflag:$0x3] =	stream.strided.gather [spmem:s12], $0x1880, s5, s4, $0x38;
	[tilespmem:$0x1FA00] =	vst v63  }
0x7eb: {  	_ =	swait.ge [sflag:s31], $0x1880  }
0x7ec: {  	[sflag:s31] =	ssyncset.done $0x0  }
0x7ed: {  	s8 =	simm.s32 $0x1C8C0;
	[sflag:s31] =	ssyncadd.s32 $0xFFFFE780  }
0x7ee: {  	s9 =	simm.s32 $0x1B040;
	v2 =	vld [tilespmem:s8+$0x30]  }
0x7ef: {  	v3 =	vld [tilespmem:s9+$0x30]  }
0x7f0: {  	v1 =	vld [tilespmem:s9+$0xFFFFFFC0]  }
0x7f1: {  	v4 =	vld [tilespmem:s8+$0xFFFFFFD0]  }
0x7f2: {  	v5 =	vld [tilespmem:s9+$0xFFFFFFD0]  }
0x7f3: {  	v6 =	vld [tilespmem:s8+$0xFFFFFFE0]  }
0x7f4: {  	v7 =	vld [tilespmem:s9+$0xFFFFFFE0]  }
0x7f5: {  	v8 =	vld [tilespmem:s8+$0xFFFFFFF0]  }
0x7f6: {  	v9 =	vld [tilespmem:s9+$0xFFFFFFF0]  }
0x7f7: {  	v10 =	vld [tilespmem:s8+$0x0]  }
0x7f8: {  	v11 =	vld [tilespmem:s9+$0x0];
	v3 =	vadd.f32 v3, v2  }
0x7f9: {  	v5 =	vadd.f32 v5, v4;
	v2 =	vld [tilespmem:s8+$0x10]  }
0x7fa: {  	v6 =	vadd.f32 v7, v6;
	v4 =	vld [tilespmem:s9+$0x10];
	[tilespmem:s8+$0x30] =	vst v3  }
0x7fb: {  	v7 =	vadd.f32 v9, v8;
	[tilespmem:s8+$0xFFFFFFD0] =	vst v5;
	v3 =	vld [tilespmem:s8+$0x20]  }
0x7fc: {  	[tilespmem:s8+$0xFFFFFFE0] =	vst v6;
	v6 =	vld [tilespmem:s9+$0x20]  }
0x7fd: {  	s11 =	simm.s32 $0x0;
	s12 =	simm.s32 $0x1C940;
	v5 =	vld [tilespmem:s8+$0xFFFFFFC0];
	[tilespmem:s8+$0xFFFFFFF0] =	vst v7;
	v7 =	vadd.f32 v11, v10  }
.LBB2_64:
0x7fe: {  	v8 =	vld [tilespmem:s12+$0x30];
	s9 =	sadd.s32 $0x80, s9  }
0x7ff: {  	s11 =	sadd.s32 $0x8, s11;
	v9 =	vld [tilespmem:s9+$0x30];
	[tilespmem:s8+$0x0] =	vst v7;
	v2 =	vadd.f32 v4, v2  }
0x800: {  	p0 =	slt.u32 s11, $0x180;
	v4 =	vld [tilespmem:s9+$0xFFFFFFC0]  }
0x801: {  	v7 =	vld [tilespmem:s12+$0xFFFFFFD0];
	[tilespmem:s8+$0x10] =	vst v2;
	v2 =	vadd.f32 v6, v3  }
0x802: {  	v3 =	vld [tilespmem:s9+$0xFFFFFFD0];
	v10 =	vadd.f32 v1, v5  }
0x803: {  	v5 =	vld [tilespmem:s12+$0xFFFFFFE0];
	[tilespmem:s8+$0x20] =	vst v2  }
0x804: {  	v2 =	vld [tilespmem:s9+$0xFFFFFFE0];
	v6 =	vadd.f32 v9, v8;
	[tilespmem:s8+$0xFFFFFFC0] =	vst v10;
	s8 =	smov.u32 s12  }
0x805: {  	v8 =	vld [tilespmem:s12+$0xFFFFFFF0];
	v1 =	vmov v4  }
0x806: {  	v9 =	vld [tilespmem:s9+$0xFFFFFFF0];
	[tilespmem:s12+$0x30] =	vst v6  }
0x807: {  	v3 =	vadd.f32 v3, v7;
	v7 =	vld [tilespmem:s12+$0x0]  }
0x808: {  	v10 =	vld [tilespmem:s9+$0x0]  }
.Ltmp31:
0x809: {  	[tilespmem:s12+$0xFFFFFFD0] =	vst v3;
	v3 =	vadd.f32 v2, v5;
	v2 =	vld [tilespmem:s12+$0x10];
	(pc) =	sbr.rel @p0 .LBB2_64-.Ltmp31, $4  }
0x80a: {  	v4 =	vld [tilespmem:s9+$0x10]  }
0x80b: {  	[tilespmem:s12+$0xFFFFFFE0] =	vst v3;
	v8 =	vadd.f32 v9, v8;
	v3 =	vld [tilespmem:s12+$0x20]  }
0x80c: {  	v6 =	vld [tilespmem:s9+$0x20]  }
0x80d: {  	s12 =	sadd.s32 $0x80, s12;
	v5 =	vld [tilespmem:s8+$0xFFFFFFC0];
	[tilespmem:s8+$0xFFFFFFF0] =	vst v8;
	v7 =	vadd.f32 v10, v7  }
0x80e: {  	_ =	sdelay $0x1  }
0x80f: {  	v2 =	vadd.f32 v4, v2  }
0x810: {  	[tilespmem:s8+$0x0] =	vst v7;
	v3 =	vadd.f32 v6, v3  }
0x811: {  	[tilespmem:s8+$0x10] =	vst v2;
	v1 =	vadd.f32 v1, v5  }
0x812: {  	[tilespmem:s8+$0x20] =	vst v3  }
0x813: {  	[tilespmem:s8+$0xFFFFFFC0] =	vst v1  }
0x814: {  	[bflag:$0x0] =	sbarrier.arrive $0xFFFF  }
0x815: {  	s11 =	sld [smem:$0x7F5];
	_ =	sdelay $0x2  }
0x816: {  	[spmem:s10] =	stream.strided.scatter [tilespmem:s11], [sflag:$0x3], $0x1880, s5, s4, $0x38;
	[tilespmem:$0x1FA00] =	vst v63  }
0x817: {  	_ =	swait.ge [sflag:s31], $0x1880  }
0x818: {  	[sflag:s31] =	ssyncset.done $0x0  }
0x819: {  	[sflag:s31] =	ssyncadd.s32 $0xFFFFE780  }
0x81a: {  	[bflag:$0x0] =	sbarrier.arrive $0xFFFF  }
0x81b: {  	s12 =	rddreg [dreg:$0x10]  }
0x81c: {  	[tilespmem:s6], [sflag:$0x3] =	stream.strided.gather [spmem:s12], $0x1880, s5, s4, $0x38;
	[tilespmem:$0x1FA00] =	vst v63  }
0x81d: {  	_ =	swait.ge [sflag:s31], $0x1880  }
0x81e: {  	[sflag:s31] =	ssyncset.done $0x0  }
0x81f: {  	s8 =	simm.s32 $0x1C8C0;
	[sflag:s31] =	ssyncadd.s32 $0xFFFFE780  }
0x820: {  	s9 =	simm.s32 $0x1B040;
	v2 =	vld [tilespmem:s8+$0x30]  }
0x821: {  	v3 =	vld [tilespmem:s9+$0x30]  }
0x822: {  	v1 =	vld [tilespmem:s9+$0xFFFFFFC0]  }
0x823: {  	v4 =	vld [tilespmem:s8+$0xFFFFFFD0]  }
0x824: {  	v5 =	vld [tilespmem:s9+$0xFFFFFFD0]  }
0x825: {  	v6 =	vld [tilespmem:s8+$0xFFFFFFE0]  }
0x826: {  	v7 =	vld [tilespmem:s9+$0xFFFFFFE0]  }
0x827: {  	v8 =	vld [tilespmem:s8+$0xFFFFFFF0]  }
0x828: {  	v9 =	vld [tilespmem:s9+$0xFFFFFFF0]  }
0x829: {  	v10 =	vld [tilespmem:s8+$0x0]  }
0x82a: {  	v11 =	vld [tilespmem:s9+$0x0];
	v3 =	vadd.f32 v3, v2  }
0x82b: {  	v5 =	vadd.f32 v5, v4;
	v2 =	vld [tilespmem:s8+$0x10]  }
0x82c: {  	v6 =	vadd.f32 v7, v6;
	v4 =	vld [tilespmem:s9+$0x10];
	[tilespmem:s8+$0x30] =	vst v3  }
0x82d: {  	v7 =	vadd.f32 v9, v8;
	[tilespmem:s8+$0xFFFFFFD0] =	vst v5;
	v3 =	vld [tilespmem:s8+$0x20]  }
0x82e: {  	[tilespmem:s8+$0xFFFFFFE0] =	vst v6;
	v6 =	vld [tilespmem:s9+$0x20]  }
0x82f: {  	s11 =	simm.s32 $0x0;
	s12 =	simm.s32 $0x1C940;
	v5 =	vld [tilespmem:s8+$0xFFFFFFC0];
	[tilespmem:s8+$0xFFFFFFF0] =	vst v7;
	v7 =	vadd.f32 v11, v10  }
.LBB2_66:
0x830: {  	v8 =	vld [tilespmem:s12+$0x30];
	s9 =	sadd.s32 $0x80, s9  }
0x831: {  	s11 =	sadd.s32 $0x8, s11;
	v9 =	vld [tilespmem:s9+$0x30];
	[tilespmem:s8+$0x0] =	vst v7;
	v2 =	vadd.f32 v4, v2  }
0x832: {  	p0 =	slt.u32 s11, $0x180;
	v4 =	vld [tilespmem:s9+$0xFFFFFFC0]  }
0x833: {  	v7 =	vld [tilespmem:s12+$0xFFFFFFD0];
	[tilespmem:s8+$0x10] =	vst v2;
	v2 =	vadd.f32 v6, v3  }
0x834: {  	v3 =	vld [tilespmem:s9+$0xFFFFFFD0];
	v10 =	vadd.f32 v1, v5  }
0x835: {  	v5 =	vld [tilespmem:s12+$0xFFFFFFE0];
	[tilespmem:s8+$0x20] =	vst v2  }
0x836: {  	v2 =	vld [tilespmem:s9+$0xFFFFFFE0];
	v6 =	vadd.f32 v9, v8;
	[tilespmem:s8+$0xFFFFFFC0] =	vst v10;
	s8 =	smov.u32 s12  }
0x837: {  	v8 =	vld [tilespmem:s12+$0xFFFFFFF0];
	v1 =	vmov v4  }
0x838: {  	v9 =	vld [tilespmem:s9+$0xFFFFFFF0];
	[tilespmem:s12+$0x30] =	vst v6  }
0x839: {  	v3 =	vadd.f32 v3, v7;
	v7 =	vld [tilespmem:s12+$0x0]  }
0x83a: {  	v10 =	vld [tilespmem:s9+$0x0]  }
.Ltmp32:
0x83b: {  	[tilespmem:s12+$0xFFFFFFD0] =	vst v3;
	v3 =	vadd.f32 v2, v5;
	v2 =	vld [tilespmem:s12+$0x10];
	(pc) =	sbr.rel @p0 .LBB2_66-.Ltmp32, $4  }
0x83c: {  	v4 =	vld [tilespmem:s9+$0x10]  }
0x83d: {  	[tilespmem:s12+$0xFFFFFFE0] =	vst v3;
	v8 =	vadd.f32 v9, v8;
	v3 =	vld [tilespmem:s12+$0x20]  }
0x83e: {  	v6 =	vld [tilespmem:s9+$0x20]  }
0x83f: {  	s12 =	sadd.s32 $0x80, s12;
	v5 =	vld [tilespmem:s8+$0xFFFFFFC0];
	[tilespmem:s8+$0xFFFFFFF0] =	vst v8;
	v7 =	vadd.f32 v10, v7  }
0x840: {  	_ =	sdelay $0x1  }
0x841: {  	v2 =	vadd.f32 v4, v2  }
0x842: {  	[tilespmem:s8+$0x0] =	vst v7;
	v3 =	vadd.f32 v6, v3  }
0x843: {  	[tilespmem:s8+$0x10] =	vst v2;
	v1 =	vadd.f32 v1, v5  }
0x844: {  	[tilespmem:s8+$0x20] =	vst v3  }
0x845: {  	[tilespmem:s8+$0xFFFFFFC0] =	vst v1  }
0x846: {  	[bflag:$0x0] =	sbarrier.arrive $0xFFFF  }
0x847: {  	s11 =	sld [smem:$0x7F6];
	_ =	sdelay $0x2  }
0x848: {  	[spmem:s10] =	stream.strided.scatter [tilespmem:s11], [sflag:$0x3], $0x1880, s5, s4, $0x38;
	[tilespmem:$0x1FA00] =	vst v63  }
0x849: {  	_ =	swait.ge [sflag:s31], $0x1880  }
0x84a: {  	[sflag:s31] =	ssyncset.done $0x0  }
0x84b: {  	[sflag:s31] =	ssyncadd.s32 $0xFFFFE780  }
0x84c: {  	[bflag:$0x0] =	sbarrier.arrive $0xFFFF  }
0x84d: {  	s12 =	rddreg [dreg:$0x11]  }
0x84e: {  	[tilespmem:s6], [sflag:$0x3] =	stream.strided.gather [spmem:s12], $0x1880, s5, s4, $0x38;
	[tilespmem:$0x1FA00] =	vst v63  }
0x84f: {  	_ =	swait.ge [sflag:s31], $0x1880  }
0x850: {  	[sflag:s31] =	ssyncset.done $0x0  }
0x851: {  	s8 =	simm.s32 $0x1C8C0;
	[sflag:s31] =	ssyncadd.s32 $0xFFFFE780  }
0x852: {  	s9 =	simm.s32 $0x1B040;
	v2 =	vld [tilespmem:s8+$0x30]  }
0x853: {  	v3 =	vld [tilespmem:s9+$0x30]  }
0x854: {  	v1 =	vld [tilespmem:s9+$0xFFFFFFC0]  }
0x855: {  	v4 =	vld [tilespmem:s8+$0xFFFFFFD0]  }
0x856: {  	v5 =	vld [tilespmem:s9+$0xFFFFFFD0]  }
0x857: {  	v6 =	vld [tilespmem:s8+$0xFFFFFFE0]  }
0x858: {  	v7 =	vld [tilespmem:s9+$0xFFFFFFE0]  }
0x859: {  	v8 =	vld [tilespmem:s8+$0xFFFFFFF0]  }
0x85a: {  	v9 =	vld [tilespmem:s9+$0xFFFFFFF0]  }
0x85b: {  	v10 =	vld [tilespmem:s8+$0x0]  }
0x85c: {  	v11 =	vld [tilespmem:s9+$0x0];
	v3 =	vadd.f32 v3, v2  }
0x85d: {  	v5 =	vadd.f32 v5, v4;
	v2 =	vld [tilespmem:s8+$0x10]  }
0x85e: {  	v6 =	vadd.f32 v7, v6;
	v4 =	vld [tilespmem:s9+$0x10];
	[tilespmem:s8+$0x30] =	vst v3  }
0x85f: {  	v7 =	vadd.f32 v9, v8;
	[tilespmem:s8+$0xFFFFFFD0] =	vst v5;
	v3 =	vld [tilespmem:s8+$0x20]  }
0x860: {  	[tilespmem:s8+$0xFFFFFFE0] =	vst v6;
	v6 =	vld [tilespmem:s9+$0x20]  }
0x861: {  	s11 =	simm.s32 $0x0;
	s12 =	simm.s32 $0x1C940;
	v5 =	vld [tilespmem:s8+$0xFFFFFFC0];
	[tilespmem:s8+$0xFFFFFFF0] =	vst v7;
	v7 =	vadd.f32 v11, v10  }
.LBB2_68:
0x862: {  	v8 =	vld [tilespmem:s12+$0x30];
	s9 =	sadd.s32 $0x80, s9  }
0x863: {  	s11 =	sadd.s32 $0x8, s11;
	v9 =	vld [tilespmem:s9+$0x30];
	[tilespmem:s8+$0x0] =	vst v7;
	v2 =	vadd.f32 v4, v2  }
0x864: {  	p0 =	slt.u32 s11, $0x180;
	v4 =	vld [tilespmem:s9+$0xFFFFFFC0]  }
0x865: {  	v7 =	vld [tilespmem:s12+$0xFFFFFFD0];
	[tilespmem:s8+$0x10] =	vst v2;
	v2 =	vadd.f32 v6, v3  }
0x866: {  	v3 =	vld [tilespmem:s9+$0xFFFFFFD0];
	v10 =	vadd.f32 v1, v5  }
0x867: {  	v5 =	vld [tilespmem:s12+$0xFFFFFFE0];
	[tilespmem:s8+$0x20] =	vst v2  }
0x868: {  	v2 =	vld [tilespmem:s9+$0xFFFFFFE0];
	v6 =	vadd.f32 v9, v8;
	[tilespmem:s8+$0xFFFFFFC0] =	vst v10;
	s8 =	smov.u32 s12  }
0x869: {  	v8 =	vld [tilespmem:s12+$0xFFFFFFF0];
	v1 =	vmov v4  }
0x86a: {  	v9 =	vld [tilespmem:s9+$0xFFFFFFF0];
	[tilespmem:s12+$0x30] =	vst v6  }
0x86b: {  	v3 =	vadd.f32 v3, v7;
	v7 =	vld [tilespmem:s12+$0x0]  }
0x86c: {  	v10 =	vld [tilespmem:s9+$0x0]  }
.Ltmp33:
0x86d: {  	[tilespmem:s12+$0xFFFFFFD0] =	vst v3;
	v3 =	vadd.f32 v2, v5;
	v2 =	vld [tilespmem:s12+$0x10];
	(pc) =	sbr.rel @p0 .LBB2_68-.Ltmp33, $4  }
0x86e: {  	v4 =	vld [tilespmem:s9+$0x10]  }
0x86f: {  	[tilespmem:s12+$0xFFFFFFE0] =	vst v3;
	v8 =	vadd.f32 v9, v8;
	v3 =	vld [tilespmem:s12+$0x20]  }
0x870: {  	v6 =	vld [tilespmem:s9+$0x20]  }
0x871: {  	s12 =	sadd.s32 $0x80, s12;
	v5 =	vld [tilespmem:s8+$0xFFFFFFC0];
	[tilespmem:s8+$0xFFFFFFF0] =	vst v8;
	v7 =	vadd.f32 v10, v7  }
0x872: {  	_ =	sdelay $0x1  }
0x873: {  	v2 =	vadd.f32 v4, v2  }
0x874: {  	[tilespmem:s8+$0x0] =	vst v7;
	v3 =	vadd.f32 v6, v3  }
0x875: {  	[tilespmem:s8+$0x10] =	vst v2;
	v1 =	vadd.f32 v1, v5  }
0x876: {  	[tilespmem:s8+$0x20] =	vst v3  }
0x877: {  	[tilespmem:s8+$0xFFFFFFC0] =	vst v1  }
0x878: {  	[bflag:$0x0] =	sbarrier.arrive $0xFFFF  }
0x879: {  	s11 =	sld [smem:$0x7F7];
	_ =	sdelay $0x2  }
0x87a: {  	[spmem:s10] =	stream.strided.scatter [tilespmem:s11], [sflag:$0x3], $0x1880, s5, s4, $0x38;
	[tilespmem:$0x1FA00] =	vst v63  }
0x87b: {  	_ =	swait.ge [sflag:s31], $0x1880  }
0x87c: {  	[sflag:s31] =	ssyncset.done $0x0  }
0x87d: {  	[sflag:s31] =	ssyncadd.s32 $0xFFFFE780  }
0x87e: {  	[bflag:$0x0] =	sbarrier.arrive $0xFFFF  }
0x87f: {  	s12 =	rddreg [dreg:$0x12]  }
0x880: {  	[tilespmem:s6], [sflag:$0x3] =	stream.strided.gather [spmem:s12], $0x1880, s5, s4, $0x38;
	[tilespmem:$0x1FA00] =	vst v63  }
0x881: {  	_ =	swait.ge [sflag:s31], $0x1880  }
0x882: {  	[sflag:s31] =	ssyncset.done $0x0  }
0x883: {  	s8 =	simm.s32 $0x1C8C0;
	[sflag:s31] =	ssyncadd.s32 $0xFFFFE780  }
0x884: {  	s9 =	simm.s32 $0x1B040;
	v2 =	vld [tilespmem:s8+$0x30]  }
0x885: {  	v3 =	vld [tilespmem:s9+$0x30]  }
0x886: {  	v1 =	vld [tilespmem:s9+$0xFFFFFFC0]  }
0x887: {  	v4 =	vld [tilespmem:s8+$0xFFFFFFD0]  }
0x888: {  	v5 =	vld [tilespmem:s9+$0xFFFFFFD0]  }
0x889: {  	v6 =	vld [tilespmem:s8+$0xFFFFFFE0]  }
0x88a: {  	v7 =	vld [tilespmem:s9+$0xFFFFFFE0]  }
0x88b: {  	v8 =	vld [tilespmem:s8+$0xFFFFFFF0]  }
0x88c: {  	v9 =	vld [tilespmem:s9+$0xFFFFFFF0]  }
0x88d: {  	v10 =	vld [tilespmem:s8+$0x0]  }
0x88e: {  	v11 =	vld [tilespmem:s9+$0x0];
	v3 =	vadd.f32 v3, v2  }
0x88f: {  	v5 =	vadd.f32 v5, v4;
	v2 =	vld [tilespmem:s8+$0x10]  }
0x890: {  	v6 =	vadd.f32 v7, v6;
	v4 =	vld [tilespmem:s9+$0x10];
	[tilespmem:s8+$0x30] =	vst v3  }
0x891: {  	v7 =	vadd.f32 v9, v8;
	[tilespmem:s8+$0xFFFFFFD0] =	vst v5;
	v3 =	vld [tilespmem:s8+$0x20]  }
0x892: {  	[tilespmem:s8+$0xFFFFFFE0] =	vst v6;
	v6 =	vld [tilespmem:s9+$0x20]  }
0x893: {  	s11 =	simm.s32 $0x0;
	s12 =	simm.s32 $0x1C940;
	v5 =	vld [tilespmem:s8+$0xFFFFFFC0];
	[tilespmem:s8+$0xFFFFFFF0] =	vst v7;
	v7 =	vadd.f32 v11, v10  }
.LBB2_70:
0x894: {  	v8 =	vld [tilespmem:s12+$0x30];
	s9 =	sadd.s32 $0x80, s9  }
0x895: {  	s11 =	sadd.s32 $0x8, s11;
	v9 =	vld [tilespmem:s9+$0x30];
	[tilespmem:s8+$0x0] =	vst v7;
	v2 =	vadd.f32 v4, v2  }
0x896: {  	p0 =	slt.u32 s11, $0x180;
	v4 =	vld [tilespmem:s9+$0xFFFFFFC0]  }
0x897: {  	v7 =	vld [tilespmem:s12+$0xFFFFFFD0];
	[tilespmem:s8+$0x10] =	vst v2;
	v2 =	vadd.f32 v6, v3  }
0x898: {  	v3 =	vld [tilespmem:s9+$0xFFFFFFD0];
	v10 =	vadd.f32 v1, v5  }
0x899: {  	v5 =	vld [tilespmem:s12+$0xFFFFFFE0];
	[tilespmem:s8+$0x20] =	vst v2  }
0x89a: {  	v2 =	vld [tilespmem:s9+$0xFFFFFFE0];
	v6 =	vadd.f32 v9, v8;
	[tilespmem:s8+$0xFFFFFFC0] =	vst v10;
	s8 =	smov.u32 s12  }
0x89b: {  	v8 =	vld [tilespmem:s12+$0xFFFFFFF0];
	v1 =	vmov v4  }
0x89c: {  	v9 =	vld [tilespmem:s9+$0xFFFFFFF0];
	[tilespmem:s12+$0x30] =	vst v6  }
0x89d: {  	v3 =	vadd.f32 v3, v7;
	v7 =	vld [tilespmem:s12+$0x0]  }
0x89e: {  	v10 =	vld [tilespmem:s9+$0x0]  }
.Ltmp34:
0x89f: {  	[tilespmem:s12+$0xFFFFFFD0] =	vst v3;
	v3 =	vadd.f32 v2, v5;
	v2 =	vld [tilespmem:s12+$0x10];
	(pc) =	sbr.rel @p0 .LBB2_70-.Ltmp34, $4  }
0x8a0: {  	v4 =	vld [tilespmem:s9+$0x10]  }
0x8a1: {  	[tilespmem:s12+$0xFFFFFFE0] =	vst v3;
	v8 =	vadd.f32 v9, v8;
	v3 =	vld [tilespmem:s12+$0x20]  }
0x8a2: {  	v6 =	vld [tilespmem:s9+$0x20]  }
0x8a3: {  	s12 =	sadd.s32 $0x80, s12;
	v5 =	vld [tilespmem:s8+$0xFFFFFFC0];
	[tilespmem:s8+$0xFFFFFFF0] =	vst v8;
	v7 =	vadd.f32 v10, v7  }
0x8a4: {  	_ =	sdelay $0x1  }
0x8a5: {  	v2 =	vadd.f32 v4, v2  }
0x8a6: {  	[tilespmem:s8+$0x0] =	vst v7;
	v3 =	vadd.f32 v6, v3  }
0x8a7: {  	[tilespmem:s8+$0x10] =	vst v2;
	v1 =	vadd.f32 v1, v5  }
0x8a8: {  	[tilespmem:s8+$0x20] =	vst v3  }
0x8a9: {  	[tilespmem:s8+$0xFFFFFFC0] =	vst v1  }
0x8aa: {  	[bflag:$0x0] =	sbarrier.arrive $0xFFFF  }
0x8ab: {  	s11 =	sld [smem:$0x7F8];
	_ =	sdelay $0x2  }
0x8ac: {  	[spmem:s10] =	stream.strided.scatter [tilespmem:s11], [sflag:$0x3], $0x1880, s5, s4, $0x38;
	[tilespmem:$0x1FA00] =	vst v63  }
0x8ad: {  	_ =	swait.ge [sflag:s31], $0x1880  }
0x8ae: {  	[sflag:s31] =	ssyncset.done $0x0  }
0x8af: {  	[sflag:s31] =	ssyncadd.s32 $0xFFFFE780  }
0x8b0: {  	[bflag:$0x0] =	sbarrier.arrive $0xFFFF  }
0x8b1: {  	s12 =	rddreg [dreg:$0x13]  }
0x8b2: {  	[tilespmem:s6], [sflag:$0x3] =	stream.strided.gather [spmem:s12], $0x1880, s5, s4, $0x38;
	[tilespmem:$0x1FA00] =	vst v63  }
0x8b3: {  	_ =	swait.ge [sflag:s31], $0x1880  }
0x8b4: {  	[sflag:s31] =	ssyncset.done $0x0  }
0x8b5: {  	s8 =	simm.s32 $0x1C8C0;
	[sflag:s31] =	ssyncadd.s32 $0xFFFFE780  }
0x8b6: {  	s9 =	simm.s32 $0x1B040;
	v2 =	vld [tilespmem:s8+$0x30]  }
0x8b7: {  	v3 =	vld [tilespmem:s9+$0x30]  }
0x8b8: {  	v1 =	vld [tilespmem:s9+$0xFFFFFFC0]  }
0x8b9: {  	v4 =	vld [tilespmem:s8+$0xFFFFFFD0]  }
0x8ba: {  	v5 =	vld [tilespmem:s9+$0xFFFFFFD0]  }
0x8bb: {  	v6 =	vld [tilespmem:s8+$0xFFFFFFE0]  }
0x8bc: {  	v7 =	vld [tilespmem:s9+$0xFFFFFFE0]  }
0x8bd: {  	v8 =	vld [tilespmem:s8+$0xFFFFFFF0]  }
0x8be: {  	v9 =	vld [tilespmem:s9+$0xFFFFFFF0]  }
0x8bf: {  	v10 =	vld [tilespmem:s8+$0x0]  }
0x8c0: {  	v11 =	vld [tilespmem:s9+$0x0];
	v3 =	vadd.f32 v3, v2  }
0x8c1: {  	v5 =	vadd.f32 v5, v4;
	v2 =	vld [tilespmem:s8+$0x10]  }
0x8c2: {  	v6 =	vadd.f32 v7, v6;
	v4 =	vld [tilespmem:s9+$0x10];
	[tilespmem:s8+$0x30] =	vst v3  }
0x8c3: {  	v7 =	vadd.f32 v9, v8;
	[tilespmem:s8+$0xFFFFFFD0] =	vst v5;
	v3 =	vld [tilespmem:s8+$0x20]  }
0x8c4: {  	[tilespmem:s8+$0xFFFFFFE0] =	vst v6;
	v6 =	vld [tilespmem:s9+$0x20]  }
0x8c5: {  	s11 =	simm.s32 $0x0;
	s12 =	simm.s32 $0x1C940;
	v5 =	vld [tilespmem:s8+$0xFFFFFFC0];
	[tilespmem:s8+$0xFFFFFFF0] =	vst v7;
	v7 =	vadd.f32 v11, v10  }
.LBB2_72:
0x8c6: {  	v8 =	vld [tilespmem:s12+$0x30];
	s9 =	sadd.s32 $0x80, s9  }
0x8c7: {  	s11 =	sadd.s32 $0x8, s11;
	v9 =	vld [tilespmem:s9+$0x30];
	[tilespmem:s8+$0x0] =	vst v7;
	v2 =	vadd.f32 v4, v2  }
0x8c8: {  	p0 =	slt.u32 s11, $0x180;
	v4 =	vld [tilespmem:s9+$0xFFFFFFC0]  }
0x8c9: {  	v7 =	vld [tilespmem:s12+$0xFFFFFFD0];
	[tilespmem:s8+$0x10] =	vst v2;
	v2 =	vadd.f32 v6, v3  }
0x8ca: {  	v3 =	vld [tilespmem:s9+$0xFFFFFFD0];
	v10 =	vadd.f32 v1, v5  }
0x8cb: {  	v5 =	vld [tilespmem:s12+$0xFFFFFFE0];
	[tilespmem:s8+$0x20] =	vst v2  }
0x8cc: {  	v2 =	vld [tilespmem:s9+$0xFFFFFFE0];
	v6 =	vadd.f32 v9, v8;
	[tilespmem:s8+$0xFFFFFFC0] =	vst v10;
	s8 =	smov.u32 s12  }
0x8cd: {  	v8 =	vld [tilespmem:s12+$0xFFFFFFF0];
	v1 =	vmov v4  }
0x8ce: {  	v9 =	vld [tilespmem:s9+$0xFFFFFFF0];
	[tilespmem:s12+$0x30] =	vst v6  }
0x8cf: {  	v3 =	vadd.f32 v3, v7;
	v7 =	vld [tilespmem:s12+$0x0]  }
0x8d0: {  	v10 =	vld [tilespmem:s9+$0x0]  }
.Ltmp35:
0x8d1: {  	[tilespmem:s12+$0xFFFFFFD0] =	vst v3;
	v3 =	vadd.f32 v2, v5;
	v2 =	vld [tilespmem:s12+$0x10];
	(pc) =	sbr.rel @p0 .LBB2_72-.Ltmp35, $4  }
0x8d2: {  	v4 =	vld [tilespmem:s9+$0x10]  }
0x8d3: {  	[tilespmem:s12+$0xFFFFFFE0] =	vst v3;
	v8 =	vadd.f32 v9, v8;
	v3 =	vld [tilespmem:s12+$0x20]  }
0x8d4: {  	v6 =	vld [tilespmem:s9+$0x20]  }
0x8d5: {  	s12 =	sadd.s32 $0x80, s12;
	v5 =	vld [tilespmem:s8+$0xFFFFFFC0];
	[tilespmem:s8+$0xFFFFFFF0] =	vst v8;
	v7 =	vadd.f32 v10, v7  }
0x8d6: {  	_ =	sdelay $0x1  }
0x8d7: {  	v2 =	vadd.f32 v4, v2  }
0x8d8: {  	[tilespmem:s8+$0x0] =	vst v7;
	v3 =	vadd.f32 v6, v3  }
0x8d9: {  	[tilespmem:s8+$0x10] =	vst v2;
	v1 =	vadd.f32 v1, v5  }
0x8da: {  	[tilespmem:s8+$0x20] =	vst v3  }
0x8db: {  	[tilespmem:s8+$0xFFFFFFC0] =	vst v1  }
0x8dc: {  	[bflag:$0x0] =	sbarrier.arrive $0xFFFF  }
0x8dd: {  	s11 =	sld [smem:$0x7F9];
	_ =	sdelay $0x2  }
0x8de: {  	[spmem:s10] =	stream.strided.scatter [tilespmem:s11], [sflag:$0x3], $0x1880, s5, s4, $0x38;
	[tilespmem:$0x1FA00] =	vst v63  }
0x8df: {  	_ =	swait.ge [sflag:s31], $0x1880  }
0x8e0: {  	[sflag:s31] =	ssyncset.done $0x0  }
0x8e1: {  	[sflag:s31] =	ssyncadd.s32 $0xFFFFE780  }
0x8e2: {  	[bflag:$0x0] =	sbarrier.arrive $0xFFFF  }
0x8e3: {  	s12 =	rddreg [dreg:$0x14]  }
0x8e4: {  	[tilespmem:s6], [sflag:$0x3] =	stream.strided.gather [spmem:s12], $0x1880, s5, s4, $0x38;
	[tilespmem:$0x1FA00] =	vst v63  }
0x8e5: {  	_ =	swait.ge [sflag:s31], $0x1880  }
0x8e6: {  	[sflag:s31] =	ssyncset.done $0x0  }
0x8e7: {  	s8 =	simm.s32 $0x1C8C0;
	[sflag:s31] =	ssyncadd.s32 $0xFFFFE780  }
0x8e8: {  	s9 =	simm.s32 $0x1B040;
	v2 =	vld [tilespmem:s8+$0x30]  }
0x8e9: {  	v3 =	vld [tilespmem:s9+$0x30]  }
0x8ea: {  	v1 =	vld [tilespmem:s9+$0xFFFFFFC0]  }
0x8eb: {  	v4 =	vld [tilespmem:s8+$0xFFFFFFD0]  }
0x8ec: {  	v5 =	vld [tilespmem:s9+$0xFFFFFFD0]  }
0x8ed: {  	v6 =	vld [tilespmem:s8+$0xFFFFFFE0]  }
0x8ee: {  	v7 =	vld [tilespmem:s9+$0xFFFFFFE0]  }
0x8ef: {  	v8 =	vld [tilespmem:s8+$0xFFFFFFF0]  }
0x8f0: {  	v9 =	vld [tilespmem:s9+$0xFFFFFFF0]  }
0x8f1: {  	v10 =	vld [tilespmem:s8+$0x0]  }
0x8f2: {  	v11 =	vld [tilespmem:s9+$0x0];
	v3 =	vadd.f32 v3, v2  }
0x8f3: {  	v5 =	vadd.f32 v5, v4;
	v2 =	vld [tilespmem:s8+$0x10]  }
0x8f4: {  	v6 =	vadd.f32 v7, v6;
	v4 =	vld [tilespmem:s9+$0x10];
	[tilespmem:s8+$0x30] =	vst v3  }
0x8f5: {  	v7 =	vadd.f32 v9, v8;
	[tilespmem:s8+$0xFFFFFFD0] =	vst v5;
	v3 =	vld [tilespmem:s8+$0x20]  }
0x8f6: {  	[tilespmem:s8+$0xFFFFFFE0] =	vst v6;
	v6 =	vld [tilespmem:s9+$0x20]  }
0x8f7: {  	s11 =	simm.s32 $0x0;
	s12 =	simm.s32 $0x1C940;
	v5 =	vld [tilespmem:s8+$0xFFFFFFC0];
	[tilespmem:s8+$0xFFFFFFF0] =	vst v7;
	v7 =	vadd.f32 v11, v10  }
.LBB2_74:
0x8f8: {  	v8 =	vld [tilespmem:s12+$0x30];
	s9 =	sadd.s32 $0x80, s9  }
0x8f9: {  	s11 =	sadd.s32 $0x8, s11;
	v9 =	vld [tilespmem:s9+$0x30];
	[tilespmem:s8+$0x0] =	vst v7;
	v2 =	vadd.f32 v4, v2  }
0x8fa: {  	p0 =	slt.u32 s11, $0x180;
	v4 =	vld [tilespmem:s9+$0xFFFFFFC0]  }
0x8fb: {  	v7 =	vld [tilespmem:s12+$0xFFFFFFD0];
	[tilespmem:s8+$0x10] =	vst v2;
	v2 =	vadd.f32 v6, v3  }
0x8fc: {  	v3 =	vld [tilespmem:s9+$0xFFFFFFD0];
	v10 =	vadd.f32 v1, v5  }
0x8fd: {  	v5 =	vld [tilespmem:s12+$0xFFFFFFE0];
	[tilespmem:s8+$0x20] =	vst v2  }
0x8fe: {  	v2 =	vld [tilespmem:s9+$0xFFFFFFE0];
	v6 =	vadd.f32 v9, v8;
	[tilespmem:s8+$0xFFFFFFC0] =	vst v10;
	s8 =	smov.u32 s12  }
0x8ff: {  	v8 =	vld [tilespmem:s12+$0xFFFFFFF0];
	v1 =	vmov v4  }
0x900: {  	v9 =	vld [tilespmem:s9+$0xFFFFFFF0];
	[tilespmem:s12+$0x30] =	vst v6  }
0x901: {  	v3 =	vadd.f32 v3, v7;
	v7 =	vld [tilespmem:s12+$0x0]  }
0x902: {  	v10 =	vld [tilespmem:s9+$0x0]  }
.Ltmp36:
0x903: {  	[tilespmem:s12+$0xFFFFFFD0] =	vst v3;
	v3 =	vadd.f32 v2, v5;
	v2 =	vld [tilespmem:s12+$0x10];
	(pc) =	sbr.rel @p0 .LBB2_74-.Ltmp36, $4  }
0x904: {  	v4 =	vld [tilespmem:s9+$0x10]  }
0x905: {  	[tilespmem:s12+$0xFFFFFFE0] =	vst v3;
	v8 =	vadd.f32 v9, v8;
	v3 =	vld [tilespmem:s12+$0x20]  }
0x906: {  	v6 =	vld [tilespmem:s9+$0x20]  }
0x907: {  	s12 =	sadd.s32 $0x80, s12;
	v5 =	vld [tilespmem:s8+$0xFFFFFFC0];
	[tilespmem:s8+$0xFFFFFFF0] =	vst v8;
	v7 =	vadd.f32 v10, v7  }
0x908: {  	_ =	sdelay $0x1  }
0x909: {  	v2 =	vadd.f32 v4, v2  }
0x90a: {  	[tilespmem:s8+$0x0] =	vst v7;
	v3 =	vadd.f32 v6, v3  }
0x90b: {  	[tilespmem:s8+$0x10] =	vst v2;
	v1 =	vadd.f32 v1, v5  }
0x90c: {  	[tilespmem:s8+$0x20] =	vst v3  }
0x90d: {  	[tilespmem:s8+$0xFFFFFFC0] =	vst v1  }
0x90e: {  	[bflag:$0x0] =	sbarrier.arrive $0xFFFF  }
0x90f: {  	s9 =	simm.s32 $0x100;
	s11 =	simm.s32 $0x1C880;
	s12 =	rddreg [dreg:$0x15]  }
0x910: {  	[hbm4b:s12+s4] =	stream.strided.scatter [tilespmem:s11], [sflag:$0x3], $0x1880, s9, s4, $0x38;
	[tilespmem:$0x1FA00] =	vst v63  }
0x911: {  	_ =	swait.ge [sflag:s31], $0x1880  }
0x912: {  	s12 =	sld [smem:$0x7FA];
	_ =	sdelay $0x1  }
0x913: {  	s7 =	sadd.s32 $0x1, s7  }
0x914: {  	p0 =	sne.s32 s7, s12  }
.Ltmp37:
0x915: {  	_ = 	snop;
	(pc) =	sbr.rel @p0 .LBB2_1-.Ltmp37, $3  }
0x916: {  	_ =	sdelay $0x1  }
0x917: {  	[sflag:s31] =	ssyncset.done $0x0  }
0x918: {  	[sflag:s31] =	ssyncadd.s32 $0xFFFFE780  }
0x919: {  	_ =	sfence.sel $0x180000  }
0x91a: {  	[bflag:$0x0] =	sbarrier.arrive $0xFFFF  }
0x91b: {  	_ =	strace $0x90000047  }
0x91c: {  	s0 =	stileid.u32;
	[bflag:$0x2] =	sbarrier.arrive $0xFFFF  }
0x91d: {  	p0 =	sne.s32 s0, $0x0;
	s0 =	rddreg [dreg:$0x4]  }
0x91e: {  	s0 =	sadd.s32 @!p0 $0x100000, s0  }
0x91f: {  	[sflag:s0] =	ssyncadd.tile.s32 @!p0 $0x1;
	_ =	shalt  }
.Lfunc_end2:
_tile_overlayer_lowered:
.L_overlay_start_2:
0x920: {  	(tag) =	ssettag $0x2  }
0x921: {  	s0 =	rddreg [dreg:$0x0];
	s2 =	stileid.u32  }
0x922: {  	s1 =	rddreg [dreg:$0x1];
	p0 =	sne.s32 s2, $0x0  }
0x923: {  	s3 =	rddreg [dreg:$0x2];
	[bflag:$0x3] =	sbarrier.arrive $0xFFFF;
	s2 =	simm.s32 @!p0 $0x1C03  }
0x924: {  	[timem:s3], [sflag:s2] =	dma.local @!p0 [hbm:s0], s1  }
0x925: {  	s0 =	simm.s32 @!p0 $0x3  }
0x926: {  	_ =	swait.ge @!p0 [sflag:s0], s1  }
0x927: {  	s1 =	ssub.s32 @!p0 $0x0, s1;
	[sflag:s0] =	ssyncset.done @!p0 $0x0  }
0x928: {  	[sflag:s0] =	ssyncadd.s32 @!p0 s1  }
0x929: {  	[bflag:$0x3] =	sbarrier.arrive $0xFFFF  }
0x92a: {  	_ =	shalt  }

</sc_bundles>
